<compile_context>
chip_gen: v7x
topology: tpu7x:2x2x1
jax: 0.10.2.dev20260603
libtpu: 0.0.44.dev20260713+nightly
codegen_flags: <defaults>
</compile_context>

<pallas_src>
import functools

import jax
import jax.numpy as jnp
from jax import lax
from jax.experimental import pallas as pl
from jax.experimental.pallas import tpu as pltpu
from jax.experimental.pallas import tpu_sc as plsc

NC = 2
NS = 16
LANES = 16
C = 40
NB = 4


def _edge_linear(edge_attr, W, b, EP):
    E, ED = edge_attr.shape
    D = W.shape[1]
    B = 2000

    def body(a_ref, w_ref, b_ref, o_ref):
        o_ref[...] = (
            jnp.dot(a_ref[...], w_ref[...], preferred_element_type=jnp.float32)
            + b_ref[...]
        )

    return pl.pallas_call(
        body,
        grid=(E // B,),
        in_specs=[
            pl.BlockSpec((B, ED), lambda i: (i, 0)),
            pl.BlockSpec((ED, D), lambda i: (0, 0)),
            pl.BlockSpec((1, D), lambda i: (0, 0)),
        ],
        out_specs=pl.BlockSpec((B, D), lambda i: (i, 0)),
        out_shape=jax.ShapeDtypeStruct((EP, D), jnp.float32),
    )(edge_attr, W, b.reshape(1, D))


def _sc_message_pass(h, src, dst, t):
    N, D = h.shape
    EP = src.shape[0]
    NW = NC * NS
    EW = EP // NW
    NCH = EW // C
    NP = -(-(N + 1) // (NS * 8)) * (NS * 8)
    RPS = NP // NS
    JD = D // LANES
    assert NCH % NB == 0 and RPS % 8 == 0

    mesh = plsc.VectorSubcoreMesh(core_axis_name="c", subcore_axis_name="s")

    @functools.partial(
        pl.kernel,
        out_type=jax.ShapeDtypeStruct((NC, NP, D), jnp.float32),
        mesh=mesh,
        scratch_types=(
            [pltpu.VMEM_SHARED((NP, D), jnp.float32)]
            + [pltpu.VMEM((C,), jnp.int32) for _ in range(NB)]
            + [pltpu.VMEM((C,), jnp.int32) for _ in range(NB)]
            + [pltpu.VMEM((C, D), jnp.float32) for _ in range(NB)]
            + [pltpu.VMEM((C, D), jnp.float32) for _ in range(NB)]
            + [pltpu.SemaphoreType.DMA, pltpu.SemaphoreType.DMA]
            + [pltpu.SemaphoreType.DMA for _ in range(NB)]
        ),
    )
    def k(h_hbm, src_hbm, dst_hbm, t_hbm, out_hbm, acc_sh, *rest):
        srcv = rest[0:NB]
        dstv = rest[NB:2 * NB]
        tv = rest[2 * NB:3 * NB]
        rowsv = rest[3 * NB:4 * NB]
        sem_ld = rest[4 * NB]
        sem_g = rest[4 * NB + 1]
        sem_s = rest[4 * NB + 2:4 * NB + 2 + NB]

        cid = lax.axis_index("c")
        sid = lax.axis_index("s")
        wid = cid * NS + sid
        base = wid * EW
        row0 = sid * RPS

        def issue_loads(c, b):
            off = base + c * C
            pltpu.async_copy(src_hbm.at[pl.ds(off, C)], srcv[b], sem_ld)
            pltpu.async_copy(dst_hbm.at[pl.ds(off, C)], dstv[b], sem_ld)
            pltpu.async_copy(t_hbm.at[pl.ds(off, C)], tv[b], sem_ld)

        def wait_loads(b):
            pltpu.make_async_copy(src_hbm.at[pl.ds(0, C)], srcv[b], sem_ld).wait()
            pltpu.make_async_copy(dst_hbm.at[pl.ds(0, C)], dstv[b], sem_ld).wait()
            pltpu.make_async_copy(t_hbm.at[pl.ds(0, C)], tv[b], sem_ld).wait()

        def issue_gather(b):
            pltpu.async_copy(h_hbm.at[srcv[b]], rowsv[b], sem_g)

        def wait_gather(b):
            pltpu.make_async_copy(h_hbm.at[srcv[b]], rowsv[b], sem_g).wait()

        def issue_scatter(b):
            pltpu.async_copy(rowsv[b], acc_sh.at[dstv[b]], sem_s[b], add=True)

        def drain_scatter(b):
            pltpu.make_async_copy(rowsv[b], acc_sh.at[dstv[b]], sem_s[b]).wait()

        zero = jnp.zeros((LANES,), jnp.float32)

        @pl.loop(0, C)
        def _(i):
            for j in range(JD):
                rowsv[0][i, pl.ds(j * LANES, LANES)] = zero

        @pl.loop(0, RPS // C)
        def _(r):
            pltpu.sync_copy(rowsv[0], acc_sh.at[pl.ds(row0 + r * C, C)])

        rem = RPS % C
        if rem:
            pltpu.sync_copy(
                rowsv[0].at[pl.ds(0, rem)],
                acc_sh.at[pl.ds(row0 + (RPS // C) * C, rem)],
            )
        plsc.subcore_barrier()

        issue_loads(0, 0)
        wait_loads(0)
        issue_gather(0)
        issue_loads(1, 1)

        @pl.loop(0, NCH // NB)
        def _(o):
            for b in range(NB):
                c = o * NB + b
                s1 = (b + 1) % NB
                s2 = (b + 2) % NB

                @pl.when(c + 1 < NCH)
                def _():
                    wait_loads(s1)
                wait_gather(b)

                @pl.when(c + 1 < NCH)
                def _():
                    issue_gather(s1)

                @pl.when(c >= NB - 2)
                def _():
                    drain_scatter(s2)

                @pl.when(c + 2 < NCH)
                def _():
                    issue_loads(c + 2, s2)

                @pl.loop(0, C * JD, unroll=8)
                def _(g):
                    i = g // JD
                    jo = (g % JD) * LANES
                    rowsv[b][i, pl.ds(jo, LANES)] = jnp.maximum(
                        rowsv[b][i, pl.ds(jo, LANES)] + tv[b][i, pl.ds(jo, LANES)],
                        0.0,
                    )

                issue_scatter(b)

        for c in range(NCH - (NB - 2), NCH):
            drain_scatter(c % NB)

        plsc.subcore_barrier()
        pltpu.sync_copy(
            acc_sh.at[pl.ds(row0, RPS)], out_hbm.at[cid, pl.ds(row0, RPS)]
        )

    return k(h, src, dst, t)


def _node_update(h, acc, W_nn, b_nn):
    N, D = h.shape
    B = 1000

    def body(h_ref, a_ref, w_ref, b_ref, o_ref):
        s = h_ref[...] + a_ref[0] + a_ref[1]
        z = jnp.dot(s, w_ref[...], preferred_element_type=jnp.float32) + b_ref[...]
        o_ref[...] = jnp.where(z >= 0, z, 0.01 * z)

    return pl.pallas_call(
        body,
        grid=(N // B,),
        in_specs=[
            pl.BlockSpec((B, D), lambda i: (i, 0)),
            pl.BlockSpec((NC, B, D), lambda i: (0, i, 0)),
            pl.BlockSpec((D, D), lambda i: (0, 0)),
            pl.BlockSpec((1, D), lambda i: (0, 0)),
        ],
        out_specs=pl.BlockSpec((B, D), lambda i: (i, 0)),
        out_shape=jax.ShapeDtypeStruct((N, D), jnp.float32),
    )(h, acc, W_nn, b_nn.reshape(1, D))


def _final(h, acc, W_nn, b_nn, W_dense, b_dense, W_out, b_out):
    N, D = h.shape
    DD = W_dense.shape[1]
    DO = W_out.shape[1]
    B = 1000

    def body(h_ref, a_ref, wn_ref, bn_ref, wd_ref, bd_ref, wo_ref, bo_ref,
             o_ref):
        s = h_ref[...] + a_ref[0] + a_ref[1]
        z = jnp.dot(s, wn_ref[...], preferred_element_type=jnp.float32) + bn_ref[...]
        z = jnp.where(z >= 0, z, 0.01 * z)
        z = jnp.dot(z, wd_ref[...], preferred_element_type=jnp.float32) + bd_ref[...]
        o_ref[...] = (
            jnp.dot(z, wo_ref[...], preferred_element_type=jnp.float32) + bo_ref[...]
        )

    return pl.pallas_call(
        body,
        grid=(N // B,),
        in_specs=[
            pl.BlockSpec((B, D), lambda i: (i, 0)),
            pl.BlockSpec((NC, B, D), lambda i: (0, i, 0)),
            pl.BlockSpec((D, D), lambda i: (0, 0)),
            pl.BlockSpec((1, D), lambda i: (0, 0)),
            pl.BlockSpec((D, DD), lambda i: (0, 0)),
            pl.BlockSpec((1, DD), lambda i: (0, 0)),
            pl.BlockSpec((DD, DO), lambda i: (0, 0)),
            pl.BlockSpec((1, DO), lambda i: (0, 0)),
        ],
        out_specs=pl.BlockSpec((B, DO), lambda i: (i, 0)),
        out_shape=jax.ShapeDtypeStruct((N, DO), jnp.float32),
    )(h, acc, W_nn, b_nn.reshape(1, D), W_dense, b_dense.reshape(1, DD),
      W_out, b_out.reshape(1, DO))


def kernel(x, edge_index, edge_attr, W_nn, b_nn, W_e0, b_e0, W_e1, b_e1,
           W_dense, b_dense, W_out, b_out):
    N = x.shape[0]
    E = edge_index.shape[1]
    EP = -(-E // (NC * NS * C * NB)) * (NC * NS * C * NB)
    pad = EP - E
    src = jnp.concatenate([edge_index[0], jnp.zeros((pad,), jnp.int32)])
    dst = jnp.concatenate([edge_index[1], jnp.full((pad,), N, jnp.int32)])
    t0 = _edge_linear(edge_attr, W_e0, b_e0, EP)
    acc0 = _sc_message_pass(x, src, dst, t0)
    t1 = _edge_linear(edge_attr, W_e1, b_e1, EP)
    h1 = _node_update(x, acc0, W_nn, b_nn)
    acc1 = _sc_message_pass(h1, src, dst, t1)
    return _final(h1, acc1, W_nn, b_nn, W_dense, b_dense, W_out, b_out)

# --- scband reference (transcript-rebuilt; emitter-appended) ---
"""Pipeline reference for scband-gine-dsse-65085934403702 (READ-ONLY COPY).

The authoritative reference and input builder live on the scoring server;
editing this copy changes nothing except your own understanding.
"""

import jax, jax.numpy as jnp
import numpy as np

N = 10000
E = 320000
D = 128
ED = 16
DD = 128
DO = 128
EPS = 0.0

def _u(k, shape, fan):
    s = 1.0 / np.sqrt(fan)
    return jax.random.uniform(k, shape, jnp.float32, -s, s)

def setup_inputs(seed: int = 0):
    key = jax.random.key(seed)
    ks = jax.random.split(key, 13)
    x = jax.random.normal(ks[0], (N, D), dtype=jnp.float32)
    edge_index = jax.random.randint(ks[1], (2, E), 0, N, dtype=jnp.int32)
    edge_attr = jax.random.normal(ks[2], (E, ED), dtype=jnp.float32)
    # NOTE: the original module shares a single Linear (self.nn) across all GINEConv layers,
    # so W_nn/b_nn are shared. Each GINEConv has its own edge-attr Linear (edge_dim -> dim_feat).
    W_nn = _u(ks[3], (D, D), D)
    b_nn = _u(ks[4], (D,), D)
    W_e0 = _u(ks[5], (ED, D), ED)
    b_e0 = _u(ks[6], (D,), ED)
    W_e1 = _u(ks[7], (ED, D), ED)
    b_e1 = _u(ks[8], (D,), ED)
    W_dense = _u(ks[9], (D, DD), D)
    b_dense = _u(ks[10], (DD,), D)
    W_out = _u(ks[11], (DD, DO), DD)
    b_out = _u(ks[12], (DO,), DD)
    return {"x": x, "edge_index": edge_index, "edge_attr": edge_attr,
            "W_nn": W_nn, "b_nn": b_nn, "W_e0": W_e0, "b_e0": b_e0,
            "W_e1": W_e1, "b_e1": b_e1, "W_dense": W_dense, "b_dense": b_dense,
            "W_out": W_out, "b_out": b_out}

def reference(x, edge_index, edge_attr, W_nn, b_nn, W_e0, b_e0, W_e1, b_e1, W_dense, b_dense, W_out, b_out):
    src = edge_index[0]
    dst = edge_index[1]
    def gine(h, We, be):
        # GINEConv: nn((1+eps)*x_i + sum_j relu(x_j + lin(edge_attr)))
        m = jax.nn.relu(h[src] + edge_attr @ We + be)
        agg = jax.ops.segment_sum(m, dst, num_segments=N)
        return ((1.0 + EPS) * h + agg) @ W_nn + b_nn
    h = jax.nn.leaky_relu(gine(x, W_e0, b_e0), negative_slope=0.01)
    h = jax.nn.leaky_relu(gine(h, W_e1, b_e1), negative_slope=0.01)
    h = h @ W_dense + b_dense
    return h @ W_out + b_out

if __name__ == "__main__":
    import jax
    _d = setup_inputs()
    print(jax.jit(kernel)(*tuple(_d.values())))

</pallas_src>

<mosaic_0001>
#map = affine_map<(d0, d1) -> (0, 0)>
#map1 = affine_map<(d0, d1) -> (0)>
#map2 = affine_map<(d0, d1) -> (0, 0, 0)>
module attributes {stable_mosaic.version = 14 : i64} {
  func.func @k(%arg0: i32, %arg1: i32, %arg2: memref<10000x128xf32, #tpu.memory_space<hbm>>, %arg3: memref<322560xi32, #tpu.memory_space<hbm>>, %arg4: memref<322560xi32, #tpu.memory_space<hbm>>, %arg5: memref<322560x128xf32, #tpu.memory_space<hbm>>, %arg6: memref<2x10112x128xf32, #tpu.memory_space<hbm>>, %arg7: memref<10112x128xf32, #tpu.memory_space<vmem_shared>>, %arg8: memref<40xi32, #tpu.memory_space<vmem>>, %arg9: memref<40xi32, #tpu.memory_space<vmem>>, %arg10: memref<40xi32, #tpu.memory_space<vmem>>, %arg11: memref<40xi32, #tpu.memory_space<vmem>>, %arg12: memref<40xi32, #tpu.memory_space<vmem>>, %arg13: memref<40xi32, #tpu.memory_space<vmem>>, %arg14: memref<40xi32, #tpu.memory_space<vmem>>, %arg15: memref<40xi32, #tpu.memory_space<vmem>>, %arg16: memref<40x128xf32, #tpu.memory_space<vmem>>, %arg17: memref<40x128xf32, #tpu.memory_space<vmem>>, %arg18: memref<40x128xf32, #tpu.memory_space<vmem>>, %arg19: memref<40x128xf32, #tpu.memory_space<vmem>>, %arg20: memref<40x128xf32, #tpu.memory_space<vmem>>, %arg21: memref<40x128xf32, #tpu.memory_space<vmem>>, %arg22: memref<40x128xf32, #tpu.memory_space<vmem>>, %arg23: memref<40x128xf32, #tpu.memory_space<vmem>>, %arg24: memref<!tpu.dma_semaphore, #tpu.memory_space<semaphore_mem>>, %arg25: memref<!tpu.dma_semaphore, #tpu.memory_space<semaphore_mem>>, %arg26: memref<!tpu.dma_semaphore, #tpu.memory_space<semaphore_mem>>, %arg27: memref<!tpu.dma_semaphore, #tpu.memory_space<semaphore_mem>>, %arg28: memref<!tpu.dma_semaphore, #tpu.memory_space<semaphore_mem>>, %arg29: memref<!tpu.dma_semaphore, #tpu.memory_space<semaphore_mem>>) attributes {dimension_semantics = [#tpu.dimension_semantics<core_parallel>, #tpu.dimension_semantics<subcore_parallel>], iteration_bounds = array<i64: 2, 16>, scalar_prefetch = 0 : i64, scratch_operands = 23 : i64, tpu.core_type = #tpu.core_type<sc_vector_subcore>, window_params = [{transform_indices = #map}, {transform_indices = #map1}, {transform_indices = #map1}, {transform_indices = #map}, {transform_indices = #map2}]} {
    %mul3A = arith.constant 16 : i32
    %mul3A_0 = arith.muli %arg0, %mul3A : i32
    %add3A = arith.addi %mul3A_0, %arg1 : i32
    %mul3A_1 = arith.constant 10080 : i32
    %mul3A_2 = arith.muli %add3A, %mul3A_1 : i32
    %mul3A_3 = arith.constant 632 : i32
    %mul3A_4 = arith.muli %arg1, %mul3A_3 : i32
    %broadcast_in_dim3A = arith.constant 0.000000e+00 : f32
    %broadcast_in_dim3A_5 = vector.broadcast %broadcast_in_dim3A : f32 to vector<16xf32>
    %scan3A = arith.constant 0 : i32
    %scan3A_6 = arith.constant 40 : i32
    %scan3A_7 = arith.addi %scan3A, %scan3A_6 : i32
    %scan3A_8 = arith.constant 1 : i32
    scf.for %scan3A_64 = %scan3A to %scan3A_7 step %scan3A_8  : i32 {
      %mul3A_65 = arith.constant 1 : i32
      %mul3A_66 = arith.muli %scan3A_64, %mul3A_65 : i32
      %add3A_67 = arith.constant 0 : i32
      %add3A_68 = arith.addi %add3A_67, %mul3A_66 : i32
      %swap3A = arith.index_cast %add3A_68 : i32 to index
      %swap3A_69 = arith.constant 0 : index
      %swap3A_70 = tpu.vector_load %arg20[%swap3A, %swap3A_69] {strides = array<i32>} : memref<40x128xf32, #tpu.memory_space<vmem>>, vector<1x16xf32>,
      %swap3A_71 = vector.shape_cast %swap3A_70 : vector<1x16xf32> to vector<16xf32>
      %swap3A_72 = vector.shape_cast %broadcast_in_dim3A_5 : vector<16xf32> to vector<1x16xf32>
      tpu.vector_store %arg20[%swap3A, %swap3A_69], %swap3A_72 {strides = array<i32>} : memref<40x128xf32, #tpu.memory_space<vmem>>, vector<1x16xf32>,
      %swap3A_73 = arith.index_cast %add3A_68 : i32 to index
      %swap3A_74 = arith.constant 16 : index
      %swap3A_75 = tpu.vector_load %arg20[%swap3A_73, %swap3A_74] {strides = array<i32>} : memref<40x128xf32, #tpu.memory_space<vmem>>, vector<1x16xf32>,
      %swap3A_76 = vector.shape_cast %swap3A_75 : vector<1x16xf32> to vector<16xf32>
      %swap3A_77 = vector.shape_cast %broadcast_in_dim3A_5 : vector<16xf32> to vector<1x16xf32>
      tpu.vector_store %arg20[%swap3A_73, %swap3A_74], %swap3A_77 {strides = array<i32>} : memref<40x128xf32, #tpu.memory_space<vmem>>, vector<1x16xf32>,
      %swap3A_78 = arith.index_cast %add3A_68 : i32 to index
      %swap3A_79 = arith.constant 32 : index
      %swap3A_80 = tpu.vector_load %arg20[%swap3A_78, %swap3A_79] {strides = array<i32>} : memref<40x128xf32, #tpu.memory_space<vmem>>, vector<1x16xf32>,
      %swap3A_81 = vector.shape_cast %swap3A_80 : vector<1x16xf32> to vector<16xf32>
      %swap3A_82 = vector.shape_cast %broadcast_in_dim3A_5 : vector<16xf32> to vector<1x16xf32>
      tpu.vector_store %arg20[%swap3A_78, %swap3A_79], %swap3A_82 {strides = array<i32>} : memref<40x128xf32, #tpu.memory_space<vmem>>, vector<1x16xf32>,
      %swap3A_83 = arith.index_cast %add3A_68 : i32 to index
      %swap3A_84 = arith.constant 48 : index
      %swap3A_85 = tpu.vector_load %arg20[%swap3A_83, %swap3A_84] {strides = array<i32>} : memref<40x128xf32, #tpu.memory_space<vmem>>, vector<1x16xf32>,
      %swap3A_86 = vector.shape_cast %swap3A_85 : vector<1x16xf32> to vector<16xf32>
      %swap3A_87 = vector.shape_cast %broadcast_in_dim3A_5 : vector<16xf32> to vector<1x16xf32>
      tpu.vector_store %arg20[%swap3A_83, %swap3A_84], %swap3A_87 {strides = array<i32>} : memref<40x128xf32, #tpu.memory_space<vmem>>, vector<1x16xf32>,
      %swap3A_88 = arith.index_cast %add3A_68 : i32 to index
      %swap3A_89 = arith.constant 64 : index
      %swap3A_90 = tpu.vector_load %arg20[%swap3A_88, %swap3A_89] {strides = array<i32>} : memref<40x128xf32, #tpu.memory_space<vmem>>, vector<1x16xf32>,
      %swap3A_91 = vector.shape_cast %swap3A_90 : vector<1x16xf32> to vector<16xf32>
      %swap3A_92 = vector.shape_cast %broadcast_in_dim3A_5 : vector<16xf32> to vector<1x16xf32>
      tpu.vector_store %arg20[%swap3A_88, %swap3A_89], %swap3A_92 {strides = array<i32>} : memref<40x128xf32, #tpu.memory_space<vmem>>, vector<1x16xf32>,
      %swap3A_93 = arith.index_cast %add3A_68 : i32 to index
      %swap3A_94 = arith.constant 80 : index
      %swap3A_95 = tpu.vector_load %arg20[%swap3A_93, %swap3A_94] {strides = array<i32>} : memref<40x128xf32, #tpu.memory_space<vmem>>, vector<1x16xf32>,
      %swap3A_96 = vector.shape_cast %swap3A_95 : vector<1x16xf32> to vector<16xf32>
      %swap3A_97 = vector.shape_cast %broadcast_in_dim3A_5 : vector<16xf32> to vector<1x16xf32>
      tpu.vector_store %arg20[%swap3A_93, %swap3A_94], %swap3A_97 {strides = array<i32>} : memref<40x128xf32, #tpu.memory_space<vmem>>, vector<1x16xf32>,
      %swap3A_98 = arith.index_cast %add3A_68 : i32 to index
      %swap3A_99 = arith.constant 96 : index
      %swap3A_100 = tpu.vector_load %arg20[%swap3A_98, %swap3A_99] {strides = array<i32>} : memref<40x128xf32, #tpu.memory_space<vmem>>, vector<1x16xf32>,
      %swap3A_101 = vector.shape_cast %swap3A_100 : vector<1x16xf32> to vector<16xf32>
      %swap3A_102 = vector.shape_cast %broadcast_in_dim3A_5 : vector<16xf32> to vector<1x16xf32>
      tpu.vector_store %arg20[%swap3A_98, %swap3A_99], %swap3A_102 {strides = array<i32>} : memref<40x128xf32, #tpu.memory_space<vmem>>, vector<1x16xf32>,
      %swap3A_103 = arith.index_cast %add3A_68 : i32 to index
      %swap3A_104 = arith.constant 112 : index
      %swap3A_105 = tpu.vector_load %arg20[%swap3A_103, %swap3A_104] {strides = array<i32>} : memref<40x128xf32, #tpu.memory_space<vmem>>, vector<1x16xf32>,
      %swap3A_106 = vector.shape_cast %swap3A_105 : vector<1x16xf32> to vector<16xf32>
      %swap3A_107 = vector.shape_cast %broadcast_in_dim3A_5 : vector<16xf32> to vector<1x16xf32>
      tpu.vector_store %arg20[%swap3A_103, %swap3A_104], %swap3A_107 {strides = array<i32>} : memref<40x128xf32, #tpu.memory_space<vmem>>, vector<1x16xf32>,
    }
    %scan3A_9 = arith.constant 40 : i32
    %scan3A_10 = arith.constant 0 : i32
    %scan3A_11 = arith.constant 15 : i32
    %scan3A_12 = arith.addi %scan3A_10, %scan3A_11 : i32
    %scan3A_13 = arith.constant 1 : i32
    scf.for %scan3A_64 = %scan3A_10 to %scan3A_12 step %scan3A_13  : i32 {
      %mul3A_65 = arith.constant 1 : i32
      %mul3A_66 = arith.muli %scan3A_64, %mul3A_65 : i32
      %add3A_67 = arith.constant 0 : i32
      %add3A_68 = arith.addi %add3A_67, %mul3A_66 : i32
      %mul3A_69 = arith.constant 40 : i32
      %mul3A_70 = arith.muli %add3A_68, %mul3A_69 : i32
      %add3A_71 = arith.addi %mul3A_4, %mul3A_70 : i32
      "tpu.region"() ({
        %run_scoped3A = tpu.sem_alloc : memref<!tpu.dma_semaphore, #tpu.memory_space<semaphore_mem>>
        %dma_start3A_72 = arith.constant 0 : i32
        %dma_start3A_73 = tpu.memref_slice %arg7[%add3A_71, %dma_start3A_72] : memref<10112x128xf32, #tpu.memory_space<vmem_shared>> -> memref<40x128xf32, #tpu.memory_space<vmem_shared>>
        %dma_start3A_74 = arith.constant 0 : i32
        %dma_start3A_75 = tpu.memref_slice %arg7[%add3A_71, %dma_start3A_74] : memref<10112x128xf32, #tpu.memory_space<vmem_shared>> -> memref<40x128xf32, #tpu.memory_space<vmem_shared>>
        tpu.enqueue_dma source(%arg20 : memref<40x128xf32, #tpu.memory_space<vmem>>) target(%dma_start3A_75 : memref<40x128xf32, #tpu.memory_space<vmem_shared>>) target_semaphore(%run_scoped3A : memref<!tpu.dma_semaphore, #tpu.memory_space<semaphore_mem>>)
        %dma_wait3A_76 = arith.constant 0 : i32
        %dma_wait3A_77 = tpu.memref_slice %arg7[%add3A_71, %dma_wait3A_76] : memref<10112x128xf32, #tpu.memory_space<vmem_shared>> -> memref<40x128xf32, #tpu.memory_space<vmem_shared>>
        %dma_wait3A_78 = arith.constant 0 : i32
        %dma_wait3A_79 = tpu.memref_slice %arg7[%add3A_71, %dma_wait3A_78] : memref<10112x128xf32, #tpu.memory_space<vmem_shared>> -> memref<40x128xf32, #tpu.memory_space<vmem_shared>>
        tpu.wait_dma2 semaphore(%run_scoped3A : memref<!tpu.dma_semaphore, #tpu.memory_space<semaphore_mem>>) src(%arg20 : memref<40x128xf32, #tpu.memory_space<vmem>>) dst(%dma_wait3A_79 : memref<40x128xf32, #tpu.memory_space<vmem_shared>>)
        tpu.yield
      }) : () -> ()
    }
    %scan3A_14 = arith.constant 15 : i32
    %add3A_15 = arith.constant 600 : i32
    %add3A_16 = arith.addi %mul3A_4, %add3A_15 : i32
    "tpu.region"() ({
      %run_scoped3A = tpu.sem_alloc : memref<!tpu.dma_semaphore, #tpu.memory_space<semaphore_mem>>
      %dma_start3A_64 = arith.constant 0 : i32
      %dma_start3A_65 = arith.constant 0 : i32
      %dma_start3A_66 = tpu.memref_slice %arg20[%dma_start3A_64, %dma_start3A_65] : memref<40x128xf32, #tpu.memory_space<vmem>> -> memref<32x128xf32, #tpu.memory_space<vmem>>
      %dma_start3A_67 = arith.constant 0 : i32
      %dma_start3A_68 = tpu.memref_slice %arg7[%add3A_16, %dma_start3A_67] : memref<10112x128xf32, #tpu.memory_space<vmem_shared>> -> memref<32x128xf32, #tpu.memory_space<vmem_shared>>
      %dma_start3A_69 = arith.constant 0 : i32
      %dma_start3A_70 = tpu.memref_slice %arg7[%add3A_16, %dma_start3A_69] : memref<10112x128xf32, #tpu.memory_space<vmem_shared>> -> memref<32x128xf32, #tpu.memory_space<vmem_shared>>
      %dma_start3A_71 = arith.constant 0 : i32
      %dma_start3A_72 = arith.constant 0 : i32
      %dma_start3A_73 = tpu.memref_slice %arg20[%dma_start3A_71, %dma_start3A_72] : memref<40x128xf32, #tpu.memory_space<vmem>> -> memref<32x128xf32, #tpu.memory_space<vmem>>
      tpu.enqueue_dma source(%dma_start3A_73 : memref<32x128xf32, #tpu.memory_space<vmem>>) target(%dma_start3A_70 : memref<32x128xf32, #tpu.memory_space<vmem_shared>>) target_semaphore(%run_scoped3A : memref<!tpu.dma_semaphore, #tpu.memory_space<semaphore_mem>>)
      %dma_wait3A_74 = arith.constant 0 : i32
      %dma_wait3A_75 = arith.constant 0 : i32
      %dma_wait3A_76 = tpu.memref_slice %arg20[%dma_wait3A_74, %dma_wait3A_75] : memref<40x128xf32, #tpu.memory_space<vmem>> -> memref<32x128xf32, #tpu.memory_space<vmem>>
      %dma_wait3A_77 = arith.constant 0 : i32
      %dma_wait3A_78 = tpu.memref_slice %arg7[%add3A_16, %dma_wait3A_77] : memref<10112x128xf32, #tpu.memory_space<vmem_shared>> -> memref<32x128xf32, #tpu.memory_space<vmem_shared>>
      %dma_wait3A_79 = arith.constant 0 : i32
      %dma_wait3A_80 = tpu.memref_slice %arg7[%add3A_16, %dma_wait3A_79] : memref<10112x128xf32, #tpu.memory_space<vmem_shared>> -> memref<32x128xf32, #tpu.memory_space<vmem_shared>>
      %dma_wait3A_81 = arith.constant 0 : i32
      %dma_wait3A_82 = arith.constant 0 : i32
      %dma_wait3A_83 = tpu.memref_slice %arg20[%dma_wait3A_81, %dma_wait3A_82] : memref<40x128xf32, #tpu.memory_space<vmem>> -> memref<32x128xf32, #tpu.memory_space<vmem>>
      tpu.wait_dma2 semaphore(%run_scoped3A : memref<!tpu.dma_semaphore, #tpu.memory_space<semaphore_mem>>) src(%dma_wait3A_83 : memref<32x128xf32, #tpu.memory_space<vmem>>) dst(%dma_wait3A_80 : memref<32x128xf32, #tpu.memory_space<vmem_shared>>)
      tpu.yield
    }) : () -> ()
    %barrier3A = arith.constant 0 : index
    tpu.barrier barrier_id(%barrier3A)
    %add3A_17 = arith.constant 0 : i32
    %add3A_18 = arith.addi %mul3A_2, %add3A_17 : i32
    %dma_start3A = tpu.memref_slice %arg3[%add3A_18] : memref<322560xi32, #tpu.memory_space<hbm>> -> memref<40xi32, #tpu.memory_space<hbm>>
    %dma_start3A_19 = tpu.memref_slice %arg3[%add3A_18] : memref<322560xi32, #tpu.memory_space<hbm>> -> memref<40xi32, #tpu.memory_space<hbm>>
    tpu.enqueue_dma source(%dma_start3A_19 : memref<40xi32, #tpu.memory_space<hbm>>) target(%arg8 : memref<40xi32, #tpu.memory_space<vmem>>) target_semaphore(%arg24 : memref<!tpu.dma_semaphore, #tpu.memory_space<semaphore_mem>>)
    %dma_start3A_20 = tpu.memref_slice %arg4[%add3A_18] : memref<322560xi32, #tpu.memory_space<hbm>> -> memref<40xi32, #tpu.memory_space<hbm>>
    %dma_start3A_21 = tpu.memref_slice %arg4[%add3A_18] : memref<322560xi32, #tpu.memory_space<hbm>> -> memref<40xi32, #tpu.memory_space<hbm>>
    tpu.enqueue_dma source(%dma_start3A_21 : memref<40xi32, #tpu.memory_space<hbm>>) target(%arg12 : memref<40xi32, #tpu.memory_space<vmem>>) target_semaphore(%arg24 : memref<!tpu.dma_semaphore, #tpu.memory_space<semaphore_mem>>)
    %dma_start3A_22 = arith.constant 0 : i32
    %dma_start3A_23 = tpu.memref_slice %arg5[%add3A_18, %dma_start3A_22] : memref<322560x128xf32, #tpu.memory_space<hbm>> -> memref<40x128xf32, #tpu.memory_space<hbm>>
    %dma_start3A_24 = arith.constant 0 : i32
    %dma_start3A_25 = tpu.memref_slice %arg5[%add3A_18, %dma_start3A_24] : memref<322560x128xf32, #tpu.memory_space<hbm>> -> memref<40x128xf32, #tpu.memory_space<hbm>>
    tpu.enqueue_dma source(%dma_start3A_25 : memref<40x128xf32, #tpu.memory_space<hbm>>) target(%arg16 : memref<40x128xf32, #tpu.memory_space<vmem>>) target_semaphore(%arg24 : memref<!tpu.dma_semaphore, #tpu.memory_space<semaphore_mem>>)
    %dma_wait3A = arith.constant 0 : i32
    %dma_wait3A_26 = tpu.memref_slice %arg3[%dma_wait3A] : memref<322560xi32, #tpu.memory_space<hbm>> -> memref<40xi32, #tpu.memory_space<hbm>>
    %dma_wait3A_27 = arith.constant 0 : i32
    %dma_wait3A_28 = tpu.memref_slice %arg3[%dma_wait3A_27] : memref<322560xi32, #tpu.memory_space<hbm>> -> memref<40xi32, #tpu.memory_space<hbm>>
    tpu.wait_dma2 semaphore(%arg24 : memref<!tpu.dma_semaphore, #tpu.memory_space<semaphore_mem>>) src(%dma_wait3A_28 : memref<40xi32, #tpu.memory_space<hbm>>) dst(%arg8 : memref<40xi32, #tpu.memory_space<vmem>>)
    %dma_wait3A_29 = arith.constant 0 : i32
    %dma_wait3A_30 = tpu.memref_slice %arg4[%dma_wait3A_29] : memref<322560xi32, #tpu.memory_space<hbm>> -> memref<40xi32, #tpu.memory_space<hbm>>
    %dma_wait3A_31 = arith.constant 0 : i32
    %dma_wait3A_32 = tpu.memref_slice %arg4[%dma_wait3A_31] : memref<322560xi32, #tpu.memory_space<hbm>> -> memref<40xi32, #tpu.memory_space<hbm>>
    tpu.wait_dma2 semaphore(%arg24 : memref<!tpu.dma_semaphore, #tpu.memory_space<semaphore_mem>>) src(%dma_wait3A_32 : memref<40xi32, #tpu.memory_space<hbm>>) dst(%arg12 : memref<40xi32, #tpu.memory_space<vmem>>)
    %dma_wait3A_33 = arith.constant 0 : i32
    %dma_wait3A_34 = arith.constant 0 : i32
    %dma_wait3A_35 = tpu.memref_slice %arg5[%dma_wait3A_33, %dma_wait3A_34] : memref<322560x128xf32, #tpu.memory_space<hbm>> -> memref<40x128xf32, #tpu.memory_space<hbm>>
    %dma_wait3A_36 = arith.constant 0 : i32
    %dma_wait3A_37 = arith.constant 0 : i32
    %dma_wait3A_38 = tpu.memref_slice %arg5[%dma_wait3A_36, %dma_wait3A_37] : memref<322560x128xf32, #tpu.memory_space<hbm>> -> memref<40x128xf32, #tpu.memory_space<hbm>>
    tpu.wait_dma2 semaphore(%arg24 : memref<!tpu.dma_semaphore, #tpu.memory_space<semaphore_mem>>) src(%dma_wait3A_38 : memref<40x128xf32, #tpu.memory_space<hbm>>) dst(%arg16 : memref<40x128xf32, #tpu.memory_space<vmem>>)
    %dma_start3A_39 = arith.constant 0 : i32
    %dma_start3A_40 = arith.constant 0 : i32
    %dma_start3A_41 = tpu.memref_slice %arg2[%dma_start3A_39, %dma_start3A_40] : memref<10000x128xf32, #tpu.memory_space<hbm>> -> memref<10000x128xf32, #tpu.memory_space<hbm>>
    tpu.enqueue_indirect_dma source(%dma_start3A_41 : memref<10000x128xf32, #tpu.memory_space<hbm>>) target(%arg20 : memref<40x128xf32, #tpu.memory_space<vmem>>) offsets(%arg8 : memref<40xi32, #tpu.memory_space<vmem>>) semaphore(%arg25 : memref<!tpu.dma_semaphore, #tpu.memory_space<semaphore_mem>>)
    %add3A_42 = arith.constant 40 : i32
    %add3A_43 = arith.addi %mul3A_2, %add3A_42 : i32
    %dma_start3A_44 = tpu.memref_slice %arg3[%add3A_43] : memref<322560xi32, #tpu.memory_space<hbm>> -> memref<40xi32, #tpu.memory_space<hbm>>
    %dma_start3A_45 = tpu.memref_slice %arg3[%add3A_43] : memref<322560xi32, #tpu.memory_space<hbm>> -> memref<40xi32, #tpu.memory_space<hbm>>
    tpu.enqueue_dma source(%dma_start3A_45 : memref<40xi32, #tpu.memory_space<hbm>>) target(%arg9 : memref<40xi32, #tpu.memory_space<vmem>>) target_semaphore(%arg24 : memref<!tpu.dma_semaphore, #tpu.memory_space<semaphore_mem>>)
    %dma_start3A_46 = tpu.memref_slice %arg4[%add3A_43] : memref<322560xi32, #tpu.memory_space<hbm>> -> memref<40xi32, #tpu.memory_space<hbm>>
    %dma_start3A_47 = tpu.memref_slice %arg4[%add3A_43] : memref<322560xi32, #tpu.memory_space<hbm>> -> memref<40xi32, #tpu.memory_space<hbm>>
    tpu.enqueue_dma source(%dma_start3A_47 : memref<40xi32, #tpu.memory_space<hbm>>) target(%arg13 : memref<40xi32, #tpu.memory_space<vmem>>) target_semaphore(%arg24 : memref<!tpu.dma_semaphore, #tpu.memory_space<semaphore_mem>>)
    %dma_start3A_48 = arith.constant 0 : i32
    %dma_start3A_49 = tpu.memref_slice %arg5[%add3A_43, %dma_start3A_48] : memref<322560x128xf32, #tpu.memory_space<hbm>> -> memref<40x128xf32, #tpu.memory_space<hbm>>
    %dma_start3A_50 = arith.constant 0 : i32
    %dma_start3A_51 = tpu.memref_slice %arg5[%add3A_43, %dma_start3A_50] : memref<322560x128xf32, #tpu.memory_space<hbm>> -> memref<40x128xf32, #tpu.memory_space<hbm>>
    tpu.enqueue_dma source(%dma_start3A_51 : memref<40x128xf32, #tpu.memory_space<hbm>>) target(%arg17 : memref<40x128xf32, #tpu.memory_space<vmem>>) target_semaphore(%arg24 : memref<!tpu.dma_semaphore, #tpu.memory_space<semaphore_mem>>)
    %scan3A_52 = arith.constant 0 : i32
    %scan3A_53 = arith.constant 63 : i32
    %scan3A_54 = arith.addi %scan3A_52, %scan3A_53 : i32
    %scan3A_55 = arith.constant 1 : i32
    scf.for %scan3A_64 = %scan3A_52 to %scan3A_54 step %scan3A_55  : i32 {
      %mul3A_65 = arith.constant 1 : i32
      %mul3A_66 = arith.muli %scan3A_64, %mul3A_65 : i32
      %add3A_67 = arith.constant 0 : i32
      %add3A_68 = arith.addi %add3A_67, %mul3A_66 : i32
      %mul3A_69 = arith.constant 4 : i32
      %mul3A_70 = arith.muli %add3A_68, %mul3A_69 : i32
      %add3A_71 = arith.constant 0 : i32
      %add3A_72 = arith.addi %mul3A_70, %add3A_71 : i32
      %add3A_73 = arith.constant 1 : i32
      %add3A_74 = arith.addi %add3A_72, %add3A_73 : i32
      %lt3A = arith.constant 252 : i32
      %lt3A_75 = arith.cmpi slt, %add3A_74, %lt3A : i32
      %convert_element_type3A = arith.extui %lt3A_75 : i1 to i32
      %cond3A = arith.constant 0 : i32
      %cond3A_76 = arith.cmpi ne, %convert_element_type3A, %cond3A : i32
      scf.if %cond3A_76 {
        %dma_wait3A_229 = arith.constant 0 : i32
        %dma_wait3A_230 = tpu.memref_slice %arg3[%dma_wait3A_229] : memref<322560xi32, #tpu.memory_space<hbm>> -> memref<40xi32, #tpu.memory_space<hbm>>
        %dma_wait3A_231 = arith.constant 0 : i32
        %dma_wait3A_232 = tpu.memref_slice %arg3[%dma_wait3A_231] : memref<322560xi32, #tpu.memory_space<hbm>> -> memref<40xi32, #tpu.memory_space<hbm>>
        tpu.wait_dma2 semaphore(%arg24 : memref<!tpu.dma_semaphore, #tpu.memory_space<semaphore_mem>>) src(%dma_wait3A_232 : memref<40xi32, #tpu.memory_space<hbm>>) dst(%arg9 : memref<40xi32, #tpu.memory_space<vmem>>)
        %dma_wait3A_233 = arith.constant 0 : i32
        %dma_wait3A_234 = tpu.memref_slice %arg4[%dma_wait3A_233] : memref<322560xi32, #tpu.memory_space<hbm>> -> memref<40xi32, #tpu.memory_space<hbm>>
        %dma_wait3A_235 = arith.constant 0 : i32
        %dma_wait3A_236 = tpu.memref_slice %arg4[%dma_wait3A_235] : memref<322560xi32, #tpu.memory_space<hbm>> -> memref<40xi32, #tpu.memory_space<hbm>>
        tpu.wait_dma2 semaphore(%arg24 : memref<!tpu.dma_semaphore, #tpu.memory_space<semaphore_mem>>) src(%dma_wait3A_236 : memref<40xi32, #tpu.memory_space<hbm>>) dst(%arg13 : memref<40xi32, #tpu.memory_space<vmem>>)
        %dma_wait3A_237 = arith.constant 0 : i32
        %dma_wait3A_238 = arith.constant 0 : i32
        %dma_wait3A_239 = tpu.memref_slice %arg5[%dma_wait3A_237, %dma_wait3A_238] : memref<322560x128xf32, #tpu.memory_space<hbm>> -> memref<40x128xf32, #tpu.memory_space<hbm>>
        %dma_wait3A_240 = arith.constant 0 : i32
        %dma_wait3A_241 = arith.constant 0 : i32
        %dma_wait3A_242 = tpu.memref_slice %arg5[%dma_wait3A_240, %dma_wait3A_241] : memref<322560x128xf32, #tpu.memory_space<hbm>> -> memref<40x128xf32, #tpu.memory_space<hbm>>
        tpu.wait_dma2 semaphore(%arg24 : memref<!tpu.dma_semaphore, #tpu.memory_space<semaphore_mem>>) src(%dma_wait3A_242 : memref<40x128xf32, #tpu.memory_space<hbm>>) dst(%arg17 : memref<40x128xf32, #tpu.memory_space<vmem>>)
      } else {
      }
      %dma_wait3A_77 = arith.constant 0 : i32
      %dma_wait3A_78 = arith.constant 0 : i32
      %dma_wait3A_79 = tpu.memref_slice %arg2[%dma_wait3A_77, %dma_wait3A_78] : memref<10000x128xf32, #tpu.memory_space<hbm>> -> memref<10000x128xf32, #tpu.memory_space<hbm>>
      tpu.wait_indirect_dma semaphore(%arg25 : memref<!tpu.dma_semaphore, #tpu.memory_space<semaphore_mem>>) src(%dma_wait3A_79 : memref<10000x128xf32, #tpu.memory_space<hbm>>) dst(%arg20 : memref<40x128xf32, #tpu.memory_space<vmem>>)
      %add3A_80 = arith.constant 1 : i32
      %add3A_81 = arith.addi %add3A_72, %add3A_80 : i32
      %lt3A_82 = arith.constant 252 : i32
      %lt3A_83 = arith.cmpi slt, %add3A_81, %lt3A_82 : i32
      %convert_element_type3A_84 = arith.extui %lt3A_83 : i1 to i32
      %cond3A_85 = arith.constant 0 : i32
      %cond3A_86 = arith.cmpi ne, %convert_element_type3A_84, %cond3A_85 : i32
      scf.if %cond3A_86 {
        %dma_start3A_229 = arith.constant 0 : i32
        %dma_start3A_230 = arith.constant 0 : i32
        %dma_start3A_231 = tpu.memref_slice %arg2[%dma_start3A_229, %dma_start3A_230] : memref<10000x128xf32, #tpu.memory_space<hbm>> -> memref<10000x128xf32, #tpu.memory_space<hbm>>
        tpu.enqueue_indirect_dma source(%dma_start3A_231 : memref<10000x128xf32, #tpu.memory_space<hbm>>) target(%arg21 : memref<40x128xf32, #tpu.memory_space<vmem>>) offsets(%arg9 : memref<40xi32, #tpu.memory_space<vmem>>) semaphore(%arg25 : memref<!tpu.dma_semaphore, #tpu.memory_space<semaphore_mem>>)
      } else {
      }
      %ge3A = arith.constant 2 : i32
      %ge3A_87 = arith.cmpi sge, %add3A_72, %ge3A : i32
      %convert_element_type3A_88 = arith.extui %ge3A_87 : i1 to i32
      %cond3A_89 = arith.constant 0 : i32
      %cond3A_90 = arith.cmpi ne, %convert_element_type3A_88, %cond3A_89 : i32
      scf.if %cond3A_90 {
        %dma_wait3A_229 = arith.constant 0 : i32
        %dma_wait3A_230 = arith.constant 0 : i32
        %dma_wait3A_231 = tpu.memref_slice %arg7[%dma_wait3A_229, %dma_wait3A_230] : memref<10112x128xf32, #tpu.memory_space<vmem_shared>> -> memref<10112x128xf32, #tpu.memory_space<vmem_shared>>
        tpu.wait_indirect_dma semaphore(%arg28 : memref<!tpu.dma_semaphore, #tpu.memory_space<semaphore_mem>>) src(%arg22 : memref<40x128xf32, #tpu.memory_space<vmem>>) dst(%dma_wait3A_231 : memref<10112x128xf32, #tpu.memory_space<vmem_shared>>)
      } else {
      }
      %add3A_91 = arith.constant 2 : i32
      %add3A_92 = arith.addi %add3A_72, %add3A_91 : i32
      %lt3A_93 = arith.constant 252 : i32
      %lt3A_94 = arith.cmpi slt, %add3A_92, %lt3A_93 : i32
      %convert_element_type3A_95 = arith.extui %lt3A_94 : i1 to i32
      %cond3A_96 = arith.constant 0 : i32
      %cond3A_97 = arith.cmpi ne, %convert_element_type3A_95, %cond3A_96 : i32
      scf.if %cond3A_97 {
        %add3A_229 = arith.constant 2 : i32
        %add3A_230 = arith.addi %add3A_72, %add3A_229 : i32
        %mul3A_231 = arith.constant 40 : i32
        %mul3A_232 = arith.muli %add3A_230, %mul3A_231 : i32
        %add3A_233 = arith.addi %mul3A_2, %mul3A_232 : i32
        %dma_start3A_234 = tpu.memref_slice %arg3[%add3A_233] : memref<322560xi32, #tpu.memory_space<hbm>> -> memref<40xi32, #tpu.memory_space<hbm>>
        %dma_start3A_235 = tpu.memref_slice %arg3[%add3A_233] : memref<322560xi32, #tpu.memory_space<hbm>> -> memref<40xi32, #tpu.memory_space<hbm>>
        tpu.enqueue_dma source(%dma_start3A_235 : memref<40xi32, #tpu.memory_space<hbm>>) target(%arg10 : memref<40xi32, #tpu.memory_space<vmem>>) target_semaphore(%arg24 : memref<!tpu.dma_semaphore, #tpu.memory_space<semaphore_mem>>)
        %dma_start3A_236 = tpu.memref_slice %arg4[%add3A_233] : memref<322560xi32, #tpu.memory_space<hbm>> -> memref<40xi32, #tpu.memory_space<hbm>>
        %dma_start3A_237 = tpu.memref_slice %arg4[%add3A_233] : memref<322560xi32, #tpu.memory_space<hbm>> -> memref<40xi32, #tpu.memory_space<hbm>>
        tpu.enqueue_dma source(%dma_start3A_237 : memref<40xi32, #tpu.memory_space<hbm>>) target(%arg14 : memref<40xi32, #tpu.memory_space<vmem>>) target_semaphore(%arg24 : memref<!tpu.dma_semaphore, #tpu.memory_space<semaphore_mem>>)
        %dma_start3A_238 = arith.constant 0 : i32
        %dma_start3A_239 = tpu.memref_slice %arg5[%add3A_233, %dma_start3A_238] : memref<322560x128xf32, #tpu.memory_space<hbm>> -> memref<40x128xf32, #tpu.memory_space<hbm>>
        %dma_start3A_240 = arith.constant 0 : i32
        %dma_start3A_241 = tpu.memref_slice %arg5[%add3A_233, %dma_start3A_240] : memref<322560x128xf32, #tpu.memory_space<hbm>> -> memref<40x128xf32, #tpu.memory_space<hbm>>
        tpu.enqueue_dma source(%dma_start3A_241 : memref<40x128xf32, #tpu.memory_space<hbm>>) target(%arg18 : memref<40x128xf32, #tpu.memory_space<vmem>>) target_semaphore(%arg24 : memref<!tpu.dma_semaphore, #tpu.memory_space<semaphore_mem>>)
      } else {
      }
      %scan3A_98 = arith.constant 0 : i32
      %scan3A_99 = arith.constant 320 : i32
      %scan3A_100 = arith.addi %scan3A_98, %scan3A_99 : i32
      %scan3A_101 = arith.constant 8 : i32
      scf.for %scan3A_229 = %scan3A_98 to %scan3A_100 step %scan3A_101  : i32 {
        %mul3A_230 = arith.constant 1 : i32
        %mul3A_231 = arith.muli %scan3A_229, %mul3A_230 : i32
        %add3A_232 = arith.constant 0 : i32
        %add3A_233 = arith.addi %add3A_232, %mul3A_231 : i32
        %jit3A = arith.constant 8 : i32
        %div3A = arith.divsi %add3A_233, %jit3A : i32
        %sign3A = arith.constant 0 : i32
        %sign3A_234 = arith.cmpi sgt, %add3A_233, %sign3A : i32
        %sign3A_235 = arith.extui %sign3A_234 : i1 to i32
        %sign3A_236 = arith.constant 0 : i32
        %sign3A_237 = arith.cmpi slt, %add3A_233, %sign3A_236 : i32
        %sign3A_238 = arith.extui %sign3A_237 : i1 to i32
        %sign3A_239 = arith.subi %sign3A_235, %sign3A_238 : i32
        %sign3A_240 = arith.constant 0 : i32
        %sign3A_241 = arith.cmpi sgt, %jit3A, %sign3A_240 : i32
        %sign3A_242 = arith.extui %sign3A_241 : i1 to i32
        %sign3A_243 = arith.constant 0 : i32
        %sign3A_244 = arith.cmpi slt, %jit3A, %sign3A_243 : i32
        %sign3A_245 = arith.extui %sign3A_244 : i1 to i32
        %sign3A_246 = arith.subi %sign3A_242, %sign3A_245 : i32
        %ne3A = arith.cmpi ne, %sign3A_239, %sign3A_246 : i32
        %rem3A = arith.remsi %add3A_233, %jit3A : i32
        %ne3A_247 = arith.constant 0 : i32
        %ne3A_248 = arith.cmpi ne, %rem3A, %ne3A_247 : i32
        %and3A = arith.andi %ne3A, %ne3A_248 : i1
        %sub3A = arith.constant 1 : i32
        %sub3A_249 = arith.subi %div3A, %sub3A : i32
        %select_n3A = arith.select %and3A, %sub3A_249, %div3A : i32
        %jit3A_250 = arith.constant 8 : i32
        %eq3A = arith.constant 0 : i32
        %eq3A_251 = arith.cmpi eq, %jit3A_250, %eq3A : i32
        %jit3A_252 = arith.constant 1 : i32
        %select_n3A_253 = arith.select %eq3A_251, %jit3A_252, %jit3A_250 : i32
        %rem3A_254 = arith.remsi %add3A_233, %select_n3A_253 : i32
        %ne3A_255 = arith.constant 0 : i32
        %ne3A_256 = arith.cmpi ne, %rem3A_254, %ne3A_255 : i32
        %lt3A_257 = arith.constant 0 : i32
        %lt3A_258 = arith.cmpi slt, %rem3A_254, %lt3A_257 : i32
        %lt3A_259 = arith.constant 0 : i32
        %lt3A_260 = arith.cmpi slt, %select_n3A_253, %lt3A_259 : i32
        %ne3A_261 = arith.xori %lt3A_258, %lt3A_260 : i1
        %and3A_262 = arith.andi %ne3A_261, %ne3A_256 : i1
        %add3A_263 = arith.addi %rem3A_254, %select_n3A_253 : i32
        %select_n3A_264 = arith.select %and3A_262, %add3A_263, %rem3A_254 : i32
        %mul3A_265 = arith.constant 16 : i32
        %mul3A_266 = arith.muli %select_n3A_264, %mul3A_265 : i32
        %get3A = arith.index_cast %select_n3A : i32 to index
        %get3A_267 = arith.index_cast %mul3A_266 : i32 to index
        %get3A_268 = tpu.vector_load %arg20[%get3A, %get3A_267] {strides = array<i32>} : memref<40x128xf32, #tpu.memory_space<vmem>>, vector<1x16xf32>,
        %get3A_269 = vector.shape_cast %get3A_268 : vector<1x16xf32> to vector<16xf32>
        %get3A_270 = arith.index_cast %select_n3A : i32 to index
        %get3A_271 = arith.index_cast %mul3A_266 : i32 to index
        %get3A_272 = tpu.vector_load %arg16[%get3A_270, %get3A_271] {strides = array<i32>} : memref<40x128xf32, #tpu.memory_space<vmem>>, vector<1x16xf32>,
        %get3A_273 = vector.shape_cast %get3A_272 : vector<1x16xf32> to vector<16xf32>
        %add3A_274 = arith.addf %get3A_269, %get3A_273 : vector<16xf32>
        %max3A = arith.constant 0.000000e+00 : f32
        %max3A_275 = vector.broadcast %max3A : f32 to vector<16xf32>
        %max3A_276 = arith.maximumf %add3A_274, %max3A_275 : vector<16xf32>
        %swap3A = arith.index_cast %select_n3A : i32 to index
        %swap3A_277 = arith.index_cast %mul3A_266 : i32 to index
        %swap3A_278 = tpu.vector_load %arg20[%swap3A, %swap3A_277] {strides = array<i32>} : memref<40x128xf32, #tpu.memory_space<vmem>>, vector<1x16xf32>,
        %swap3A_279 = vector.shape_cast %swap3A_278 : vector<1x16xf32> to vector<16xf32>
        %swap3A_280 = vector.shape_cast %max3A_276 : vector<16xf32> to vector<1x16xf32>
        tpu.vector_store %arg20[%swap3A, %swap3A_277], %swap3A_280 {strides = array<i32>} : memref<40x128xf32, #tpu.memory_space<vmem>>, vector<1x16xf32>,
        %scan3A_281 = arith.constant 1 : i32
        %scan3A_282 = arith.addi %scan3A_229, %scan3A_281 : i32
        %mul3A_283 = arith.constant 1 : i32
        %mul3A_284 = arith.muli %scan3A_282, %mul3A_283 : i32
        %add3A_285 = arith.constant 0 : i32
        %add3A_286 = arith.addi %add3A_285, %mul3A_284 : i32
        %jit3A_287 = arith.constant 8 : i32
        %div3A_288 = arith.divsi %add3A_286, %jit3A_287 : i32
        %sign3A_289 = arith.constant 0 : i32
        %sign3A_290 = arith.cmpi sgt, %add3A_286, %sign3A_289 : i32
        %sign3A_291 = arith.extui %sign3A_290 : i1 to i32
        %sign3A_292 = arith.constant 0 : i32
        %sign3A_293 = arith.cmpi slt, %add3A_286, %sign3A_292 : i32
        %sign3A_294 = arith.extui %sign3A_293 : i1 to i32
        %sign3A_295 = arith.subi %sign3A_291, %sign3A_294 : i32
        %sign3A_296 = arith.constant 0 : i32
        %sign3A_297 = arith.cmpi sgt, %jit3A_287, %sign3A_296 : i32
        %sign3A_298 = arith.extui %sign3A_297 : i1 to i32
        %sign3A_299 = arith.constant 0 : i32
        %sign3A_300 = arith.cmpi slt, %jit3A_287, %sign3A_299 : i32
        %sign3A_301 = arith.extui %sign3A_300 : i1 to i32
        %sign3A_302 = arith.subi %sign3A_298, %sign3A_301 : i32
        %ne3A_303 = arith.cmpi ne, %sign3A_295, %sign3A_302 : i32
        %rem3A_304 = arith.remsi %add3A_286, %jit3A_287 : i32
        %ne3A_305 = arith.constant 0 : i32
        %ne3A_306 = arith.cmpi ne, %rem3A_304, %ne3A_305 : i32
        %and3A_307 = arith.andi %ne3A_303, %ne3A_306 : i1
        %sub3A_308 = arith.constant 1 : i32
        %sub3A_309 = arith.subi %div3A_288, %sub3A_308 : i32
        %select_n3A_310 = arith.select %and3A_307, %sub3A_309, %div3A_288 : i32
        %jit3A_311 = arith.constant 8 : i32
        %eq3A_312 = arith.constant 0 : i32
        %eq3A_313 = arith.cmpi eq, %jit3A_311, %eq3A_312 : i32
        %jit3A_314 = arith.constant 1 : i32
        %select_n3A_315 = arith.select %eq3A_313, %jit3A_314, %jit3A_311 : i32
        %rem3A_316 = arith.remsi %add3A_286, %select_n3A_315 : i32
        %ne3A_317 = arith.constant 0 : i32
        %ne3A_318 = arith.cmpi ne, %rem3A_316, %ne3A_317 : i32
        %lt3A_319 = arith.constant 0 : i32
        %lt3A_320 = arith.cmpi slt, %rem3A_316, %lt3A_319 : i32
        %lt3A_321 = arith.constant 0 : i32
        %lt3A_322 = arith.cmpi slt, %select_n3A_315, %lt3A_321 : i32
        %ne3A_323 = arith.xori %lt3A_320, %lt3A_322 : i1
        %and3A_324 = arith.andi %ne3A_323, %ne3A_318 : i1
        %add3A_325 = arith.addi %rem3A_316, %select_n3A_315 : i32
        %select_n3A_326 = arith.select %and3A_324, %add3A_325, %rem3A_316 : i32
        %mul3A_327 = arith.constant 16 : i32
        %mul3A_328 = arith.muli %select_n3A_326, %mul3A_327 : i32
        %get3A_329 = arith.index_cast %select_n3A_310 : i32 to index
        %get3A_330 = arith.index_cast %mul3A_328 : i32 to index
        %get3A_331 = tpu.vector_load %arg20[%get3A_329, %get3A_330] {strides = array<i32>} : memref<40x128xf32, #tpu.memory_space<vmem>>, vector<1x16xf32>,
        %get3A_332 = vector.shape_cast %get3A_331 : vector<1x16xf32> to vector<16xf32>
        %get3A_333 = arith.index_cast %select_n3A_310 : i32 to index
        %get3A_334 = arith.index_cast %mul3A_328 : i32 to index
        %get3A_335 = tpu.vector_load %arg16[%get3A_333, %get3A_334] {strides = array<i32>} : memref<40x128xf32, #tpu.memory_space<vmem>>, vector<1x16xf32>,
        %get3A_336 = vector.shape_cast %get3A_335 : vector<1x16xf32> to vector<16xf32>
        %add3A_337 = arith.addf %get3A_332, %get3A_336 : vector<16xf32>
        %max3A_338 = arith.constant 0.000000e+00 : f32
        %max3A_339 = vector.broadcast %max3A_338 : f32 to vector<16xf32>
        %max3A_340 = arith.maximumf %add3A_337, %max3A_339 : vector<16xf32>
        %swap3A_341 = arith.index_cast %select_n3A_310 : i32 to index
        %swap3A_342 = arith.index_cast %mul3A_328 : i32 to index
        %swap3A_343 = tpu.vector_load %arg20[%swap3A_341, %swap3A_342] {strides = array<i32>} : memref<40x128xf32, #tpu.memory_space<vmem>>, vector<1x16xf32>,
        %swap3A_344 = vector.shape_cast %swap3A_343 : vector<1x16xf32> to vector<16xf32>
        %swap3A_345 = vector.shape_cast %max3A_340 : vector<16xf32> to vector<1x16xf32>
        tpu.vector_store %arg20[%swap3A_341, %swap3A_342], %swap3A_345 {strides = array<i32>} : memref<40x128xf32, #tpu.memory_space<vmem>>, vector<1x16xf32>,
        %scan3A_346 = arith.constant 2 : i32
        %scan3A_347 = arith.addi %scan3A_229, %scan3A_346 : i32
        %mul3A_348 = arith.constant 1 : i32
        %mul3A_349 = arith.muli %scan3A_347, %mul3A_348 : i32
        %add3A_350 = arith.constant 0 : i32
        %add3A_351 = arith.addi %add3A_350, %mul3A_349 : i32
        %jit3A_352 = arith.constant 8 : i32
        %div3A_353 = arith.divsi %add3A_351, %jit3A_352 : i32
        %sign3A_354 = arith.constant 0 : i32
        %sign3A_355 = arith.cmpi sgt, %add3A_351, %sign3A_354 : i32
        %sign3A_356 = arith.extui %sign3A_355 : i1 to i32
        %sign3A_357 = arith.constant 0 : i32
        %sign3A_358 = arith.cmpi slt, %add3A_351, %sign3A_357 : i32
        %sign3A_359 = arith.extui %sign3A_358 : i1 to i32
        %sign3A_360 = arith.subi %sign3A_356, %sign3A_359 : i32
        %sign3A_361 = arith.constant 0 : i32
        %sign3A_362 = arith.cmpi sgt, %jit3A_352, %sign3A_361 : i32
        %sign3A_363 = arith.extui %sign3A_362 : i1 to i32
        %sign3A_364 = arith.constant 0 : i32
        %sign3A_365 = arith.cmpi slt, %jit3A_352, %sign3A_364 : i32
        %sign3A_366 = arith.extui %sign3A_365 : i1 to i32
        %sign3A_367 = arith.subi %sign3A_363, %sign3A_366 : i32
        %ne3A_368 = arith.cmpi ne, %sign3A_360, %sign3A_367 : i32
        %rem3A_369 = arith.remsi %add3A_351, %jit3A_352 : i32
        %ne3A_370 = arith.constant 0 : i32
        %ne3A_371 = arith.cmpi ne, %rem3A_369, %ne3A_370 : i32
        %and3A_372 = arith.andi %ne3A_368, %ne3A_371 : i1
        %sub3A_373 = arith.constant 1 : i32
        %sub3A_374 = arith.subi %div3A_353, %sub3A_373 : i32
        %select_n3A_375 = arith.select %and3A_372, %sub3A_374, %div3A_353 : i32
        %jit3A_376 = arith.constant 8 : i32
        %eq3A_377 = arith.constant 0 : i32
        %eq3A_378 = arith.cmpi eq, %jit3A_376, %eq3A_377 : i32
        %jit3A_379 = arith.constant 1 : i32
        %select_n3A_380 = arith.select %eq3A_378, %jit3A_379, %jit3A_376 : i32
        %rem3A_381 = arith.remsi %add3A_351, %select_n3A_380 : i32
        %ne3A_382 = arith.constant 0 : i32
        %ne3A_383 = arith.cmpi ne, %rem3A_381, %ne3A_382 : i32
        %lt3A_384 = arith.constant 0 : i32
        %lt3A_385 = arith.cmpi slt, %rem3A_381, %lt3A_384 : i32
        %lt3A_386 = arith.constant 0 : i32
        %lt3A_387 = arith.cmpi slt, %select_n3A_380, %lt3A_386 : i32
        %ne3A_388 = arith.xori %lt3A_385, %lt3A_387 : i1
        %and3A_389 = arith.andi %ne3A_388, %ne3A_383 : i1
        %add3A_390 = arith.addi %rem3A_381, %select_n3A_380 : i32
        %select_n3A_391 = arith.select %and3A_389, %add3A_390, %rem3A_381 : i32
        %mul3A_392 = arith.constant 16 : i32
        %mul3A_393 = arith.muli %select_n3A_391, %mul3A_392 : i32
        %get3A_394 = arith.index_cast %select_n3A_375 : i32 to index
        %get3A_395 = arith.index_cast %mul3A_393 : i32 to index
        %get3A_396 = tpu.vector_load %arg20[%get3A_394, %get3A_395] {strides = array<i32>} : memref<40x128xf32, #tpu.memory_space<vmem>>, vector<1x16xf32>,
        %get3A_397 = vector.shape_cast %get3A_396 : vector<1x16xf32> to vector<16xf32>
        %get3A_398 = arith.index_cast %select_n3A_375 : i32 to index
        %get3A_399 = arith.index_cast %mul3A_393 : i32 to index
        %get3A_400 = tpu.vector_load %arg16[%get3A_398, %get3A_399] {strides = array<i32>} : memref<40x128xf32, #tpu.memory_space<vmem>>, vector<1x16xf32>,
        %get3A_401 = vector.shape_cast %get3A_400 : vector<1x16xf32> to vector<16xf32>
        %add3A_402 = arith.addf %get3A_397, %get3A_401 : vector<16xf32>
        %max3A_403 = arith.constant 0.000000e+00 : f32
        %max3A_404 = vector.broadcast %max3A_403 : f32 to vector<16xf32>
        %max3A_405 = arith.maximumf %add3A_402, %max3A_404 : vector<16xf32>
        %swap3A_406 = arith.index_cast %select_n3A_375 : i32 to index
        %swap3A_407 = arith.index_cast %mul3A_393 : i32 to index
        %swap3A_408 = tpu.vector_load %arg20[%swap3A_406, %swap3A_407] {strides = array<i32>} : memref<40x128xf32, #tpu.memory_space<vmem>>, vector<1x16xf32>,
        %swap3A_409 = vector.shape_cast %swap3A_408 : vector<1x16xf32> to vector<16xf32>
        %swap3A_410 = vector.shape_cast %max3A_405 : vector<16xf32> to vector<1x16xf32>
        tpu.vector_store %arg20[%swap3A_406, %swap3A_407], %swap3A_410 {strides = array<i32>} : memref<40x128xf32, #tpu.memory_space<vmem>>, vector<1x16xf32>,
        %scan3A_411 = arith.constant 3 : i32
        %scan3A_412 = arith.addi %scan3A_229, %scan3A_411 : i32
        %mul3A_413 = arith.constant 1 : i32
        %mul3A_414 = arith.muli %scan3A_412, %mul3A_413 : i32
        %add3A_415 = arith.constant 0 : i32
        %add3A_416 = arith.addi %add3A_415, %mul3A_414 : i32
        %jit3A_417 = arith.constant 8 : i32
        %div3A_418 = arith.divsi %add3A_416, %jit3A_417 : i32
        %sign3A_419 = arith.constant 0 : i32
        %sign3A_420 = arith.cmpi sgt, %add3A_416, %sign3A_419 : i32
        %sign3A_421 = arith.extui %sign3A_420 : i1 to i32
        %sign3A_422 = arith.constant 0 : i32
        %sign3A_423 = arith.cmpi slt, %add3A_416, %sign3A_422 : i32
        %sign3A_424 = arith.extui %sign3A_423 : i1 to i32
        %sign3A_425 = arith.subi %sign3A_421, %sign3A_424 : i32
        %sign3A_426 = arith.constant 0 : i32
        %sign3A_427 = arith.cmpi sgt, %jit3A_417, %sign3A_426 : i32
        %sign3A_428 = arith.extui %sign3A_427 : i1 to i32
        %sign3A_429 = arith.constant 0 : i32
        %sign3A_430 = arith.cmpi slt, %jit3A_417, %sign3A_429 : i32
        %sign3A_431 = arith.extui %sign3A_430 : i1 to i32
        %sign3A_432 = arith.subi %sign3A_428, %sign3A_431 : i32
        %ne3A_433 = arith.cmpi ne, %sign3A_425, %sign3A_432 : i32
        %rem3A_434 = arith.remsi %add3A_416, %jit3A_417 : i32
        %ne3A_435 = arith.constant 0 : i32
        %ne3A_436 = arith.cmpi ne, %rem3A_434, %ne3A_435 : i32
        %and3A_437 = arith.andi %ne3A_433, %ne3A_436 : i1
        %sub3A_438 = arith.constant 1 : i32
        %sub3A_439 = arith.subi %div3A_418, %sub3A_438 : i32
        %select_n3A_440 = arith.select %and3A_437, %sub3A_439, %div3A_418 : i32
        %jit3A_441 = arith.constant 8 : i32
        %eq3A_442 = arith.constant 0 : i32
        %eq3A_443 = arith.cmpi eq, %jit3A_441, %eq3A_442 : i32
        %jit3A_444 = arith.constant 1 : i32
        %select_n3A_445 = arith.select %eq3A_443, %jit3A_444, %jit3A_441 : i32
        %rem3A_446 = arith.remsi %add3A_416, %select_n3A_445 : i32
        %ne3A_447 = arith.constant 0 : i32
        %ne3A_448 = arith.cmpi ne, %rem3A_446, %ne3A_447 : i32
        %lt3A_449 = arith.constant 0 : i32
        %lt3A_450 = arith.cmpi slt, %rem3A_446, %lt3A_449 : i32
        %lt3A_451 = arith.constant 0 : i32
        %lt3A_452 = arith.cmpi slt, %select_n3A_445, %lt3A_451 : i32
        %ne3A_453 = arith.xori %lt3A_450, %lt3A_452 : i1
        %and3A_454 = arith.andi %ne3A_453, %ne3A_448 : i1
        %add3A_455 = arith.addi %rem3A_446, %select_n3A_445 : i32
        %select_n3A_456 = arith.select %and3A_454, %add3A_455, %rem3A_446 : i32
        %mul3A_457 = arith.constant 16 : i32
        %mul3A_458 = arith.muli %select_n3A_456, %mul3A_457 : i32
        %get3A_459 = arith.index_cast %select_n3A_440 : i32 to index
        %get3A_460 = arith.index_cast %mul3A_458 : i32 to index
        %get3A_461 = tpu.vector_load %arg20[%get3A_459, %get3A_460] {strides = array<i32>} : memref<40x128xf32, #tpu.memory_space<vmem>>, vector<1x16xf32>,
        %get3A_462 = vector.shape_cast %get3A_461 : vector<1x16xf32> to vector<16xf32>
        %get3A_463 = arith.index_cast %select_n3A_440 : i32 to index
        %get3A_464 = arith.index_cast %mul3A_458 : i32 to index
        %get3A_465 = tpu.vector_load %arg16[%get3A_463, %get3A_464] {strides = array<i32>} : memref<40x128xf32, #tpu.memory_space<vmem>>, vector<1x16xf32>,
        %get3A_466 = vector.shape_cast %get3A_465 : vector<1x16xf32> to vector<16xf32>
        %add3A_467 = arith.addf %get3A_462, %get3A_466 : vector<16xf32>
        %max3A_468 = arith.constant 0.000000e+00 : f32
        %max3A_469 = vector.broadcast %max3A_468 : f32 to vector<16xf32>
        %max3A_470 = arith.maximumf %add3A_467, %max3A_469 : vector<16xf32>
        %swap3A_471 = arith.index_cast %select_n3A_440 : i32 to index
        %swap3A_472 = arith.index_cast %mul3A_458 : i32 to index
        %swap3A_473 = tpu.vector_load %arg20[%swap3A_471, %swap3A_472] {strides = array<i32>} : memref<40x128xf32, #tpu.memory_space<vmem>>, vector<1x16xf32>,
        %swap3A_474 = vector.shape_cast %swap3A_473 : vector<1x16xf32> to vector<16xf32>
        %swap3A_475 = vector.shape_cast %max3A_470 : vector<16xf32> to vector<1x16xf32>
        tpu.vector_store %arg20[%swap3A_471, %swap3A_472], %swap3A_475 {strides = array<i32>} : memref<40x128xf32, #tpu.memory_space<vmem>>, vector<1x16xf32>,
        %scan3A_476 = arith.constant 4 : i32
        %scan3A_477 = arith.addi %scan3A_229, %scan3A_476 : i32
        %mul3A_478 = arith.constant 1 : i32
        %mul3A_479 = arith.muli %scan3A_477, %mul3A_478 : i32
        %add3A_480 = arith.constant 0 : i32
        %add3A_481 = arith.addi %add3A_480, %mul3A_479 : i32
        %jit3A_482 = arith.constant 8 : i32
        %div3A_483 = arith.divsi %add3A_481, %jit3A_482 : i32
        %sign3A_484 = arith.constant 0 : i32
        %sign3A_485 = arith.cmpi sgt, %add3A_481, %sign3A_484 : i32
        %sign3A_486 = arith.extui %sign3A_485 : i1 to i32
        %sign3A_487 = arith.constant 0 : i32
        %sign3A_488 = arith.cmpi slt, %add3A_481, %sign3A_487 : i32
        %sign3A_489 = arith.extui %sign3A_488 : i1 to i32
        %sign3A_490 = arith.subi %sign3A_486, %sign3A_489 : i32
        %sign3A_491 = arith.constant 0 : i32
        %sign3A_492 = arith.cmpi sgt, %jit3A_482, %sign3A_491 : i32
        %sign3A_493 = arith.extui %sign3A_492 : i1 to i32
        %sign3A_494 = arith.constant 0 : i32
        %sign3A_495 = arith.cmpi slt, %jit3A_482, %sign3A_494 : i32
        %sign3A_496 = arith.extui %sign3A_495 : i1 to i32
        %sign3A_497 = arith.subi %sign3A_493, %sign3A_496 : i32
        %ne3A_498 = arith.cmpi ne, %sign3A_490, %sign3A_497 : i32
        %rem3A_499 = arith.remsi %add3A_481, %jit3A_482 : i32
        %ne3A_500 = arith.constant 0 : i32
        %ne3A_501 = arith.cmpi ne, %rem3A_499, %ne3A_500 : i32
        %and3A_502 = arith.andi %ne3A_498, %ne3A_501 : i1
        %sub3A_503 = arith.constant 1 : i32
        %sub3A_504 = arith.subi %div3A_483, %sub3A_503 : i32
        %select_n3A_505 = arith.select %and3A_502, %sub3A_504, %div3A_483 : i32
        %jit3A_506 = arith.constant 8 : i32
        %eq3A_507 = arith.constant 0 : i32
        %eq3A_508 = arith.cmpi eq, %jit3A_506, %eq3A_507 : i32
        %jit3A_509 = arith.constant 1 : i32
        %select_n3A_510 = arith.select %eq3A_508, %jit3A_509, %jit3A_506 : i32
        %rem3A_511 = arith.remsi %add3A_481, %select_n3A_510 : i32
        %ne3A_512 = arith.constant 0 : i32
        %ne3A_513 = arith.cmpi ne, %rem3A_511, %ne3A_512 : i32
        %lt3A_514 = arith.constant 0 : i32
        %lt3A_515 = arith.cmpi slt, %rem3A_511, %lt3A_514 : i32
        %lt3A_516 = arith.constant 0 : i32
        %lt3A_517 = arith.cmpi slt, %select_n3A_510, %lt3A_516 : i32
        %ne3A_518 = arith.xori %lt3A_515, %lt3A_517 : i1
        %and3A_519 = arith.andi %ne3A_518, %ne3A_513 : i1
        %add3A_520 = arith.addi %rem3A_511, %select_n3A_510 : i32
        %select_n3A_521 = arith.select %and3A_519, %add3A_520, %rem3A_511 : i32
        %mul3A_522 = arith.constant 16 : i32
        %mul3A_523 = arith.muli %select_n3A_521, %mul3A_522 : i32
        %get3A_524 = arith.index_cast %select_n3A_505 : i32 to index
        %get3A_525 = arith.index_cast %mul3A_523 : i32 to index
        %get3A_526 = tpu.vector_load %arg20[%get3A_524, %get3A_525] {strides = array<i32>} : memref<40x128xf32, #tpu.memory_space<vmem>>, vector<1x16xf32>,
        %get3A_527 = vector.shape_cast %get3A_526 : vector<1x16xf32> to vector<16xf32>
        %get3A_528 = arith.index_cast %select_n3A_505 : i32 to index
        %get3A_529 = arith.index_cast %mul3A_523 : i32 to index
        %get3A_530 = tpu.vector_load %arg16[%get3A_528, %get3A_529] {strides = array<i32>} : memref<40x128xf32, #tpu.memory_space<vmem>>, vector<1x16xf32>,
        %get3A_531 = vector.shape_cast %get3A_530 : vector<1x16xf32> to vector<16xf32>
        %add3A_532 = arith.addf %get3A_527, %get3A_531 : vector<16xf32>
        %max3A_533 = arith.constant 0.000000e+00 : f32
        %max3A_534 = vector.broadcast %max3A_533 : f32 to vector<16xf32>
        %max3A_535 = arith.maximumf %add3A_532, %max3A_534 : vector<16xf32>
        %swap3A_536 = arith.index_cast %select_n3A_505 : i32 to index
        %swap3A_537 = arith.index_cast %mul3A_523 : i32 to index
        %swap3A_538 = tpu.vector_load %arg20[%swap3A_536, %swap3A_537] {strides = array<i32>} : memref<40x128xf32, #tpu.memory_space<vmem>>, vector<1x16xf32>,
        %swap3A_539 = vector.shape_cast %swap3A_538 : vector<1x16xf32> to vector<16xf32>
        %swap3A_540 = vector.shape_cast %max3A_535 : vector<16xf32> to vector<1x16xf32>
        tpu.vector_store %arg20[%swap3A_536, %swap3A_537], %swap3A_540 {strides = array<i32>} : memref<40x128xf32, #tpu.memory_space<vmem>>, vector<1x16xf32>,
        %scan3A_541 = arith.constant 5 : i32
        %scan3A_542 = arith.addi %scan3A_229, %scan3A_541 : i32
        %mul3A_543 = arith.constant 1 : i32
        %mul3A_544 = arith.muli %scan3A_542, %mul3A_543 : i32
        %add3A_545 = arith.constant 0 : i32
        %add3A_546 = arith.addi %add3A_545, %mul3A_544 : i32
        %jit3A_547 = arith.constant 8 : i32
        %div3A_548 = arith.divsi %add3A_546, %jit3A_547 : i32
        %sign3A_549 = arith.constant 0 : i32
        %sign3A_550 = arith.cmpi sgt, %add3A_546, %sign3A_549 : i32
        %sign3A_551 = arith.extui %sign3A_550 : i1 to i32
        %sign3A_552 = arith.constant 0 : i32
        %sign3A_553 = arith.cmpi slt, %add3A_546, %sign3A_552 : i32
        %sign3A_554 = arith.extui %sign3A_553 : i1 to i32
        %sign3A_555 = arith.subi %sign3A_551, %sign3A_554 : i32
        %sign3A_556 = arith.constant 0 : i32
        %sign3A_557 = arith.cmpi sgt, %jit3A_547, %sign3A_556 : i32
        %sign3A_558 = arith.extui %sign3A_557 : i1 to i32
        %sign3A_559 = arith.constant 0 : i32
        %sign3A_560 = arith.cmpi slt, %jit3A_547, %sign3A_559 : i32
        %sign3A_561 = arith.extui %sign3A_560 : i1 to i32
        %sign3A_562 = arith.subi %sign3A_558, %sign3A_561 : i32
        %ne3A_563 = arith.cmpi ne, %sign3A_555, %sign3A_562 : i32
        %rem3A_564 = arith.remsi %add3A_546, %jit3A_547 : i32
        %ne3A_565 = arith.constant 0 : i32
        %ne3A_566 = arith.cmpi ne, %rem3A_564, %ne3A_565 : i32
        %and3A_567 = arith.andi %ne3A_563, %ne3A_566 : i1
        %sub3A_568 = arith.constant 1 : i32
        %sub3A_569 = arith.subi %div3A_548, %sub3A_568 : i32
        %select_n3A_570 = arith.select %and3A_567, %sub3A_569, %div3A_548 : i32
        %jit3A_571 = arith.constant 8 : i32
        %eq3A_572 = arith.constant 0 : i32
        %eq3A_573 = arith.cmpi eq, %jit3A_571, %eq3A_572 : i32
        %jit3A_574 = arith.constant 1 : i32
        %select_n3A_575 = arith.select %eq3A_573, %jit3A_574, %jit3A_571 : i32
        %rem3A_576 = arith.remsi %add3A_546, %select_n3A_575 : i32
        %ne3A_577 = arith.constant 0 : i32
        %ne3A_578 = arith.cmpi ne, %rem3A_576, %ne3A_577 : i32
        %lt3A_579 = arith.constant 0 : i32
        %lt3A_580 = arith.cmpi slt, %rem3A_576, %lt3A_579 : i32
        %lt3A_581 = arith.constant 0 : i32
        %lt3A_582 = arith.cmpi slt, %select_n3A_575, %lt3A_581 : i32
        %ne3A_583 = arith.xori %lt3A_580, %lt3A_582 : i1
        %and3A_584 = arith.andi %ne3A_583, %ne3A_578 : i1
        %add3A_585 = arith.addi %rem3A_576, %select_n3A_575 : i32
        %select_n3A_586 = arith.select %and3A_584, %add3A_585, %rem3A_576 : i32
        %mul3A_587 = arith.constant 16 : i32
        %mul3A_588 = arith.muli %select_n3A_586, %mul3A_587 : i32
        %get3A_589 = arith.index_cast %select_n3A_570 : i32 to index
        %get3A_590 = arith.index_cast %mul3A_588 : i32 to index
        %get3A_591 = tpu.vector_load %arg20[%get3A_589, %get3A_590] {strides = array<i32>} : memref<40x128xf32, #tpu.memory_space<vmem>>, vector<1x16xf32>,
        %get3A_592 = vector.shape_cast %get3A_591 : vector<1x16xf32> to vector<16xf32>
        %get3A_593 = arith.index_cast %select_n3A_570 : i32 to index
        %get3A_594 = arith.index_cast %mul3A_588 : i32 to index
        %get3A_595 = tpu.vector_load %arg16[%get3A_593, %get3A_594] {strides = array<i32>} : memref<40x128xf32, #tpu.memory_space<vmem>>, vector<1x16xf32>,
        %get3A_596 = vector.shape_cast %get3A_595 : vector<1x16xf32> to vector<16xf32>
        %add3A_597 = arith.addf %get3A_592, %get3A_596 : vector<16xf32>
        %max3A_598 = arith.constant 0.000000e+00 : f32
        %max3A_599 = vector.broadcast %max3A_598 : f32 to vector<16xf32>
        %max3A_600 = arith.maximumf %add3A_597, %max3A_599 : vector<16xf32>
        %swap3A_601 = arith.index_cast %select_n3A_570 : i32 to index
        %swap3A_602 = arith.index_cast %mul3A_588 : i32 to index
        %swap3A_603 = tpu.vector_load %arg20[%swap3A_601, %swap3A_602] {strides = array<i32>} : memref<40x128xf32, #tpu.memory_space<vmem>>, vector<1x16xf32>,
        %swap3A_604 = vector.shape_cast %swap3A_603 : vector<1x16xf32> to vector<16xf32>
        %swap3A_605 = vector.shape_cast %max3A_600 : vector<16xf32> to vector<1x16xf32>
        tpu.vector_store %arg20[%swap3A_601, %swap3A_602], %swap3A_605 {strides = array<i32>} : memref<40x128xf32, #tpu.memory_space<vmem>>, vector<1x16xf32>,
        %scan3A_606 = arith.constant 6 : i32
        %scan3A_607 = arith.addi %scan3A_229, %scan3A_606 : i32
        %mul3A_608 = arith.constant 1 : i32
        %mul3A_609 = arith.muli %scan3A_607, %mul3A_608 : i32
        %add3A_610 = arith.constant 0 : i32
        %add3A_611 = arith.addi %add3A_610, %mul3A_609 : i32
        %jit3A_612 = arith.constant 8 : i32
        %div3A_613 = arith.divsi %add3A_611, %jit3A_612 : i32
        %sign3A_614 = arith.constant 0 : i32
        %sign3A_615 = arith.cmpi sgt, %add3A_611, %sign3A_614 : i32
        %sign3A_616 = arith.extui %sign3A_615 : i1 to i32
        %sign3A_617 = arith.constant 0 : i32
        %sign3A_618 = arith.cmpi slt, %add3A_611, %sign3A_617 : i32
        %sign3A_619 = arith.extui %sign3A_618 : i1 to i32
        %sign3A_620 = arith.subi %sign3A_616, %sign3A_619 : i32
        %sign3A_621 = arith.constant 0 : i32
        %sign3A_622 = arith.cmpi sgt, %jit3A_612, %sign3A_621 : i32
        %sign3A_623 = arith.extui %sign3A_622 : i1 to i32
        %sign3A_624 = arith.constant 0 : i32
        %sign3A_625 = arith.cmpi slt, %jit3A_612, %sign3A_624 : i32
        %sign3A_626 = arith.extui %sign3A_625 : i1 to i32
        %sign3A_627 = arith.subi %sign3A_623, %sign3A_626 : i32
        %ne3A_628 = arith.cmpi ne, %sign3A_620, %sign3A_627 : i32
        %rem3A_629 = arith.remsi %add3A_611, %jit3A_612 : i32
        %ne3A_630 = arith.constant 0 : i32
        %ne3A_631 = arith.cmpi ne, %rem3A_629, %ne3A_630 : i32
        %and3A_632 = arith.andi %ne3A_628, %ne3A_631 : i1
        %sub3A_633 = arith.constant 1 : i32
        %sub3A_634 = arith.subi %div3A_613, %sub3A_633 : i32
        %select_n3A_635 = arith.select %and3A_632, %sub3A_634, %div3A_613 : i32
        %jit3A_636 = arith.constant 8 : i32
        %eq3A_637 = arith.constant 0 : i32
        %eq3A_638 = arith.cmpi eq, %jit3A_636, %eq3A_637 : i32
        %jit3A_639 = arith.constant 1 : i32
        %select_n3A_640 = arith.select %eq3A_638, %jit3A_639, %jit3A_636 : i32
        %rem3A_641 = arith.remsi %add3A_611, %select_n3A_640 : i32
        %ne3A_642 = arith.constant 0 : i32
        %ne3A_643 = arith.cmpi ne, %rem3A_641, %ne3A_642 : i32
        %lt3A_644 = arith.constant 0 : i32
        %lt3A_645 = arith.cmpi slt, %rem3A_641, %lt3A_644 : i32
        %lt3A_646 = arith.constant 0 : i32
        %lt3A_647 = arith.cmpi slt, %select_n3A_640, %lt3A_646 : i32
        %ne3A_648 = arith.xori %lt3A_645, %lt3A_647 : i1
        %and3A_649 = arith.andi %ne3A_648, %ne3A_643 : i1
        %add3A_650 = arith.addi %rem3A_641, %select_n3A_640 : i32
        %select_n3A_651 = arith.select %and3A_649, %add3A_650, %rem3A_641 : i32
        %mul3A_652 = arith.constant 16 : i32
        %mul3A_653 = arith.muli %select_n3A_651, %mul3A_652 : i32
        %get3A_654 = arith.index_cast %select_n3A_635 : i32 to index
        %get3A_655 = arith.index_cast %mul3A_653 : i32 to index
        %get3A_656 = tpu.vector_load %arg20[%get3A_654, %get3A_655] {strides = array<i32>} : memref<40x128xf32, #tpu.memory_space<vmem>>, vector<1x16xf32>,
        %get3A_657 = vector.shape_cast %get3A_656 : vector<1x16xf32> to vector<16xf32>
        %get3A_658 = arith.index_cast %select_n3A_635 : i32 to index
        %get3A_659 = arith.index_cast %mul3A_653 : i32 to index
        %get3A_660 = tpu.vector_load %arg16[%get3A_658, %get3A_659] {strides = array<i32>} : memref<40x128xf32, #tpu.memory_space<vmem>>, vector<1x16xf32>,
        %get3A_661 = vector.shape_cast %get3A_660 : vector<1x16xf32> to vector<16xf32>
        %add3A_662 = arith.addf %get3A_657, %get3A_661 : vector<16xf32>
        %max3A_663 = arith.constant 0.000000e+00 : f32
        %max3A_664 = vector.broadcast %max3A_663 : f32 to vector<16xf32>
        %max3A_665 = arith.maximumf %add3A_662, %max3A_664 : vector<16xf32>
        %swap3A_666 = arith.index_cast %select_n3A_635 : i32 to index
        %swap3A_667 = arith.index_cast %mul3A_653 : i32 to index
        %swap3A_668 = tpu.vector_load %arg20[%swap3A_666, %swap3A_667] {strides = array<i32>} : memref<40x128xf32, #tpu.memory_space<vmem>>, vector<1x16xf32>,
        %swap3A_669 = vector.shape_cast %swap3A_668 : vector<1x16xf32> to vector<16xf32>
        %swap3A_670 = vector.shape_cast %max3A_665 : vector<16xf32> to vector<1x16xf32>
        tpu.vector_store %arg20[%swap3A_666, %swap3A_667], %swap3A_670 {strides = array<i32>} : memref<40x128xf32, #tpu.memory_space<vmem>>, vector<1x16xf32>,
        %scan3A_671 = arith.constant 7 : i32
        %scan3A_672 = arith.addi %scan3A_229, %scan3A_671 : i32
        %mul3A_673 = arith.constant 1 : i32
        %mul3A_674 = arith.muli %scan3A_672, %mul3A_673 : i32
        %add3A_675 = arith.constant 0 : i32
        %add3A_676 = arith.addi %add3A_675, %mul3A_674 : i32
        %jit3A_677 = arith.constant 8 : i32
        %div3A_678 = arith.divsi %add3A_676, %jit3A_677 : i32
        %sign3A_679 = arith.constant 0 : i32
        %sign3A_680 = arith.cmpi sgt, %add3A_676, %sign3A_679 : i32
        %sign3A_681 = arith.extui %sign3A_680 : i1 to i32
        %sign3A_682 = arith.constant 0 : i32
        %sign3A_683 = arith.cmpi slt, %add3A_676, %sign3A_682 : i32
        %sign3A_684 = arith.extui %sign3A_683 : i1 to i32
        %sign3A_685 = arith.subi %sign3A_681, %sign3A_684 : i32
        %sign3A_686 = arith.constant 0 : i32
        %sign3A_687 = arith.cmpi sgt, %jit3A_677, %sign3A_686 : i32
        %sign3A_688 = arith.extui %sign3A_687 : i1 to i32
        %sign3A_689 = arith.constant 0 : i32
        %sign3A_690 = arith.cmpi slt, %jit3A_677, %sign3A_689 : i32
        %sign3A_691 = arith.extui %sign3A_690 : i1 to i32
        %sign3A_692 = arith.subi %sign3A_688, %sign3A_691 : i32
        %ne3A_693 = arith.cmpi ne, %sign3A_685, %sign3A_692 : i32
        %rem3A_694 = arith.remsi %add3A_676, %jit3A_677 : i32
        %ne3A_695 = arith.constant 0 : i32
        %ne3A_696 = arith.cmpi ne, %rem3A_694, %ne3A_695 : i32
        %and3A_697 = arith.andi %ne3A_693, %ne3A_696 : i1
        %sub3A_698 = arith.constant 1 : i32
        %sub3A_699 = arith.subi %div3A_678, %sub3A_698 : i32
        %select_n3A_700 = arith.select %and3A_697, %sub3A_699, %div3A_678 : i32
        %jit3A_701 = arith.constant 8 : i32
        %eq3A_702 = arith.constant 0 : i32
        %eq3A_703 = arith.cmpi eq, %jit3A_701, %eq3A_702 : i32
        %jit3A_704 = arith.constant 1 : i32
        %select_n3A_705 = arith.select %eq3A_703, %jit3A_704, %jit3A_701 : i32
        %rem3A_706 = arith.remsi %add3A_676, %select_n3A_705 : i32
        %ne3A_707 = arith.constant 0 : i32
        %ne3A_708 = arith.cmpi ne, %rem3A_706, %ne3A_707 : i32
        %lt3A_709 = arith.constant 0 : i32
        %lt3A_710 = arith.cmpi slt, %rem3A_706, %lt3A_709 : i32
        %lt3A_711 = arith.constant 0 : i32
        %lt3A_712 = arith.cmpi slt, %select_n3A_705, %lt3A_711 : i32
        %ne3A_713 = arith.xori %lt3A_710, %lt3A_712 : i1
        %and3A_714 = arith.andi %ne3A_713, %ne3A_708 : i1
        %add3A_715 = arith.addi %rem3A_706, %select_n3A_705 : i32
        %select_n3A_716 = arith.select %and3A_714, %add3A_715, %rem3A_706 : i32
        %mul3A_717 = arith.constant 16 : i32
        %mul3A_718 = arith.muli %select_n3A_716, %mul3A_717 : i32
        %get3A_719 = arith.index_cast %select_n3A_700 : i32 to index
        %get3A_720 = arith.index_cast %mul3A_718 : i32 to index
        %get3A_721 = tpu.vector_load %arg20[%get3A_719, %get3A_720] {strides = array<i32>} : memref<40x128xf32, #tpu.memory_space<vmem>>, vector<1x16xf32>,
        %get3A_722 = vector.shape_cast %get3A_721 : vector<1x16xf32> to vector<16xf32>
        %get3A_723 = arith.index_cast %select_n3A_700 : i32 to index
        %get3A_724 = arith.index_cast %mul3A_718 : i32 to index
        %get3A_725 = tpu.vector_load %arg16[%get3A_723, %get3A_724] {strides = array<i32>} : memref<40x128xf32, #tpu.memory_space<vmem>>, vector<1x16xf32>,
        %get3A_726 = vector.shape_cast %get3A_725 : vector<1x16xf32> to vector<16xf32>
        %add3A_727 = arith.addf %get3A_722, %get3A_726 : vector<16xf32>
        %max3A_728 = arith.constant 0.000000e+00 : f32
        %max3A_729 = vector.broadcast %max3A_728 : f32 to vector<16xf32>
        %max3A_730 = arith.maximumf %add3A_727, %max3A_729 : vector<16xf32>
        %swap3A_731 = arith.index_cast %select_n3A_700 : i32 to index
        %swap3A_732 = arith.index_cast %mul3A_718 : i32 to index
        %swap3A_733 = tpu.vector_load %arg20[%swap3A_731, %swap3A_732] {strides = array<i32>} : memref<40x128xf32, #tpu.memory_space<vmem>>, vector<1x16xf32>,
        %swap3A_734 = vector.shape_cast %swap3A_733 : vector<1x16xf32> to vector<16xf32>
        %swap3A_735 = vector.shape_cast %max3A_730 : vector<16xf32> to vector<1x16xf32>
        tpu.vector_store %arg20[%swap3A_731, %swap3A_732], %swap3A_735 {strides = array<i32>} : memref<40x128xf32, #tpu.memory_space<vmem>>, vector<1x16xf32>,
      }
      %scan3A_102 = arith.constant 320 : i32
      %dma_start3A_103 = arith.constant 0 : i32
      %dma_start3A_104 = arith.constant 0 : i32
      %dma_start3A_105 = tpu.memref_slice %arg7[%dma_start3A_103, %dma_start3A_104] : memref<10112x128xf32, #tpu.memory_space<vmem_shared>> -> memref<10112x128xf32, #tpu.memory_space<vmem_shared>>
      tpu.enqueue_indirect_dma source(%arg20 : memref<40x128xf32, #tpu.memory_space<vmem>>) target(%dma_start3A_105 : memref<10112x128xf32, #tpu.memory_space<vmem_shared>>) offsets(%arg12 : memref<40xi32, #tpu.memory_space<vmem>>) semaphore(%arg26 : memref<!tpu.dma_semaphore, #tpu.memory_space<semaphore_mem>>) {add = true}
      %mul3A_106 = arith.constant 4 : i32
      %mul3A_107 = arith.muli %add3A_68, %mul3A_106 : i32
      %add3A_108 = arith.constant 1 : i32
      %add3A_109 = arith.addi %mul3A_107, %add3A_108 : i32
      %add3A_110 = arith.constant 1 : i32
      %add3A_111 = arith.addi %add3A_109, %add3A_110 : i32
      %lt3A_112 = arith.constant 252 : i32
      %lt3A_113 = arith.cmpi slt, %add3A_111, %lt3A_112 : i32
      %convert_element_type3A_114 = arith.extui %lt3A_113 : i1 to i32
      %cond3A_115 = arith.constant 0 : i32
      %cond3A_116 = arith.cmpi ne, %convert_element_type3A_114, %cond3A_115 : i32
      scf.if %cond3A_116 {
        %dma_wait3A_229 = arith.constant 0 : i32
        %dma_wait3A_230 = tpu.memref_slice %arg3[%dma_wait3A_229] : memref<322560xi32, #tpu.memory_space<hbm>> -> memref<40xi32, #tpu.memory_space<hbm>>
        %dma_wait3A_231 = arith.constant 0 : i32
        %dma_wait3A_232 = tpu.memref_slice %arg3[%dma_wait3A_231] : memref<322560xi32, #tpu.memory_space<hbm>> -> memref<40xi32, #tpu.memory_space<hbm>>
        tpu.wait_dma2 semaphore(%arg24 : memref<!tpu.dma_semaphore, #tpu.memory_space<semaphore_mem>>) src(%dma_wait3A_232 : memref<40xi32, #tpu.memory_space<hbm>>) dst(%arg10 : memref<40xi32, #tpu.memory_space<vmem>>)
        %dma_wait3A_233 = arith.constant 0 : i32
        %dma_wait3A_234 = tpu.memref_slice %arg4[%dma_wait3A_233] : memref<322560xi32, #tpu.memory_space<hbm>> -> memref<40xi32, #tpu.memory_space<hbm>>
        %dma_wait3A_235 = arith.constant 0 : i32
        %dma_wait3A_236 = tpu.memref_slice %arg4[%dma_wait3A_235] : memref<322560xi32, #tpu.memory_space<hbm>> -> memref<40xi32, #tpu.memory_space<hbm>>
        tpu.wait_dma2 semaphore(%arg24 : memref<!tpu.dma_semaphore, #tpu.memory_space<semaphore_mem>>) src(%dma_wait3A_236 : memref<40xi32, #tpu.memory_space<hbm>>) dst(%arg14 : memref<40xi32, #tpu.memory_space<vmem>>)
        %dma_wait3A_237 = arith.constant 0 : i32
        %dma_wait3A_238 = arith.constant 0 : i32
        %dma_wait3A_239 = tpu.memref_slice %arg5[%dma_wait3A_237, %dma_wait3A_238] : memref<322560x128xf32, #tpu.memory_space<hbm>> -> memref<40x128xf32, #tpu.memory_space<hbm>>
        %dma_wait3A_240 = arith.constant 0 : i32
        %dma_wait3A_241 = arith.constant 0 : i32
        %dma_wait3A_242 = tpu.memref_slice %arg5[%dma_wait3A_240, %dma_wait3A_241] : memref<322560x128xf32, #tpu.memory_space<hbm>> -> memref<40x128xf32, #tpu.memory_space<hbm>>
        tpu.wait_dma2 semaphore(%arg24 : memref<!tpu.dma_semaphore, #tpu.memory_space<semaphore_mem>>) src(%dma_wait3A_242 : memref<40x128xf32, #tpu.memory_space<hbm>>) dst(%arg18 : memref<40x128xf32, #tpu.memory_space<vmem>>)
      } else {
      }
      %dma_wait3A_117 = arith.constant 0 : i32
      %dma_wait3A_118 = arith.constant 0 : i32
      %dma_wait3A_119 = tpu.memref_slice %arg2[%dma_wait3A_117, %dma_wait3A_118] : memref<10000x128xf32, #tpu.memory_space<hbm>> -> memref<10000x128xf32, #tpu.memory_space<hbm>>
      tpu.wait_indirect_dma semaphore(%arg25 : memref<!tpu.dma_semaphore, #tpu.memory_space<semaphore_mem>>) src(%dma_wait3A_119 : memref<10000x128xf32, #tpu.memory_space<hbm>>) dst(%arg21 : memref<40x128xf32, #tpu.memory_space<vmem>>)
      %add3A_120 = arith.constant 1 : i32
      %add3A_121 = arith.addi %add3A_109, %add3A_120 : i32
      %lt3A_122 = arith.constant 252 : i32
      %lt3A_123 = arith.cmpi slt, %add3A_121, %lt3A_122 : i32
      %convert_element_type3A_124 = arith.extui %lt3A_123 : i1 to i32
      %cond3A_125 = arith.constant 0 : i32
      %cond3A_126 = arith.cmpi ne, %convert_element_type3A_124, %cond3A_125 : i32
      scf.if %cond3A_126 {
        %dma_start3A_229 = arith.constant 0 : i32
        %dma_start3A_230 = arith.constant 0 : i32
        %dma_start3A_231 = tpu.memref_slice %arg2[%dma_start3A_229, %dma_start3A_230] : memref<10000x128xf32, #tpu.memory_space<hbm>> -> memref<10000x128xf32, #tpu.memory_space<hbm>>
        tpu.enqueue_indirect_dma source(%dma_start3A_231 : memref<10000x128xf32, #tpu.memory_space<hbm>>) target(%arg22 : memref<40x128xf32, #tpu.memory_space<vmem>>) offsets(%arg10 : memref<40xi32, #tpu.memory_space<vmem>>) semaphore(%arg25 : memref<!tpu.dma_semaphore, #tpu.memory_space<semaphore_mem>>)
      } else {
      }
      %ge3A_127 = arith.constant 2 : i32
      %ge3A_128 = arith.cmpi sge, %add3A_109, %ge3A_127 : i32
      %convert_element_type3A_129 = arith.extui %ge3A_128 : i1 to i32
      %cond3A_130 = arith.constant 0 : i32
      %cond3A_131 = arith.cmpi ne, %convert_element_type3A_129, %cond3A_130 : i32
      scf.if %cond3A_131 {
        %dma_wait3A_229 = arith.constant 0 : i32
        %dma_wait3A_230 = arith.constant 0 : i32
        %dma_wait3A_231 = tpu.memref_slice %arg7[%dma_wait3A_229, %dma_wait3A_230] : memref<10112x128xf32, #tpu.memory_space<vmem_shared>> -> memref<10112x128xf32, #tpu.memory_space<vmem_shared>>
        tpu.wait_indirect_dma semaphore(%arg29 : memref<!tpu.dma_semaphore, #tpu.memory_space<semaphore_mem>>) src(%arg23 : memref<40x128xf32, #tpu.memory_space<vmem>>) dst(%dma_wait3A_231 : memref<10112x128xf32, #tpu.memory_space<vmem_shared>>)
      } else {
      }
      %add3A_132 = arith.constant 2 : i32
      %add3A_133 = arith.addi %add3A_109, %add3A_132 : i32
      %lt3A_134 = arith.constant 252 : i32
      %lt3A_135 = arith.cmpi slt, %add3A_133, %lt3A_134 : i32
      %convert_element_type3A_136 = arith.extui %lt3A_135 : i1 to i32
      %cond3A_137 = arith.constant 0 : i32
      %cond3A_138 = arith.cmpi ne, %convert_element_type3A_136, %cond3A_137 : i32
      scf.if %cond3A_138 {
        %add3A_229 = arith.constant 2 : i32
        %add3A_230 = arith.addi %add3A_109, %add3A_229 : i32
        %mul3A_231 = arith.constant 40 : i32
        %mul3A_232 = arith.muli %add3A_230, %mul3A_231 : i32
        %add3A_233 = arith.addi %mul3A_2, %mul3A_232 : i32
        %dma_start3A_234 = tpu.memref_slice %arg3[%add3A_233] : memref<322560xi32, #tpu.memory_space<hbm>> -> memref<40xi32, #tpu.memory_space<hbm>>
        %dma_start3A_235 = tpu.memref_slice %arg3[%add3A_233] : memref<322560xi32, #tpu.memory_space<hbm>> -> memref<40xi32, #tpu.memory_space<hbm>>
        tpu.enqueue_dma source(%dma_start3A_235 : memref<40xi32, #tpu.memory_space<hbm>>) target(%arg11 : memref<40xi32, #tpu.memory_space<vmem>>) target_semaphore(%arg24 : memref<!tpu.dma_semaphore, #tpu.memory_space<semaphore_mem>>)
        %dma_start3A_236 = tpu.memref_slice %arg4[%add3A_233] : memref<322560xi32, #tpu.memory_space<hbm>> -> memref<40xi32, #tpu.memory_space<hbm>>
        %dma_start3A_237 = tpu.memref_slice %arg4[%add3A_233] : memref<322560xi32, #tpu.memory_space<hbm>> -> memref<40xi32, #tpu.memory_space<hbm>>
        tpu.enqueue_dma source(%dma_start3A_237 : memref<40xi32, #tpu.memory_space<hbm>>) target(%arg15 : memref<40xi32, #tpu.memory_space<vmem>>) target_semaphore(%arg24 : memref<!tpu.dma_semaphore, #tpu.memory_space<semaphore_mem>>)
        %dma_start3A_238 = arith.constant 0 : i32
        %dma_start3A_239 = tpu.memref_slice %arg5[%add3A_233, %dma_start3A_238] : memref<322560x128xf32, #tpu.memory_space<hbm>> -> memref<40x128xf32, #tpu.memory_space<hbm>>
        %dma_start3A_240 = arith.constant 0 : i32
        %dma_start3A_241 = tpu.memref_slice %arg5[%add3A_233, %dma_start3A_240] : memref<322560x128xf32, #tpu.memory_space<hbm>> -> memref<40x128xf32, #tpu.memory_space<hbm>>
        tpu.enqueue_dma source(%dma_start3A_241 : memref<40x128xf32, #tpu.memory_space<hbm>>) target(%arg19 : memref<40x128xf32, #tpu.memory_space<vmem>>) target_semaphore(%arg24 : memref<!tpu.dma_semaphore, #tpu.memory_space<semaphore_mem>>)
      } else {
      }
      %scan3A_139 = arith.constant 0 : i32
      %scan3A_140 = arith.constant 320 : i32
      %scan3A_141 = arith.addi %scan3A_139, %scan3A_140 : i32
      %scan3A_142 = arith.constant 8 : i32
      scf.for %scan3A_229 = %scan3A_139 to %scan3A_141 step %scan3A_142  : i32 {
        %mul3A_230 = arith.constant 1 : i32
        %mul3A_231 = arith.muli %scan3A_229, %mul3A_230 : i32
        %add3A_232 = arith.constant 0 : i32
        %add3A_233 = arith.addi %add3A_232, %mul3A_231 : i32
        %jit3A = arith.constant 8 : i32
        %div3A = arith.divsi %add3A_233, %jit3A : i32
        %sign3A = arith.constant 0 : i32
        %sign3A_234 = arith.cmpi sgt, %add3A_233, %sign3A : i32
        %sign3A_235 = arith.extui %sign3A_234 : i1 to i32
        %sign3A_236 = arith.constant 0 : i32
        %sign3A_237 = arith.cmpi slt, %add3A_233, %sign3A_236 : i32
        %sign3A_238 = arith.extui %sign3A_237 : i1 to i32
        %sign3A_239 = arith.subi %sign3A_235, %sign3A_238 : i32
        %sign3A_240 = arith.constant 0 : i32
        %sign3A_241 = arith.cmpi sgt, %jit3A, %sign3A_240 : i32
        %sign3A_242 = arith.extui %sign3A_241 : i1 to i32
        %sign3A_243 = arith.constant 0 : i32
        %sign3A_244 = arith.cmpi slt, %jit3A, %sign3A_243 : i32
        %sign3A_245 = arith.extui %sign3A_244 : i1 to i32
        %sign3A_246 = arith.subi %sign3A_242, %sign3A_245 : i32
        %ne3A = arith.cmpi ne, %sign3A_239, %sign3A_246 : i32
        %rem3A = arith.remsi %add3A_233, %jit3A : i32
        %ne3A_247 = arith.constant 0 : i32
        %ne3A_248 = arith.cmpi ne, %rem3A, %ne3A_247 : i32
        %and3A = arith.andi %ne3A, %ne3A_248 : i1
        %sub3A = arith.constant 1 : i32
        %sub3A_249 = arith.subi %div3A, %sub3A : i32
        %select_n3A = arith.select %and3A, %sub3A_249, %div3A : i32
        %jit3A_250 = arith.constant 8 : i32
        %eq3A = arith.constant 0 : i32
        %eq3A_251 = arith.cmpi eq, %jit3A_250, %eq3A : i32
        %jit3A_252 = arith.constant 1 : i32
        %select_n3A_253 = arith.select %eq3A_251, %jit3A_252, %jit3A_250 : i32
        %rem3A_254 = arith.remsi %add3A_233, %select_n3A_253 : i32
        %ne3A_255 = arith.constant 0 : i32
        %ne3A_256 = arith.cmpi ne, %rem3A_254, %ne3A_255 : i32
        %lt3A_257 = arith.constant 0 : i32
        %lt3A_258 = arith.cmpi slt, %rem3A_254, %lt3A_257 : i32
        %lt3A_259 = arith.constant 0 : i32
        %lt3A_260 = arith.cmpi slt, %select_n3A_253, %lt3A_259 : i32
        %ne3A_261 = arith.xori %lt3A_258, %lt3A_260 : i1
        %and3A_262 = arith.andi %ne3A_261, %ne3A_256 : i1
        %add3A_263 = arith.addi %rem3A_254, %select_n3A_253 : i32
        %select_n3A_264 = arith.select %and3A_262, %add3A_263, %rem3A_254 : i32
        %mul3A_265 = arith.constant 16 : i32
        %mul3A_266 = arith.muli %select_n3A_264, %mul3A_265 : i32
        %get3A = arith.index_cast %select_n3A : i32 to index
        %get3A_267 = arith.index_cast %mul3A_266 : i32 to index
        %get3A_268 = tpu.vector_load %arg21[%get3A, %get3A_267] {strides = array<i32>} : memref<40x128xf32, #tpu.memory_space<vmem>>, vector<1x16xf32>,
        %get3A_269 = vector.shape_cast %get3A_268 : vector<1x16xf32> to vector<16xf32>
        %get3A_270 = arith.index_cast %select_n3A : i32 to index
        %get3A_271 = arith.index_cast %mul3A_266 : i32 to index
        %get3A_272 = tpu.vector_load %arg17[%get3A_270, %get3A_271] {strides = array<i32>} : memref<40x128xf32, #tpu.memory_space<vmem>>, vector<1x16xf32>,
        %get3A_273 = vector.shape_cast %get3A_272 : vector<1x16xf32> to vector<16xf32>
        %add3A_274 = arith.addf %get3A_269, %get3A_273 : vector<16xf32>
        %max3A = arith.constant 0.000000e+00 : f32
        %max3A_275 = vector.broadcast %max3A : f32 to vector<16xf32>
        %max3A_276 = arith.maximumf %add3A_274, %max3A_275 : vector<16xf32>
        %swap3A = arith.index_cast %select_n3A : i32 to index
        %swap3A_277 = arith.index_cast %mul3A_266 : i32 to index
        %swap3A_278 = tpu.vector_load %arg21[%swap3A, %swap3A_277] {strides = array<i32>} : memref<40x128xf32, #tpu.memory_space<vmem>>, vector<1x16xf32>,
        %swap3A_279 = vector.shape_cast %swap3A_278 : vector<1x16xf32> to vector<16xf32>
        %swap3A_280 = vector.shape_cast %max3A_276 : vector<16xf32> to vector<1x16xf32>
        tpu.vector_store %arg21[%swap3A, %swap3A_277], %swap3A_280 {strides = array<i32>} : memref<40x128xf32, #tpu.memory_space<vmem>>, vector<1x16xf32>,
        %scan3A_281 = arith.constant 1 : i32
        %scan3A_282 = arith.addi %scan3A_229, %scan3A_281 : i32
        %mul3A_283 = arith.constant 1 : i32
        %mul3A_284 = arith.muli %scan3A_282, %mul3A_283 : i32
        %add3A_285 = arith.constant 0 : i32
        %add3A_286 = arith.addi %add3A_285, %mul3A_284 : i32
        %jit3A_287 = arith.constant 8 : i32
        %div3A_288 = arith.divsi %add3A_286, %jit3A_287 : i32
        %sign3A_289 = arith.constant 0 : i32
        %sign3A_290 = arith.cmpi sgt, %add3A_286, %sign3A_289 : i32
        %sign3A_291 = arith.extui %sign3A_290 : i1 to i32
        %sign3A_292 = arith.constant 0 : i32
        %sign3A_293 = arith.cmpi slt, %add3A_286, %sign3A_292 : i32
        %sign3A_294 = arith.extui %sign3A_293 : i1 to i32
        %sign3A_295 = arith.subi %sign3A_291, %sign3A_294 : i32
        %sign3A_296 = arith.constant 0 : i32
        %sign3A_297 = arith.cmpi sgt, %jit3A_287, %sign3A_296 : i32
        %sign3A_298 = arith.extui %sign3A_297 : i1 to i32
        %sign3A_299 = arith.constant 0 : i32
        %sign3A_300 = arith.cmpi slt, %jit3A_287, %sign3A_299 : i32
        %sign3A_301 = arith.extui %sign3A_300 : i1 to i32
        %sign3A_302 = arith.subi %sign3A_298, %sign3A_301 : i32
        %ne3A_303 = arith.cmpi ne, %sign3A_295, %sign3A_302 : i32
        %rem3A_304 = arith.remsi %add3A_286, %jit3A_287 : i32
        %ne3A_305 = arith.constant 0 : i32
        %ne3A_306 = arith.cmpi ne, %rem3A_304, %ne3A_305 : i32
        %and3A_307 = arith.andi %ne3A_303, %ne3A_306 : i1
        %sub3A_308 = arith.constant 1 : i32
        %sub3A_309 = arith.subi %div3A_288, %sub3A_308 : i32
        %select_n3A_310 = arith.select %and3A_307, %sub3A_309, %div3A_288 : i32
        %jit3A_311 = arith.constant 8 : i32
        %eq3A_312 = arith.constant 0 : i32
        %eq3A_313 = arith.cmpi eq, %jit3A_311, %eq3A_312 : i32
        %jit3A_314 = arith.constant 1 : i32
        %select_n3A_315 = arith.select %eq3A_313, %jit3A_314, %jit3A_311 : i32
        %rem3A_316 = arith.remsi %add3A_286, %select_n3A_315 : i32
        %ne3A_317 = arith.constant 0 : i32
        %ne3A_318 = arith.cmpi ne, %rem3A_316, %ne3A_317 : i32
        %lt3A_319 = arith.constant 0 : i32
        %lt3A_320 = arith.cmpi slt, %rem3A_316, %lt3A_319 : i32
        %lt3A_321 = arith.constant 0 : i32
        %lt3A_322 = arith.cmpi slt, %select_n3A_315, %lt3A_321 : i32
        %ne3A_323 = arith.xori %lt3A_320, %lt3A_322 : i1
        %and3A_324 = arith.andi %ne3A_323, %ne3A_318 : i1
        %add3A_325 = arith.addi %rem3A_316, %select_n3A_315 : i32
        %select_n3A_326 = arith.select %and3A_324, %add3A_325, %rem3A_316 : i32
        %mul3A_327 = arith.constant 16 : i32
        %mul3A_328 = arith.muli %select_n3A_326, %mul3A_327 : i32
        %get3A_329 = arith.index_cast %select_n3A_310 : i32 to index
        %get3A_330 = arith.index_cast %mul3A_328 : i32 to index
        %get3A_331 = tpu.vector_load %arg21[%get3A_329, %get3A_330] {strides = array<i32>} : memref<40x128xf32, #tpu.memory_space<vmem>>, vector<1x16xf32>,
        %get3A_332 = vector.shape_cast %get3A_331 : vector<1x16xf32> to vector<16xf32>
        %get3A_333 = arith.index_cast %select_n3A_310 : i32 to index
        %get3A_334 = arith.index_cast %mul3A_328 : i32 to index
        %get3A_335 = tpu.vector_load %arg17[%get3A_333, %get3A_334] {strides = array<i32>} : memref<40x128xf32, #tpu.memory_space<vmem>>, vector<1x16xf32>,
        %get3A_336 = vector.shape_cast %get3A_335 : vector<1x16xf32> to vector<16xf32>
        %add3A_337 = arith.addf %get3A_332, %get3A_336 : vector<16xf32>
        %max3A_338 = arith.constant 0.000000e+00 : f32
        %max3A_339 = vector.broadcast %max3A_338 : f32 to vector<16xf32>
        %max3A_340 = arith.maximumf %add3A_337, %max3A_339 : vector<16xf32>
        %swap3A_341 = arith.index_cast %select_n3A_310 : i32 to index
        %swap3A_342 = arith.index_cast %mul3A_328 : i32 to index
        %swap3A_343 = tpu.vector_load %arg21[%swap3A_341, %swap3A_342] {strides = array<i32>} : memref<40x128xf32, #tpu.memory_space<vmem>>, vector<1x16xf32>,
        %swap3A_344 = vector.shape_cast %swap3A_343 : vector<1x16xf32> to vector<16xf32>
        %swap3A_345 = vector.shape_cast %max3A_340 : vector<16xf32> to vector<1x16xf32>
        tpu.vector_store %arg21[%swap3A_341, %swap3A_342], %swap3A_345 {strides = array<i32>} : memref<40x128xf32, #tpu.memory_space<vmem>>, vector<1x16xf32>,
        %scan3A_346 = arith.constant 2 : i32
        %scan3A_347 = arith.addi %scan3A_229, %scan3A_346 : i32
        %mul3A_348 = arith.constant 1 : i32
        %mul3A_349 = arith.muli %scan3A_347, %mul3A_348 : i32
        %add3A_350 = arith.constant 0 : i32
        %add3A_351 = arith.addi %add3A_350, %mul3A_349 : i32
        %jit3A_352 = arith.constant 8 : i32
        %div3A_353 = arith.divsi %add3A_351, %jit3A_352 : i32
        %sign3A_354 = arith.constant 0 : i32
        %sign3A_355 = arith.cmpi sgt, %add3A_351, %sign3A_354 : i32
        %sign3A_356 = arith.extui %sign3A_355 : i1 to i32
        %sign3A_357 = arith.constant 0 : i32
        %sign3A_358 = arith.cmpi slt, %add3A_351, %sign3A_357 : i32
        %sign3A_359 = arith.extui %sign3A_358 : i1 to i32
        %sign3A_360 = arith.subi %sign3A_356, %sign3A_359 : i32
        %sign3A_361 = arith.constant 0 : i32
        %sign3A_362 = arith.cmpi sgt, %jit3A_352, %sign3A_361 : i32
        %sign3A_363 = arith.extui %sign3A_362 : i1 to i32
        %sign3A_364 = arith.constant 0 : i32
        %sign3A_365 = arith.cmpi slt, %jit3A_352, %sign3A_364 : i32
        %sign3A_366 = arith.extui %sign3A_365 : i1 to i32
        %sign3A_367 = arith.subi %sign3A_363, %sign3A_366 : i32
        %ne3A_368 = arith.cmpi ne, %sign3A_360, %sign3A_367 : i32
        %rem3A_369 = arith.remsi %add3A_351, %jit3A_352 : i32
        %ne3A_370 = arith.constant 0 : i32
        %ne3A_371 = arith.cmpi ne, %rem3A_369, %ne3A_370 : i32
        %and3A_372 = arith.andi %ne3A_368, %ne3A_371 : i1
        %sub3A_373 = arith.constant 1 : i32
        %sub3A_374 = arith.subi %div3A_353, %sub3A_373 : i32
        %select_n3A_375 = arith.select %and3A_372, %sub3A_374, %div3A_353 : i32
        %jit3A_376 = arith.constant 8 : i32
        %eq3A_377 = arith.constant 0 : i32
        %eq3A_378 = arith.cmpi eq, %jit3A_376, %eq3A_377 : i32
        %jit3A_379 = arith.constant 1 : i32
        %select_n3A_380 = arith.select %eq3A_378, %jit3A_379, %jit3A_376 : i32
        %rem3A_381 = arith.remsi %add3A_351, %select_n3A_380 : i32
        %ne3A_382 = arith.constant 0 : i32
        %ne3A_383 = arith.cmpi ne, %rem3A_381, %ne3A_382 : i32
        %lt3A_384 = arith.constant 0 : i32
        %lt3A_385 = arith.cmpi slt, %rem3A_381, %lt3A_384 : i32
        %lt3A_386 = arith.constant 0 : i32
        %lt3A_387 = arith.cmpi slt, %select_n3A_380, %lt3A_386 : i32
        %ne3A_388 = arith.xori %lt3A_385, %lt3A_387 : i1
        %and3A_389 = arith.andi %ne3A_388, %ne3A_383 : i1
        %add3A_390 = arith.addi %rem3A_381, %select_n3A_380 : i32
        %select_n3A_391 = arith.select %and3A_389, %add3A_390, %rem3A_381 : i32
        %mul3A_392 = arith.constant 16 : i32
        %mul3A_393 = arith.muli %select_n3A_391, %mul3A_392 : i32
        %get3A_394 = arith.index_cast %select_n3A_375 : i32 to index
        %get3A_395 = arith.index_cast %mul3A_393 : i32 to index
        %get3A_396 = tpu.vector_load %arg21[%get3A_394, %get3A_395] {strides = array<i32>} : memref<40x128xf32, #tpu.memory_space<vmem>>, vector<1x16xf32>,
        %get3A_397 = vector.shape_cast %get3A_396 : vector<1x16xf32> to vector<16xf32>
        %get3A_398 = arith.index_cast %select_n3A_375 : i32 to index
        %get3A_399 = arith.index_cast %mul3A_393 : i32 to index
        %get3A_400 = tpu.vector_load %arg17[%get3A_398, %get3A_399] {strides = array<i32>} : memref<40x128xf32, #tpu.memory_space<vmem>>, vector<1x16xf32>,
        %get3A_401 = vector.shape_cast %get3A_400 : vector<1x16xf32> to vector<16xf32>
        %add3A_402 = arith.addf %get3A_397, %get3A_401 : vector<16xf32>
        %max3A_403 = arith.constant 0.000000e+00 : f32
        %max3A_404 = vector.broadcast %max3A_403 : f32 to vector<16xf32>
        %max3A_405 = arith.maximumf %add3A_402, %max3A_404 : vector<16xf32>
        %swap3A_406 = arith.index_cast %select_n3A_375 : i32 to index
        %swap3A_407 = arith.index_cast %mul3A_393 : i32 to index
        %swap3A_408 = tpu.vector_load %arg21[%swap3A_406, %swap3A_407] {strides = array<i32>} : memref<40x128xf32, #tpu.memory_space<vmem>>, vector<1x16xf32>,
        %swap3A_409 = vector.shape_cast %swap3A_408 : vector<1x16xf32> to vector<16xf32>
        %swap3A_410 = vector.shape_cast %max3A_405 : vector<16xf32> to vector<1x16xf32>
        tpu.vector_store %arg21[%swap3A_406, %swap3A_407], %swap3A_410 {strides = array<i32>} : memref<40x128xf32, #tpu.memory_space<vmem>>, vector<1x16xf32>,
        %scan3A_411 = arith.constant 3 : i32
        %scan3A_412 = arith.addi %scan3A_229, %scan3A_411 : i32
        %mul3A_413 = arith.constant 1 : i32
        %mul3A_414 = arith.muli %scan3A_412, %mul3A_413 : i32
        %add3A_415 = arith.constant 0 : i32
        %add3A_416 = arith.addi %add3A_415, %mul3A_414 : i32
        %jit3A_417 = arith.constant 8 : i32
        %div3A_418 = arith.divsi %add3A_416, %jit3A_417 : i32
        %sign3A_419 = arith.constant 0 : i32
        %sign3A_420 = arith.cmpi sgt, %add3A_416, %sign3A_419 : i32
        %sign3A_421 = arith.extui %sign3A_420 : i1 to i32
        %sign3A_422 = arith.constant 0 : i32
        %sign3A_423 = arith.cmpi slt, %add3A_416, %sign3A_422 : i32
        %sign3A_424 = arith.extui %sign3A_423 : i1 to i32
        %sign3A_425 = arith.subi %sign3A_421, %sign3A_424 : i32
        %sign3A_426 = arith.constant 0 : i32
        %sign3A_427 = arith.cmpi sgt, %jit3A_417, %sign3A_426 : i32
        %sign3A_428 = arith.extui %sign3A_427 : i1 to i32
        %sign3A_429 = arith.constant 0 : i32
        %sign3A_430 = arith.cmpi slt, %jit3A_417, %sign3A_429 : i32
        %sign3A_431 = arith.extui %sign3A_430 : i1 to i32
        %sign3A_432 = arith.subi %sign3A_428, %sign3A_431 : i32
        %ne3A_433 = arith.cmpi ne, %sign3A_425, %sign3A_432 : i32
        %rem3A_434 = arith.remsi %add3A_416, %jit3A_417 : i32
        %ne3A_435 = arith.constant 0 : i32
        %ne3A_436 = arith.cmpi ne, %rem3A_434, %ne3A_435 : i32
        %and3A_437 = arith.andi %ne3A_433, %ne3A_436 : i1
        %sub3A_438 = arith.constant 1 : i32
        %sub3A_439 = arith.subi %div3A_418, %sub3A_438 : i32
        %select_n3A_440 = arith.select %and3A_437, %sub3A_439, %div3A_418 : i32
        %jit3A_441 = arith.constant 8 : i32
        %eq3A_442 = arith.constant 0 : i32
        %eq3A_443 = arith.cmpi eq, %jit3A_441, %eq3A_442 : i32
        %jit3A_444 = arith.constant 1 : i32
        %select_n3A_445 = arith.select %eq3A_443, %jit3A_444, %jit3A_441 : i32
        %rem3A_446 = arith.remsi %add3A_416, %select_n3A_445 : i32
        %ne3A_447 = arith.constant 0 : i32
        %ne3A_448 = arith.cmpi ne, %rem3A_446, %ne3A_447 : i32
        %lt3A_449 = arith.constant 0 : i32
        %lt3A_450 = arith.cmpi slt, %rem3A_446, %lt3A_449 : i32
        %lt3A_451 = arith.constant 0 : i32
        %lt3A_452 = arith.cmpi slt, %select_n3A_445, %lt3A_451 : i32
        %ne3A_453 = arith.xori %lt3A_450, %lt3A_452 : i1
        %and3A_454 = arith.andi %ne3A_453, %ne3A_448 : i1
        %add3A_455 = arith.addi %rem3A_446, %select_n3A_445 : i32
        %select_n3A_456 = arith.select %and3A_454, %add3A_455, %rem3A_446 : i32
        %mul3A_457 = arith.constant 16 : i32
        %mul3A_458 = arith.muli %select_n3A_456, %mul3A_457 : i32
        %get3A_459 = arith.index_cast %select_n3A_440 : i32 to index
        %get3A_460 = arith.index_cast %mul3A_458 : i32 to index
        %get3A_461 = tpu.vector_load %arg21[%get3A_459, %get3A_460] {strides = array<i32>} : memref<40x128xf32, #tpu.memory_space<vmem>>, vector<1x16xf32>,
        %get3A_462 = vector.shape_cast %get3A_461 : vector<1x16xf32> to vector<16xf32>
        %get3A_463 = arith.index_cast %select_n3A_440 : i32 to index
        %get3A_464 = arith.index_cast %mul3A_458 : i32 to index
        %get3A_465 = tpu.vector_load %arg17[%get3A_463, %get3A_464] {strides = array<i32>} : memref<40x128xf32, #tpu.memory_space<vmem>>, vector<1x16xf32>,
        %get3A_466 = vector.shape_cast %get3A_465 : vector<1x16xf32> to vector<16xf32>
        %add3A_467 = arith.addf %get3A_462, %get3A_466 : vector<16xf32>
        %max3A_468 = arith.constant 0.000000e+00 : f32
        %max3A_469 = vector.broadcast %max3A_468 : f32 to vector<16xf32>
        %max3A_470 = arith.maximumf %add3A_467, %max3A_469 : vector<16xf32>
        %swap3A_471 = arith.index_cast %select_n3A_440 : i32 to index
        %swap3A_472 = arith.index_cast %mul3A_458 : i32 to index
        %swap3A_473 = tpu.vector_load %arg21[%swap3A_471, %swap3A_472] {strides = array<i32>} : memref<40x128xf32, #tpu.memory_space<vmem>>, vector<1x16xf32>,
        %swap3A_474 = vector.shape_cast %swap3A_473 : vector<1x16xf32> to vector<16xf32>
        %swap3A_475 = vector.shape_cast %max3A_470 : vector<16xf32> to vector<1x16xf32>
        tpu.vector_store %arg21[%swap3A_471, %swap3A_472], %swap3A_475 {strides = array<i32>} : memref<40x128xf32, #tpu.memory_space<vmem>>, vector<1x16xf32>,
        %scan3A_476 = arith.constant 4 : i32
        %scan3A_477 = arith.addi %scan3A_229, %scan3A_476 : i32
        %mul3A_478 = arith.constant 1 : i32
        %mul3A_479 = arith.muli %scan3A_477, %mul3A_478 : i32
        %add3A_480 = arith.constant 0 : i32
        %add3A_481 = arith.addi %add3A_480, %mul3A_479 : i32
        %jit3A_482 = arith.constant 8 : i32
        %div3A_483 = arith.divsi %add3A_481, %jit3A_482 : i32
        %sign3A_484 = arith.constant 0 : i32
        %sign3A_485 = arith.cmpi sgt, %add3A_481, %sign3A_484 : i32
        %sign3A_486 = arith.extui %sign3A_485 : i1 to i32
        %sign3A_487 = arith.constant 0 : i32
        %sign3A_488 = arith.cmpi slt, %add3A_481, %sign3A_487 : i32
        %sign3A_489 = arith.extui %sign3A_488 : i1 to i32
        %sign3A_490 = arith.subi %sign3A_486, %sign3A_489 : i32
        %sign3A_491 = arith.constant 0 : i32
        %sign3A_492 = arith.cmpi sgt, %jit3A_482, %sign3A_491 : i32
        %sign3A_493 = arith.extui %sign3A_492 : i1 to i32
        %sign3A_494 = arith.constant 0 : i32
        %sign3A_495 = arith.cmpi slt, %jit3A_482, %sign3A_494 : i32
        %sign3A_496 = arith.extui %sign3A_495 : i1 to i32
        %sign3A_497 = arith.subi %sign3A_493, %sign3A_496 : i32
        %ne3A_498 = arith.cmpi ne, %sign3A_490, %sign3A_497 : i32
        %rem3A_499 = arith.remsi %add3A_481, %jit3A_482 : i32
        %ne3A_500 = arith.constant 0 : i32
        %ne3A_501 = arith.cmpi ne, %rem3A_499, %ne3A_500 : i32
        %and3A_502 = arith.andi %ne3A_498, %ne3A_501 : i1
        %sub3A_503 = arith.constant 1 : i32
        %sub3A_504 = arith.subi %div3A_483, %sub3A_503 : i32
        %select_n3A_505 = arith.select %and3A_502, %sub3A_504, %div3A_483 : i32
        %jit3A_506 = arith.constant 8 : i32
        %eq3A_507 = arith.constant 0 : i32
        %eq3A_508 = arith.cmpi eq, %jit3A_506, %eq3A_507 : i32
        %jit3A_509 = arith.constant 1 : i32
        %select_n3A_510 = arith.select %eq3A_508, %jit3A_509, %jit3A_506 : i32
        %rem3A_511 = arith.remsi %add3A_481, %select_n3A_510 : i32
        %ne3A_512 = arith.constant 0 : i32
        %ne3A_513 = arith.cmpi ne, %rem3A_511, %ne3A_512 : i32
        %lt3A_514 = arith.constant 0 : i32
        %lt3A_515 = arith.cmpi slt, %rem3A_511, %lt3A_514 : i32
        %lt3A_516 = arith.constant 0 : i32
        %lt3A_517 = arith.cmpi slt, %select_n3A_510, %lt3A_516 : i32
        %ne3A_518 = arith.xori %lt3A_515, %lt3A_517 : i1
        %and3A_519 = arith.andi %ne3A_518, %ne3A_513 : i1
        %add3A_520 = arith.addi %rem3A_511, %select_n3A_510 : i32
        %select_n3A_521 = arith.select %and3A_519, %add3A_520, %rem3A_511 : i32
        %mul3A_522 = arith.constant 16 : i32
        %mul3A_523 = arith.muli %select_n3A_521, %mul3A_522 : i32
        %get3A_524 = arith.index_cast %select_n3A_505 : i32 to index
        %get3A_525 = arith.index_cast %mul3A_523 : i32 to index
        %get3A_526 = tpu.vector_load %arg21[%get3A_524, %get3A_525] {strides = array<i32>} : memref<40x128xf32, #tpu.memory_space<vmem>>, vector<1x16xf32>,
        %get3A_527 = vector.shape_cast %get3A_526 : vector<1x16xf32> to vector<16xf32>
        %get3A_528 = arith.index_cast %select_n3A_505 : i32 to index
        %get3A_529 = arith.index_cast %mul3A_523 : i32 to index
        %get3A_530 = tpu.vector_load %arg17[%get3A_528, %get3A_529] {strides = array<i32>} : memref<40x128xf32, #tpu.memory_space<vmem>>, vector<1x16xf32>,
        %get3A_531 = vector.shape_cast %get3A_530 : vector<1x16xf32> to vector<16xf32>
        %add3A_532 = arith.addf %get3A_527, %get3A_531 : vector<16xf32>
        %max3A_533 = arith.constant 0.000000e+00 : f32
        %max3A_534 = vector.broadcast %max3A_533 : f32 to vector<16xf32>
        %max3A_535 = arith.maximumf %add3A_532, %max3A_534 : vector<16xf32>
        %swap3A_536 = arith.index_cast %select_n3A_505 : i32 to index
        %swap3A_537 = arith.index_cast %mul3A_523 : i32 to index
        %swap3A_538 = tpu.vector_load %arg21[%swap3A_536, %swap3A_537] {strides = array<i32>} : memref<40x128xf32, #tpu.memory_space<vmem>>, vector<1x16xf32>,
        %swap3A_539 = vector.shape_cast %swap3A_538 : vector<1x16xf32> to vector<16xf32>
        %swap3A_540 = vector.shape_cast %max3A_535 : vector<16xf32> to vector<1x16xf32>
        tpu.vector_store %arg21[%swap3A_536, %swap3A_537], %swap3A_540 {strides = array<i32>} : memref<40x128xf32, #tpu.memory_space<vmem>>, vector<1x16xf32>,
        %scan3A_541 = arith.constant 5 : i32
        %scan3A_542 = arith.addi %scan3A_229, %scan3A_541 : i32
        %mul3A_543 = arith.constant 1 : i32
        %mul3A_544 = arith.muli %scan3A_542, %mul3A_543 : i32
        %add3A_545 = arith.constant 0 : i32
        %add3A_546 = arith.addi %add3A_545, %mul3A_544 : i32
        %jit3A_547 = arith.constant 8 : i32
        %div3A_548 = arith.divsi %add3A_546, %jit3A_547 : i32
        %sign3A_549 = arith.constant 0 : i32
        %sign3A_550 = arith.cmpi sgt, %add3A_546, %sign3A_549 : i32
        %sign3A_551 = arith.extui %sign3A_550 : i1 to i32
        %sign3A_552 = arith.constant 0 : i32
        %sign3A_553 = arith.cmpi slt, %add3A_546, %sign3A_552 : i32
        %sign3A_554 = arith.extui %sign3A_553 : i1 to i32
        %sign3A_555 = arith.subi %sign3A_551, %sign3A_554 : i32
        %sign3A_556 = arith.constant 0 : i32
        %sign3A_557 = arith.cmpi sgt, %jit3A_547, %sign3A_556 : i32
        %sign3A_558 = arith.extui %sign3A_557 : i1 to i32
        %sign3A_559 = arith.constant 0 : i32
        %sign3A_560 = arith.cmpi slt, %jit3A_547, %sign3A_559 : i32
        %sign3A_561 = arith.extui %sign3A_560 : i1 to i32
        %sign3A_562 = arith.subi %sign3A_558, %sign3A_561 : i32
        %ne3A_563 = arith.cmpi ne, %sign3A_555, %sign3A_562 : i32
        %rem3A_564 = arith.remsi %add3A_546, %jit3A_547 : i32
        %ne3A_565 = arith.constant 0 : i32
        %ne3A_566 = arith.cmpi ne, %rem3A_564, %ne3A_565 : i32
        %and3A_567 = arith.andi %ne3A_563, %ne3A_566 : i1
        %sub3A_568 = arith.constant 1 : i32
        %sub3A_569 = arith.subi %div3A_548, %sub3A_568 : i32
        %select_n3A_570 = arith.select %and3A_567, %sub3A_569, %div3A_548 : i32
        %jit3A_571 = arith.constant 8 : i32
        %eq3A_572 = arith.constant 0 : i32
        %eq3A_573 = arith.cmpi eq, %jit3A_571, %eq3A_572 : i32
        %jit3A_574 = arith.constant 1 : i32
        %select_n3A_575 = arith.select %eq3A_573, %jit3A_574, %jit3A_571 : i32
        %rem3A_576 = arith.remsi %add3A_546, %select_n3A_575 : i32
        %ne3A_577 = arith.constant 0 : i32
        %ne3A_578 = arith.cmpi ne, %rem3A_576, %ne3A_577 : i32
        %lt3A_579 = arith.constant 0 : i32
        %lt3A_580 = arith.cmpi slt, %rem3A_576, %lt3A_579 : i32
        %lt3A_581 = arith.constant 0 : i32
        %lt3A_582 = arith.cmpi slt, %select_n3A_575, %lt3A_581 : i32
        %ne3A_583 = arith.xori %lt3A_580, %lt3A_582 : i1
        %and3A_584 = arith.andi %ne3A_583, %ne3A_578 : i1
        %add3A_585 = arith.addi %rem3A_576, %select_n3A_575 : i32
        %select_n3A_586 = arith.select %and3A_584, %add3A_585, %rem3A_576 : i32
        %mul3A_587 = arith.constant 16 : i32
        %mul3A_588 = arith.muli %select_n3A_586, %mul3A_587 : i32
        %get3A_589 = arith.index_cast %select_n3A_570 : i32 to index
        %get3A_590 = arith.index_cast %mul3A_588 : i32 to index
        %get3A_591 = tpu.vector_load %arg21[%get3A_589, %get3A_590] {strides = array<i32>} : memref<40x128xf32, #tpu.memory_space<vmem>>, vector<1x16xf32>,
        %get3A_592 = vector.shape_cast %get3A_591 : vector<1x16xf32> to vector<16xf32>
        %get3A_593 = arith.index_cast %select_n3A_570 : i32 to index
        %get3A_594 = arith.index_cast %mul3A_588 : i32 to index
        %get3A_595 = tpu.vector_load %arg17[%get3A_593, %get3A_594] {strides = array<i32>} : memref<40x128xf32, #tpu.memory_space<vmem>>, vector<1x16xf32>,
        %get3A_596 = vector.shape_cast %get3A_595 : vector<1x16xf32> to vector<16xf32>
        %add3A_597 = arith.addf %get3A_592, %get3A_596 : vector<16xf32>
        %max3A_598 = arith.constant 0.000000e+00 : f32
        %max3A_599 = vector.broadcast %max3A_598 : f32 to vector<16xf32>
        %max3A_600 = arith.maximumf %add3A_597, %max3A_599 : vector<16xf32>
        %swap3A_601 = arith.index_cast %select_n3A_570 : i32 to index
        %swap3A_602 = arith.index_cast %mul3A_588 : i32 to index
        %swap3A_603 = tpu.vector_load %arg21[%swap3A_601, %swap3A_602] {strides = array<i32>} : memref<40x128xf32, #tpu.memory_space<vmem>>, vector<1x16xf32>,
        %swap3A_604 = vector.shape_cast %swap3A_603 : vector<1x16xf32> to vector<16xf32>
        %swap3A_605 = vector.shape_cast %max3A_600 : vector<16xf32> to vector<1x16xf32>
        tpu.vector_store %arg21[%swap3A_601, %swap3A_602], %swap3A_605 {strides = array<i32>} : memref<40x128xf32, #tpu.memory_space<vmem>>, vector<1x16xf32>,
        %scan3A_606 = arith.constant 6 : i32
        %scan3A_607 = arith.addi %scan3A_229, %scan3A_606 : i32
        %mul3A_608 = arith.constant 1 : i32
        %mul3A_609 = arith.muli %scan3A_607, %mul3A_608 : i32
        %add3A_610 = arith.constant 0 : i32
        %add3A_611 = arith.addi %add3A_610, %mul3A_609 : i32
        %jit3A_612 = arith.constant 8 : i32
        %div3A_613 = arith.divsi %add3A_611, %jit3A_612 : i32
        %sign3A_614 = arith.constant 0 : i32
        %sign3A_615 = arith.cmpi sgt, %add3A_611, %sign3A_614 : i32
        %sign3A_616 = arith.extui %sign3A_615 : i1 to i32
        %sign3A_617 = arith.constant 0 : i32
        %sign3A_618 = arith.cmpi slt, %add3A_611, %sign3A_617 : i32
        %sign3A_619 = arith.extui %sign3A_618 : i1 to i32
        %sign3A_620 = arith.subi %sign3A_616, %sign3A_619 : i32
        %sign3A_621 = arith.constant 0 : i32
        %sign3A_622 = arith.cmpi sgt, %jit3A_612, %sign3A_621 : i32
        %sign3A_623 = arith.extui %sign3A_622 : i1 to i32
        %sign3A_624 = arith.constant 0 : i32
        %sign3A_625 = arith.cmpi slt, %jit3A_612, %sign3A_624 : i32
        %sign3A_626 = arith.extui %sign3A_625 : i1 to i32
        %sign3A_627 = arith.subi %sign3A_623, %sign3A_626 : i32
        %ne3A_628 = arith.cmpi ne, %sign3A_620, %sign3A_627 : i32
        %rem3A_629 = arith.remsi %add3A_611, %jit3A_612 : i32
        %ne3A_630 = arith.constant 0 : i32
        %ne3A_631 = arith.cmpi ne, %rem3A_629, %ne3A_630 : i32
        %and3A_632 = arith.andi %ne3A_628, %ne3A_631 : i1
        %sub3A_633 = arith.constant 1 : i32
        %sub3A_634 = arith.subi %div3A_613, %sub3A_633 : i32
        %select_n3A_635 = arith.select %and3A_632, %sub3A_634, %div3A_613 : i32
        %jit3A_636 = arith.constant 8 : i32
        %eq3A_637 = arith.constant 0 : i32
        %eq3A_638 = arith.cmpi eq, %jit3A_636, %eq3A_637 : i32
        %jit3A_639 = arith.constant 1 : i32
        %select_n3A_640 = arith.select %eq3A_638, %jit3A_639, %jit3A_636 : i32
        %rem3A_641 = arith.remsi %add3A_611, %select_n3A_640 : i32
        %ne3A_642 = arith.constant 0 : i32
        %ne3A_643 = arith.cmpi ne, %rem3A_641, %ne3A_642 : i32
        %lt3A_644 = arith.constant 0 : i32
        %lt3A_645 = arith.cmpi slt, %rem3A_641, %lt3A_644 : i32
        %lt3A_646 = arith.constant 0 : i32
        %lt3A_647 = arith.cmpi slt, %select_n3A_640, %lt3A_646 : i32
        %ne3A_648 = arith.xori %lt3A_645, %lt3A_647 : i1
        %and3A_649 = arith.andi %ne3A_648, %ne3A_643 : i1
        %add3A_650 = arith.addi %rem3A_641, %select_n3A_640 : i32
        %select_n3A_651 = arith.select %and3A_649, %add3A_650, %rem3A_641 : i32
        %mul3A_652 = arith.constant 16 : i32
        %mul3A_653 = arith.muli %select_n3A_651, %mul3A_652 : i32
        %get3A_654 = arith.index_cast %select_n3A_635 : i32 to index
        %get3A_655 = arith.index_cast %mul3A_653 : i32 to index
        %get3A_656 = tpu.vector_load %arg21[%get3A_654, %get3A_655] {strides = array<i32>} : memref<40x128xf32, #tpu.memory_space<vmem>>, vector<1x16xf32>,
        %get3A_657 = vector.shape_cast %get3A_656 : vector<1x16xf32> to vector<16xf32>
        %get3A_658 = arith.index_cast %select_n3A_635 : i32 to index
        %get3A_659 = arith.index_cast %mul3A_653 : i32 to index
        %get3A_660 = tpu.vector_load %arg17[%get3A_658, %get3A_659] {strides = array<i32>} : memref<40x128xf32, #tpu.memory_space<vmem>>, vector<1x16xf32>,
        %get3A_661 = vector.shape_cast %get3A_660 : vector<1x16xf32> to vector<16xf32>
        %add3A_662 = arith.addf %get3A_657, %get3A_661 : vector<16xf32>
        %max3A_663 = arith.constant 0.000000e+00 : f32
        %max3A_664 = vector.broadcast %max3A_663 : f32 to vector<16xf32>
        %max3A_665 = arith.maximumf %add3A_662, %max3A_664 : vector<16xf32>
        %swap3A_666 = arith.index_cast %select_n3A_635 : i32 to index
        %swap3A_667 = arith.index_cast %mul3A_653 : i32 to index
        %swap3A_668 = tpu.vector_load %arg21[%swap3A_666, %swap3A_667] {strides = array<i32>} : memref<40x128xf32, #tpu.memory_space<vmem>>, vector<1x16xf32>,
        %swap3A_669 = vector.shape_cast %swap3A_668 : vector<1x16xf32> to vector<16xf32>
        %swap3A_670 = vector.shape_cast %max3A_665 : vector<16xf32> to vector<1x16xf32>
        tpu.vector_store %arg21[%swap3A_666, %swap3A_667], %swap3A_670 {strides = array<i32>} : memref<40x128xf32, #tpu.memory_space<vmem>>, vector<1x16xf32>,
        %scan3A_671 = arith.constant 7 : i32
        %scan3A_672 = arith.addi %scan3A_229, %scan3A_671 : i32
        %mul3A_673 = arith.constant 1 : i32
        %mul3A_674 = arith.muli %scan3A_672, %mul3A_673 : i32
        %add3A_675 = arith.constant 0 : i32
        %add3A_676 = arith.addi %add3A_675, %mul3A_674 : i32
        %jit3A_677 = arith.constant 8 : i32
        %div3A_678 = arith.divsi %add3A_676, %jit3A_677 : i32
        %sign3A_679 = arith.constant 0 : i32
        %sign3A_680 = arith.cmpi sgt, %add3A_676, %sign3A_679 : i32
        %sign3A_681 = arith.extui %sign3A_680 : i1 to i32
        %sign3A_682 = arith.constant 0 : i32
        %sign3A_683 = arith.cmpi slt, %add3A_676, %sign3A_682 : i32
        %sign3A_684 = arith.extui %sign3A_683 : i1 to i32
        %sign3A_685 = arith.subi %sign3A_681, %sign3A_684 : i32
        %sign3A_686 = arith.constant 0 : i32
        %sign3A_687 = arith.cmpi sgt, %jit3A_677, %sign3A_686 : i32
        %sign3A_688 = arith.extui %sign3A_687 : i1 to i32
        %sign3A_689 = arith.constant 0 : i32
        %sign3A_690 = arith.cmpi slt, %jit3A_677, %sign3A_689 : i32
        %sign3A_691 = arith.extui %sign3A_690 : i1 to i32
        %sign3A_692 = arith.subi %sign3A_688, %sign3A_691 : i32
        %ne3A_693 = arith.cmpi ne, %sign3A_685, %sign3A_692 : i32
        %rem3A_694 = arith.remsi %add3A_676, %jit3A_677 : i32
        %ne3A_695 = arith.constant 0 : i32
        %ne3A_696 = arith.cmpi ne, %rem3A_694, %ne3A_695 : i32
        %and3A_697 = arith.andi %ne3A_693, %ne3A_696 : i1
        %sub3A_698 = arith.constant 1 : i32
        %sub3A_699 = arith.subi %div3A_678, %sub3A_698 : i32
        %select_n3A_700 = arith.select %and3A_697, %sub3A_699, %div3A_678 : i32
        %jit3A_701 = arith.constant 8 : i32
        %eq3A_702 = arith.constant 0 : i32
        %eq3A_703 = arith.cmpi eq, %jit3A_701, %eq3A_702 : i32
        %jit3A_704 = arith.constant 1 : i32
        %select_n3A_705 = arith.select %eq3A_703, %jit3A_704, %jit3A_701 : i32
        %rem3A_706 = arith.remsi %add3A_676, %select_n3A_705 : i32
        %ne3A_707 = arith.constant 0 : i32
        %ne3A_708 = arith.cmpi ne, %rem3A_706, %ne3A_707 : i32
        %lt3A_709 = arith.constant 0 : i32
        %lt3A_710 = arith.cmpi slt, %rem3A_706, %lt3A_709 : i32
        %lt3A_711 = arith.constant 0 : i32
        %lt3A_712 = arith.cmpi slt, %select_n3A_705, %lt3A_711 : i32
        %ne3A_713 = arith.xori %lt3A_710, %lt3A_712 : i1
        %and3A_714 = arith.andi %ne3A_713, %ne3A_708 : i1
        %add3A_715 = arith.addi %rem3A_706, %select_n3A_705 : i32
        %select_n3A_716 = arith.select %and3A_714, %add3A_715, %rem3A_706 : i32
        %mul3A_717 = arith.constant 16 : i32
        %mul3A_718 = arith.muli %select_n3A_716, %mul3A_717 : i32
        %get3A_719 = arith.index_cast %select_n3A_700 : i32 to index
        %get3A_720 = arith.index_cast %mul3A_718 : i32 to index
        %get3A_721 = tpu.vector_load %arg21[%get3A_719, %get3A_720] {strides = array<i32>} : memref<40x128xf32, #tpu.memory_space<vmem>>, vector<1x16xf32>,
        %get3A_722 = vector.shape_cast %get3A_721 : vector<1x16xf32> to vector<16xf32>
        %get3A_723 = arith.index_cast %select_n3A_700 : i32 to index
        %get3A_724 = arith.index_cast %mul3A_718 : i32 to index
        %get3A_725 = tpu.vector_load %arg17[%get3A_723, %get3A_724] {strides = array<i32>} : memref<40x128xf32, #tpu.memory_space<vmem>>, vector<1x16xf32>,
        %get3A_726 = vector.shape_cast %get3A_725 : vector<1x16xf32> to vector<16xf32>
        %add3A_727 = arith.addf %get3A_722, %get3A_726 : vector<16xf32>
        %max3A_728 = arith.constant 0.000000e+00 : f32
        %max3A_729 = vector.broadcast %max3A_728 : f32 to vector<16xf32>
        %max3A_730 = arith.maximumf %add3A_727, %max3A_729 : vector<16xf32>
        %swap3A_731 = arith.index_cast %select_n3A_700 : i32 to index
        %swap3A_732 = arith.index_cast %mul3A_718 : i32 to index
        %swap3A_733 = tpu.vector_load %arg21[%swap3A_731, %swap3A_732] {strides = array<i32>} : memref<40x128xf32, #tpu.memory_space<vmem>>, vector<1x16xf32>,
        %swap3A_734 = vector.shape_cast %swap3A_733 : vector<1x16xf32> to vector<16xf32>
        %swap3A_735 = vector.shape_cast %max3A_730 : vector<16xf32> to vector<1x16xf32>
        tpu.vector_store %arg21[%swap3A_731, %swap3A_732], %swap3A_735 {strides = array<i32>} : memref<40x128xf32, #tpu.memory_space<vmem>>, vector<1x16xf32>,
      }
      %scan3A_143 = arith.constant 320 : i32
      %dma_start3A_144 = arith.constant 0 : i32
      %dma_start3A_145 = arith.constant 0 : i32
      %dma_start3A_146 = tpu.memref_slice %arg7[%dma_start3A_144, %dma_start3A_145] : memref<10112x128xf32, #tpu.memory_space<vmem_shared>> -> memref<10112x128xf32, #tpu.memory_space<vmem_shared>>
      tpu.enqueue_indirect_dma source(%arg21 : memref<40x128xf32, #tpu.memory_space<vmem>>) target(%dma_start3A_146 : memref<10112x128xf32, #tpu.memory_space<vmem_shared>>) offsets(%arg13 : memref<40xi32, #tpu.memory_space<vmem>>) semaphore(%arg27 : memref<!tpu.dma_semaphore, #tpu.memory_space<semaphore_mem>>) {add = true}
      %mul3A_147 = arith.constant 4 : i32
      %mul3A_148 = arith.muli %add3A_68, %mul3A_147 : i32
      %add3A_149 = arith.constant 2 : i32
      %add3A_150 = arith.addi %mul3A_148, %add3A_149 : i32
      %add3A_151 = arith.constant 1 : i32
      %add3A_152 = arith.addi %add3A_150, %add3A_151 : i32
      %lt3A_153 = arith.constant 252 : i32
      %lt3A_154 = arith.cmpi slt, %add3A_152, %lt3A_153 : i32
      %convert_element_type3A_155 = arith.extui %lt3A_154 : i1 to i32
      %cond3A_156 = arith.constant 0 : i32
      %cond3A_157 = arith.cmpi ne, %convert_element_type3A_155, %cond3A_156 : i32
      scf.if %cond3A_157 {
        %dma_wait3A_229 = arith.constant 0 : i32
        %dma_wait3A_230 = tpu.memref_slice %arg3[%dma_wait3A_229] : memref<322560xi32, #tpu.memory_space<hbm>> -> memref<40xi32, #tpu.memory_space<hbm>>
        %dma_wait3A_231 = arith.constant 0 : i32
        %dma_wait3A_232 = tpu.memref_slice %arg3[%dma_wait3A_231] : memref<322560xi32, #tpu.memory_space<hbm>> -> memref<40xi32, #tpu.memory_space<hbm>>
        tpu.wait_dma2 semaphore(%arg24 : memref<!tpu.dma_semaphore, #tpu.memory_space<semaphore_mem>>) src(%dma_wait3A_232 : memref<40xi32, #tpu.memory_space<hbm>>) dst(%arg11 : memref<40xi32, #tpu.memory_space<vmem>>)
        %dma_wait3A_233 = arith.constant 0 : i32
        %dma_wait3A_234 = tpu.memref_slice %arg4[%dma_wait3A_233] : memref<322560xi32, #tpu.memory_space<hbm>> -> memref<40xi32, #tpu.memory_space<hbm>>
        %dma_wait3A_235 = arith.constant 0 : i32
        %dma_wait3A_236 = tpu.memref_slice %arg4[%dma_wait3A_235] : memref<322560xi32, #tpu.memory_space<hbm>> -> memref<40xi32, #tpu.memory_space<hbm>>
        tpu.wait_dma2 semaphore(%arg24 : memref<!tpu.dma_semaphore, #tpu.memory_space<semaphore_mem>>) src(%dma_wait3A_236 : memref<40xi32, #tpu.memory_space<hbm>>) dst(%arg15 : memref<40xi32, #tpu.memory_space<vmem>>)
        %dma_wait3A_237 = arith.constant 0 : i32
        %dma_wait3A_238 = arith.constant 0 : i32
        %dma_wait3A_239 = tpu.memref_slice %arg5[%dma_wait3A_237, %dma_wait3A_238] : memref<322560x128xf32, #tpu.memory_space<hbm>> -> memref<40x128xf32, #tpu.memory_space<hbm>>
        %dma_wait3A_240 = arith.constant 0 : i32
        %dma_wait3A_241 = arith.constant 0 : i32
        %dma_wait3A_242 = tpu.memref_slice %arg5[%dma_wait3A_240, %dma_wait3A_241] : memref<322560x128xf32, #tpu.memory_space<hbm>> -> memref<40x128xf32, #tpu.memory_space<hbm>>
        tpu.wait_dma2 semaphore(%arg24 : memref<!tpu.dma_semaphore, #tpu.memory_space<semaphore_mem>>) src(%dma_wait3A_242 : memref<40x128xf32, #tpu.memory_space<hbm>>) dst(%arg19 : memref<40x128xf32, #tpu.memory_space<vmem>>)
      } else {
      }
      %dma_wait3A_158 = arith.constant 0 : i32
      %dma_wait3A_159 = arith.constant 0 : i32
      %dma_wait3A_160 = tpu.memref_slice %arg2[%dma_wait3A_158, %dma_wait3A_159] : memref<10000x128xf32, #tpu.memory_space<hbm>> -> memref<10000x128xf32, #tpu.memory_space<hbm>>
      tpu.wait_indirect_dma semaphore(%arg25 : memref<!tpu.dma_semaphore, #tpu.memory_space<semaphore_mem>>) src(%dma_wait3A_160 : memref<10000x128xf32, #tpu.memory_space<hbm>>) dst(%arg22 : memref<40x128xf32, #tpu.memory_space<vmem>>)
      %add3A_161 = arith.constant 1 : i32
      %add3A_162 = arith.addi %add3A_150, %add3A_161 : i32
      %lt3A_163 = arith.constant 252 : i32
      %lt3A_164 = arith.cmpi slt, %add3A_162, %lt3A_163 : i32
      %convert_element_type3A_165 = arith.extui %lt3A_164 : i1 to i32
      %cond3A_166 = arith.constant 0 : i32
      %cond3A_167 = arith.cmpi ne, %convert_element_type3A_165, %cond3A_166 : i32
      scf.if %cond3A_167 {
        %dma_start3A_229 = arith.constant 0 : i32
        %dma_start3A_230 = arith.constant 0 : i32
        %dma_start3A_231 = tpu.memref_slice %arg2[%dma_start3A_229, %dma_start3A_230] : memref<10000x128xf32, #tpu.memory_space<hbm>> -> memref<10000x128xf32, #tpu.memory_space<hbm>>
        tpu.enqueue_indirect_dma source(%dma_start3A_231 : memref<10000x128xf32, #tpu.memory_space<hbm>>) target(%arg23 : memref<40x128xf32, #tpu.memory_space<vmem>>) offsets(%arg11 : memref<40xi32, #tpu.memory_space<vmem>>) semaphore(%arg25 : memref<!tpu.dma_semaphore, #tpu.memory_space<semaphore_mem>>)
      } else {
      }
      %ge3A_168 = arith.constant 2 : i32
      %ge3A_169 = arith.cmpi sge, %add3A_150, %ge3A_168 : i32
      %convert_element_type3A_170 = arith.extui %ge3A_169 : i1 to i32
      %cond3A_171 = arith.constant 0 : i32
      %cond3A_172 = arith.cmpi ne, %convert_element_type3A_170, %cond3A_171 : i32
      scf.if %cond3A_172 {
        %dma_wait3A_229 = arith.constant 0 : i32
        %dma_wait3A_230 = arith.constant 0 : i32
        %dma_wait3A_231 = tpu.memref_slice %arg7[%dma_wait3A_229, %dma_wait3A_230] : memref<10112x128xf32, #tpu.memory_space<vmem_shared>> -> memref<10112x128xf32, #tpu.memory_space<vmem_shared>>
        tpu.wait_indirect_dma semaphore(%arg26 : memref<!tpu.dma_semaphore, #tpu.memory_space<semaphore_mem>>) src(%arg20 : memref<40x128xf32, #tpu.memory_space<vmem>>) dst(%dma_wait3A_231 : memref<10112x128xf32, #tpu.memory_space<vmem_shared>>)
      } else {
      }
      %add3A_173 = arith.constant 2 : i32
      %add3A_174 = arith.addi %add3A_150, %add3A_173 : i32
      %lt3A_175 = arith.constant 252 : i32
      %lt3A_176 = arith.cmpi slt, %add3A_174, %lt3A_175 : i32
      %convert_element_type3A_177 = arith.extui %lt3A_176 : i1 to i32
      %cond3A_178 = arith.constant 0 : i32
      %cond3A_179 = arith.cmpi ne, %convert_element_type3A_177, %cond3A_178 : i32
      scf.if %cond3A_179 {
        %add3A_229 = arith.constant 2 : i32
        %add3A_230 = arith.addi %add3A_150, %add3A_229 : i32
        %mul3A_231 = arith.constant 40 : i32
        %mul3A_232 = arith.muli %add3A_230, %mul3A_231 : i32
        %add3A_233 = arith.addi %mul3A_2, %mul3A_232 : i32
        %dma_start3A_234 = tpu.memref_slice %arg3[%add3A_233] : memref<322560xi32, #tpu.memory_space<hbm>> -> memref<40xi32, #tpu.memory_space<hbm>>
        %dma_start3A_235 = tpu.memref_slice %arg3[%add3A_233] : memref<322560xi32, #tpu.memory_space<hbm>> -> memref<40xi32, #tpu.memory_space<hbm>>
        tpu.enqueue_dma source(%dma_start3A_235 : memref<40xi32, #tpu.memory_space<hbm>>) target(%arg8 : memref<40xi32, #tpu.memory_space<vmem>>) target_semaphore(%arg24 : memref<!tpu.dma_semaphore, #tpu.memory_space<semaphore_mem>>)
        %dma_start3A_236 = tpu.memref_slice %arg4[%add3A_233] : memref<322560xi32, #tpu.memory_space<hbm>> -> memref<40xi32, #tpu.memory_space<hbm>>
        %dma_start3A_237 = tpu.memref_slice %arg4[%add3A_233] : memref<322560xi32, #tpu.memory_space<hbm>> -> memref<40xi32, #tpu.memory_space<hbm>>
        tpu.enqueue_dma source(%dma_start3A_237 : memref<40xi32, #tpu.memory_space<hbm>>) target(%arg12 : memref<40xi32, #tpu.memory_space<vmem>>) target_semaphore(%arg24 : memref<!tpu.dma_semaphore, #tpu.memory_space<semaphore_mem>>)
        %dma_start3A_238 = arith.constant 0 : i32
        %dma_start3A_239 = tpu.memref_slice %arg5[%add3A_233, %dma_start3A_238] : memref<322560x128xf32, #tpu.memory_space<hbm>> -> memref<40x128xf32, #tpu.memory_space<hbm>>
        %dma_start3A_240 = arith.constant 0 : i32
        %dma_start3A_241 = tpu.memref_slice %arg5[%add3A_233, %dma_start3A_240] : memref<322560x128xf32, #tpu.memory_space<hbm>> -> memref<40x128xf32, #tpu.memory_space<hbm>>
        tpu.enqueue_dma source(%dma_start3A_241 : memref<40x128xf32, #tpu.memory_space<hbm>>) target(%arg16 : memref<40x128xf32, #tpu.memory_space<vmem>>) target_semaphore(%arg24 : memref<!tpu.dma_semaphore, #tpu.memory_space<semaphore_mem>>)
      } else {
      }
      %scan3A_180 = arith.constant 0 : i32
      %scan3A_181 = arith.constant 320 : i32
      %scan3A_182 = arith.addi %scan3A_180, %scan3A_181 : i32
      %scan3A_183 = arith.constant 8 : i32
      scf.for %scan3A_229 = %scan3A_180 to %scan3A_182 step %scan3A_183  : i32 {
        %mul3A_230 = arith.constant 1 : i32
        %mul3A_231 = arith.muli %scan3A_229, %mul3A_230 : i32
        %add3A_232 = arith.constant 0 : i32
        %add3A_233 = arith.addi %add3A_232, %mul3A_231 : i32
        %jit3A = arith.constant 8 : i32
        %div3A = arith.divsi %add3A_233, %jit3A : i32
        %sign3A = arith.constant 0 : i32
        %sign3A_234 = arith.cmpi sgt, %add3A_233, %sign3A : i32
        %sign3A_235 = arith.extui %sign3A_234 : i1 to i32
        %sign3A_236 = arith.constant 0 : i32
        %sign3A_237 = arith.cmpi slt, %add3A_233, %sign3A_236 : i32
        %sign3A_238 = arith.extui %sign3A_237 : i1 to i32
        %sign3A_239 = arith.subi %sign3A_235, %sign3A_238 : i32
        %sign3A_240 = arith.constant 0 : i32
        %sign3A_241 = arith.cmpi sgt, %jit3A, %sign3A_240 : i32
        %sign3A_242 = arith.extui %sign3A_241 : i1 to i32
        %sign3A_243 = arith.constant 0 : i32
        %sign3A_244 = arith.cmpi slt, %jit3A, %sign3A_243 : i32
        %sign3A_245 = arith.extui %sign3A_244 : i1 to i32
        %sign3A_246 = arith.subi %sign3A_242, %sign3A_245 : i32
        %ne3A = arith.cmpi ne, %sign3A_239, %sign3A_246 : i32
        %rem3A = arith.remsi %add3A_233, %jit3A : i32
        %ne3A_247 = arith.constant 0 : i32
        %ne3A_248 = arith.cmpi ne, %rem3A, %ne3A_247 : i32
        %and3A = arith.andi %ne3A, %ne3A_248 : i1
        %sub3A = arith.constant 1 : i32
        %sub3A_249 = arith.subi %div3A, %sub3A : i32
        %select_n3A = arith.select %and3A, %sub3A_249, %div3A : i32
        %jit3A_250 = arith.constant 8 : i32
        %eq3A = arith.constant 0 : i32
        %eq3A_251 = arith.cmpi eq, %jit3A_250, %eq3A : i32
        %jit3A_252 = arith.constant 1 : i32
        %select_n3A_253 = arith.select %eq3A_251, %jit3A_252, %jit3A_250 : i32
        %rem3A_254 = arith.remsi %add3A_233, %select_n3A_253 : i32
        %ne3A_255 = arith.constant 0 : i32
        %ne3A_256 = arith.cmpi ne, %rem3A_254, %ne3A_255 : i32
        %lt3A_257 = arith.constant 0 : i32
        %lt3A_258 = arith.cmpi slt, %rem3A_254, %lt3A_257 : i32
        %lt3A_259 = arith.constant 0 : i32
        %lt3A_260 = arith.cmpi slt, %select_n3A_253, %lt3A_259 : i32
        %ne3A_261 = arith.xori %lt3A_258, %lt3A_260 : i1
        %and3A_262 = arith.andi %ne3A_261, %ne3A_256 : i1
        %add3A_263 = arith.addi %rem3A_254, %select_n3A_253 : i32
        %select_n3A_264 = arith.select %and3A_262, %add3A_263, %rem3A_254 : i32
        %mul3A_265 = arith.constant 16 : i32
        %mul3A_266 = arith.muli %select_n3A_264, %mul3A_265 : i32
        %get3A = arith.index_cast %select_n3A : i32 to index
        %get3A_267 = arith.index_cast %mul3A_266 : i32 to index
        %get3A_268 = tpu.vector_load %arg22[%get3A, %get3A_267] {strides = array<i32>} : memref<40x128xf32, #tpu.memory_space<vmem>>, vector<1x16xf32>,
        %get3A_269 = vector.shape_cast %get3A_268 : vector<1x16xf32> to vector<16xf32>
        %get3A_270 = arith.index_cast %select_n3A : i32 to index
        %get3A_271 = arith.index_cast %mul3A_266 : i32 to index
        %get3A_272 = tpu.vector_load %arg18[%get3A_270, %get3A_271] {strides = array<i32>} : memref<40x128xf32, #tpu.memory_space<vmem>>, vector<1x16xf32>,
        %get3A_273 = vector.shape_cast %get3A_272 : vector<1x16xf32> to vector<16xf32>
        %add3A_274 = arith.addf %get3A_269, %get3A_273 : vector<16xf32>
        %max3A = arith.constant 0.000000e+00 : f32
        %max3A_275 = vector.broadcast %max3A : f32 to vector<16xf32>
        %max3A_276 = arith.maximumf %add3A_274, %max3A_275 : vector<16xf32>
        %swap3A = arith.index_cast %select_n3A : i32 to index
        %swap3A_277 = arith.index_cast %mul3A_266 : i32 to index
        %swap3A_278 = tpu.vector_load %arg22[%swap3A, %swap3A_277] {strides = array<i32>} : memref<40x128xf32, #tpu.memory_space<vmem>>, vector<1x16xf32>,
        %swap3A_279 = vector.shape_cast %swap3A_278 : vector<1x16xf32> to vector<16xf32>
        %swap3A_280 = vector.shape_cast %max3A_276 : vector<16xf32> to vector<1x16xf32>
        tpu.vector_store %arg22[%swap3A, %swap3A_277], %swap3A_280 {strides = array<i32>} : memref<40x128xf32, #tpu.memory_space<vmem>>, vector<1x16xf32>,
        %scan3A_281 = arith.constant 1 : i32
        %scan3A_282 = arith.addi %scan3A_229, %scan3A_281 : i32
        %mul3A_283 = arith.constant 1 : i32
        %mul3A_284 = arith.muli %scan3A_282, %mul3A_283 : i32
        %add3A_285 = arith.constant 0 : i32
        %add3A_286 = arith.addi %add3A_285, %mul3A_284 : i32
        %jit3A_287 = arith.constant 8 : i32
        %div3A_288 = arith.divsi %add3A_286, %jit3A_287 : i32
        %sign3A_289 = arith.constant 0 : i32
        %sign3A_290 = arith.cmpi sgt, %add3A_286, %sign3A_289 : i32
        %sign3A_291 = arith.extui %sign3A_290 : i1 to i32
        %sign3A_292 = arith.constant 0 : i32
        %sign3A_293 = arith.cmpi slt, %add3A_286, %sign3A_292 : i32
        %sign3A_294 = arith.extui %sign3A_293 : i1 to i32
        %sign3A_295 = arith.subi %sign3A_291, %sign3A_294 : i32
        %sign3A_296 = arith.constant 0 : i32
        %sign3A_297 = arith.cmpi sgt, %jit3A_287, %sign3A_296 : i32
        %sign3A_298 = arith.extui %sign3A_297 : i1 to i32
        %sign3A_299 = arith.constant 0 : i32
        %sign3A_300 = arith.cmpi slt, %jit3A_287, %sign3A_299 : i32
        %sign3A_301 = arith.extui %sign3A_300 : i1 to i32
        %sign3A_302 = arith.subi %sign3A_298, %sign3A_301 : i32
        %ne3A_303 = arith.cmpi ne, %sign3A_295, %sign3A_302 : i32
        %rem3A_304 = arith.remsi %add3A_286, %jit3A_287 : i32
        %ne3A_305 = arith.constant 0 : i32
        %ne3A_306 = arith.cmpi ne, %rem3A_304, %ne3A_305 : i32
        %and3A_307 = arith.andi %ne3A_303, %ne3A_306 : i1
        %sub3A_308 = arith.constant 1 : i32
        %sub3A_309 = arith.subi %div3A_288, %sub3A_308 : i32
        %select_n3A_310 = arith.select %and3A_307, %sub3A_309, %div3A_288 : i32
        %jit3A_311 = arith.constant 8 : i32
        %eq3A_312 = arith.constant 0 : i32
        %eq3A_313 = arith.cmpi eq, %jit3A_311, %eq3A_312 : i32
        %jit3A_314 = arith.constant 1 : i32
        %select_n3A_315 = arith.select %eq3A_313, %jit3A_314, %jit3A_311 : i32
        %rem3A_316 = arith.remsi %add3A_286, %select_n3A_315 : i32
        %ne3A_317 = arith.constant 0 : i32
        %ne3A_318 = arith.cmpi ne, %rem3A_316, %ne3A_317 : i32
        %lt3A_319 = arith.constant 0 : i32
        %lt3A_320 = arith.cmpi slt, %rem3A_316, %lt3A_319 : i32
        %lt3A_321 = arith.constant 0 : i32
        %lt3A_322 = arith.cmpi slt, %select_n3A_315, %lt3A_321 : i32
        %ne3A_323 = arith.xori %lt3A_320, %lt3A_322 : i1
        %and3A_324 = arith.andi %ne3A_323, %ne3A_318 : i1
        %add3A_325 = arith.addi %rem3A_316, %select_n3A_315 : i32
        %select_n3A_326 = arith.select %and3A_324, %add3A_325, %rem3A_316 : i32
        %mul3A_327 = arith.constant 16 : i32
        %mul3A_328 = arith.muli %select_n3A_326, %mul3A_327 : i32
        %get3A_329 = arith.index_cast %select_n3A_310 : i32 to index
        %get3A_330 = arith.index_cast %mul3A_328 : i32 to index
        %get3A_331 = tpu.vector_load %arg22[%get3A_329, %get3A_330] {strides = array<i32>} : memref<40x128xf32, #tpu.memory_space<vmem>>, vector<1x16xf32>,
        %get3A_332 = vector.shape_cast %get3A_331 : vector<1x16xf32> to vector<16xf32>
        %get3A_333 = arith.index_cast %select_n3A_310 : i32 to index
        %get3A_334 = arith.index_cast %mul3A_328 : i32 to index
        %get3A_335 = tpu.vector_load %arg18[%get3A_333, %get3A_334] {strides = array<i32>} : memref<40x128xf32, #tpu.memory_space<vmem>>, vector<1x16xf32>,
        %get3A_336 = vector.shape_cast %get3A_335 : vector<1x16xf32> to vector<16xf32>
        %add3A_337 = arith.addf %get3A_332, %get3A_336 : vector<16xf32>
        %max3A_338 = arith.constant 0.000000e+00 : f32
        %max3A_339 = vector.broadcast %max3A_338 : f32 to vector<16xf32>
        %max3A_340 = arith.maximumf %add3A_337, %max3A_339 : vector<16xf32>
        %swap3A_341 = arith.index_cast %select_n3A_310 : i32 to index
        %swap3A_342 = arith.index_cast %mul3A_328 : i32 to index
        %swap3A_343 = tpu.vector_load %arg22[%swap3A_341, %swap3A_342] {strides = array<i32>} : memref<40x128xf32, #tpu.memory_space<vmem>>, vector<1x16xf32>,
        %swap3A_344 = vector.shape_cast %swap3A_343 : vector<1x16xf32> to vector<16xf32>
        %swap3A_345 = vector.shape_cast %max3A_340 : vector<16xf32> to vector<1x16xf32>
        tpu.vector_store %arg22[%swap3A_341, %swap3A_342], %swap3A_345 {strides = array<i32>} : memref<40x128xf32, #tpu.memory_space<vmem>>, vector<1x16xf32>,
        %scan3A_346 = arith.constant 2 : i32
        %scan3A_347 = arith.addi %scan3A_229, %scan3A_346 : i32
        %mul3A_348 = arith.constant 1 : i32
        %mul3A_349 = arith.muli %scan3A_347, %mul3A_348 : i32
        %add3A_350 = arith.constant 0 : i32
        %add3A_351 = arith.addi %add3A_350, %mul3A_349 : i32
        %jit3A_352 = arith.constant 8 : i32
        %div3A_353 = arith.divsi %add3A_351, %jit3A_352 : i32
        %sign3A_354 = arith.constant 0 : i32
        %sign3A_355 = arith.cmpi sgt, %add3A_351, %sign3A_354 : i32
        %sign3A_356 = arith.extui %sign3A_355 : i1 to i32
        %sign3A_357 = arith.constant 0 : i32
        %sign3A_358 = arith.cmpi slt, %add3A_351, %sign3A_357 : i32
        %sign3A_359 = arith.extui %sign3A_358 : i1 to i32
        %sign3A_360 = arith.subi %sign3A_356, %sign3A_359 : i32
        %sign3A_361 = arith.constant 0 : i32
        %sign3A_362 = arith.cmpi sgt, %jit3A_352, %sign3A_361 : i32
        %sign3A_363 = arith.extui %sign3A_362 : i1 to i32
        %sign3A_364 = arith.constant 0 : i32
        %sign3A_365 = arith.cmpi slt, %jit3A_352, %sign3A_364 : i32
        %sign3A_366 = arith.extui %sign3A_365 : i1 to i32
        %sign3A_367 = arith.subi %sign3A_363, %sign3A_366 : i32
        %ne3A_368 = arith.cmpi ne, %sign3A_360, %sign3A_367 : i32
        %rem3A_369 = arith.remsi %add3A_351, %jit3A_352 : i32
        %ne3A_370 = arith.constant 0 : i32
        %ne3A_371 = arith.cmpi ne, %rem3A_369, %ne3A_370 : i32
        %and3A_372 = arith.andi %ne3A_368, %ne3A_371 : i1
        %sub3A_373 = arith.constant 1 : i32
        %sub3A_374 = arith.subi %div3A_353, %sub3A_373 : i32
        %select_n3A_375 = arith.select %and3A_372, %sub3A_374, %div3A_353 : i32
        %jit3A_376 = arith.constant 8 : i32
        %eq3A_377 = arith.constant 0 : i32
        %eq3A_378 = arith.cmpi eq, %jit3A_376, %eq3A_377 : i32
        %jit3A_379 = arith.constant 1 : i32
        %select_n3A_380 = arith.select %eq3A_378, %jit3A_379, %jit3A_376 : i32
        %rem3A_381 = arith.remsi %add3A_351, %select_n3A_380 : i32
        %ne3A_382 = arith.constant 0 : i32
        %ne3A_383 = arith.cmpi ne, %rem3A_381, %ne3A_382 : i32
        %lt3A_384 = arith.constant 0 : i32
        %lt3A_385 = arith.cmpi slt, %rem3A_381, %lt3A_384 : i32
        %lt3A_386 = arith.constant 0 : i32
        %lt3A_387 = arith.cmpi slt, %select_n3A_380, %lt3A_386 : i32
        %ne3A_388 = arith.xori %lt3A_385, %lt3A_387 : i1
        %and3A_389 = arith.andi %ne3A_388, %ne3A_383 : i1
        %add3A_390 = arith.addi %rem3A_381, %select_n3A_380 : i32
        %select_n3A_391 = arith.select %and3A_389, %add3A_390, %rem3A_381 : i32
        %mul3A_392 = arith.constant 16 : i32
        %mul3A_393 = arith.muli %select_n3A_391, %mul3A_392 : i32
        %get3A_394 = arith.index_cast %select_n3A_375 : i32 to index
        %get3A_395 = arith.index_cast %mul3A_393 : i32 to index
        %get3A_396 = tpu.vector_load %arg22[%get3A_394, %get3A_395] {strides = array<i32>} : memref<40x128xf32, #tpu.memory_space<vmem>>, vector<1x16xf32>,
        %get3A_397 = vector.shape_cast %get3A_396 : vector<1x16xf32> to vector<16xf32>
        %get3A_398 = arith.index_cast %select_n3A_375 : i32 to index
        %get3A_399 = arith.index_cast %mul3A_393 : i32 to index
        %get3A_400 = tpu.vector_load %arg18[%get3A_398, %get3A_399] {strides = array<i32>} : memref<40x128xf32, #tpu.memory_space<vmem>>, vector<1x16xf32>,
        %get3A_401 = vector.shape_cast %get3A_400 : vector<1x16xf32> to vector<16xf32>
        %add3A_402 = arith.addf %get3A_397, %get3A_401 : vector<16xf32>
        %max3A_403 = arith.constant 0.000000e+00 : f32
        %max3A_404 = vector.broadcast %max3A_403 : f32 to vector<16xf32>
        %max3A_405 = arith.maximumf %add3A_402, %max3A_404 : vector<16xf32>
        %swap3A_406 = arith.index_cast %select_n3A_375 : i32 to index
        %swap3A_407 = arith.index_cast %mul3A_393 : i32 to index
        %swap3A_408 = tpu.vector_load %arg22[%swap3A_406, %swap3A_407] {strides = array<i32>} : memref<40x128xf32, #tpu.memory_space<vmem>>, vector<1x16xf32>,
        %swap3A_409 = vector.shape_cast %swap3A_408 : vector<1x16xf32> to vector<16xf32>
        %swap3A_410 = vector.shape_cast %max3A_405 : vector<16xf32> to vector<1x16xf32>
        tpu.vector_store %arg22[%swap3A_406, %swap3A_407], %swap3A_410 {strides = array<i32>} : memref<40x128xf32, #tpu.memory_space<vmem>>, vector<1x16xf32>,
        %scan3A_411 = arith.constant 3 : i32
        %scan3A_412 = arith.addi %scan3A_229, %scan3A_411 : i32
        %mul3A_413 = arith.constant 1 : i32
        %mul3A_414 = arith.muli %scan3A_412, %mul3A_413 : i32
        %add3A_415 = arith.constant 0 : i32
        %add3A_416 = arith.addi %add3A_415, %mul3A_414 : i32
        %jit3A_417 = arith.constant 8 : i32
        %div3A_418 = arith.divsi %add3A_416, %jit3A_417 : i32
        %sign3A_419 = arith.constant 0 : i32
        %sign3A_420 = arith.cmpi sgt, %add3A_416, %sign3A_419 : i32
        %sign3A_421 = arith.extui %sign3A_420 : i1 to i32
        %sign3A_422 = arith.constant 0 : i32
        %sign3A_423 = arith.cmpi slt, %add3A_416, %sign3A_422 : i32
        %sign3A_424 = arith.extui %sign3A_423 : i1 to i32
        %sign3A_425 = arith.subi %sign3A_421, %sign3A_424 : i32
        %sign3A_426 = arith.constant 0 : i32
        %sign3A_427 = arith.cmpi sgt, %jit3A_417, %sign3A_426 : i32
        %sign3A_428 = arith.extui %sign3A_427 : i1 to i32
        %sign3A_429 = arith.constant 0 : i32
        %sign3A_430 = arith.cmpi slt, %jit3A_417, %sign3A_429 : i32
        %sign3A_431 = arith.extui %sign3A_430 : i1 to i32
        %sign3A_432 = arith.subi %sign3A_428, %sign3A_431 : i32
        %ne3A_433 = arith.cmpi ne, %sign3A_425, %sign3A_432 : i32
        %rem3A_434 = arith.remsi %add3A_416, %jit3A_417 : i32
        %ne3A_435 = arith.constant 0 : i32
        %ne3A_436 = arith.cmpi ne, %rem3A_434, %ne3A_435 : i32
        %and3A_437 = arith.andi %ne3A_433, %ne3A_436 : i1
        %sub3A_438 = arith.constant 1 : i32
        %sub3A_439 = arith.subi %div3A_418, %sub3A_438 : i32
        %select_n3A_440 = arith.select %and3A_437, %sub3A_439, %div3A_418 : i32
        %jit3A_441 = arith.constant 8 : i32
        %eq3A_442 = arith.constant 0 : i32
        %eq3A_443 = arith.cmpi eq, %jit3A_441, %eq3A_442 : i32
        %jit3A_444 = arith.constant 1 : i32
        %select_n3A_445 = arith.select %eq3A_443, %jit3A_444, %jit3A_441 : i32
        %rem3A_446 = arith.remsi %add3A_416, %select_n3A_445 : i32
        %ne3A_447 = arith.constant 0 : i32
        %ne3A_448 = arith.cmpi ne, %rem3A_446, %ne3A_447 : i32
        %lt3A_449 = arith.constant 0 : i32
        %lt3A_450 = arith.cmpi slt, %rem3A_446, %lt3A_449 : i32
        %lt3A_451 = arith.constant 0 : i32
        %lt3A_452 = arith.cmpi slt, %select_n3A_445, %lt3A_451 : i32
        %ne3A_453 = arith.xori %lt3A_450, %lt3A_452 : i1
        %and3A_454 = arith.andi %ne3A_453, %ne3A_448 : i1
        %add3A_455 = arith.addi %rem3A_446, %select_n3A_445 : i32
        %select_n3A_456 = arith.select %and3A_454, %add3A_455, %rem3A_446 : i32
        %mul3A_457 = arith.constant 16 : i32
        %mul3A_458 = arith.muli %select_n3A_456, %mul3A_457 : i32
        %get3A_459 = arith.index_cast %select_n3A_440 : i32 to index
        %get3A_460 = arith.index_cast %mul3A_458 : i32 to index
        %get3A_461 = tpu.vector_load %arg22[%get3A_459, %get3A_460] {strides = array<i32>} : memref<40x128xf32, #tpu.memory_space<vmem>>, vector<1x16xf32>,
        %get3A_462 = vector.shape_cast %get3A_461 : vector<1x16xf32> to vector<16xf32>
        %get3A_463 = arith.index_cast %select_n3A_440 : i32 to index
        %get3A_464 = arith.index_cast %mul3A_458 : i32 to index
        %get3A_465 = tpu.vector_load %arg18[%get3A_463, %get3A_464] {strides = array<i32>} : memref<40x128xf32, #tpu.memory_space<vmem>>, vector<1x16xf32>,
        %get3A_466 = vector.shape_cast %get3A_465 : vector<1x16xf32> to vector<16xf32>
        %add3A_467 = arith.addf %get3A_462, %get3A_466 : vector<16xf32>
        %max3A_468 = arith.constant 0.000000e+00 : f32
        %max3A_469 = vector.broadcast %max3A_468 : f32 to vector<16xf32>
        %max3A_470 = arith.maximumf %add3A_467, %max3A_469 : vector<16xf32>
        %swap3A_471 = arith.index_cast %select_n3A_440 : i32 to index
        %swap3A_472 = arith.index_cast %mul3A_458 : i32 to index
        %swap3A_473 = tpu.vector_load %arg22[%swap3A_471, %swap3A_472] {strides = array<i32>} : memref<40x128xf32, #tpu.memory_space<vmem>>, vector<1x16xf32>,
        %swap3A_474 = vector.shape_cast %swap3A_473 : vector<1x16xf32> to vector<16xf32>
        %swap3A_475 = vector.shape_cast %max3A_470 : vector<16xf32> to vector<1x16xf32>
        tpu.vector_store %arg22[%swap3A_471, %swap3A_472], %swap3A_475 {strides = array<i32>} : memref<40x128xf32, #tpu.memory_space<vmem>>, vector<1x16xf32>,
        %scan3A_476 = arith.constant 4 : i32
        %scan3A_477 = arith.addi %scan3A_229, %scan3A_476 : i32
        %mul3A_478 = arith.constant 1 : i32
        %mul3A_479 = arith.muli %scan3A_477, %mul3A_478 : i32
        %add3A_480 = arith.constant 0 : i32
        %add3A_481 = arith.addi %add3A_480, %mul3A_479 : i32
        %jit3A_482 = arith.constant 8 : i32
        %div3A_483 = arith.divsi %add3A_481, %jit3A_482 : i32
        %sign3A_484 = arith.constant 0 : i32
        %sign3A_485 = arith.cmpi sgt, %add3A_481, %sign3A_484 : i32
        %sign3A_486 = arith.extui %sign3A_485 : i1 to i32
        %sign3A_487 = arith.constant 0 : i32
        %sign3A_488 = arith.cmpi slt, %add3A_481, %sign3A_487 : i32
        %sign3A_489 = arith.extui %sign3A_488 : i1 to i32
        %sign3A_490 = arith.subi %sign3A_486, %sign3A_489 : i32
        %sign3A_491 = arith.constant 0 : i32
        %sign3A_492 = arith.cmpi sgt, %jit3A_482, %sign3A_491 : i32
        %sign3A_493 = arith.extui %sign3A_492 : i1 to i32
        %sign3A_494 = arith.constant 0 : i32
        %sign3A_495 = arith.cmpi slt, %jit3A_482, %sign3A_494 : i32
        %sign3A_496 = arith.extui %sign3A_495 : i1 to i32
        %sign3A_497 = arith.subi %sign3A_493, %sign3A_496 : i32
        %ne3A_498 = arith.cmpi ne, %sign3A_490, %sign3A_497 : i32
        %rem3A_499 = arith.remsi %add3A_481, %jit3A_482 : i32
        %ne3A_500 = arith.constant 0 : i32
        %ne3A_501 = arith.cmpi ne, %rem3A_499, %ne3A_500 : i32
        %and3A_502 = arith.andi %ne3A_498, %ne3A_501 : i1
        %sub3A_503 = arith.constant 1 : i32
        %sub3A_504 = arith.subi %div3A_483, %sub3A_503 : i32
        %select_n3A_505 = arith.select %and3A_502, %sub3A_504, %div3A_483 : i32
        %jit3A_506 = arith.constant 8 : i32
        %eq3A_507 = arith.constant 0 : i32
        %eq3A_508 = arith.cmpi eq, %jit3A_506, %eq3A_507 : i32
        %jit3A_509 = arith.constant 1 : i32
        %select_n3A_510 = arith.select %eq3A_508, %jit3A_509, %jit3A_506 : i32
        %rem3A_511 = arith.remsi %add3A_481, %select_n3A_510 : i32
        %ne3A_512 = arith.constant 0 : i32
        %ne3A_513 = arith.cmpi ne, %rem3A_511, %ne3A_512 : i32
        %lt3A_514 = arith.constant 0 : i32
        %lt3A_515 = arith.cmpi slt, %rem3A_511, %lt3A_514 : i32
        %lt3A_516 = arith.constant 0 : i32
        %lt3A_517 = arith.cmpi slt, %select_n3A_510, %lt3A_516 : i32
        %ne3A_518 = arith.xori %lt3A_515, %lt3A_517 : i1
        %and3A_519 = arith.andi %ne3A_518, %ne3A_513 : i1
        %add3A_520 = arith.addi %rem3A_511, %select_n3A_510 : i32
        %select_n3A_521 = arith.select %and3A_519, %add3A_520, %rem3A_511 : i32
        %mul3A_522 = arith.constant 16 : i32
        %mul3A_523 = arith.muli %select_n3A_521, %mul3A_522 : i32
        %get3A_524 = arith.index_cast %select_n3A_505 : i32 to index
        %get3A_525 = arith.index_cast %mul3A_523 : i32 to index
        %get3A_526 = tpu.vector_load %arg22[%get3A_524, %get3A_525] {strides = array<i32>} : memref<40x128xf32, #tpu.memory_space<vmem>>, vector<1x16xf32>,
        %get3A_527 = vector.shape_cast %get3A_526 : vector<1x16xf32> to vector<16xf32>
        %get3A_528 = arith.index_cast %select_n3A_505 : i32 to index
        %get3A_529 = arith.index_cast %mul3A_523 : i32 to index
        %get3A_530 = tpu.vector_load %arg18[%get3A_528, %get3A_529] {strides = array<i32>} : memref<40x128xf32, #tpu.memory_space<vmem>>, vector<1x16xf32>,
        %get3A_531 = vector.shape_cast %get3A_530 : vector<1x16xf32> to vector<16xf32>
        %add3A_532 = arith.addf %get3A_527, %get3A_531 : vector<16xf32>
        %max3A_533 = arith.constant 0.000000e+00 : f32
        %max3A_534 = vector.broadcast %max3A_533 : f32 to vector<16xf32>
        %max3A_535 = arith.maximumf %add3A_532, %max3A_534 : vector<16xf32>
        %swap3A_536 = arith.index_cast %select_n3A_505 : i32 to index
        %swap3A_537 = arith.index_cast %mul3A_523 : i32 to index
        %swap3A_538 = tpu.vector_load %arg22[%swap3A_536, %swap3A_537] {strides = array<i32>} : memref<40x128xf32, #tpu.memory_space<vmem>>, vector<1x16xf32>,
        %swap3A_539 = vector.shape_cast %swap3A_538 : vector<1x16xf32> to vector<16xf32>
        %swap3A_540 = vector.shape_cast %max3A_535 : vector<16xf32> to vector<1x16xf32>
        tpu.vector_store %arg22[%swap3A_536, %swap3A_537], %swap3A_540 {strides = array<i32>} : memref<40x128xf32, #tpu.memory_space<vmem>>, vector<1x16xf32>,
        %scan3A_541 = arith.constant 5 : i32
        %scan3A_542 = arith.addi %scan3A_229, %scan3A_541 : i32
        %mul3A_543 = arith.constant 1 : i32
        %mul3A_544 = arith.muli %scan3A_542, %mul3A_543 : i32
        %add3A_545 = arith.constant 0 : i32
        %add3A_546 = arith.addi %add3A_545, %mul3A_544 : i32
        %jit3A_547 = arith.constant 8 : i32
        %div3A_548 = arith.divsi %add3A_546, %jit3A_547 : i32
        %sign3A_549 = arith.constant 0 : i32
        %sign3A_550 = arith.cmpi sgt, %add3A_546, %sign3A_549 : i32
        %sign3A_551 = arith.extui %sign3A_550 : i1 to i32
        %sign3A_552 = arith.constant 0 : i32
        %sign3A_553 = arith.cmpi slt, %add3A_546, %sign3A_552 : i32
        %sign3A_554 = arith.extui %sign3A_553 : i1 to i32
        %sign3A_555 = arith.subi %sign3A_551, %sign3A_554 : i32
        %sign3A_556 = arith.constant 0 : i32
        %sign3A_557 = arith.cmpi sgt, %jit3A_547, %sign3A_556 : i32
        %sign3A_558 = arith.extui %sign3A_557 : i1 to i32
        %sign3A_559 = arith.constant 0 : i32
        %sign3A_560 = arith.cmpi slt, %jit3A_547, %sign3A_559 : i32
        %sign3A_561 = arith.extui %sign3A_560 : i1 to i32
        %sign3A_562 = arith.subi %sign3A_558, %sign3A_561 : i32
        %ne3A_563 = arith.cmpi ne, %sign3A_555, %sign3A_562 : i32
        %rem3A_564 = arith.remsi %add3A_546, %jit3A_547 : i32
        %ne3A_565 = arith.constant 0 : i32
        %ne3A_566 = arith.cmpi ne, %rem3A_564, %ne3A_565 : i32
        %and3A_567 = arith.andi %ne3A_563, %ne3A_566 : i1
        %sub3A_568 = arith.constant 1 : i32
        %sub3A_569 = arith.subi %div3A_548, %sub3A_568 : i32
        %select_n3A_570 = arith.select %and3A_567, %sub3A_569, %div3A_548 : i32
        %jit3A_571 = arith.constant 8 : i32
        %eq3A_572 = arith.constant 0 : i32
        %eq3A_573 = arith.cmpi eq, %jit3A_571, %eq3A_572 : i32
        %jit3A_574 = arith.constant 1 : i32
        %select_n3A_575 = arith.select %eq3A_573, %jit3A_574, %jit3A_571 : i32
        %rem3A_576 = arith.remsi %add3A_546, %select_n3A_575 : i32
        %ne3A_577 = arith.constant 0 : i32
        %ne3A_578 = arith.cmpi ne, %rem3A_576, %ne3A_577 : i32
        %lt3A_579 = arith.constant 0 : i32
        %lt3A_580 = arith.cmpi slt, %rem3A_576, %lt3A_579 : i32
        %lt3A_581 = arith.constant 0 : i32
        %lt3A_582 = arith.cmpi slt, %select_n3A_575, %lt3A_581 : i32
        %ne3A_583 = arith.xori %lt3A_580, %lt3A_582 : i1
        %and3A_584 = arith.andi %ne3A_583, %ne3A_578 : i1
        %add3A_585 = arith.addi %rem3A_576, %select_n3A_575 : i32
        %select_n3A_586 = arith.select %and3A_584, %add3A_585, %rem3A_576 : i32
        %mul3A_587 = arith.constant 16 : i32
        %mul3A_588 = arith.muli %select_n3A_586, %mul3A_587 : i32
        %get3A_589 = arith.index_cast %select_n3A_570 : i32 to index
        %get3A_590 = arith.index_cast %mul3A_588 : i32 to index
        %get3A_591 = tpu.vector_load %arg22[%get3A_589, %get3A_590] {strides = array<i32>} : memref<40x128xf32, #tpu.memory_space<vmem>>, vector<1x16xf32>,
        %get3A_592 = vector.shape_cast %get3A_591 : vector<1x16xf32> to vector<16xf32>
        %get3A_593 = arith.index_cast %select_n3A_570 : i32 to index
        %get3A_594 = arith.index_cast %mul3A_588 : i32 to index
        %get3A_595 = tpu.vector_load %arg18[%get3A_593, %get3A_594] {strides = array<i32>} : memref<40x128xf32, #tpu.memory_space<vmem>>, vector<1x16xf32>,
        %get3A_596 = vector.shape_cast %get3A_595 : vector<1x16xf32> to vector<16xf32>
        %add3A_597 = arith.addf %get3A_592, %get3A_596 : vector<16xf32>
        %max3A_598 = arith.constant 0.000000e+00 : f32
        %max3A_599 = vector.broadcast %max3A_598 : f32 to vector<16xf32>
        %max3A_600 = arith.maximumf %add3A_597, %max3A_599 : vector<16xf32>
        %swap3A_601 = arith.index_cast %select_n3A_570 : i32 to index
        %swap3A_602 = arith.index_cast %mul3A_588 : i32 to index
        %swap3A_603 = tpu.vector_load %arg22[%swap3A_601, %swap3A_602] {strides = array<i32>} : memref<40x128xf32, #tpu.memory_space<vmem>>, vector<1x16xf32>,
        %swap3A_604 = vector.shape_cast %swap3A_603 : vector<1x16xf32> to vector<16xf32>
        %swap3A_605 = vector.shape_cast %max3A_600 : vector<16xf32> to vector<1x16xf32>
        tpu.vector_store %arg22[%swap3A_601, %swap3A_602], %swap3A_605 {strides = array<i32>} : memref<40x128xf32, #tpu.memory_space<vmem>>, vector<1x16xf32>,
        %scan3A_606 = arith.constant 6 : i32
        %scan3A_607 = arith.addi %scan3A_229, %scan3A_606 : i32
        %mul3A_608 = arith.constant 1 : i32
        %mul3A_609 = arith.muli %scan3A_607, %mul3A_608 : i32
        %add3A_610 = arith.constant 0 : i32
        %add3A_611 = arith.addi %add3A_610, %mul3A_609 : i32
        %jit3A_612 = arith.constant 8 : i32
        %div3A_613 = arith.divsi %add3A_611, %jit3A_612 : i32
        %sign3A_614 = arith.constant 0 : i32
        %sign3A_615 = arith.cmpi sgt, %add3A_611, %sign3A_614 : i32
        %sign3A_616 = arith.extui %sign3A_615 : i1 to i32
        %sign3A_617 = arith.constant 0 : i32
        %sign3A_618 = arith.cmpi slt, %add3A_611, %sign3A_617 : i32
        %sign3A_619 = arith.extui %sign3A_618 : i1 to i32
        %sign3A_620 = arith.subi %sign3A_616, %sign3A_619 : i32
        %sign3A_621 = arith.constant 0 : i32
        %sign3A_622 = arith.cmpi sgt, %jit3A_612, %sign3A_621 : i32
        %sign3A_623 = arith.extui %sign3A_622 : i1 to i32
        %sign3A_624 = arith.constant 0 : i32
        %sign3A_625 = arith.cmpi slt, %jit3A_612, %sign3A_624 : i32
        %sign3A_626 = arith.extui %sign3A_625 : i1 to i32
        %sign3A_627 = arith.subi %sign3A_623, %sign3A_626 : i32
        %ne3A_628 = arith.cmpi ne, %sign3A_620, %sign3A_627 : i32
        %rem3A_629 = arith.remsi %add3A_611, %jit3A_612 : i32
        %ne3A_630 = arith.constant 0 : i32
        %ne3A_631 = arith.cmpi ne, %rem3A_629, %ne3A_630 : i32
        %and3A_632 = arith.andi %ne3A_628, %ne3A_631 : i1
        %sub3A_633 = arith.constant 1 : i32
        %sub3A_634 = arith.subi %div3A_613, %sub3A_633 : i32
        %select_n3A_635 = arith.select %and3A_632, %sub3A_634, %div3A_613 : i32
        %jit3A_636 = arith.constant 8 : i32
        %eq3A_637 = arith.constant 0 : i32
        %eq3A_638 = arith.cmpi eq, %jit3A_636, %eq3A_637 : i32
        %jit3A_639 = arith.constant 1 : i32
        %select_n3A_640 = arith.select %eq3A_638, %jit3A_639, %jit3A_636 : i32
        %rem3A_641 = arith.remsi %add3A_611, %select_n3A_640 : i32
        %ne3A_642 = arith.constant 0 : i32
        %ne3A_643 = arith.cmpi ne, %rem3A_641, %ne3A_642 : i32
        %lt3A_644 = arith.constant 0 : i32
        %lt3A_645 = arith.cmpi slt, %rem3A_641, %lt3A_644 : i32
        %lt3A_646 = arith.constant 0 : i32
        %lt3A_647 = arith.cmpi slt, %select_n3A_640, %lt3A_646 : i32
        %ne3A_648 = arith.xori %lt3A_645, %lt3A_647 : i1
        %and3A_649 = arith.andi %ne3A_648, %ne3A_643 : i1
        %add3A_650 = arith.addi %rem3A_641, %select_n3A_640 : i32
        %select_n3A_651 = arith.select %and3A_649, %add3A_650, %rem3A_641 : i32
        %mul3A_652 = arith.constant 16 : i32
        %mul3A_653 = arith.muli %select_n3A_651, %mul3A_652 : i32
        %get3A_654 = arith.index_cast %select_n3A_635 : i32 to index
        %get3A_655 = arith.index_cast %mul3A_653 : i32 to index
        %get3A_656 = tpu.vector_load %arg22[%get3A_654, %get3A_655] {strides = array<i32>} : memref<40x128xf32, #tpu.memory_space<vmem>>, vector<1x16xf32>,
        %get3A_657 = vector.shape_cast %get3A_656 : vector<1x16xf32> to vector<16xf32>
        %get3A_658 = arith.index_cast %select_n3A_635 : i32 to index
        %get3A_659 = arith.index_cast %mul3A_653 : i32 to index
        %get3A_660 = tpu.vector_load %arg18[%get3A_658, %get3A_659] {strides = array<i32>} : memref<40x128xf32, #tpu.memory_space<vmem>>, vector<1x16xf32>,
        %get3A_661 = vector.shape_cast %get3A_660 : vector<1x16xf32> to vector<16xf32>
        %add3A_662 = arith.addf %get3A_657, %get3A_661 : vector<16xf32>
        %max3A_663 = arith.constant 0.000000e+00 : f32
        %max3A_664 = vector.broadcast %max3A_663 : f32 to vector<16xf32>
        %max3A_665 = arith.maximumf %add3A_662, %max3A_664 : vector<16xf32>
        %swap3A_666 = arith.index_cast %select_n3A_635 : i32 to index
        %swap3A_667 = arith.index_cast %mul3A_653 : i32 to index
        %swap3A_668 = tpu.vector_load %arg22[%swap3A_666, %swap3A_667] {strides = array<i32>} : memref<40x128xf32, #tpu.memory_space<vmem>>, vector<1x16xf32>,
        %swap3A_669 = vector.shape_cast %swap3A_668 : vector<1x16xf32> to vector<16xf32>
        %swap3A_670 = vector.shape_cast %max3A_665 : vector<16xf32> to vector<1x16xf32>
        tpu.vector_store %arg22[%swap3A_666, %swap3A_667], %swap3A_670 {strides = array<i32>} : memref<40x128xf32, #tpu.memory_space<vmem>>, vector<1x16xf32>,
        %scan3A_671 = arith.constant 7 : i32
        %scan3A_672 = arith.addi %scan3A_229, %scan3A_671 : i32
        %mul3A_673 = arith.constant 1 : i32
        %mul3A_674 = arith.muli %scan3A_672, %mul3A_673 : i32
        %add3A_675 = arith.constant 0 : i32
        %add3A_676 = arith.addi %add3A_675, %mul3A_674 : i32
        %jit3A_677 = arith.constant 8 : i32
        %div3A_678 = arith.divsi %add3A_676, %jit3A_677 : i32
        %sign3A_679 = arith.constant 0 : i32
        %sign3A_680 = arith.cmpi sgt, %add3A_676, %sign3A_679 : i32
        %sign3A_681 = arith.extui %sign3A_680 : i1 to i32
        %sign3A_682 = arith.constant 0 : i32
        %sign3A_683 = arith.cmpi slt, %add3A_676, %sign3A_682 : i32
        %sign3A_684 = arith.extui %sign3A_683 : i1 to i32
        %sign3A_685 = arith.subi %sign3A_681, %sign3A_684 : i32
        %sign3A_686 = arith.constant 0 : i32
        %sign3A_687 = arith.cmpi sgt, %jit3A_677, %sign3A_686 : i32
        %sign3A_688 = arith.extui %sign3A_687 : i1 to i32
        %sign3A_689 = arith.constant 0 : i32
        %sign3A_690 = arith.cmpi slt, %jit3A_677, %sign3A_689 : i32
        %sign3A_691 = arith.extui %sign3A_690 : i1 to i32
        %sign3A_692 = arith.subi %sign3A_688, %sign3A_691 : i32
        %ne3A_693 = arith.cmpi ne, %sign3A_685, %sign3A_692 : i32
        %rem3A_694 = arith.remsi %add3A_676, %jit3A_677 : i32
        %ne3A_695 = arith.constant 0 : i32
        %ne3A_696 = arith.cmpi ne, %rem3A_694, %ne3A_695 : i32
        %and3A_697 = arith.andi %ne3A_693, %ne3A_696 : i1
        %sub3A_698 = arith.constant 1 : i32
        %sub3A_699 = arith.subi %div3A_678, %sub3A_698 : i32
        %select_n3A_700 = arith.select %and3A_697, %sub3A_699, %div3A_678 : i32
        %jit3A_701 = arith.constant 8 : i32
        %eq3A_702 = arith.constant 0 : i32
        %eq3A_703 = arith.cmpi eq, %jit3A_701, %eq3A_702 : i32
        %jit3A_704 = arith.constant 1 : i32
        %select_n3A_705 = arith.select %eq3A_703, %jit3A_704, %jit3A_701 : i32
        %rem3A_706 = arith.remsi %add3A_676, %select_n3A_705 : i32
        %ne3A_707 = arith.constant 0 : i32
        %ne3A_708 = arith.cmpi ne, %rem3A_706, %ne3A_707 : i32
        %lt3A_709 = arith.constant 0 : i32
        %lt3A_710 = arith.cmpi slt, %rem3A_706, %lt3A_709 : i32
        %lt3A_711 = arith.constant 0 : i32
        %lt3A_712 = arith.cmpi slt, %select_n3A_705, %lt3A_711 : i32
        %ne3A_713 = arith.xori %lt3A_710, %lt3A_712 : i1
        %and3A_714 = arith.andi %ne3A_713, %ne3A_708 : i1
        %add3A_715 = arith.addi %rem3A_706, %select_n3A_705 : i32
        %select_n3A_716 = arith.select %and3A_714, %add3A_715, %rem3A_706 : i32
        %mul3A_717 = arith.constant 16 : i32
        %mul3A_718 = arith.muli %select_n3A_716, %mul3A_717 : i32
        %get3A_719 = arith.index_cast %select_n3A_700 : i32 to index
        %get3A_720 = arith.index_cast %mul3A_718 : i32 to index
        %get3A_721 = tpu.vector_load %arg22[%get3A_719, %get3A_720] {strides = array<i32>} : memref<40x128xf32, #tpu.memory_space<vmem>>, vector<1x16xf32>,
        %get3A_722 = vector.shape_cast %get3A_721 : vector<1x16xf32> to vector<16xf32>
        %get3A_723 = arith.index_cast %select_n3A_700 : i32 to index
        %get3A_724 = arith.index_cast %mul3A_718 : i32 to index
        %get3A_725 = tpu.vector_load %arg18[%get3A_723, %get3A_724] {strides = array<i32>} : memref<40x128xf32, #tpu.memory_space<vmem>>, vector<1x16xf32>,
        %get3A_726 = vector.shape_cast %get3A_725 : vector<1x16xf32> to vector<16xf32>
        %add3A_727 = arith.addf %get3A_722, %get3A_726 : vector<16xf32>
        %max3A_728 = arith.constant 0.000000e+00 : f32
        %max3A_729 = vector.broadcast %max3A_728 : f32 to vector<16xf32>
        %max3A_730 = arith.maximumf %add3A_727, %max3A_729 : vector<16xf32>
        %swap3A_731 = arith.index_cast %select_n3A_700 : i32 to index
        %swap3A_732 = arith.index_cast %mul3A_718 : i32 to index
        %swap3A_733 = tpu.vector_load %arg22[%swap3A_731, %swap3A_732] {strides = array<i32>} : memref<40x128xf32, #tpu.memory_space<vmem>>, vector<1x16xf32>,
        %swap3A_734 = vector.shape_cast %swap3A_733 : vector<1x16xf32> to vector<16xf32>
        %swap3A_735 = vector.shape_cast %max3A_730 : vector<16xf32> to vector<1x16xf32>
        tpu.vector_store %arg22[%swap3A_731, %swap3A_732], %swap3A_735 {strides = array<i32>} : memref<40x128xf32, #tpu.memory_space<vmem>>, vector<1x16xf32>,
      }
      %scan3A_184 = arith.constant 320 : i32
      %dma_start3A_185 = arith.constant 0 : i32
      %dma_start3A_186 = arith.constant 0 : i32
      %dma_start3A_187 = tpu.memref_slice %arg7[%dma_start3A_185, %dma_start3A_186] : memref<10112x128xf32, #tpu.memory_space<vmem_shared>> -> memref<10112x128xf32, #tpu.memory_space<vmem_shared>>
      tpu.enqueue_indirect_dma source(%arg22 : memref<40x128xf32, #tpu.memory_space<vmem>>) target(%dma_start3A_187 : memref<10112x128xf32, #tpu.memory_space<vmem_shared>>) offsets(%arg14 : memref<40xi32, #tpu.memory_space<vmem>>) semaphore(%arg28 : memref<!tpu.dma_semaphore, #tpu.memory_space<semaphore_mem>>) {add = true}
      %mul3A_188 = arith.constant 4 : i32
      %mul3A_189 = arith.muli %add3A_68, %mul3A_188 : i32
      %add3A_190 = arith.constant 3 : i32
      %add3A_191 = arith.addi %mul3A_189, %add3A_190 : i32
      %add3A_192 = arith.constant 1 : i32
      %add3A_193 = arith.addi %add3A_191, %add3A_192 : i32
      %lt3A_194 = arith.constant 252 : i32
      %lt3A_195 = arith.cmpi slt, %add3A_193, %lt3A_194 : i32
      %convert_element_type3A_196 = arith.extui %lt3A_195 : i1 to i32
      %cond3A_197 = arith.constant 0 : i32
      %cond3A_198 = arith.cmpi ne, %convert_element_type3A_196, %cond3A_197 : i32
      scf.if %cond3A_198 {
        %dma_wait3A_229 = arith.constant 0 : i32
        %dma_wait3A_230 = tpu.memref_slice %arg3[%dma_wait3A_229] : memref<322560xi32, #tpu.memory_space<hbm>> -> memref<40xi32, #tpu.memory_space<hbm>>
        %dma_wait3A_231 = arith.constant 0 : i32
        %dma_wait3A_232 = tpu.memref_slice %arg3[%dma_wait3A_231] : memref<322560xi32, #tpu.memory_space<hbm>> -> memref<40xi32, #tpu.memory_space<hbm>>
        tpu.wait_dma2 semaphore(%arg24 : memref<!tpu.dma_semaphore, #tpu.memory_space<semaphore_mem>>) src(%dma_wait3A_232 : memref<40xi32, #tpu.memory_space<hbm>>) dst(%arg8 : memref<40xi32, #tpu.memory_space<vmem>>)
        %dma_wait3A_233 = arith.constant 0 : i32
        %dma_wait3A_234 = tpu.memref_slice %arg4[%dma_wait3A_233] : memref<322560xi32, #tpu.memory_space<hbm>> -> memref<40xi32, #tpu.memory_space<hbm>>
        %dma_wait3A_235 = arith.constant 0 : i32
        %dma_wait3A_236 = tpu.memref_slice %arg4[%dma_wait3A_235] : memref<322560xi32, #tpu.memory_space<hbm>> -> memref<40xi32, #tpu.memory_space<hbm>>
        tpu.wait_dma2 semaphore(%arg24 : memref<!tpu.dma_semaphore, #tpu.memory_space<semaphore_mem>>) src(%dma_wait3A_236 : memref<40xi32, #tpu.memory_space<hbm>>) dst(%arg12 : memref<40xi32, #tpu.memory_space<vmem>>)
        %dma_wait3A_237 = arith.constant 0 : i32
        %dma_wait3A_238 = arith.constant 0 : i32
        %dma_wait3A_239 = tpu.memref_slice %arg5[%dma_wait3A_237, %dma_wait3A_238] : memref<322560x128xf32, #tpu.memory_space<hbm>> -> memref<40x128xf32, #tpu.memory_space<hbm>>
        %dma_wait3A_240 = arith.constant 0 : i32
        %dma_wait3A_241 = arith.constant 0 : i32
        %dma_wait3A_242 = tpu.memref_slice %arg5[%dma_wait3A_240, %dma_wait3A_241] : memref<322560x128xf32, #tpu.memory_space<hbm>> -> memref<40x128xf32, #tpu.memory_space<hbm>>
        tpu.wait_dma2 semaphore(%arg24 : memref<!tpu.dma_semaphore, #tpu.memory_space<semaphore_mem>>) src(%dma_wait3A_242 : memref<40x128xf32, #tpu.memory_space<hbm>>) dst(%arg16 : memref<40x128xf32, #tpu.memory_space<vmem>>)
      } else {
      }
      %dma_wait3A_199 = arith.constant 0 : i32
      %dma_wait3A_200 = arith.constant 0 : i32
      %dma_wait3A_201 = tpu.memref_slice %arg2[%dma_wait3A_199, %dma_wait3A_200] : memref<10000x128xf32, #tpu.memory_space<hbm>> -> memref<10000x128xf32, #tpu.memory_space<hbm>>
      tpu.wait_indirect_dma semaphore(%arg25 : memref<!tpu.dma_semaphore, #tpu.memory_space<semaphore_mem>>) src(%dma_wait3A_201 : memref<10000x128xf32, #tpu.memory_space<hbm>>) dst(%arg23 : memref<40x128xf32, #tpu.memory_space<vmem>>)
      %add3A_202 = arith.constant 1 : i32
      %add3A_203 = arith.addi %add3A_191, %add3A_202 : i32
      %lt3A_204 = arith.constant 252 : i32
      %lt3A_205 = arith.cmpi slt, %add3A_203, %lt3A_204 : i32
      %convert_element_type3A_206 = arith.extui %lt3A_205 : i1 to i32
      %cond3A_207 = arith.constant 0 : i32
      %cond3A_208 = arith.cmpi ne, %convert_element_type3A_206, %cond3A_207 : i32
      scf.if %cond3A_208 {
        %dma_start3A_229 = arith.constant 0 : i32
        %dma_start3A_230 = arith.constant 0 : i32
        %dma_start3A_231 = tpu.memref_slice %arg2[%dma_start3A_229, %dma_start3A_230] : memref<10000x128xf32, #tpu.memory_space<hbm>> -> memref<10000x128xf32, #tpu.memory_space<hbm>>
        tpu.enqueue_indirect_dma source(%dma_start3A_231 : memref<10000x128xf32, #tpu.memory_space<hbm>>) target(%arg20 : memref<40x128xf32, #tpu.memory_space<vmem>>) offsets(%arg8 : memref<40xi32, #tpu.memory_space<vmem>>) semaphore(%arg25 : memref<!tpu.dma_semaphore, #tpu.memory_space<semaphore_mem>>)
      } else {
      }
      %ge3A_209 = arith.constant 2 : i32
      %ge3A_210 = arith.cmpi sge, %add3A_191, %ge3A_209 : i32
      %convert_element_type3A_211 = arith.extui %ge3A_210 : i1 to i32
      %cond3A_212 = arith.constant 0 : i32
      %cond3A_213 = arith.cmpi ne, %convert_element_type3A_211, %cond3A_212 : i32
      scf.if %cond3A_213 {
        %dma_wait3A_229 = arith.constant 0 : i32
        %dma_wait3A_230 = arith.constant 0 : i32
        %dma_wait3A_231 = tpu.memref_slice %arg7[%dma_wait3A_229, %dma_wait3A_230] : memref<10112x128xf32, #tpu.memory_space<vmem_shared>> -> memref<10112x128xf32, #tpu.memory_space<vmem_shared>>
        tpu.wait_indirect_dma semaphore(%arg27 : memref<!tpu.dma_semaphore, #tpu.memory_space<semaphore_mem>>) src(%arg21 : memref<40x128xf32, #tpu.memory_space<vmem>>) dst(%dma_wait3A_231 : memref<10112x128xf32, #tpu.memory_space<vmem_shared>>)
      } else {
      }
      %add3A_214 = arith.constant 2 : i32
      %add3A_215 = arith.addi %add3A_191, %add3A_214 : i32
      %lt3A_216 = arith.constant 252 : i32
      %lt3A_217 = arith.cmpi slt, %add3A_215, %lt3A_216 : i32
      %convert_element_type3A_218 = arith.extui %lt3A_217 : i1 to i32
      %cond3A_219 = arith.constant 0 : i32
      %cond3A_220 = arith.cmpi ne, %convert_element_type3A_218, %cond3A_219 : i32
      scf.if %cond3A_220 {
        %add3A_229 = arith.constant 2 : i32
        %add3A_230 = arith.addi %add3A_191, %add3A_229 : i32
        %mul3A_231 = arith.constant 40 : i32
        %mul3A_232 = arith.muli %add3A_230, %mul3A_231 : i32
        %add3A_233 = arith.addi %mul3A_2, %mul3A_232 : i32
        %dma_start3A_234 = tpu.memref_slice %arg3[%add3A_233] : memref<322560xi32, #tpu.memory_space<hbm>> -> memref<40xi32, #tpu.memory_space<hbm>>
        %dma_start3A_235 = tpu.memref_slice %arg3[%add3A_233] : memref<322560xi32, #tpu.memory_space<hbm>> -> memref<40xi32, #tpu.memory_space<hbm>>
        tpu.enqueue_dma source(%dma_start3A_235 : memref<40xi32, #tpu.memory_space<hbm>>) target(%arg9 : memref<40xi32, #tpu.memory_space<vmem>>) target_semaphore(%arg24 : memref<!tpu.dma_semaphore, #tpu.memory_space<semaphore_mem>>)
        %dma_start3A_236 = tpu.memref_slice %arg4[%add3A_233] : memref<322560xi32, #tpu.memory_space<hbm>> -> memref<40xi32, #tpu.memory_space<hbm>>
        %dma_start3A_237 = tpu.memref_slice %arg4[%add3A_233] : memref<322560xi32, #tpu.memory_space<hbm>> -> memref<40xi32, #tpu.memory_space<hbm>>
        tpu.enqueue_dma source(%dma_start3A_237 : memref<40xi32, #tpu.memory_space<hbm>>) target(%arg13 : memref<40xi32, #tpu.memory_space<vmem>>) target_semaphore(%arg24 : memref<!tpu.dma_semaphore, #tpu.memory_space<semaphore_mem>>)
        %dma_start3A_238 = arith.constant 0 : i32
        %dma_start3A_239 = tpu.memref_slice %arg5[%add3A_233, %dma_start3A_238] : memref<322560x128xf32, #tpu.memory_space<hbm>> -> memref<40x128xf32, #tpu.memory_space<hbm>>
        %dma_start3A_240 = arith.constant 0 : i32
        %dma_start3A_241 = tpu.memref_slice %arg5[%add3A_233, %dma_start3A_240] : memref<322560x128xf32, #tpu.memory_space<hbm>> -> memref<40x128xf32, #tpu.memory_space<hbm>>
        tpu.enqueue_dma source(%dma_start3A_241 : memref<40x128xf32, #tpu.memory_space<hbm>>) target(%arg17 : memref<40x128xf32, #tpu.memory_space<vmem>>) target_semaphore(%arg24 : memref<!tpu.dma_semaphore, #tpu.memory_space<semaphore_mem>>)
      } else {
      }
      %scan3A_221 = arith.constant 0 : i32
      %scan3A_222 = arith.constant 320 : i32
      %scan3A_223 = arith.addi %scan3A_221, %scan3A_222 : i32
      %scan3A_224 = arith.constant 8 : i32
      scf.for %scan3A_229 = %scan3A_221 to %scan3A_223 step %scan3A_224  : i32 {
        %mul3A_230 = arith.constant 1 : i32
        %mul3A_231 = arith.muli %scan3A_229, %mul3A_230 : i32
        %add3A_232 = arith.constant 0 : i32
        %add3A_233 = arith.addi %add3A_232, %mul3A_231 : i32
        %jit3A = arith.constant 8 : i32
        %div3A = arith.divsi %add3A_233, %jit3A : i32
        %sign3A = arith.constant 0 : i32
        %sign3A_234 = arith.cmpi sgt, %add3A_233, %sign3A : i32
        %sign3A_235 = arith.extui %sign3A_234 : i1 to i32
        %sign3A_236 = arith.constant 0 : i32
        %sign3A_237 = arith.cmpi slt, %add3A_233, %sign3A_236 : i32
        %sign3A_238 = arith.extui %sign3A_237 : i1 to i32
        %sign3A_239 = arith.subi %sign3A_235, %sign3A_238 : i32
        %sign3A_240 = arith.constant 0 : i32
        %sign3A_241 = arith.cmpi sgt, %jit3A, %sign3A_240 : i32
        %sign3A_242 = arith.extui %sign3A_241 : i1 to i32
        %sign3A_243 = arith.constant 0 : i32
        %sign3A_244 = arith.cmpi slt, %jit3A, %sign3A_243 : i32
        %sign3A_245 = arith.extui %sign3A_244 : i1 to i32
        %sign3A_246 = arith.subi %sign3A_242, %sign3A_245 : i32
        %ne3A = arith.cmpi ne, %sign3A_239, %sign3A_246 : i32
        %rem3A = arith.remsi %add3A_233, %jit3A : i32
        %ne3A_247 = arith.constant 0 : i32
        %ne3A_248 = arith.cmpi ne, %rem3A, %ne3A_247 : i32
        %and3A = arith.andi %ne3A, %ne3A_248 : i1
        %sub3A = arith.constant 1 : i32
        %sub3A_249 = arith.subi %div3A, %sub3A : i32
        %select_n3A = arith.select %and3A, %sub3A_249, %div3A : i32
        %jit3A_250 = arith.constant 8 : i32
        %eq3A = arith.constant 0 : i32
        %eq3A_251 = arith.cmpi eq, %jit3A_250, %eq3A : i32
        %jit3A_252 = arith.constant 1 : i32
        %select_n3A_253 = arith.select %eq3A_251, %jit3A_252, %jit3A_250 : i32
        %rem3A_254 = arith.remsi %add3A_233, %select_n3A_253 : i32
        %ne3A_255 = arith.constant 0 : i32
        %ne3A_256 = arith.cmpi ne, %rem3A_254, %ne3A_255 : i32
        %lt3A_257 = arith.constant 0 : i32
        %lt3A_258 = arith.cmpi slt, %rem3A_254, %lt3A_257 : i32
        %lt3A_259 = arith.constant 0 : i32
        %lt3A_260 = arith.cmpi slt, %select_n3A_253, %lt3A_259 : i32
        %ne3A_261 = arith.xori %lt3A_258, %lt3A_260 : i1
        %and3A_262 = arith.andi %ne3A_261, %ne3A_256 : i1
        %add3A_263 = arith.addi %rem3A_254, %select_n3A_253 : i32
        %select_n3A_264 = arith.select %and3A_262, %add3A_263, %rem3A_254 : i32
        %mul3A_265 = arith.constant 16 : i32
        %mul3A_266 = arith.muli %select_n3A_264, %mul3A_265 : i32
        %get3A = arith.index_cast %select_n3A : i32 to index
        %get3A_267 = arith.index_cast %mul3A_266 : i32 to index
        %get3A_268 = tpu.vector_load %arg23[%get3A, %get3A_267] {strides = array<i32>} : memref<40x128xf32, #tpu.memory_space<vmem>>, vector<1x16xf32>,
        %get3A_269 = vector.shape_cast %get3A_268 : vector<1x16xf32> to vector<16xf32>
        %get3A_270 = arith.index_cast %select_n3A : i32 to index
        %get3A_271 = arith.index_cast %mul3A_266 : i32 to index
        %get3A_272 = tpu.vector_load %arg19[%get3A_270, %get3A_271] {strides = array<i32>} : memref<40x128xf32, #tpu.memory_space<vmem>>, vector<1x16xf32>,
        %get3A_273 = vector.shape_cast %get3A_272 : vector<1x16xf32> to vector<16xf32>
        %add3A_274 = arith.addf %get3A_269, %get3A_273 : vector<16xf32>
        %max3A = arith.constant 0.000000e+00 : f32
        %max3A_275 = vector.broadcast %max3A : f32 to vector<16xf32>
        %max3A_276 = arith.maximumf %add3A_274, %max3A_275 : vector<16xf32>
        %swap3A = arith.index_cast %select_n3A : i32 to index
        %swap3A_277 = arith.index_cast %mul3A_266 : i32 to index
        %swap3A_278 = tpu.vector_load %arg23[%swap3A, %swap3A_277] {strides = array<i32>} : memref<40x128xf32, #tpu.memory_space<vmem>>, vector<1x16xf32>,
        %swap3A_279 = vector.shape_cast %swap3A_278 : vector<1x16xf32> to vector<16xf32>
        %swap3A_280 = vector.shape_cast %max3A_276 : vector<16xf32> to vector<1x16xf32>
        tpu.vector_store %arg23[%swap3A, %swap3A_277], %swap3A_280 {strides = array<i32>} : memref<40x128xf32, #tpu.memory_space<vmem>>, vector<1x16xf32>,
        %scan3A_281 = arith.constant 1 : i32
        %scan3A_282 = arith.addi %scan3A_229, %scan3A_281 : i32
        %mul3A_283 = arith.constant 1 : i32
        %mul3A_284 = arith.muli %scan3A_282, %mul3A_283 : i32
        %add3A_285 = arith.constant 0 : i32
        %add3A_286 = arith.addi %add3A_285, %mul3A_284 : i32
        %jit3A_287 = arith.constant 8 : i32
        %div3A_288 = arith.divsi %add3A_286, %jit3A_287 : i32
        %sign3A_289 = arith.constant 0 : i32
        %sign3A_290 = arith.cmpi sgt, %add3A_286, %sign3A_289 : i32
        %sign3A_291 = arith.extui %sign3A_290 : i1 to i32
        %sign3A_292 = arith.constant 0 : i32
        %sign3A_293 = arith.cmpi slt, %add3A_286, %sign3A_292 : i32
        %sign3A_294 = arith.extui %sign3A_293 : i1 to i32
        %sign3A_295 = arith.subi %sign3A_291, %sign3A_294 : i32
        %sign3A_296 = arith.constant 0 : i32
        %sign3A_297 = arith.cmpi sgt, %jit3A_287, %sign3A_296 : i32
        %sign3A_298 = arith.extui %sign3A_297 : i1 to i32
        %sign3A_299 = arith.constant 0 : i32
        %sign3A_300 = arith.cmpi slt, %jit3A_287, %sign3A_299 : i32
        %sign3A_301 = arith.extui %sign3A_300 : i1 to i32
        %sign3A_302 = arith.subi %sign3A_298, %sign3A_301 : i32
        %ne3A_303 = arith.cmpi ne, %sign3A_295, %sign3A_302 : i32
        %rem3A_304 = arith.remsi %add3A_286, %jit3A_287 : i32
        %ne3A_305 = arith.constant 0 : i32
        %ne3A_306 = arith.cmpi ne, %rem3A_304, %ne3A_305 : i32
        %and3A_307 = arith.andi %ne3A_303, %ne3A_306 : i1
        %sub3A_308 = arith.constant 1 : i32
        %sub3A_309 = arith.subi %div3A_288, %sub3A_308 : i32
        %select_n3A_310 = arith.select %and3A_307, %sub3A_309, %div3A_288 : i32
        %jit3A_311 = arith.constant 8 : i32
        %eq3A_312 = arith.constant 0 : i32
        %eq3A_313 = arith.cmpi eq, %jit3A_311, %eq3A_312 : i32
        %jit3A_314 = arith.constant 1 : i32
        %select_n3A_315 = arith.select %eq3A_313, %jit3A_314, %jit3A_311 : i32
        %rem3A_316 = arith.remsi %add3A_286, %select_n3A_315 : i32
        %ne3A_317 = arith.constant 0 : i32
        %ne3A_318 = arith.cmpi ne, %rem3A_316, %ne3A_317 : i32
        %lt3A_319 = arith.constant 0 : i32
        %lt3A_320 = arith.cmpi slt, %rem3A_316, %lt3A_319 : i32
        %lt3A_321 = arith.constant 0 : i32
        %lt3A_322 = arith.cmpi slt, %select_n3A_315, %lt3A_321 : i32
        %ne3A_323 = arith.xori %lt3A_320, %lt3A_322 : i1
        %and3A_324 = arith.andi %ne3A_323, %ne3A_318 : i1
        %add3A_325 = arith.addi %rem3A_316, %select_n3A_315 : i32
        %select_n3A_326 = arith.select %and3A_324, %add3A_325, %rem3A_316 : i32
        %mul3A_327 = arith.constant 16 : i32
        %mul3A_328 = arith.muli %select_n3A_326, %mul3A_327 : i32
        %get3A_329 = arith.index_cast %select_n3A_310 : i32 to index
        %get3A_330 = arith.index_cast %mul3A_328 : i32 to index
        %get3A_331 = tpu.vector_load %arg23[%get3A_329, %get3A_330] {strides = array<i32>} : memref<40x128xf32, #tpu.memory_space<vmem>>, vector<1x16xf32>,
        %get3A_332 = vector.shape_cast %get3A_331 : vector<1x16xf32> to vector<16xf32>
        %get3A_333 = arith.index_cast %select_n3A_310 : i32 to index
        %get3A_334 = arith.index_cast %mul3A_328 : i32 to index
        %get3A_335 = tpu.vector_load %arg19[%get3A_333, %get3A_334] {strides = array<i32>} : memref<40x128xf32, #tpu.memory_space<vmem>>, vector<1x16xf32>,
        %get3A_336 = vector.shape_cast %get3A_335 : vector<1x16xf32> to vector<16xf32>
        %add3A_337 = arith.addf %get3A_332, %get3A_336 : vector<16xf32>
        %max3A_338 = arith.constant 0.000000e+00 : f32
        %max3A_339 = vector.broadcast %max3A_338 : f32 to vector<16xf32>
        %max3A_340 = arith.maximumf %add3A_337, %max3A_339 : vector<16xf32>
        %swap3A_341 = arith.index_cast %select_n3A_310 : i32 to index
        %swap3A_342 = arith.index_cast %mul3A_328 : i32 to index
        %swap3A_343 = tpu.vector_load %arg23[%swap3A_341, %swap3A_342] {strides = array<i32>} : memref<40x128xf32, #tpu.memory_space<vmem>>, vector<1x16xf32>,
        %swap3A_344 = vector.shape_cast %swap3A_343 : vector<1x16xf32> to vector<16xf32>
        %swap3A_345 = vector.shape_cast %max3A_340 : vector<16xf32> to vector<1x16xf32>
        tpu.vector_store %arg23[%swap3A_341, %swap3A_342], %swap3A_345 {strides = array<i32>} : memref<40x128xf32, #tpu.memory_space<vmem>>, vector<1x16xf32>,
        %scan3A_346 = arith.constant 2 : i32
        %scan3A_347 = arith.addi %scan3A_229, %scan3A_346 : i32
        %mul3A_348 = arith.constant 1 : i32
        %mul3A_349 = arith.muli %scan3A_347, %mul3A_348 : i32
        %add3A_350 = arith.constant 0 : i32
        %add3A_351 = arith.addi %add3A_350, %mul3A_349 : i32
        %jit3A_352 = arith.constant 8 : i32
        %div3A_353 = arith.divsi %add3A_351, %jit3A_352 : i32
        %sign3A_354 = arith.constant 0 : i32
        %sign3A_355 = arith.cmpi sgt, %add3A_351, %sign3A_354 : i32
        %sign3A_356 = arith.extui %sign3A_355 : i1 to i32
        %sign3A_357 = arith.constant 0 : i32
        %sign3A_358 = arith.cmpi slt, %add3A_351, %sign3A_357 : i32
        %sign3A_359 = arith.extui %sign3A_358 : i1 to i32
        %sign3A_360 = arith.subi %sign3A_356, %sign3A_359 : i32
        %sign3A_361 = arith.constant 0 : i32
        %sign3A_362 = arith.cmpi sgt, %jit3A_352, %sign3A_361 : i32
        %sign3A_363 = arith.extui %sign3A_362 : i1 to i32
        %sign3A_364 = arith.constant 0 : i32
        %sign3A_365 = arith.cmpi slt, %jit3A_352, %sign3A_364 : i32
        %sign3A_366 = arith.extui %sign3A_365 : i1 to i32
        %sign3A_367 = arith.subi %sign3A_363, %sign3A_366 : i32
        %ne3A_368 = arith.cmpi ne, %sign3A_360, %sign3A_367 : i32
        %rem3A_369 = arith.remsi %add3A_351, %jit3A_352 : i32
        %ne3A_370 = arith.constant 0 : i32
        %ne3A_371 = arith.cmpi ne, %rem3A_369, %ne3A_370 : i32
        %and3A_372 = arith.andi %ne3A_368, %ne3A_371 : i1
        %sub3A_373 = arith.constant 1 : i32
        %sub3A_374 = arith.subi %div3A_353, %sub3A_373 : i32
        %select_n3A_375 = arith.select %and3A_372, %sub3A_374, %div3A_353 : i32
        %jit3A_376 = arith.constant 8 : i32
        %eq3A_377 = arith.constant 0 : i32
        %eq3A_378 = arith.cmpi eq, %jit3A_376, %eq3A_377 : i32
        %jit3A_379 = arith.constant 1 : i32
        %select_n3A_380 = arith.select %eq3A_378, %jit3A_379, %jit3A_376 : i32
        %rem3A_381 = arith.remsi %add3A_351, %select_n3A_380 : i32
        %ne3A_382 = arith.constant 0 : i32
        %ne3A_383 = arith.cmpi ne, %rem3A_381, %ne3A_382 : i32
        %lt3A_384 = arith.constant 0 : i32
        %lt3A_385 = arith.cmpi slt, %rem3A_381, %lt3A_384 : i32
        %lt3A_386 = arith.constant 0 : i32
        %lt3A_387 = arith.cmpi slt, %select_n3A_380, %lt3A_386 : i32
        %ne3A_388 = arith.xori %lt3A_385, %lt3A_387 : i1
        %and3A_389 = arith.andi %ne3A_388, %ne3A_383 : i1
        %add3A_390 = arith.addi %rem3A_381, %select_n3A_380 : i32
        %select_n3A_391 = arith.select %and3A_389, %add3A_390, %rem3A_381 : i32
        %mul3A_392 = arith.constant 16 : i32
        %mul3A_393 = arith.muli %select_n3A_391, %mul3A_392 : i32
        %get3A_394 = arith.index_cast %select_n3A_375 : i32 to index
        %get3A_395 = arith.index_cast %mul3A_393 : i32 to index
        %get3A_396 = tpu.vector_load %arg23[%get3A_394, %get3A_395] {strides = array<i32>} : memref<40x128xf32, #tpu.memory_space<vmem>>, vector<1x16xf32>,
        %get3A_397 = vector.shape_cast %get3A_396 : vector<1x16xf32> to vector<16xf32>
        %get3A_398 = arith.index_cast %select_n3A_375 : i32 to index
        %get3A_399 = arith.index_cast %mul3A_393 : i32 to index
        %get3A_400 = tpu.vector_load %arg19[%get3A_398, %get3A_399] {strides = array<i32>} : memref<40x128xf32, #tpu.memory_space<vmem>>, vector<1x16xf32>,
        %get3A_401 = vector.shape_cast %get3A_400 : vector<1x16xf32> to vector<16xf32>
        %add3A_402 = arith.addf %get3A_397, %get3A_401 : vector<16xf32>
        %max3A_403 = arith.constant 0.000000e+00 : f32
        %max3A_404 = vector.broadcast %max3A_403 : f32 to vector<16xf32>
        %max3A_405 = arith.maximumf %add3A_402, %max3A_404 : vector<16xf32>
        %swap3A_406 = arith.index_cast %select_n3A_375 : i32 to index
        %swap3A_407 = arith.index_cast %mul3A_393 : i32 to index
        %swap3A_408 = tpu.vector_load %arg23[%swap3A_406, %swap3A_407] {strides = array<i32>} : memref<40x128xf32, #tpu.memory_space<vmem>>, vector<1x16xf32>,
        %swap3A_409 = vector.shape_cast %swap3A_408 : vector<1x16xf32> to vector<16xf32>
        %swap3A_410 = vector.shape_cast %max3A_405 : vector<16xf32> to vector<1x16xf32>
        tpu.vector_store %arg23[%swap3A_406, %swap3A_407], %swap3A_410 {strides = array<i32>} : memref<40x128xf32, #tpu.memory_space<vmem>>, vector<1x16xf32>,
        %scan3A_411 = arith.constant 3 : i32
        %scan3A_412 = arith.addi %scan3A_229, %scan3A_411 : i32
        %mul3A_413 = arith.constant 1 : i32
        %mul3A_414 = arith.muli %scan3A_412, %mul3A_413 : i32
        %add3A_415 = arith.constant 0 : i32
        %add3A_416 = arith.addi %add3A_415, %mul3A_414 : i32
        %jit3A_417 = arith.constant 8 : i32
        %div3A_418 = arith.divsi %add3A_416, %jit3A_417 : i32
        %sign3A_419 = arith.constant 0 : i32
        %sign3A_420 = arith.cmpi sgt, %add3A_416, %sign3A_419 : i32
        %sign3A_421 = arith.extui %sign3A_420 : i1 to i32
        %sign3A_422 = arith.constant 0 : i32
        %sign3A_423 = arith.cmpi slt, %add3A_416, %sign3A_422 : i32
        %sign3A_424 = arith.extui %sign3A_423 : i1 to i32
        %sign3A_425 = arith.subi %sign3A_421, %sign3A_424 : i32
        %sign3A_426 = arith.constant 0 : i32
        %sign3A_427 = arith.cmpi sgt, %jit3A_417, %sign3A_426 : i32
        %sign3A_428 = arith.extui %sign3A_427 : i1 to i32
        %sign3A_429 = arith.constant 0 : i32
        %sign3A_430 = arith.cmpi slt, %jit3A_417, %sign3A_429 : i32
        %sign3A_431 = arith.extui %sign3A_430 : i1 to i32
        %sign3A_432 = arith.subi %sign3A_428, %sign3A_431 : i32
        %ne3A_433 = arith.cmpi ne, %sign3A_425, %sign3A_432 : i32
        %rem3A_434 = arith.remsi %add3A_416, %jit3A_417 : i32
        %ne3A_435 = arith.constant 0 : i32
        %ne3A_436 = arith.cmpi ne, %rem3A_434, %ne3A_435 : i32
        %and3A_437 = arith.andi %ne3A_433, %ne3A_436 : i1
        %sub3A_438 = arith.constant 1 : i32
        %sub3A_439 = arith.subi %div3A_418, %sub3A_438 : i32
        %select_n3A_440 = arith.select %and3A_437, %sub3A_439, %div3A_418 : i32
        %jit3A_441 = arith.constant 8 : i32
        %eq3A_442 = arith.constant 0 : i32
        %eq3A_443 = arith.cmpi eq, %jit3A_441, %eq3A_442 : i32
        %jit3A_444 = arith.constant 1 : i32
        %select_n3A_445 = arith.select %eq3A_443, %jit3A_444, %jit3A_441 : i32
        %rem3A_446 = arith.remsi %add3A_416, %select_n3A_445 : i32
        %ne3A_447 = arith.constant 0 : i32
        %ne3A_448 = arith.cmpi ne, %rem3A_446, %ne3A_447 : i32
        %lt3A_449 = arith.constant 0 : i32
        %lt3A_450 = arith.cmpi slt, %rem3A_446, %lt3A_449 : i32
        %lt3A_451 = arith.constant 0 : i32
        %lt3A_452 = arith.cmpi slt, %select_n3A_445, %lt3A_451 : i32
        %ne3A_453 = arith.xori %lt3A_450, %lt3A_452 : i1
        %and3A_454 = arith.andi %ne3A_453, %ne3A_448 : i1
        %add3A_455 = arith.addi %rem3A_446, %select_n3A_445 : i32
        %select_n3A_456 = arith.select %and3A_454, %add3A_455, %rem3A_446 : i32
        %mul3A_457 = arith.constant 16 : i32
        %mul3A_458 = arith.muli %select_n3A_456, %mul3A_457 : i32
        %get3A_459 = arith.index_cast %select_n3A_440 : i32 to index
        %get3A_460 = arith.index_cast %mul3A_458 : i32 to index
        %get3A_461 = tpu.vector_load %arg23[%get3A_459, %get3A_460] {strides = array<i32>} : memref<40x128xf32, #tpu.memory_space<vmem>>, vector<1x16xf32>,
        %get3A_462 = vector.shape_cast %get3A_461 : vector<1x16xf32> to vector<16xf32>
        %get3A_463 = arith.index_cast %select_n3A_440 : i32 to index
        %get3A_464 = arith.index_cast %mul3A_458 : i32 to index
        %get3A_465 = tpu.vector_load %arg19[%get3A_463, %get3A_464] {strides = array<i32>} : memref<40x128xf32, #tpu.memory_space<vmem>>, vector<1x16xf32>,
        %get3A_466 = vector.shape_cast %get3A_465 : vector<1x16xf32> to vector<16xf32>
        %add3A_467 = arith.addf %get3A_462, %get3A_466 : vector<16xf32>
        %max3A_468 = arith.constant 0.000000e+00 : f32
        %max3A_469 = vector.broadcast %max3A_468 : f32 to vector<16xf32>
        %max3A_470 = arith.maximumf %add3A_467, %max3A_469 : vector<16xf32>
        %swap3A_471 = arith.index_cast %select_n3A_440 : i32 to index
        %swap3A_472 = arith.index_cast %mul3A_458 : i32 to index
        %swap3A_473 = tpu.vector_load %arg23[%swap3A_471, %swap3A_472] {strides = array<i32>} : memref<40x128xf32, #tpu.memory_space<vmem>>, vector<1x16xf32>,
        %swap3A_474 = vector.shape_cast %swap3A_473 : vector<1x16xf32> to vector<16xf32>
        %swap3A_475 = vector.shape_cast %max3A_470 : vector<16xf32> to vector<1x16xf32>
        tpu.vector_store %arg23[%swap3A_471, %swap3A_472], %swap3A_475 {strides = array<i32>} : memref<40x128xf32, #tpu.memory_space<vmem>>, vector<1x16xf32>,
        %scan3A_476 = arith.constant 4 : i32
        %scan3A_477 = arith.addi %scan3A_229, %scan3A_476 : i32
        %mul3A_478 = arith.constant 1 : i32
        %mul3A_479 = arith.muli %scan3A_477, %mul3A_478 : i32
        %add3A_480 = arith.constant 0 : i32
        %add3A_481 = arith.addi %add3A_480, %mul3A_479 : i32
        %jit3A_482 = arith.constant 8 : i32
        %div3A_483 = arith.divsi %add3A_481, %jit3A_482 : i32
        %sign3A_484 = arith.constant 0 : i32
        %sign3A_485 = arith.cmpi sgt, %add3A_481, %sign3A_484 : i32
        %sign3A_486 = arith.extui %sign3A_485 : i1 to i32
        %sign3A_487 = arith.constant 0 : i32
        %sign3A_488 = arith.cmpi slt, %add3A_481, %sign3A_487 : i32
        %sign3A_489 = arith.extui %sign3A_488 : i1 to i32
        %sign3A_490 = arith.subi %sign3A_486, %sign3A_489 : i32
        %sign3A_491 = arith.constant 0 : i32
        %sign3A_492 = arith.cmpi sgt, %jit3A_482, %sign3A_491 : i32
        %sign3A_493 = arith.extui %sign3A_492 : i1 to i32
        %sign3A_494 = arith.constant 0 : i32
        %sign3A_495 = arith.cmpi slt, %jit3A_482, %sign3A_494 : i32
        %sign3A_496 = arith.extui %sign3A_495 : i1 to i32
        %sign3A_497 = arith.subi %sign3A_493, %sign3A_496 : i32
        %ne3A_498 = arith.cmpi ne, %sign3A_490, %sign3A_497 : i32
        %rem3A_499 = arith.remsi %add3A_481, %jit3A_482 : i32
        %ne3A_500 = arith.constant 0 : i32
        %ne3A_501 = arith.cmpi ne, %rem3A_499, %ne3A_500 : i32
        %and3A_502 = arith.andi %ne3A_498, %ne3A_501 : i1
        %sub3A_503 = arith.constant 1 : i32
        %sub3A_504 = arith.subi %div3A_483, %sub3A_503 : i32
        %select_n3A_505 = arith.select %and3A_502, %sub3A_504, %div3A_483 : i32
        %jit3A_506 = arith.constant 8 : i32
        %eq3A_507 = arith.constant 0 : i32
        %eq3A_508 = arith.cmpi eq, %jit3A_506, %eq3A_507 : i32
        %jit3A_509 = arith.constant 1 : i32
        %select_n3A_510 = arith.select %eq3A_508, %jit3A_509, %jit3A_506 : i32
        %rem3A_511 = arith.remsi %add3A_481, %select_n3A_510 : i32
        %ne3A_512 = arith.constant 0 : i32
        %ne3A_513 = arith.cmpi ne, %rem3A_511, %ne3A_512 : i32
        %lt3A_514 = arith.constant 0 : i32
        %lt3A_515 = arith.cmpi slt, %rem3A_511, %lt3A_514 : i32
        %lt3A_516 = arith.constant 0 : i32
        %lt3A_517 = arith.cmpi slt, %select_n3A_510, %lt3A_516 : i32
        %ne3A_518 = arith.xori %lt3A_515, %lt3A_517 : i1
        %and3A_519 = arith.andi %ne3A_518, %ne3A_513 : i1
        %add3A_520 = arith.addi %rem3A_511, %select_n3A_510 : i32
        %select_n3A_521 = arith.select %and3A_519, %add3A_520, %rem3A_511 : i32
        %mul3A_522 = arith.constant 16 : i32
        %mul3A_523 = arith.muli %select_n3A_521, %mul3A_522 : i32
        %get3A_524 = arith.index_cast %select_n3A_505 : i32 to index
        %get3A_525 = arith.index_cast %mul3A_523 : i32 to index
        %get3A_526 = tpu.vector_load %arg23[%get3A_524, %get3A_525] {strides = array<i32>} : memref<40x128xf32, #tpu.memory_space<vmem>>, vector<1x16xf32>,
        %get3A_527 = vector.shape_cast %get3A_526 : vector<1x16xf32> to vector<16xf32>
        %get3A_528 = arith.index_cast %select_n3A_505 : i32 to index
        %get3A_529 = arith.index_cast %mul3A_523 : i32 to index
        %get3A_530 = tpu.vector_load %arg19[%get3A_528, %get3A_529] {strides = array<i32>} : memref<40x128xf32, #tpu.memory_space<vmem>>, vector<1x16xf32>,
        %get3A_531 = vector.shape_cast %get3A_530 : vector<1x16xf32> to vector<16xf32>
        %add3A_532 = arith.addf %get3A_527, %get3A_531 : vector<16xf32>
        %max3A_533 = arith.constant 0.000000e+00 : f32
        %max3A_534 = vector.broadcast %max3A_533 : f32 to vector<16xf32>
        %max3A_535 = arith.maximumf %add3A_532, %max3A_534 : vector<16xf32>
        %swap3A_536 = arith.index_cast %select_n3A_505 : i32 to index
        %swap3A_537 = arith.index_cast %mul3A_523 : i32 to index
        %swap3A_538 = tpu.vector_load %arg23[%swap3A_536, %swap3A_537] {strides = array<i32>} : memref<40x128xf32, #tpu.memory_space<vmem>>, vector<1x16xf32>,
        %swap3A_539 = vector.shape_cast %swap3A_538 : vector<1x16xf32> to vector<16xf32>
        %swap3A_540 = vector.shape_cast %max3A_535 : vector<16xf32> to vector<1x16xf32>
        tpu.vector_store %arg23[%swap3A_536, %swap3A_537], %swap3A_540 {strides = array<i32>} : memref<40x128xf32, #tpu.memory_space<vmem>>, vector<1x16xf32>,
        %scan3A_541 = arith.constant 5 : i32
        %scan3A_542 = arith.addi %scan3A_229, %scan3A_541 : i32
        %mul3A_543 = arith.constant 1 : i32
        %mul3A_544 = arith.muli %scan3A_542, %mul3A_543 : i32
        %add3A_545 = arith.constant 0 : i32
        %add3A_546 = arith.addi %add3A_545, %mul3A_544 : i32
        %jit3A_547 = arith.constant 8 : i32
        %div3A_548 = arith.divsi %add3A_546, %jit3A_547 : i32
        %sign3A_549 = arith.constant 0 : i32
        %sign3A_550 = arith.cmpi sgt, %add3A_546, %sign3A_549 : i32
        %sign3A_551 = arith.extui %sign3A_550 : i1 to i32
        %sign3A_552 = arith.constant 0 : i32
        %sign3A_553 = arith.cmpi slt, %add3A_546, %sign3A_552 : i32
        %sign3A_554 = arith.extui %sign3A_553 : i1 to i32
        %sign3A_555 = arith.subi %sign3A_551, %sign3A_554 : i32
        %sign3A_556 = arith.constant 0 : i32
        %sign3A_557 = arith.cmpi sgt, %jit3A_547, %sign3A_556 : i32
        %sign3A_558 = arith.extui %sign3A_557 : i1 to i32
        %sign3A_559 = arith.constant 0 : i32
        %sign3A_560 = arith.cmpi slt, %jit3A_547, %sign3A_559 : i32
        %sign3A_561 = arith.extui %sign3A_560 : i1 to i32
        %sign3A_562 = arith.subi %sign3A_558, %sign3A_561 : i32
        %ne3A_563 = arith.cmpi ne, %sign3A_555, %sign3A_562 : i32
        %rem3A_564 = arith.remsi %add3A_546, %jit3A_547 : i32
        %ne3A_565 = arith.constant 0 : i32
        %ne3A_566 = arith.cmpi ne, %rem3A_564, %ne3A_565 : i32
        %and3A_567 = arith.andi %ne3A_563, %ne3A_566 : i1
        %sub3A_568 = arith.constant 1 : i32
        %sub3A_569 = arith.subi %div3A_548, %sub3A_568 : i32
        %select_n3A_570 = arith.select %and3A_567, %sub3A_569, %div3A_548 : i32
        %jit3A_571 = arith.constant 8 : i32
        %eq3A_572 = arith.constant 0 : i32
        %eq3A_573 = arith.cmpi eq, %jit3A_571, %eq3A_572 : i32
        %jit3A_574 = arith.constant 1 : i32
        %select_n3A_575 = arith.select %eq3A_573, %jit3A_574, %jit3A_571 : i32
        %rem3A_576 = arith.remsi %add3A_546, %select_n3A_575 : i32
        %ne3A_577 = arith.constant 0 : i32
        %ne3A_578 = arith.cmpi ne, %rem3A_576, %ne3A_577 : i32
        %lt3A_579 = arith.constant 0 : i32
        %lt3A_580 = arith.cmpi slt, %rem3A_576, %lt3A_579 : i32
        %lt3A_581 = arith.constant 0 : i32
        %lt3A_582 = arith.cmpi slt, %select_n3A_575, %lt3A_581 : i32
        %ne3A_583 = arith.xori %lt3A_580, %lt3A_582 : i1
        %and3A_584 = arith.andi %ne3A_583, %ne3A_578 : i1
        %add3A_585 = arith.addi %rem3A_576, %select_n3A_575 : i32
        %select_n3A_586 = arith.select %and3A_584, %add3A_585, %rem3A_576 : i32
        %mul3A_587 = arith.constant 16 : i32
        %mul3A_588 = arith.muli %select_n3A_586, %mul3A_587 : i32
        %get3A_589 = arith.index_cast %select_n3A_570 : i32 to index
        %get3A_590 = arith.index_cast %mul3A_588 : i32 to index
        %get3A_591 = tpu.vector_load %arg23[%get3A_589, %get3A_590] {strides = array<i32>} : memref<40x128xf32, #tpu.memory_space<vmem>>, vector<1x16xf32>,
        %get3A_592 = vector.shape_cast %get3A_591 : vector<1x16xf32> to vector<16xf32>
        %get3A_593 = arith.index_cast %select_n3A_570 : i32 to index
        %get3A_594 = arith.index_cast %mul3A_588 : i32 to index
        %get3A_595 = tpu.vector_load %arg19[%get3A_593, %get3A_594] {strides = array<i32>} : memref<40x128xf32, #tpu.memory_space<vmem>>, vector<1x16xf32>,
        %get3A_596 = vector.shape_cast %get3A_595 : vector<1x16xf32> to vector<16xf32>
        %add3A_597 = arith.addf %get3A_592, %get3A_596 : vector<16xf32>
        %max3A_598 = arith.constant 0.000000e+00 : f32
        %max3A_599 = vector.broadcast %max3A_598 : f32 to vector<16xf32>
        %max3A_600 = arith.maximumf %add3A_597, %max3A_599 : vector<16xf32>
        %swap3A_601 = arith.index_cast %select_n3A_570 : i32 to index
        %swap3A_602 = arith.index_cast %mul3A_588 : i32 to index
        %swap3A_603 = tpu.vector_load %arg23[%swap3A_601, %swap3A_602] {strides = array<i32>} : memref<40x128xf32, #tpu.memory_space<vmem>>, vector<1x16xf32>,
        %swap3A_604 = vector.shape_cast %swap3A_603 : vector<1x16xf32> to vector<16xf32>
        %swap3A_605 = vector.shape_cast %max3A_600 : vector<16xf32> to vector<1x16xf32>
        tpu.vector_store %arg23[%swap3A_601, %swap3A_602], %swap3A_605 {strides = array<i32>} : memref<40x128xf32, #tpu.memory_space<vmem>>, vector<1x16xf32>,
        %scan3A_606 = arith.constant 6 : i32
        %scan3A_607 = arith.addi %scan3A_229, %scan3A_606 : i32
        %mul3A_608 = arith.constant 1 : i32
        %mul3A_609 = arith.muli %scan3A_607, %mul3A_608 : i32
        %add3A_610 = arith.constant 0 : i32
        %add3A_611 = arith.addi %add3A_610, %mul3A_609 : i32
        %jit3A_612 = arith.constant 8 : i32
        %div3A_613 = arith.divsi %add3A_611, %jit3A_612 : i32
        %sign3A_614 = arith.constant 0 : i32
        %sign3A_615 = arith.cmpi sgt, %add3A_611, %sign3A_614 : i32
        %sign3A_616 = arith.extui %sign3A_615 : i1 to i32
        %sign3A_617 = arith.constant 0 : i32
        %sign3A_618 = arith.cmpi slt, %add3A_611, %sign3A_617 : i32
        %sign3A_619 = arith.extui %sign3A_618 : i1 to i32
        %sign3A_620 = arith.subi %sign3A_616, %sign3A_619 : i32
        %sign3A_621 = arith.constant 0 : i32
        %sign3A_622 = arith.cmpi sgt, %jit3A_612, %sign3A_621 : i32
        %sign3A_623 = arith.extui %sign3A_622 : i1 to i32
        %sign3A_624 = arith.constant 0 : i32
        %sign3A_625 = arith.cmpi slt, %jit3A_612, %sign3A_624 : i32
        %sign3A_626 = arith.extui %sign3A_625 : i1 to i32
        %sign3A_627 = arith.subi %sign3A_623, %sign3A_626 : i32
        %ne3A_628 = arith.cmpi ne, %sign3A_620, %sign3A_627 : i32
        %rem3A_629 = arith.remsi %add3A_611, %jit3A_612 : i32
        %ne3A_630 = arith.constant 0 : i32
        %ne3A_631 = arith.cmpi ne, %rem3A_629, %ne3A_630 : i32
        %and3A_632 = arith.andi %ne3A_628, %ne3A_631 : i1
        %sub3A_633 = arith.constant 1 : i32
        %sub3A_634 = arith.subi %div3A_613, %sub3A_633 : i32
        %select_n3A_635 = arith.select %and3A_632, %sub3A_634, %div3A_613 : i32
        %jit3A_636 = arith.constant 8 : i32
        %eq3A_637 = arith.constant 0 : i32
        %eq3A_638 = arith.cmpi eq, %jit3A_636, %eq3A_637 : i32
        %jit3A_639 = arith.constant 1 : i32
        %select_n3A_640 = arith.select %eq3A_638, %jit3A_639, %jit3A_636 : i32
        %rem3A_641 = arith.remsi %add3A_611, %select_n3A_640 : i32
        %ne3A_642 = arith.constant 0 : i32
        %ne3A_643 = arith.cmpi ne, %rem3A_641, %ne3A_642 : i32
        %lt3A_644 = arith.constant 0 : i32
        %lt3A_645 = arith.cmpi slt, %rem3A_641, %lt3A_644 : i32
        %lt3A_646 = arith.constant 0 : i32
        %lt3A_647 = arith.cmpi slt, %select_n3A_640, %lt3A_646 : i32
        %ne3A_648 = arith.xori %lt3A_645, %lt3A_647 : i1
        %and3A_649 = arith.andi %ne3A_648, %ne3A_643 : i1
        %add3A_650 = arith.addi %rem3A_641, %select_n3A_640 : i32
        %select_n3A_651 = arith.select %and3A_649, %add3A_650, %rem3A_641 : i32
        %mul3A_652 = arith.constant 16 : i32
        %mul3A_653 = arith.muli %select_n3A_651, %mul3A_652 : i32
        %get3A_654 = arith.index_cast %select_n3A_635 : i32 to index
        %get3A_655 = arith.index_cast %mul3A_653 : i32 to index
        %get3A_656 = tpu.vector_load %arg23[%get3A_654, %get3A_655] {strides = array<i32>} : memref<40x128xf32, #tpu.memory_space<vmem>>, vector<1x16xf32>,
        %get3A_657 = vector.shape_cast %get3A_656 : vector<1x16xf32> to vector<16xf32>
        %get3A_658 = arith.index_cast %select_n3A_635 : i32 to index
        %get3A_659 = arith.index_cast %mul3A_653 : i32 to index
        %get3A_660 = tpu.vector_load %arg19[%get3A_658, %get3A_659] {strides = array<i32>} : memref<40x128xf32, #tpu.memory_space<vmem>>, vector<1x16xf32>,
        %get3A_661 = vector.shape_cast %get3A_660 : vector<1x16xf32> to vector<16xf32>
        %add3A_662 = arith.addf %get3A_657, %get3A_661 : vector<16xf32>
        %max3A_663 = arith.constant 0.000000e+00 : f32
        %max3A_664 = vector.broadcast %max3A_663 : f32 to vector<16xf32>
        %max3A_665 = arith.maximumf %add3A_662, %max3A_664 : vector<16xf32>
        %swap3A_666 = arith.index_cast %select_n3A_635 : i32 to index
        %swap3A_667 = arith.index_cast %mul3A_653 : i32 to index
        %swap3A_668 = tpu.vector_load %arg23[%swap3A_666, %swap3A_667] {strides = array<i32>} : memref<40x128xf32, #tpu.memory_space<vmem>>, vector<1x16xf32>,
        %swap3A_669 = vector.shape_cast %swap3A_668 : vector<1x16xf32> to vector<16xf32>
        %swap3A_670 = vector.shape_cast %max3A_665 : vector<16xf32> to vector<1x16xf32>
        tpu.vector_store %arg23[%swap3A_666, %swap3A_667], %swap3A_670 {strides = array<i32>} : memref<40x128xf32, #tpu.memory_space<vmem>>, vector<1x16xf32>,
        %scan3A_671 = arith.constant 7 : i32
        %scan3A_672 = arith.addi %scan3A_229, %scan3A_671 : i32
        %mul3A_673 = arith.constant 1 : i32
        %mul3A_674 = arith.muli %scan3A_672, %mul3A_673 : i32
        %add3A_675 = arith.constant 0 : i32
        %add3A_676 = arith.addi %add3A_675, %mul3A_674 : i32
        %jit3A_677 = arith.constant 8 : i32
        %div3A_678 = arith.divsi %add3A_676, %jit3A_677 : i32
        %sign3A_679 = arith.constant 0 : i32
        %sign3A_680 = arith.cmpi sgt, %add3A_676, %sign3A_679 : i32
        %sign3A_681 = arith.extui %sign3A_680 : i1 to i32
        %sign3A_682 = arith.constant 0 : i32
        %sign3A_683 = arith.cmpi slt, %add3A_676, %sign3A_682 : i32
        %sign3A_684 = arith.extui %sign3A_683 : i1 to i32
        %sign3A_685 = arith.subi %sign3A_681, %sign3A_684 : i32
        %sign3A_686 = arith.constant 0 : i32
        %sign3A_687 = arith.cmpi sgt, %jit3A_677, %sign3A_686 : i32
        %sign3A_688 = arith.extui %sign3A_687 : i1 to i32
        %sign3A_689 = arith.constant 0 : i32
        %sign3A_690 = arith.cmpi slt, %jit3A_677, %sign3A_689 : i32
        %sign3A_691 = arith.extui %sign3A_690 : i1 to i32
        %sign3A_692 = arith.subi %sign3A_688, %sign3A_691 : i32
        %ne3A_693 = arith.cmpi ne, %sign3A_685, %sign3A_692 : i32
        %rem3A_694 = arith.remsi %add3A_676, %jit3A_677 : i32
        %ne3A_695 = arith.constant 0 : i32
        %ne3A_696 = arith.cmpi ne, %rem3A_694, %ne3A_695 : i32
        %and3A_697 = arith.andi %ne3A_693, %ne3A_696 : i1
        %sub3A_698 = arith.constant 1 : i32
        %sub3A_699 = arith.subi %div3A_678, %sub3A_698 : i32
        %select_n3A_700 = arith.select %and3A_697, %sub3A_699, %div3A_678 : i32
        %jit3A_701 = arith.constant 8 : i32
        %eq3A_702 = arith.constant 0 : i32
        %eq3A_703 = arith.cmpi eq, %jit3A_701, %eq3A_702 : i32
        %jit3A_704 = arith.constant 1 : i32
        %select_n3A_705 = arith.select %eq3A_703, %jit3A_704, %jit3A_701 : i32
        %rem3A_706 = arith.remsi %add3A_676, %select_n3A_705 : i32
        %ne3A_707 = arith.constant 0 : i32
        %ne3A_708 = arith.cmpi ne, %rem3A_706, %ne3A_707 : i32
        %lt3A_709 = arith.constant 0 : i32
        %lt3A_710 = arith.cmpi slt, %rem3A_706, %lt3A_709 : i32
        %lt3A_711 = arith.constant 0 : i32
        %lt3A_712 = arith.cmpi slt, %select_n3A_705, %lt3A_711 : i32
        %ne3A_713 = arith.xori %lt3A_710, %lt3A_712 : i1
        %and3A_714 = arith.andi %ne3A_713, %ne3A_708 : i1
        %add3A_715 = arith.addi %rem3A_706, %select_n3A_705 : i32
        %select_n3A_716 = arith.select %and3A_714, %add3A_715, %rem3A_706 : i32
        %mul3A_717 = arith.constant 16 : i32
        %mul3A_718 = arith.muli %select_n3A_716, %mul3A_717 : i32
        %get3A_719 = arith.index_cast %select_n3A_700 : i32 to index
        %get3A_720 = arith.index_cast %mul3A_718 : i32 to index
        %get3A_721 = tpu.vector_load %arg23[%get3A_719, %get3A_720] {strides = array<i32>} : memref<40x128xf32, #tpu.memory_space<vmem>>, vector<1x16xf32>,
        %get3A_722 = vector.shape_cast %get3A_721 : vector<1x16xf32> to vector<16xf32>
        %get3A_723 = arith.index_cast %select_n3A_700 : i32 to index
        %get3A_724 = arith.index_cast %mul3A_718 : i32 to index
        %get3A_725 = tpu.vector_load %arg19[%get3A_723, %get3A_724] {strides = array<i32>} : memref<40x128xf32, #tpu.memory_space<vmem>>, vector<1x16xf32>,
        %get3A_726 = vector.shape_cast %get3A_725 : vector<1x16xf32> to vector<16xf32>
        %add3A_727 = arith.addf %get3A_722, %get3A_726 : vector<16xf32>
        %max3A_728 = arith.constant 0.000000e+00 : f32
        %max3A_729 = vector.broadcast %max3A_728 : f32 to vector<16xf32>
        %max3A_730 = arith.maximumf %add3A_727, %max3A_729 : vector<16xf32>
        %swap3A_731 = arith.index_cast %select_n3A_700 : i32 to index
        %swap3A_732 = arith.index_cast %mul3A_718 : i32 to index
        %swap3A_733 = tpu.vector_load %arg23[%swap3A_731, %swap3A_732] {strides = array<i32>} : memref<40x128xf32, #tpu.memory_space<vmem>>, vector<1x16xf32>,
        %swap3A_734 = vector.shape_cast %swap3A_733 : vector<1x16xf32> to vector<16xf32>
        %swap3A_735 = vector.shape_cast %max3A_730 : vector<16xf32> to vector<1x16xf32>
        tpu.vector_store %arg23[%swap3A_731, %swap3A_732], %swap3A_735 {strides = array<i32>} : memref<40x128xf32, #tpu.memory_space<vmem>>, vector<1x16xf32>,
      }
      %scan3A_225 = arith.constant 320 : i32
      %dma_start3A_226 = arith.constant 0 : i32
      %dma_start3A_227 = arith.constant 0 : i32
      %dma_start3A_228 = tpu.memref_slice %arg7[%dma_start3A_226, %dma_start3A_227] : memref<10112x128xf32, #tpu.memory_space<vmem_shared>> -> memref<10112x128xf32, #tpu.memory_space<vmem_shared>>
      tpu.enqueue_indirect_dma source(%arg23 : memref<40x128xf32, #tpu.memory_space<vmem>>) target(%dma_start3A_228 : memref<10112x128xf32, #tpu.memory_space<vmem_shared>>) offsets(%arg15 : memref<40xi32, #tpu.memory_space<vmem>>) semaphore(%arg29 : memref<!tpu.dma_semaphore, #tpu.memory_space<semaphore_mem>>) {add = true}
    }
    %scan3A_56 = arith.constant 63 : i32
    %dma_wait3A_57 = arith.constant 0 : i32
    %dma_wait3A_58 = arith.constant 0 : i32
    %dma_wait3A_59 = tpu.memref_slice %arg7[%dma_wait3A_57, %dma_wait3A_58] : memref<10112x128xf32, #tpu.memory_space<vmem_shared>> -> memref<10112x128xf32, #tpu.memory_space<vmem_shared>>
    tpu.wait_indirect_dma semaphore(%arg28 : memref<!tpu.dma_semaphore, #tpu.memory_space<semaphore_mem>>) src(%arg22 : memref<40x128xf32, #tpu.memory_space<vmem>>) dst(%dma_wait3A_59 : memref<10112x128xf32, #tpu.memory_space<vmem_shared>>)
    %dma_wait3A_60 = arith.constant 0 : i32
    %dma_wait3A_61 = arith.constant 0 : i32
    %dma_wait3A_62 = tpu.memref_slice %arg7[%dma_wait3A_60, %dma_wait3A_61] : memref<10112x128xf32, #tpu.memory_space<vmem_shared>> -> memref<10112x128xf32, #tpu.memory_space<vmem_shared>>
    tpu.wait_indirect_dma semaphore(%arg29 : memref<!tpu.dma_semaphore, #tpu.memory_space<semaphore_mem>>) src(%arg23 : memref<40x128xf32, #tpu.memory_space<vmem>>) dst(%dma_wait3A_62 : memref<10112x128xf32, #tpu.memory_space<vmem_shared>>)
    %barrier3A_63 = arith.constant 0 : index
    tpu.barrier barrier_id(%barrier3A_63)
    "tpu.region"() ({
      %run_scoped3A = tpu.sem_alloc : memref<!tpu.dma_semaphore, #tpu.memory_space<semaphore_mem>>
      %dma_start3A_64 = arith.constant 0 : i32
      %dma_start3A_65 = tpu.memref_slice %arg6[%arg0, %mul3A_4, %dma_start3A_64] : memref<2x10112x128xf32, #tpu.memory_space<hbm>> -> memref<1x632x128xf32, #tpu.memory_space<hbm>>
      %dma_start3A_66 = tpu.memref_squeeze %dma_start3A_65 : memref<1x632x128xf32, #tpu.memory_space<hbm>> -> memref<632x128xf32, #tpu.memory_space<hbm>>
      %dma_start3A_67 = arith.constant 0 : i32
      %dma_start3A_68 = tpu.memref_slice %arg7[%mul3A_4, %dma_start3A_67] : memref<10112x128xf32, #tpu.memory_space<vmem_shared>> -> memref<632x128xf32, #tpu.memory_space<vmem_shared>>
      tpu.enqueue_dma source(%dma_start3A_68 : memref<632x128xf32, #tpu.memory_space<vmem_shared>>) target(%dma_start3A_66 : memref<632x128xf32, #tpu.memory_space<hbm>>) target_semaphore(%run_scoped3A : memref<!tpu.dma_semaphore, #tpu.memory_space<semaphore_mem>>)
      %dma_wait3A_69 = arith.constant 0 : i32
      %dma_wait3A_70 = tpu.memref_slice %arg6[%arg0, %mul3A_4, %dma_wait3A_69] : memref<2x10112x128xf32, #tpu.memory_space<hbm>> -> memref<1x632x128xf32, #tpu.memory_space<hbm>>
      %dma_wait3A_71 = tpu.memref_squeeze %dma_wait3A_70 : memref<1x632x128xf32, #tpu.memory_space<hbm>> -> memref<632x128xf32, #tpu.memory_space<hbm>>
      %dma_wait3A_72 = arith.constant 0 : i32
      %dma_wait3A_73 = tpu.memref_slice %arg7[%mul3A_4, %dma_wait3A_72] : memref<10112x128xf32, #tpu.memory_space<vmem_shared>> -> memref<632x128xf32, #tpu.memory_space<vmem_shared>>
      tpu.wait_dma2 semaphore(%run_scoped3A : memref<!tpu.dma_semaphore, #tpu.memory_space<semaphore_mem>>) src(%dma_wait3A_73 : memref<632x128xf32, #tpu.memory_space<vmem_shared>>) dst(%dma_wait3A_71 : memref<632x128xf32, #tpu.memory_space<hbm>>)
      tpu.yield
    }) : () -> ()
    return
  }
}

#map = affine_map<(d0, d1) -> (0, 0)>
#map1 = affine_map<(d0, d1) -> (0)>
#map2 = affine_map<(d0, d1) -> (0, 0, 0)>
module attributes {stable_mosaic.version = 14 : i64} {
  func.func @k(%arg0: i32, %arg1: i32, %arg2: memref<10000x128xf32, #tpu.memory_space<hbm>>, %arg3: memref<322560xi32, #tpu.memory_space<hbm>>, %arg4: memref<322560xi32, #tpu.memory_space<hbm>>, %arg5: memref<322560x128xf32, #tpu.memory_space<hbm>>, %arg6: memref<2x10112x128xf32, #tpu.memory_space<hbm>>, %arg7: memref<10112x128xf32, #tpu.memory_space<vmem_shared>>, %arg8: memref<40xi32, #tpu.memory_space<vmem>>, %arg9: memref<40xi32, #tpu.memory_space<vmem>>, %arg10: memref<40xi32, #tpu.memory_space<vmem>>, %arg11: memref<40xi32, #tpu.memory_space<vmem>>, %arg12: memref<40xi32, #tpu.memory_space<vmem>>, %arg13: memref<40xi32, #tpu.memory_space<vmem>>, %arg14: memref<40xi32, #tpu.memory_space<vmem>>, %arg15: memref<40xi32, #tpu.memory_space<vmem>>, %arg16: memref<40x128xf32, #tpu.memory_space<vmem>>, %arg17: memref<40x128xf32, #tpu.memory_space<vmem>>, %arg18: memref<40x128xf32, #tpu.memory_space<vmem>>, %arg19: memref<40x128xf32, #tpu.memory_space<vmem>>, %arg20: memref<40x128xf32, #tpu.memory_space<vmem>>, %arg21: memref<40x128xf32, #tpu.memory_space<vmem>>, %arg22: memref<40x128xf32, #tpu.memory_space<vmem>>, %arg23: memref<40x128xf32, #tpu.memory_space<vmem>>, %arg24: memref<!tpu.dma_semaphore, #tpu.memory_space<semaphore_mem>>, %arg25: memref<!tpu.dma_semaphore, #tpu.memory_space<semaphore_mem>>, %arg26: memref<!tpu.dma_semaphore, #tpu.memory_space<semaphore_mem>>, %arg27: memref<!tpu.dma_semaphore, #tpu.memory_space<semaphore_mem>>, %arg28: memref<!tpu.dma_semaphore, #tpu.memory_space<semaphore_mem>>, %arg29: memref<!tpu.dma_semaphore, #tpu.memory_space<semaphore_mem>>) attributes {dimension_semantics = [#tpu.dimension_semantics<core_parallel>, #tpu.dimension_semantics<subcore_parallel>], iteration_bounds = array<i64: 2, 16>, scalar_prefetch = 0 : i64, scratch_operands = 23 : i64, tpu.core_type = #tpu.core_type<sc_vector_subcore>, window_params = [{transform_indices = #map}, {transform_indices = #map1}, {transform_indices = #map1}, {transform_indices = #map}, {transform_indices = #map2}]} {
    %mul3A = arith.constant 16 : i32
    %mul3A_0 = arith.muli %arg0, %mul3A : i32
    %add3A = arith.addi %mul3A_0, %arg1 : i32
    %mul3A_1 = arith.constant 10080 : i32
    %mul3A_2 = arith.muli %add3A, %mul3A_1 : i32
    %mul3A_3 = arith.constant 632 : i32
    %mul3A_4 = arith.muli %arg1, %mul3A_3 : i32
    %broadcast_in_dim3A = arith.constant 0.000000e+00 : f32
    %broadcast_in_dim3A_5 = vector.broadcast %broadcast_in_dim3A : f32 to vector<16xf32>
    %scan3A = arith.constant 0 : i32
    %scan3A_6 = arith.constant 40 : i32
    %scan3A_7 = arith.addi %scan3A, %scan3A_6 : i32
    %scan3A_8 = arith.constant 1 : i32
    scf.for %scan3A_64 = %scan3A to %scan3A_7 step %scan3A_8  : i32 {
      %mul3A_65 = arith.constant 1 : i32
      %mul3A_66 = arith.muli %scan3A_64, %mul3A_65 : i32
      %add3A_67 = arith.constant 0 : i32
      %add3A_68 = arith.addi %add3A_67, %mul3A_66 : i32
      %swap3A = arith.index_cast %add3A_68 : i32 to index
      %swap3A_69 = arith.constant 0 : index
      %swap3A_70 = tpu.vector_load %arg20[%swap3A, %swap3A_69] {strides = array<i32>} : memref<40x128xf32, #tpu.memory_space<vmem>>, vector<1x16xf32>,
      %swap3A_71 = vector.shape_cast %swap3A_70 : vector<1x16xf32> to vector<16xf32>
      %swap3A_72 = vector.shape_cast %broadcast_in_dim3A_5 : vector<16xf32> to vector<1x16xf32>
      tpu.vector_store %arg20[%swap3A, %swap3A_69], %swap3A_72 {strides = array<i32>} : memref<40x128xf32, #tpu.memory_space<vmem>>, vector<1x16xf32>,
      %swap3A_73 = arith.index_cast %add3A_68 : i32 to index
      %swap3A_74 = arith.constant 16 : index
      %swap3A_75 = tpu.vector_load %arg20[%swap3A_73, %swap3A_74] {strides = array<i32>} : memref<40x128xf32, #tpu.memory_space<vmem>>, vector<1x16xf32>,
      %swap3A_76 = vector.shape_cast %swap3A_75 : vector<1x16xf32> to vector<16xf32>
      %swap3A_77 = vector.shape_cast %broadcast_in_dim3A_5 : vector<16xf32> to vector<1x16xf32>
      tpu.vector_store %arg20[%swap3A_73, %swap3A_74], %swap3A_77 {strides = array<i32>} : memref<40x128xf32, #tpu.memory_space<vmem>>, vector<1x16xf32>,
      %swap3A_78 = arith.index_cast %add3A_68 : i32 to index
      %swap3A_79 = arith.constant 32 : index
      %swap3A_80 = tpu.vector_load %arg20[%swap3A_78, %swap3A_79] {strides = array<i32>} : memref<40x128xf32, #tpu.memory_space<vmem>>, vector<1x16xf32>,
      %swap3A_81 = vector.shape_cast %swap3A_80 : vector<1x16xf32> to vector<16xf32>
      %swap3A_82 = vector.shape_cast %broadcast_in_dim3A_5 : vector<16xf32> to vector<1x16xf32>
      tpu.vector_store %arg20[%swap3A_78, %swap3A_79], %swap3A_82 {strides = array<i32>} : memref<40x128xf32, #tpu.memory_space<vmem>>, vector<1x16xf32>,
      %swap3A_83 = arith.index_cast %add3A_68 : i32 to index
      %swap3A_84 = arith.constant 48 : index
      %swap3A_85 = tpu.vector_load %arg20[%swap3A_83, %swap3A_84] {strides = array<i32>} : memref<40x128xf32, #tpu.memory_space<vmem>>, vector<1x16xf32>,
      %swap3A_86 = vector.shape_cast %swap3A_85 : vector<1x16xf32> to vector<16xf32>
      %swap3A_87 = vector.shape_cast %broadcast_in_dim3A_5 : vector<16xf32> to vector<1x16xf32>
      tpu.vector_store %arg20[%swap3A_83, %swap3A_84], %swap3A_87 {strides = array<i32>} : memref<40x128xf32, #tpu.memory_space<vmem>>, vector<1x16xf32>,
      %swap3A_88 = arith.index_cast %add3A_68 : i32 to index
      %swap3A_89 = arith.constant 64 : index
      %swap3A_90 = tpu.vector_load %arg20[%swap3A_88, %swap3A_89] {strides = array<i32>} : memref<40x128xf32, #tpu.memory_space<vmem>>, vector<1x16xf32>,
      %swap3A_91 = vector.shape_cast %swap3A_90 : vector<1x16xf32> to vector<16xf32>
      %swap3A_92 = vector.shape_cast %broadcast_in_dim3A_5 : vector<16xf32> to vector<1x16xf32>
      tpu.vector_store %arg20[%swap3A_88, %swap3A_89], %swap3A_92 {strides = array<i32>} : memref<40x128xf32, #tpu.memory_space<vmem>>, vector<1x16xf32>,
      %swap3A_93 = arith.index_cast %add3A_68 : i32 to index
      %swap3A_94 = arith.constant 80 : index
      %swap3A_95 = tpu.vector_load %arg20[%swap3A_93, %swap3A_94] {strides = array<i32>} : memref<40x128xf32, #tpu.memory_space<vmem>>, vector<1x16xf32>,
      %swap3A_96 = vector.shape_cast %swap3A_95 : vector<1x16xf32> to vector<16xf32>
      %swap3A_97 = vector.shape_cast %broadcast_in_dim3A_5 : vector<16xf32> to vector<1x16xf32>
      tpu.vector_store %arg20[%swap3A_93, %swap3A_94], %swap3A_97 {strides = array<i32>} : memref<40x128xf32, #tpu.memory_space<vmem>>, vector<1x16xf32>,
      %swap3A_98 = arith.index_cast %add3A_68 : i32 to index
      %swap3A_99 = arith.constant 96 : index
      %swap3A_100 = tpu.vector_load %arg20[%swap3A_98, %swap3A_99] {strides = array<i32>} : memref<40x128xf32, #tpu.memory_space<vmem>>, vector<1x16xf32>,
      %swap3A_101 = vector.shape_cast %swap3A_100 : vector<1x16xf32> to vector<16xf32>
      %swap3A_102 = vector.shape_cast %broadcast_in_dim3A_5 : vector<16xf32> to vector<1x16xf32>
      tpu.vector_store %arg20[%swap3A_98, %swap3A_99], %swap3A_102 {strides = array<i32>} : memref<40x128xf32, #tpu.memory_space<vmem>>, vector<1x16xf32>,
      %swap3A_103 = arith.index_cast %add3A_68 : i32 to index
      %swap3A_104 = arith.constant 112 : index
      %swap3A_105 = tpu.vector_load %arg20[%swap3A_103, %swap3A_104] {strides = array<i32>} : memref<40x128xf32, #tpu.memory_space<vmem>>, vector<1x16xf32>,
      %swap3A_106 = vector.shape_cast %swap3A_105 : vector<1x16xf32> to vector<16xf32>
      %swap3A_107 = vector.shape_cast %broadcast_in_dim3A_5 : vector<16xf32> to vector<1x16xf32>
      tpu.vector_store %arg20[%swap3A_103, %swap3A_104], %swap3A_107 {strides = array<i32>} : memref<40x128xf32, #tpu.memory_space<vmem>>, vector<1x16xf32>,
    }
    %scan3A_9 = arith.constant 40 : i32
    %scan3A_10 = arith.constant 0 : i32
    %scan3A_11 = arith.constant 15 : i32
    %scan3A_12 = arith.addi %scan3A_10, %scan3A_11 : i32
    %scan3A_13 = arith.constant 1 : i32
    scf.for %scan3A_64 = %scan3A_10 to %scan3A_12 step %scan3A_13  : i32 {
      %mul3A_65 = arith.constant 1 : i32
      %mul3A_66 = arith.muli %scan3A_64, %mul3A_65 : i32
      %add3A_67 = arith.constant 0 : i32
      %add3A_68 = arith.addi %add3A_67, %mul3A_66 : i32
      %mul3A_69 = arith.constant 40 : i32
      %mul3A_70 = arith.muli %add3A_68, %mul3A_69 : i32
      %add3A_71 = arith.addi %mul3A_4, %mul3A_70 : i32
      "tpu.region"() ({
        %run_scoped3A = tpu.sem_alloc : memref<!tpu.dma_semaphore, #tpu.memory_space<semaphore_mem>>
        %dma_start3A_72 = arith.constant 0 : i32
        %dma_start3A_73 = tpu.memref_slice %arg7[%add3A_71, %dma_start3A_72] : memref<10112x128xf32, #tpu.memory_space<vmem_shared>> -> memref<40x128xf32, #tpu.memory_space<vmem_shared>>
        %dma_start3A_74 = arith.constant 0 : i32
        %dma_start3A_75 = tpu.memref_slice %arg7[%add3A_71, %dma_start3A_74] : memref<10112x128xf32, #tpu.memory_space<vmem_shared>> -> memref<40x128xf32, #tpu.memory_space<vmem_shared>>
        tpu.enqueue_dma source(%arg20 : memref<40x128xf32, #tpu.memory_space<vmem>>) target(%dma_start3A_75 : memref<40x128xf32, #tpu.memory_space<vmem_shared>>) target_semaphore(%run_scoped3A : memref<!tpu.dma_semaphore, #tpu.memory_space<semaphore_mem>>)
        %dma_wait3A_76 = arith.constant 0 : i32
        %dma_wait3A_77 = tpu.memref_slice %arg7[%add3A_71, %dma_wait3A_76] : memref<10112x128xf32, #tpu.memory_space<vmem_shared>> -> memref<40x128xf32, #tpu.memory_space<vmem_shared>>
        %dma_wait3A_78 = arith.constant 0 : i32
        %dma_wait3A_79 = tpu.memref_slice %arg7[%add3A_71, %dma_wait3A_78] : memref<10112x128xf32, #tpu.memory_space<vmem_shared>> -> memref<40x128xf32, #tpu.memory_space<vmem_shared>>
        tpu.wait_dma2 semaphore(%run_scoped3A : memref<!tpu.dma_semaphore, #tpu.memory_space<semaphore_mem>>) src(%arg20 : memref<40x128xf32, #tpu.memory_space<vmem>>) dst(%dma_wait3A_79 : memref<40x128xf32, #tpu.memory_space<vmem_shared>>)
        tpu.yield
      }) : () -> ()
    }
    %scan3A_14 = arith.constant 15 : i32
    %add3A_15 = arith.constant 600 : i32
    %add3A_16 = arith.addi %mul3A_4, %add3A_15 : i32
    "tpu.region"() ({
      %run_scoped3A = tpu.sem_alloc : memref<!tpu.dma_semaphore, #tpu.memory_space<semaphore_mem>>
      %dma_start3A_64 = arith.constant 0 : i32
      %dma_start3A_65 = arith.constant 0 : i32
      %dma_start3A_66 = tpu.memref_slice %arg20[%dma_start3A_64, %dma_start3A_65] : memref<40x128xf32, #tpu.memory_space<vmem>> -> memref<32x128xf32, #tpu.memory_space<vmem>>
      %dma_start3A_67 = arith.constant 0 : i32
      %dma_start3A_68 = tpu.memref_slice %arg7[%add3A_16, %dma_start3A_67] : memref<10112x128xf32, #tpu.memory_space<vmem_shared>> -> memref<32x128xf32, #tpu.memory_space<vmem_shared>>
      %dma_start3A_69 = arith.constant 0 : i32
      %dma_start3A_70 = tpu.memref_slice %arg7[%add3A_16, %dma_start3A_69] : memref<10112x128xf32, #tpu.memory_space<vmem_shared>> -> memref<32x128xf32, #tpu.memory_space<vmem_shared>>
      %dma_start3A_71 = arith.constant 0 : i32
      %dma_start3A_72 = arith.constant 0 : i32
      %dma_start3A_73 = tpu.memref_slice %arg20[%dma_start3A_71, %dma_start3A_72] : memref<40x128xf32, #tpu.memory_space<vmem>> -> memref<32x128xf32, #tpu.memory_space<vmem>>
      tpu.enqueue_dma source(%dma_start3A_73 : memref<32x128xf32, #tpu.memory_space<vmem>>) target(%dma_start3A_70 : memref<32x128xf32, #tpu.memory_space<vmem_shared>>) target_semaphore(%run_scoped3A : memref<!tpu.dma_semaphore, #tpu.memory_space<semaphore_mem>>)
      %dma_wait3A_74 = arith.constant 0 : i32
      %dma_wait3A_75 = arith.constant 0 : i32
      %dma_wait3A_76 = tpu.memref_slice %arg20[%dma_wait3A_74, %dma_wait3A_75] : memref<40x128xf32, #tpu.memory_space<vmem>> -> memref<32x128xf32, #tpu.memory_space<vmem>>
      %dma_wait3A_77 = arith.constant 0 : i32
      %dma_wait3A_78 = tpu.memref_slice %arg7[%add3A_16, %dma_wait3A_77] : memref<10112x128xf32, #tpu.memory_space<vmem_shared>> -> memref<32x128xf32, #tpu.memory_space<vmem_shared>>
      %dma_wait3A_79 = arith.constant 0 : i32
      %dma_wait3A_80 = tpu.memref_slice %arg7[%add3A_16, %dma_wait3A_79] : memref<10112x128xf32, #tpu.memory_space<vmem_shared>> -> memref<32x128xf32, #tpu.memory_space<vmem_shared>>
      %dma_wait3A_81 = arith.constant 0 : i32
      %dma_wait3A_82 = arith.constant 0 : i32
      %dma_wait3A_83 = tpu.memref_slice %arg20[%dma_wait3A_81, %dma_wait3A_82] : memref<40x128xf32, #tpu.memory_space<vmem>> -> memref<32x128xf32, #tpu.memory_space<vmem>>
      tpu.wait_dma2 semaphore(%run_scoped3A : memref<!tpu.dma_semaphore, #tpu.memory_space<semaphore_mem>>) src(%dma_wait3A_83 : memref<32x128xf32, #tpu.memory_space<vmem>>) dst(%dma_wait3A_80 : memref<32x128xf32, #tpu.memory_space<vmem_shared>>)
      tpu.yield
    }) : () -> ()
    %barrier3A = arith.constant 0 : index
    tpu.barrier barrier_id(%barrier3A)
    %add3A_17 = arith.constant 0 : i32
    %add3A_18 = arith.addi %mul3A_2, %add3A_17 : i32
    %dma_start3A = tpu.memref_slice %arg3[%add3A_18] : memref<322560xi32, #tpu.memory_space<hbm>> -> memref<40xi32, #tpu.memory_space<hbm>>
    %dma_start3A_19 = tpu.memref_slice %arg3[%add3A_18] : memref<322560xi32, #tpu.memory_space<hbm>> -> memref<40xi32, #tpu.memory_space<hbm>>
    tpu.enqueue_dma source(%dma_start3A_19 : memref<40xi32, #tpu.memory_space<hbm>>) target(%arg8 : memref<40xi32, #tpu.memory_space<vmem>>) target_semaphore(%arg24 : memref<!tpu.dma_semaphore, #tpu.memory_space<semaphore_mem>>)
    %dma_start3A_20 = tpu.memref_slice %arg4[%add3A_18] : memref<322560xi32, #tpu.memory_space<hbm>> -> memref<40xi32, #tpu.memory_space<hbm>>
    %dma_start3A_21 = tpu.memref_slice %arg4[%add3A_18] : memref<322560xi32, #tpu.memory_space<hbm>> -> memref<40xi32, #tpu.memory_space<hbm>>
    tpu.enqueue_dma source(%dma_start3A_21 : memref<40xi32, #tpu.memory_space<hbm>>) target(%arg12 : memref<40xi32, #tpu.memory_space<vmem>>) target_semaphore(%arg24 : memref<!tpu.dma_semaphore, #tpu.memory_space<semaphore_mem>>)
    %dma_start3A_22 = arith.constant 0 : i32
    %dma_start3A_23 = tpu.memref_slice %arg5[%add3A_18, %dma_start3A_22] : memref<322560x128xf32, #tpu.memory_space<hbm>> -> memref<40x128xf32, #tpu.memory_space<hbm>>
    %dma_start3A_24 = arith.constant 0 : i32
    %dma_start3A_25 = tpu.memref_slice %arg5[%add3A_18, %dma_start3A_24] : memref<322560x128xf32, #tpu.memory_space<hbm>> -> memref<40x128xf32, #tpu.memory_space<hbm>>
    tpu.enqueue_dma source(%dma_start3A_25 : memref<40x128xf32, #tpu.memory_space<hbm>>) target(%arg16 : memref<40x128xf32, #tpu.memory_space<vmem>>) target_semaphore(%arg24 : memref<!tpu.dma_semaphore, #tpu.memory_space<semaphore_mem>>)
    %dma_wait3A = arith.constant 0 : i32
    %dma_wait3A_26 = tpu.memref_slice %arg3[%dma_wait3A] : memref<322560xi32, #tpu.memory_space<hbm>> -> memref<40xi32, #tpu.memory_space<hbm>>
    %dma_wait3A_27 = arith.constant 0 : i32
    %dma_wait3A_28 = tpu.memref_slice %arg3[%dma_wait3A_27] : memref<322560xi32, #tpu.memory_space<hbm>> -> memref<40xi32, #tpu.memory_space<hbm>>
    tpu.wait_dma2 semaphore(%arg24 : memref<!tpu.dma_semaphore, #tpu.memory_space<semaphore_mem>>) src(%dma_wait3A_28 : memref<40xi32, #tpu.memory_space<hbm>>) dst(%arg8 : memref<40xi32, #tpu.memory_space<vmem>>)
    %dma_wait3A_29 = arith.constant 0 : i32
    %dma_wait3A_30 = tpu.memref_slice %arg4[%dma_wait3A_29] : memref<322560xi32, #tpu.memory_space<hbm>> -> memref<40xi32, #tpu.memory_space<hbm>>
    %dma_wait3A_31 = arith.constant 0 : i32
    %dma_wait3A_32 = tpu.memref_slice %arg4[%dma_wait3A_31] : memref<322560xi32, #tpu.memory_space<hbm>> -> memref<40xi32, #tpu.memory_space<hbm>>
    tpu.wait_dma2 semaphore(%arg24 : memref<!tpu.dma_semaphore, #tpu.memory_space<semaphore_mem>>) src(%dma_wait3A_32 : memref<40xi32, #tpu.memory_space<hbm>>) dst(%arg12 : memref<40xi32, #tpu.memory_space<vmem>>)
    %dma_wait3A_33 = arith.constant 0 : i32
    %dma_wait3A_34 = arith.constant 0 : i32
    %dma_wait3A_35 = tpu.memref_slice %arg5[%dma_wait3A_33, %dma_wait3A_34] : memref<322560x128xf32, #tpu.memory_space<hbm>> -> memref<40x128xf32, #tpu.memory_space<hbm>>
    %dma_wait3A_36 = arith.constant 0 : i32
    %dma_wait3A_37 = arith.constant 0 : i32
    %dma_wait3A_38 = tpu.memref_slice %arg5[%dma_wait3A_36, %dma_wait3A_37] : memref<322560x128xf32, #tpu.memory_space<hbm>> -> memref<40x128xf32, #tpu.memory_space<hbm>>
    tpu.wait_dma2 semaphore(%arg24 : memref<!tpu.dma_semaphore, #tpu.memory_space<semaphore_mem>>) src(%dma_wait3A_38 : memref<40x128xf32, #tpu.memory_space<hbm>>) dst(%arg16 : memref<40x128xf32, #tpu.memory_space<vmem>>)
    %dma_start3A_39 = arith.constant 0 : i32
    %dma_start3A_40 = arith.constant 0 : i32
    %dma_start3A_41 = tpu.memref_slice %arg2[%dma_start3A_39, %dma_start3A_40] : memref<10000x128xf32, #tpu.memory_space<hbm>> -> memref<10000x128xf32, #tpu.memory_space<hbm>>
    tpu.enqueue_indirect_dma source(%dma_start3A_41 : memref<10000x128xf32, #tpu.memory_space<hbm>>) target(%arg20 : memref<40x128xf32, #tpu.memory_space<vmem>>) offsets(%arg8 : memref<40xi32, #tpu.memory_space<vmem>>) semaphore(%arg25 : memref<!tpu.dma_semaphore, #tpu.memory_space<semaphore_mem>>)
    %add3A_42 = arith.constant 40 : i32
    %add3A_43 = arith.addi %mul3A_2, %add3A_42 : i32
    %dma_start3A_44 = tpu.memref_slice %arg3[%add3A_43] : memref<322560xi32, #tpu.memory_space<hbm>> -> memref<40xi32, #tpu.memory_space<hbm>>
    %dma_start3A_45 = tpu.memref_slice %arg3[%add3A_43] : memref<322560xi32, #tpu.memory_space<hbm>> -> memref<40xi32, #tpu.memory_space<hbm>>
    tpu.enqueue_dma source(%dma_start3A_45 : memref<40xi32, #tpu.memory_space<hbm>>) target(%arg9 : memref<40xi32, #tpu.memory_space<vmem>>) target_semaphore(%arg24 : memref<!tpu.dma_semaphore, #tpu.memory_space<semaphore_mem>>)
    %dma_start3A_46 = tpu.memref_slice %arg4[%add3A_43] : memref<322560xi32, #tpu.memory_space<hbm>> -> memref<40xi32, #tpu.memory_space<hbm>>
    %dma_start3A_47 = tpu.memref_slice %arg4[%add3A_43] : memref<322560xi32, #tpu.memory_space<hbm>> -> memref<40xi32, #tpu.memory_space<hbm>>
    tpu.enqueue_dma source(%dma_start3A_47 : memref<40xi32, #tpu.memory_space<hbm>>) target(%arg13 : memref<40xi32, #tpu.memory_space<vmem>>) target_semaphore(%arg24 : memref<!tpu.dma_semaphore, #tpu.memory_space<semaphore_mem>>)
    %dma_start3A_48 = arith.constant 0 : i32
    %dma_start3A_49 = tpu.memref_slice %arg5[%add3A_43, %dma_start3A_48] : memref<322560x128xf32, #tpu.memory_space<hbm>> -> memref<40x128xf32, #tpu.memory_space<hbm>>
    %dma_start3A_50 = arith.constant 0 : i32
    %dma_start3A_51 = tpu.memref_slice %arg5[%add3A_43, %dma_start3A_50] : memref<322560x128xf32, #tpu.memory_space<hbm>> -> memref<40x128xf32, #tpu.memory_space<hbm>>
    tpu.enqueue_dma source(%dma_start3A_51 : memref<40x128xf32, #tpu.memory_space<hbm>>) target(%arg17 : memref<40x128xf32, #tpu.memory_space<vmem>>) target_semaphore(%arg24 : memref<!tpu.dma_semaphore, #tpu.memory_space<semaphore_mem>>)
    %scan3A_52 = arith.constant 0 : i32
    %scan3A_53 = arith.constant 63 : i32
    %scan3A_54 = arith.addi %scan3A_52, %scan3A_53 : i32
    %scan3A_55 = arith.constant 1 : i32
    scf.for %scan3A_64 = %scan3A_52 to %scan3A_54 step %scan3A_55  : i32 {
      %mul3A_65 = arith.constant 1 : i32
      %mul3A_66 = arith.muli %scan3A_64, %mul3A_65 : i32
      %add3A_67 = arith.constant 0 : i32
      %add3A_68 = arith.addi %add3A_67, %mul3A_66 : i32
      %mul3A_69 = arith.constant 4 : i32
      %mul3A_70 = arith.muli %add3A_68, %mul3A_69 : i32
      %add3A_71 = arith.constant 0 : i32
      %add3A_72 = arith.addi %mul3A_70, %add3A_71 : i32
      %add3A_73 = arith.constant 1 : i32
      %add3A_74 = arith.addi %add3A_72, %add3A_73 : i32
      %lt3A = arith.constant 252 : i32
      %lt3A_75 = arith.cmpi slt, %add3A_74, %lt3A : i32
      %convert_element_type3A = arith.extui %lt3A_75 : i1 to i32
      %cond3A = arith.constant 0 : i32
      %cond3A_76 = arith.cmpi ne, %convert_element_type3A, %cond3A : i32
      scf.if %cond3A_76 {
        %dma_wait3A_229 = arith.constant 0 : i32
        %dma_wait3A_230 = tpu.memref_slice %arg3[%dma_wait3A_229] : memref<322560xi32, #tpu.memory_space<hbm>> -> memref<40xi32, #tpu.memory_space<hbm>>
        %dma_wait3A_231 = arith.constant 0 : i32
        %dma_wait3A_232 = tpu.memref_slice %arg3[%dma_wait3A_231] : memref<322560xi32, #tpu.memory_space<hbm>> -> memref<40xi32, #tpu.memory_space<hbm>>
        tpu.wait_dma2 semaphore(%arg24 : memref<!tpu.dma_semaphore, #tpu.memory_space<semaphore_mem>>) src(%dma_wait3A_232 : memref<40xi32, #tpu.memory_space<hbm>>) dst(%arg9 : memref<40xi32, #tpu.memory_space<vmem>>)
        %dma_wait3A_233 = arith.constant 0 : i32
        %dma_wait3A_234 = tpu.memref_slice %arg4[%dma_wait3A_233] : memref<322560xi32, #tpu.memory_space<hbm>> -> memref<40xi32, #tpu.memory_space<hbm>>
        %dma_wait3A_235 = arith.constant 0 : i32
        %dma_wait3A_236 = tpu.memref_slice %arg4[%dma_wait3A_235] : memref<322560xi32, #tpu.memory_space<hbm>> -> memref<40xi32, #tpu.memory_space<hbm>>
        tpu.wait_dma2 semaphore(%arg24 : memref<!tpu.dma_semaphore, #tpu.memory_space<semaphore_mem>>) src(%dma_wait3A_236 : memref<40xi32, #tpu.memory_space<hbm>>) dst(%arg13 : memref<40xi32, #tpu.memory_space<vmem>>)
        %dma_wait3A_237 = arith.constant 0 : i32
        %dma_wait3A_238 = arith.constant 0 : i32
        %dma_wait3A_239 = tpu.memref_slice %arg5[%dma_wait3A_237, %dma_wait3A_238] : memref<322560x128xf32, #tpu.memory_space<hbm>> -> memref<40x128xf32, #tpu.memory_space<hbm>>
        %dma_wait3A_240 = arith.constant 0 : i32
        %dma_wait3A_241 = arith.constant 0 : i32
        %dma_wait3A_242 = tpu.memref_slice %arg5[%dma_wait3A_240, %dma_wait3A_241] : memref<322560x128xf32, #tpu.memory_space<hbm>> -> memref<40x128xf32, #tpu.memory_space<hbm>>
        tpu.wait_dma2 semaphore(%arg24 : memref<!tpu.dma_semaphore, #tpu.memory_space<semaphore_mem>>) src(%dma_wait3A_242 : memref<40x128xf32, #tpu.memory_space<hbm>>) dst(%arg17 : memref<40x128xf32, #tpu.memory_space<vmem>>)
      } else {
      }
      %dma_wait3A_77 = arith.constant 0 : i32
      %dma_wait3A_78 = arith.constant 0 : i32
      %dma_wait3A_79 = tpu.memref_slice %arg2[%dma_wait3A_77, %dma_wait3A_78] : memref<10000x128xf32, #tpu.memory_space<hbm>> -> memref<10000x128xf32, #tpu.memory_space<hbm>>
      tpu.wait_indirect_dma semaphore(%arg25 : memref<!tpu.dma_semaphore, #tpu.memory_space<semaphore_mem>>) src(%dma_wait3A_79 : memref<10000x128xf32, #tpu.memory_space<hbm>>) dst(%arg20 : memref<40x128xf32, #tpu.memory_space<vmem>>)
      %add3A_80 = arith.constant 1 : i32
      %add3A_81 = arith.addi %add3A_72, %add3A_80 : i32
      %lt3A_82 = arith.constant 252 : i32
      %lt3A_83 = arith.cmpi slt, %add3A_81, %lt3A_82 : i32
      %convert_element_type3A_84 = arith.extui %lt3A_83 : i1 to i32
      %cond3A_85 = arith.constant 0 : i32
      %cond3A_86 = arith.cmpi ne, %convert_element_type3A_84, %cond3A_85 : i32
      scf.if %cond3A_86 {
        %dma_start3A_229 = arith.constant 0 : i32
        %dma_start3A_230 = arith.constant 0 : i32
        %dma_start3A_231 = tpu.memref_slice %arg2[%dma_start3A_229, %dma_start3A_230] : memref<10000x128xf32, #tpu.memory_space<hbm>> -> memref<10000x128xf32, #tpu.memory_space<hbm>>
        tpu.enqueue_indirect_dma source(%dma_start3A_231 : memref<10000x128xf32, #tpu.memory_space<hbm>>) target(%arg21 : memref<40x128xf32, #tpu.memory_space<vmem>>) offsets(%arg9 : memref<40xi32, #tpu.memory_space<vmem>>) semaphore(%arg25 : memref<!tpu.dma_semaphore, #tpu.memory_space<semaphore_mem>>)
      } else {
      }
      %ge3A = arith.constant 2 : i32
      %ge3A_87 = arith.cmpi sge, %add3A_72, %ge3A : i32
      %convert_element_type3A_88 = arith.extui %ge3A_87 : i1 to i32
      %cond3A_89 = arith.constant 0 : i32
      %cond3A_90 = arith.cmpi ne, %convert_element_type3A_88, %cond3A_89 : i32
      scf.if %cond3A_90 {
        %dma_wait3A_229 = arith.constant 0 : i32
        %dma_wait3A_230 = arith.constant 0 : i32
        %dma_wait3A_231 = tpu.memref_slice %arg7[%dma_wait3A_229, %dma_wait3A_230] : memref<10112x128xf32, #tpu.memory_space<vmem_shared>> -> memref<10112x128xf32, #tpu.memory_space<vmem_shared>>
        tpu.wait_indirect_dma semaphore(%arg28 : memref<!tpu.dma_semaphore, #tpu.memory_space<semaphore_mem>>) src(%arg22 : memref<40x128xf32, #tpu.memory_space<vmem>>) dst(%dma_wait3A_231 : memref<10112x128xf32, #tpu.memory_space<vmem_shared>>)
      } else {
      }
      %add3A_91 = arith.constant 2 : i32
      %add3A_92 = arith.addi %add3A_72, %add3A_91 : i32
      %lt3A_93 = arith.constant 252 : i32
      %lt3A_94 = arith.cmpi slt, %add3A_92, %lt3A_93 : i32
      %convert_element_type3A_95 = arith.extui %lt3A_94 : i1 to i32
      %cond3A_96 = arith.constant 0 : i32
      %cond3A_97 = arith.cmpi ne, %convert_element_type3A_95, %cond3A_96 : i32
      scf.if %cond3A_97 {
        %add3A_229 = arith.constant 2 : i32
        %add3A_230 = arith.addi %add3A_72, %add3A_229 : i32
        %mul3A_231 = arith.constant 40 : i32
        %mul3A_232 = arith.muli %add3A_230, %mul3A_231 : i32
        %add3A_233 = arith.addi %mul3A_2, %mul3A_232 : i32
        %dma_start3A_234 = tpu.memref_slice %arg3[%add3A_233] : memref<322560xi32, #tpu.memory_space<hbm>> -> memref<40xi32, #tpu.memory_space<hbm>>
        %dma_start3A_235 = tpu.memref_slice %arg3[%add3A_233] : memref<322560xi32, #tpu.memory_space<hbm>> -> memref<40xi32, #tpu.memory_space<hbm>>
        tpu.enqueue_dma source(%dma_start3A_235 : memref<40xi32, #tpu.memory_space<hbm>>) target(%arg10 : memref<40xi32, #tpu.memory_space<vmem>>) target_semaphore(%arg24 : memref<!tpu.dma_semaphore, #tpu.memory_space<semaphore_mem>>)
        %dma_start3A_236 = tpu.memref_slice %arg4[%add3A_233] : memref<322560xi32, #tpu.memory_space<hbm>> -> memref<40xi32, #tpu.memory_space<hbm>>
        %dma_start3A_237 = tpu.memref_slice %arg4[%add3A_233] : memref<322560xi32, #tpu.memory_space<hbm>> -> memref<40xi32, #tpu.memory_space<hbm>>
        tpu.enqueue_dma source(%dma_start3A_237 : memref<40xi32, #tpu.memory_space<hbm>>) target(%arg14 : memref<40xi32, #tpu.memory_space<vmem>>) target_semaphore(%arg24 : memref<!tpu.dma_semaphore, #tpu.memory_space<semaphore_mem>>)
        %dma_start3A_238 = arith.constant 0 : i32
        %dma_start3A_239 = tpu.memref_slice %arg5[%add3A_233, %dma_start3A_238] : memref<322560x128xf32, #tpu.memory_space<hbm>> -> memref<40x128xf32, #tpu.memory_space<hbm>>
        %dma_start3A_240 = arith.constant 0 : i32
        %dma_start3A_241 = tpu.memref_slice %arg5[%add3A_233, %dma_start3A_240] : memref<322560x128xf32, #tpu.memory_space<hbm>> -> memref<40x128xf32, #tpu.memory_space<hbm>>
        tpu.enqueue_dma source(%dma_start3A_241 : memref<40x128xf32, #tpu.memory_space<hbm>>) target(%arg18 : memref<40x128xf32, #tpu.memory_space<vmem>>) target_semaphore(%arg24 : memref<!tpu.dma_semaphore, #tpu.memory_space<semaphore_mem>>)
      } else {
      }
      %scan3A_98 = arith.constant 0 : i32
      %scan3A_99 = arith.constant 320 : i32
      %scan3A_100 = arith.addi %scan3A_98, %scan3A_99 : i32
      %scan3A_101 = arith.constant 8 : i32
      scf.for %scan3A_229 = %scan3A_98 to %scan3A_100 step %scan3A_101  : i32 {
        %mul3A_230 = arith.constant 1 : i32
        %mul3A_231 = arith.muli %scan3A_229, %mul3A_230 : i32
        %add3A_232 = arith.constant 0 : i32
        %add3A_233 = arith.addi %add3A_232, %mul3A_231 : i32
        %jit3A = arith.constant 8 : i32
        %div3A = arith.divsi %add3A_233, %jit3A : i32
        %sign3A = arith.constant 0 : i32
        %sign3A_234 = arith.cmpi sgt, %add3A_233, %sign3A : i32
        %sign3A_235 = arith.extui %sign3A_234 : i1 to i32
        %sign3A_236 = arith.constant 0 : i32
        %sign3A_237 = arith.cmpi slt, %add3A_233, %sign3A_236 : i32
        %sign3A_238 = arith.extui %sign3A_237 : i1 to i32
        %sign3A_239 = arith.subi %sign3A_235, %sign3A_238 : i32
        %sign3A_240 = arith.constant 0 : i32
        %sign3A_241 = arith.cmpi sgt, %jit3A, %sign3A_240 : i32
        %sign3A_242 = arith.extui %sign3A_241 : i1 to i32
        %sign3A_243 = arith.constant 0 : i32
        %sign3A_244 = arith.cmpi slt, %jit3A, %sign3A_243 : i32
        %sign3A_245 = arith.extui %sign3A_244 : i1 to i32
        %sign3A_246 = arith.subi %sign3A_242, %sign3A_245 : i32
        %ne3A = arith.cmpi ne, %sign3A_239, %sign3A_246 : i32
        %rem3A = arith.remsi %add3A_233, %jit3A : i32
        %ne3A_247 = arith.constant 0 : i32
        %ne3A_248 = arith.cmpi ne, %rem3A, %ne3A_247 : i32
        %and3A = arith.andi %ne3A, %ne3A_248 : i1
        %sub3A = arith.constant 1 : i32
        %sub3A_249 = arith.subi %div3A, %sub3A : i32
        %select_n3A = arith.select %and3A, %sub3A_249, %div3A : i32
        %jit3A_250 = arith.constant 8 : i32
        %eq3A = arith.constant 0 : i32
        %eq3A_251 = arith.cmpi eq, %jit3A_250, %eq3A : i32
        %jit3A_252 = arith.constant 1 : i32
        %select_n3A_253 = arith.select %eq3A_251, %jit3A_252, %jit3A_250 : i32
        %rem3A_254 = arith.remsi %add3A_233, %select_n3A_253 : i32
        %ne3A_255 = arith.constant 0 : i32
        %ne3A_256 = arith.cmpi ne, %rem3A_254, %ne3A_255 : i32
        %lt3A_257 = arith.constant 0 : i32
        %lt3A_258 = arith.cmpi slt, %rem3A_254, %lt3A_257 : i32
        %lt3A_259 = arith.constant 0 : i32
        %lt3A_260 = arith.cmpi slt, %select_n3A_253, %lt3A_259 : i32
        %ne3A_261 = arith.xori %lt3A_258, %lt3A_260 : i1
        %and3A_262 = arith.andi %ne3A_261, %ne3A_256 : i1
        %add3A_263 = arith.addi %rem3A_254, %select_n3A_253 : i32
        %select_n3A_264 = arith.select %and3A_262, %add3A_263, %rem3A_254 : i32
        %mul3A_265 = arith.constant 16 : i32
        %mul3A_266 = arith.muli %select_n3A_264, %mul3A_265 : i32
        %get3A = arith.index_cast %select_n3A : i32 to index
        %get3A_267 = arith.index_cast %mul3A_266 : i32 to index
        %get3A_268 = tpu.vector_load %arg20[%get3A, %get3A_267] {strides = array<i32>} : memref<40x128xf32, #tpu.memory_space<vmem>>, vector<1x16xf32>,
        %get3A_269 = vector.shape_cast %get3A_268 : vector<1x16xf32> to vector<16xf32>
        %get3A_270 = arith.index_cast %select_n3A : i32 to index
        %get3A_271 = arith.index_cast %mul3A_266 : i32 to index
        %get3A_272 = tpu.vector_load %arg16[%get3A_270, %get3A_271] {strides = array<i32>} : memref<40x128xf32, #tpu.memory_space<vmem>>, vector<1x16xf32>,
        %get3A_273 = vector.shape_cast %get3A_272 : vector<1x16xf32> to vector<16xf32>
        %add3A_274 = arith.addf %get3A_269, %get3A_273 : vector<16xf32>
        %max3A = arith.constant 0.000000e+00 : f32
        %max3A_275 = vector.broadcast %max3A : f32 to vector<16xf32>
        %max3A_276 = arith.maximumf %add3A_274, %max3A_275 : vector<16xf32>
        %swap3A = arith.index_cast %select_n3A : i32 to index
        %swap3A_277 = arith.index_cast %mul3A_266 : i32 to index
        %swap3A_278 = tpu.vector_load %arg20[%swap3A, %swap3A_277] {strides = array<i32>} : memref<40x128xf32, #tpu.memory_space<vmem>>, vector<1x16xf32>,
        %swap3A_279 = vector.shape_cast %swap3A_278 : vector<1x16xf32> to vector<16xf32>
        %swap3A_280 = vector.shape_cast %max3A_276 : vector<16xf32> to vector<1x16xf32>
        tpu.vector_store %arg20[%swap3A, %swap3A_277], %swap3A_280 {strides = array<i32>} : memref<40x128xf32, #tpu.memory_space<vmem>>, vector<1x16xf32>,
        %scan3A_281 = arith.constant 1 : i32
        %scan3A_282 = arith.addi %scan3A_229, %scan3A_281 : i32
        %mul3A_283 = arith.constant 1 : i32
        %mul3A_284 = arith.muli %scan3A_282, %mul3A_283 : i32
        %add3A_285 = arith.constant 0 : i32
        %add3A_286 = arith.addi %add3A_285, %mul3A_284 : i32
        %jit3A_287 = arith.constant 8 : i32
        %div3A_288 = arith.divsi %add3A_286, %jit3A_287 : i32
        %sign3A_289 = arith.constant 0 : i32
        %sign3A_290 = arith.cmpi sgt, %add3A_286, %sign3A_289 : i32
        %sign3A_291 = arith.extui %sign3A_290 : i1 to i32
        %sign3A_292 = arith.constant 0 : i32
        %sign3A_293 = arith.cmpi slt, %add3A_286, %sign3A_292 : i32
        %sign3A_294 = arith.extui %sign3A_293 : i1 to i32
        %sign3A_295 = arith.subi %sign3A_291, %sign3A_294 : i32
        %sign3A_296 = arith.constant 0 : i32
        %sign3A_297 = arith.cmpi sgt, %jit3A_287, %sign3A_296 : i32
        %sign3A_298 = arith.extui %sign3A_297 : i1 to i32
        %sign3A_299 = arith.constant 0 : i32
        %sign3A_300 = arith.cmpi slt, %jit3A_287, %sign3A_299 : i32
        %sign3A_301 = arith.extui %sign3A_300 : i1 to i32
        %sign3A_302 = arith.subi %sign3A_298, %sign3A_301 : i32
        %ne3A_303 = arith.cmpi ne, %sign3A_295, %sign3A_302 : i32
        %rem3A_304 = arith.remsi %add3A_286, %jit3A_287 : i32
        %ne3A_305 = arith.constant 0 : i32
        %ne3A_306 = arith.cmpi ne, %rem3A_304, %ne3A_305 : i32
        %and3A_307 = arith.andi %ne3A_303, %ne3A_306 : i1
        %sub3A_308 = arith.constant 1 : i32
        %sub3A_309 = arith.subi %div3A_288, %sub3A_308 : i32
        %select_n3A_310 = arith.select %and3A_307, %sub3A_309, %div3A_288 : i32
        %jit3A_311 = arith.constant 8 : i32
        %eq3A_312 = arith.constant 0 : i32
        %eq3A_313 = arith.cmpi eq, %jit3A_311, %eq3A_312 : i32
        %jit3A_314 = arith.constant 1 : i32
        %select_n3A_315 = arith.select %eq3A_313, %jit3A_314, %jit3A_311 : i32
        %rem3A_316 = arith.remsi %add3A_286, %select_n3A_315 : i32
        %ne3A_317 = arith.constant 0 : i32
        %ne3A_318 = arith.cmpi ne, %rem3A_316, %ne3A_317 : i32
        %lt3A_319 = arith.constant 0 : i32
        %lt3A_320 = arith.cmpi slt, %rem3A_316, %lt3A_319 : i32
        %lt3A_321 = arith.constant 0 : i32
        %lt3A_322 = arith.cmpi slt, %select_n3A_315, %lt3A_321 : i32
        %ne3A_323 = arith.xori %lt3A_320, %lt3A_322 : i1
        %and3A_324 = arith.andi %ne3A_323, %ne3A_318 : i1
        %add3A_325 = arith.addi %rem3A_316, %select_n3A_315 : i32
        %select_n3A_326 = arith.select %and3A_324, %add3A_325, %rem3A_316 : i32
        %mul3A_327 = arith.constant 16 : i32
        %mul3A_328 = arith.muli %select_n3A_326, %mul3A_327 : i32
        %get3A_329 = arith.index_cast %select_n3A_310 : i32 to index
        %get3A_330 = arith.index_cast %mul3A_328 : i32 to index
        %get3A_331 = tpu.vector_load %arg20[%get3A_329, %get3A_330] {strides = array<i32>} : memref<40x128xf32, #tpu.memory_space<vmem>>, vector<1x16xf32>,
        %get3A_332 = vector.shape_cast %get3A_331 : vector<1x16xf32> to vector<16xf32>
        %get3A_333 = arith.index_cast %select_n3A_310 : i32 to index
        %get3A_334 = arith.index_cast %mul3A_328 : i32 to index
        %get3A_335 = tpu.vector_load %arg16[%get3A_333, %get3A_334] {strides = array<i32>} : memref<40x128xf32, #tpu.memory_space<vmem>>, vector<1x16xf32>,
        %get3A_336 = vector.shape_cast %get3A_335 : vector<1x16xf32> to vector<16xf32>
        %add3A_337 = arith.addf %get3A_332, %get3A_336 : vector<16xf32>
        %max3A_338 = arith.constant 0.000000e+00 : f32
        %max3A_339 = vector.broadcast %max3A_338 : f32 to vector<16xf32>
        %max3A_340 = arith.maximumf %add3A_337, %max3A_339 : vector<16xf32>
        %swap3A_341 = arith.index_cast %select_n3A_310 : i32 to index
        %swap3A_342 = arith.index_cast %mul3A_328 : i32 to index
        %swap3A_343 = tpu.vector_load %arg20[%swap3A_341, %swap3A_342] {strides = array<i32>} : memref<40x128xf32, #tpu.memory_space<vmem>>, vector<1x16xf32>,
        %swap3A_344 = vector.shape_cast %swap3A_343 : vector<1x16xf32> to vector<16xf32>
        %swap3A_345 = vector.shape_cast %max3A_340 : vector<16xf32> to vector<1x16xf32>
        tpu.vector_store %arg20[%swap3A_341, %swap3A_342], %swap3A_345 {strides = array<i32>} : memref<40x128xf32, #tpu.memory_space<vmem>>, vector<1x16xf32>,
        %scan3A_346 = arith.constant 2 : i32
        %scan3A_347 = arith.addi %scan3A_229, %scan3A_346 : i32
        %mul3A_348 = arith.constant 1 : i32
        %mul3A_349 = arith.muli %scan3A_347, %mul3A_348 : i32
        %add3A_350 = arith.constant 0 : i32
        %add3A_351 = arith.addi %add3A_350, %mul3A_349 : i32
        %jit3A_352 = arith.constant 8 : i32
        %div3A_353 = arith.divsi %add3A_351, %jit3A_352 : i32
        %sign3A_354 = arith.constant 0 : i32
        %sign3A_355 = arith.cmpi sgt, %add3A_351, %sign3A_354 : i32
        %sign3A_356 = arith.extui %sign3A_355 : i1 to i32
        %sign3A_357 = arith.constant 0 : i32
        %sign3A_358 = arith.cmpi slt, %add3A_351, %sign3A_357 : i32
        %sign3A_359 = arith.extui %sign3A_358 : i1 to i32
        %sign3A_360 = arith.subi %sign3A_356, %sign3A_359 : i32
        %sign3A_361 = arith.constant 0 : i32
        %sign3A_362 = arith.cmpi sgt, %jit3A_352, %sign3A_361 : i32
        %sign3A_363 = arith.extui %sign3A_362 : i1 to i32
        %sign3A_364 = arith.constant 0 : i32
        %sign3A_365 = arith.cmpi slt, %jit3A_352, %sign3A_364 : i32
        %sign3A_366 = arith.extui %sign3A_365 : i1 to i32
        %sign3A_367 = arith.subi %sign3A_363, %sign3A_366 : i32
        %ne3A_368 = arith.cmpi ne, %sign3A_360, %sign3A_367 : i32
        %rem3A_369 = arith.remsi %add3A_351, %jit3A_352 : i32
        %ne3A_370 = arith.constant 0 : i32
        %ne3A_371 = arith.cmpi ne, %rem3A_369, %ne3A_370 : i32
        %and3A_372 = arith.andi %ne3A_368, %ne3A_371 : i1
        %sub3A_373 = arith.constant 1 : i32
        %sub3A_374 = arith.subi %div3A_353, %sub3A_373 : i32
        %select_n3A_375 = arith.select %and3A_372, %sub3A_374, %div3A_353 : i32
        %jit3A_376 = arith.constant 8 : i32
        %eq3A_377 = arith.constant 0 : i32
        %eq3A_378 = arith.cmpi eq, %jit3A_376, %eq3A_377 : i32
        %jit3A_379 = arith.constant 1 : i32
        %select_n3A_380 = arith.select %eq3A_378, %jit3A_379, %jit3A_376 : i32
        %rem3A_381 = arith.remsi %add3A_351, %select_n3A_380 : i32
        %ne3A_382 = arith.constant 0 : i32
        %ne3A_383 = arith.cmpi ne, %rem3A_381, %ne3A_382 : i32
        %lt3A_384 = arith.constant 0 : i32
        %lt3A_385 = arith.cmpi slt, %rem3A_381, %lt3A_384 : i32
        %lt3A_386 = arith.constant 0 : i32
        %lt3A_387 = arith.cmpi slt, %select_n3A_380, %lt3A_386 : i32
        %ne3A_388 = arith.xori %lt3A_385, %lt3A_387 : i1
        %and3A_389 = arith.andi %ne3A_388, %ne3A_383 : i1
        %add3A_390 = arith.addi %rem3A_381, %select_n3A_380 : i32
        %select_n3A_391 = arith.select %and3A_389, %add3A_390, %rem3A_381 : i32
        %mul3A_392 = arith.constant 16 : i32
        %mul3A_393 = arith.muli %select_n3A_391, %mul3A_392 : i32
        %get3A_394 = arith.index_cast %select_n3A_375 : i32 to index
        %get3A_395 = arith.index_cast %mul3A_393 : i32 to index
        %get3A_396 = tpu.vector_load %arg20[%get3A_394, %get3A_395] {strides = array<i32>} : memref<40x128xf32, #tpu.memory_space<vmem>>, vector<1x16xf32>,
        %get3A_397 = vector.shape_cast %get3A_396 : vector<1x16xf32> to vector<16xf32>
        %get3A_398 = arith.index_cast %select_n3A_375 : i32 to index
        %get3A_399 = arith.index_cast %mul3A_393 : i32 to index
        %get3A_400 = tpu.vector_load %arg16[%get3A_398, %get3A_399] {strides = array<i32>} : memref<40x128xf32, #tpu.memory_space<vmem>>, vector<1x16xf32>,
        %get3A_401 = vector.shape_cast %get3A_400 : vector<1x16xf32> to vector<16xf32>
        %add3A_402 = arith.addf %get3A_397, %get3A_401 : vector<16xf32>
        %max3A_403 = arith.constant 0.000000e+00 : f32
        %max3A_404 = vector.broadcast %max3A_403 : f32 to vector<16xf32>
        %max3A_405 = arith.maximumf %add3A_402, %max3A_404 : vector<16xf32>
        %swap3A_406 = arith.index_cast %select_n3A_375 : i32 to index
        %swap3A_407 = arith.index_cast %mul3A_393 : i32 to index
        %swap3A_408 = tpu.vector_load %arg20[%swap3A_406, %swap3A_407] {strides = array<i32>} : memref<40x128xf32, #tpu.memory_space<vmem>>, vector<1x16xf32>,
        %swap3A_409 = vector.shape_cast %swap3A_408 : vector<1x16xf32> to vector<16xf32>
        %swap3A_410 = vector.shape_cast %max3A_405 : vector<16xf32> to vector<1x16xf32>
        tpu.vector_store %arg20[%swap3A_406, %swap3A_407], %swap3A_410 {strides = array<i32>} : memref<40x128xf32, #tpu.memory_space<vmem>>, vector<1x16xf32>,
        %scan3A_411 = arith.constant 3 : i32
        %scan3A_412 = arith.addi %scan3A_229, %scan3A_411 : i32
        %mul3A_413 = arith.constant 1 : i32
        %mul3A_414 = arith.muli %scan3A_412, %mul3A_413 : i32
        %add3A_415 = arith.constant 0 : i32
        %add3A_416 = arith.addi %add3A_415, %mul3A_414 : i32
        %jit3A_417 = arith.constant 8 : i32
        %div3A_418 = arith.divsi %add3A_416, %jit3A_417 : i32
        %sign3A_419 = arith.constant 0 : i32
        %sign3A_420 = arith.cmpi sgt, %add3A_416, %sign3A_419 : i32
        %sign3A_421 = arith.extui %sign3A_420 : i1 to i32
        %sign3A_422 = arith.constant 0 : i32
        %sign3A_423 = arith.cmpi slt, %add3A_416, %sign3A_422 : i32
        %sign3A_424 = arith.extui %sign3A_423 : i1 to i32
        %sign3A_425 = arith.subi %sign3A_421, %sign3A_424 : i32
        %sign3A_426 = arith.constant 0 : i32
        %sign3A_427 = arith.cmpi sgt, %jit3A_417, %sign3A_426 : i32
        %sign3A_428 = arith.extui %sign3A_427 : i1 to i32
        %sign3A_429 = arith.constant 0 : i32
        %sign3A_430 = arith.cmpi slt, %jit3A_417, %sign3A_429 : i32
        %sign3A_431 = arith.extui %sign3A_430 : i1 to i32
        %sign3A_432 = arith.subi %sign3A_428, %sign3A_431 : i32
        %ne3A_433 = arith.cmpi ne, %sign3A_425, %sign3A_432 : i32
        %rem3A_434 = arith.remsi %add3A_416, %jit3A_417 : i32
        %ne3A_435 = arith.constant 0 : i32
        %ne3A_436 = arith.cmpi ne, %rem3A_434, %ne3A_435 : i32
        %and3A_437 = arith.andi %ne3A_433, %ne3A_436 : i1
        %sub3A_438 = arith.constant 1 : i32
        %sub3A_439 = arith.subi %div3A_418, %sub3A_438 : i32
        %select_n3A_440 = arith.select %and3A_437, %sub3A_439, %div3A_418 : i32
        %jit3A_441 = arith.constant 8 : i32
        %eq3A_442 = arith.constant 0 : i32
        %eq3A_443 = arith.cmpi eq, %jit3A_441, %eq3A_442 : i32
        %jit3A_444 = arith.constant 1 : i32
        %select_n3A_445 = arith.select %eq3A_443, %jit3A_444, %jit3A_441 : i32
        %rem3A_446 = arith.remsi %add3A_416, %select_n3A_445 : i32
        %ne3A_447 = arith.constant 0 : i32
        %ne3A_448 = arith.cmpi ne, %rem3A_446, %ne3A_447 : i32
        %lt3A_449 = arith.constant 0 : i32
        %lt3A_450 = arith.cmpi slt, %rem3A_446, %lt3A_449 : i32
        %lt3A_451 = arith.constant 0 : i32
        %lt3A_452 = arith.cmpi slt, %select_n3A_445, %lt3A_451 : i32
        %ne3A_453 = arith.xori %lt3A_450, %lt3A_452 : i1
        %and3A_454 = arith.andi %ne3A_453, %ne3A_448 : i1
        %add3A_455 = arith.addi %rem3A_446, %select_n3A_445 : i32
        %select_n3A_456 = arith.select %and3A_454, %add3A_455, %rem3A_446 : i32
        %mul3A_457 = arith.constant 16 : i32
        %mul3A_458 = arith.muli %select_n3A_456, %mul3A_457 : i32
        %get3A_459 = arith.index_cast %select_n3A_440 : i32 to index
        %get3A_460 = arith.index_cast %mul3A_458 : i32 to index
        %get3A_461 = tpu.vector_load %arg20[%get3A_459, %get3A_460] {strides = array<i32>} : memref<40x128xf32, #tpu.memory_space<vmem>>, vector<1x16xf32>,
        %get3A_462 = vector.shape_cast %get3A_461 : vector<1x16xf32> to vector<16xf32>
        %get3A_463 = arith.index_cast %select_n3A_440 : i32 to index
        %get3A_464 = arith.index_cast %mul3A_458 : i32 to index
        %get3A_465 = tpu.vector_load %arg16[%get3A_463, %get3A_464] {strides = array<i32>} : memref<40x128xf32, #tpu.memory_space<vmem>>, vector<1x16xf32>,
        %get3A_466 = vector.shape_cast %get3A_465 : vector<1x16xf32> to vector<16xf32>
        %add3A_467 = arith.addf %get3A_462, %get3A_466 : vector<16xf32>
        %max3A_468 = arith.constant 0.000000e+00 : f32
        %max3A_469 = vector.broadcast %max3A_468 : f32 to vector<16xf32>
        %max3A_470 = arith.maximumf %add3A_467, %max3A_469 : vector<16xf32>
        %swap3A_471 = arith.index_cast %select_n3A_440 : i32 to index
        %swap3A_472 = arith.index_cast %mul3A_458 : i32 to index
        %swap3A_473 = tpu.vector_load %arg20[%swap3A_471, %swap3A_472] {strides = array<i32>} : memref<40x128xf32, #tpu.memory_space<vmem>>, vector<1x16xf32>,
        %swap3A_474 = vector.shape_cast %swap3A_473 : vector<1x16xf32> to vector<16xf32>
        %swap3A_475 = vector.shape_cast %max3A_470 : vector<16xf32> to vector<1x16xf32>
        tpu.vector_store %arg20[%swap3A_471, %swap3A_472], %swap3A_475 {strides = array<i32>} : memref<40x128xf32, #tpu.memory_space<vmem>>, vector<1x16xf32>,
        %scan3A_476 = arith.constant 4 : i32
        %scan3A_477 = arith.addi %scan3A_229, %scan3A_476 : i32
        %mul3A_478 = arith.constant 1 : i32
        %mul3A_479 = arith.muli %scan3A_477, %mul3A_478 : i32
        %add3A_480 = arith.constant 0 : i32
        %add3A_481 = arith.addi %add3A_480, %mul3A_479 : i32
        %jit3A_482 = arith.constant 8 : i32
        %div3A_483 = arith.divsi %add3A_481, %jit3A_482 : i32
        %sign3A_484 = arith.constant 0 : i32
        %sign3A_485 = arith.cmpi sgt, %add3A_481, %sign3A_484 : i32
        %sign3A_486 = arith.extui %sign3A_485 : i1 to i32
        %sign3A_487 = arith.constant 0 : i32
        %sign3A_488 = arith.cmpi slt, %add3A_481, %sign3A_487 : i32
        %sign3A_489 = arith.extui %sign3A_488 : i1 to i32
        %sign3A_490 = arith.subi %sign3A_486, %sign3A_489 : i32
        %sign3A_491 = arith.constant 0 : i32
        %sign3A_492 = arith.cmpi sgt, %jit3A_482, %sign3A_491 : i32
        %sign3A_493 = arith.extui %sign3A_492 : i1 to i32
        %sign3A_494 = arith.constant 0 : i32
        %sign3A_495 = arith.cmpi slt, %jit3A_482, %sign3A_494 : i32
        %sign3A_496 = arith.extui %sign3A_495 : i1 to i32
        %sign3A_497 = arith.subi %sign3A_493, %sign3A_496 : i32
        %ne3A_498 = arith.cmpi ne, %sign3A_490, %sign3A_497 : i32
        %rem3A_499 = arith.remsi %add3A_481, %jit3A_482 : i32
        %ne3A_500 = arith.constant 0 : i32
        %ne3A_501 = arith.cmpi ne, %rem3A_499, %ne3A_500 : i32
        %and3A_502 = arith.andi %ne3A_498, %ne3A_501 : i1
        %sub3A_503 = arith.constant 1 : i32
        %sub3A_504 = arith.subi %div3A_483, %sub3A_503 : i32
        %select_n3A_505 = arith.select %and3A_502, %sub3A_504, %div3A_483 : i32
        %jit3A_506 = arith.constant 8 : i32
        %eq3A_507 = arith.constant 0 : i32
        %eq3A_508 = arith.cmpi eq, %jit3A_506, %eq3A_507 : i32
        %jit3A_509 = arith.constant 1 : i32
        %select_n3A_510 = arith.select %eq3A_508, %jit3A_509, %jit3A_506 : i32
        %rem3A_511 = arith.remsi %add3A_481, %select_n3A_510 : i32
        %ne3A_512 = arith.constant 0 : i32
        %ne3A_513 = arith.cmpi ne, %rem3A_511, %ne3A_512 : i32
        %lt3A_514 = arith.constant 0 : i32
        %lt3A_515 = arith.cmpi slt, %rem3A_511, %lt3A_514 : i32
        %lt3A_516 = arith.constant 0 : i32
        %lt3A_517 = arith.cmpi slt, %select_n3A_510, %lt3A_516 : i32
        %ne3A_518 = arith.xori %lt3A_515, %lt3A_517 : i1
        %and3A_519 = arith.andi %ne3A_518, %ne3A_513 : i1
        %add3A_520 = arith.addi %rem3A_511, %select_n3A_510 : i32
        %select_n3A_521 = arith.select %and3A_519, %add3A_520, %rem3A_511 : i32
        %mul3A_522 = arith.constant 16 : i32
        %mul3A_523 = arith.muli %select_n3A_521, %mul3A_522 : i32
        %get3A_524 = arith.index_cast %select_n3A_505 : i32 to index
        %get3A_525 = arith.index_cast %mul3A_523 : i32 to index
        %get3A_526 = tpu.vector_load %arg20[%get3A_524, %get3A_525] {strides = array<i32>} : memref<40x128xf32, #tpu.memory_space<vmem>>, vector<1x16xf32>,
        %get3A_527 = vector.shape_cast %get3A_526 : vector<1x16xf32> to vector<16xf32>
        %get3A_528 = arith.index_cast %select_n3A_505 : i32 to index
        %get3A_529 = arith.index_cast %mul3A_523 : i32 to index
        %get3A_530 = tpu.vector_load %arg16[%get3A_528, %get3A_529] {strides = array<i32>} : memref<40x128xf32, #tpu.memory_space<vmem>>, vector<1x16xf32>,
        %get3A_531 = vector.shape_cast %get3A_530 : vector<1x16xf32> to vector<16xf32>
        %add3A_532 = arith.addf %get3A_527, %get3A_531 : vector<16xf32>
        %max3A_533 = arith.constant 0.000000e+00 : f32
        %max3A_534 = vector.broadcast %max3A_533 : f32 to vector<16xf32>
        %max3A_535 = arith.maximumf %add3A_532, %max3A_534 : vector<16xf32>
        %swap3A_536 = arith.index_cast %select_n3A_505 : i32 to index
        %swap3A_537 = arith.index_cast %mul3A_523 : i32 to index
        %swap3A_538 = tpu.vector_load %arg20[%swap3A_536, %swap3A_537] {strides = array<i32>} : memref<40x128xf32, #tpu.memory_space<vmem>>, vector<1x16xf32>,
        %swap3A_539 = vector.shape_cast %swap3A_538 : vector<1x16xf32> to vector<16xf32>
        %swap3A_540 = vector.shape_cast %max3A_535 : vector<16xf32> to vector<1x16xf32>
        tpu.vector_store %arg20[%swap3A_536, %swap3A_537], %swap3A_540 {strides = array<i32>} : memref<40x128xf32, #tpu.memory_space<vmem>>, vector<1x16xf32>,
        %scan3A_541 = arith.constant 5 : i32
        %scan3A_542 = arith.addi %scan3A_229, %scan3A_541 : i32
        %mul3A_543 = arith.constant 1 : i32
        %mul3A_544 = arith.muli %scan3A_542, %mul3A_543 : i32
        %add3A_545 = arith.constant 0 : i32
        %add3A_546 = arith.addi %add3A_545, %mul3A_544 : i32
        %jit3A_547 = arith.constant 8 : i32
        %div3A_548 = arith.divsi %add3A_546, %jit3A_547 : i32
        %sign3A_549 = arith.constant 0 : i32
        %sign3A_550 = arith.cmpi sgt, %add3A_546, %sign3A_549 : i32
        %sign3A_551 = arith.extui %sign3A_550 : i1 to i32
        %sign3A_552 = arith.constant 0 : i32
        %sign3A_553 = arith.cmpi slt, %add3A_546, %sign3A_552 : i32
        %sign3A_554 = arith.extui %sign3A_553 : i1 to i32
        %sign3A_555 = arith.subi %sign3A_551, %sign3A_554 : i32
        %sign3A_556 = arith.constant 0 : i32
        %sign3A_557 = arith.cmpi sgt, %jit3A_547, %sign3A_556 : i32
        %sign3A_558 = arith.extui %sign3A_557 : i1 to i32
        %sign3A_559 = arith.constant 0 : i32
        %sign3A_560 = arith.cmpi slt, %jit3A_547, %sign3A_559 : i32
        %sign3A_561 = arith.extui %sign3A_560 : i1 to i32
        %sign3A_562 = arith.subi %sign3A_558, %sign3A_561 : i32
        %ne3A_563 = arith.cmpi ne, %sign3A_555, %sign3A_562 : i32
        %rem3A_564 = arith.remsi %add3A_546, %jit3A_547 : i32
        %ne3A_565 = arith.constant 0 : i32
        %ne3A_566 = arith.cmpi ne, %rem3A_564, %ne3A_565 : i32
        %and3A_567 = arith.andi %ne3A_563, %ne3A_566 : i1
        %sub3A_568 = arith.constant 1 : i32
        %sub3A_569 = arith.subi %div3A_548, %sub3A_568 : i32
        %select_n3A_570 = arith.select %and3A_567, %sub3A_569, %div3A_548 : i32
        %jit3A_571 = arith.constant 8 : i32
        %eq3A_572 = arith.constant 0 : i32
        %eq3A_573 = arith.cmpi eq, %jit3A_571, %eq3A_572 : i32
        %jit3A_574 = arith.constant 1 : i32
        %select_n3A_575 = arith.select %eq3A_573, %jit3A_574, %jit3A_571 : i32
        %rem3A_576 = arith.remsi %add3A_546, %select_n3A_575 : i32
        %ne3A_577 = arith.constant 0 : i32
        %ne3A_578 = arith.cmpi ne, %rem3A_576, %ne3A_577 : i32
        %lt3A_579 = arith.constant 0 : i32
        %lt3A_580 = arith.cmpi slt, %rem3A_576, %lt3A_579 : i32
        %lt3A_581 = arith.constant 0 : i32
        %lt3A_582 = arith.cmpi slt, %select_n3A_575, %lt3A_581 : i32
        %ne3A_583 = arith.xori %lt3A_580, %lt3A_582 : i1
        %and3A_584 = arith.andi %ne3A_583, %ne3A_578 : i1
        %add3A_585 = arith.addi %rem3A_576, %select_n3A_575 : i32
        %select_n3A_586 = arith.select %and3A_584, %add3A_585, %rem3A_576 : i32
        %mul3A_587 = arith.constant 16 : i32
        %mul3A_588 = arith.muli %select_n3A_586, %mul3A_587 : i32
        %get3A_589 = arith.index_cast %select_n3A_570 : i32 to index
        %get3A_590 = arith.index_cast %mul3A_588 : i32 to index
        %get3A_591 = tpu.vector_load %arg20[%get3A_589, %get3A_590] {strides = array<i32>} : memref<40x128xf32, #tpu.memory_space<vmem>>, vector<1x16xf32>,
        %get3A_592 = vector.shape_cast %get3A_591 : vector<1x16xf32> to vector<16xf32>
        %get3A_593 = arith.index_cast %select_n3A_570 : i32 to index
        %get3A_594 = arith.index_cast %mul3A_588 : i32 to index
        %get3A_595 = tpu.vector_load %arg16[%get3A_593, %get3A_594] {strides = array<i32>} : memref<40x128xf32, #tpu.memory_space<vmem>>, vector<1x16xf32>,
        %get3A_596 = vector.shape_cast %get3A_595 : vector<1x16xf32> to vector<16xf32>
        %add3A_597 = arith.addf %get3A_592, %get3A_596 : vector<16xf32>
        %max3A_598 = arith.constant 0.000000e+00 : f32
        %max3A_599 = vector.broadcast %max3A_598 : f32 to vector<16xf32>
        %max3A_600 = arith.maximumf %add3A_597, %max3A_599 : vector<16xf32>
        %swap3A_601 = arith.index_cast %select_n3A_570 : i32 to index
        %swap3A_602 = arith.index_cast %mul3A_588 : i32 to index
        %swap3A_603 = tpu.vector_load %arg20[%swap3A_601, %swap3A_602] {strides = array<i32>} : memref<40x128xf32, #tpu.memory_space<vmem>>, vector<1x16xf32>,
        %swap3A_604 = vector.shape_cast %swap3A_603 : vector<1x16xf32> to vector<16xf32>
        %swap3A_605 = vector.shape_cast %max3A_600 : vector<16xf32> to vector<1x16xf32>
        tpu.vector_store %arg20[%swap3A_601, %swap3A_602], %swap3A_605 {strides = array<i32>} : memref<40x128xf32, #tpu.memory_space<vmem>>, vector<1x16xf32>,
        %scan3A_606 = arith.constant 6 : i32
        %scan3A_607 = arith.addi %scan3A_229, %scan3A_606 : i32
        %mul3A_608 = arith.constant 1 : i32
        %mul3A_609 = arith.muli %scan3A_607, %mul3A_608 : i32
        %add3A_610 = arith.constant 0 : i32
        %add3A_611 = arith.addi %add3A_610, %mul3A_609 : i32
        %jit3A_612 = arith.constant 8 : i32
        %div3A_613 = arith.divsi %add3A_611, %jit3A_612 : i32
        %sign3A_614 = arith.constant 0 : i32
        %sign3A_615 = arith.cmpi sgt, %add3A_611, %sign3A_614 : i32
        %sign3A_616 = arith.extui %sign3A_615 : i1 to i32
        %sign3A_617 = arith.constant 0 : i32
        %sign3A_618 = arith.cmpi slt, %add3A_611, %sign3A_617 : i32
        %sign3A_619 = arith.extui %sign3A_618 : i1 to i32
        %sign3A_620 = arith.subi %sign3A_616, %sign3A_619 : i32
        %sign3A_621 = arith.constant 0 : i32
        %sign3A_622 = arith.cmpi sgt, %jit3A_612, %sign3A_621 : i32
        %sign3A_623 = arith.extui %sign3A_622 : i1 to i32
        %sign3A_624 = arith.constant 0 : i32
        %sign3A_625 = arith.cmpi slt, %jit3A_612, %sign3A_624 : i32
        %sign3A_626 = arith.extui %sign3A_625 : i1 to i32
        %sign3A_627 = arith.subi %sign3A_623, %sign3A_626 : i32
        %ne3A_628 = arith.cmpi ne, %sign3A_620, %sign3A_627 : i32
        %rem3A_629 = arith.remsi %add3A_611, %jit3A_612 : i32
        %ne3A_630 = arith.constant 0 : i32
        %ne3A_631 = arith.cmpi ne, %rem3A_629, %ne3A_630 : i32
        %and3A_632 = arith.andi %ne3A_628, %ne3A_631 : i1
        %sub3A_633 = arith.constant 1 : i32
        %sub3A_634 = arith.subi %div3A_613, %sub3A_633 : i32
        %select_n3A_635 = arith.select %and3A_632, %sub3A_634, %div3A_613 : i32
        %jit3A_636 = arith.constant 8 : i32
        %eq3A_637 = arith.constant 0 : i32
        %eq3A_638 = arith.cmpi eq, %jit3A_636, %eq3A_637 : i32
        %jit3A_639 = arith.constant 1 : i32
        %select_n3A_640 = arith.select %eq3A_638, %jit3A_639, %jit3A_636 : i32
        %rem3A_641 = arith.remsi %add3A_611, %select_n3A_640 : i32
        %ne3A_642 = arith.constant 0 : i32
        %ne3A_643 = arith.cmpi ne, %rem3A_641, %ne3A_642 : i32
        %lt3A_644 = arith.constant 0 : i32
        %lt3A_645 = arith.cmpi slt, %rem3A_641, %lt3A_644 : i32
        %lt3A_646 = arith.constant 0 : i32
        %lt3A_647 = arith.cmpi slt, %select_n3A_640, %lt3A_646 : i32
        %ne3A_648 = arith.xori %lt3A_645, %lt3A_647 : i1
        %and3A_649 = arith.andi %ne3A_648, %ne3A_643 : i1
        %add3A_650 = arith.addi %rem3A_641, %select_n3A_640 : i32
        %select_n3A_651 = arith.select %and3A_649, %add3A_650, %rem3A_641 : i32
        %mul3A_652 = arith.constant 16 : i32
        %mul3A_653 = arith.muli %select_n3A_651, %mul3A_652 : i32
        %get3A_654 = arith.index_cast %select_n3A_635 : i32 to index
        %get3A_655 = arith.index_cast %mul3A_653 : i32 to index
        %get3A_656 = tpu.vector_load %arg20[%get3A_654, %get3A_655] {strides = array<i32>} : memref<40x128xf32, #tpu.memory_space<vmem>>, vector<1x16xf32>,
        %get3A_657 = vector.shape_cast %get3A_656 : vector<1x16xf32> to vector<16xf32>
        %get3A_658 = arith.index_cast %select_n3A_635 : i32 to index
        %get3A_659 = arith.index_cast %mul3A_653 : i32 to index
        %get3A_660 = tpu.vector_load %arg16[%get3A_658, %get3A_659] {strides = array<i32>} : memref<40x128xf32, #tpu.memory_space<vmem>>, vector<1x16xf32>,
        %get3A_661 = vector.shape_cast %get3A_660 : vector<1x16xf32> to vector<16xf32>
        %add3A_662 = arith.addf %get3A_657, %get3A_661 : vector<16xf32>
        %max3A_663 = arith.constant 0.000000e+00 : f32
        %max3A_664 = vector.broadcast %max3A_663 : f32 to vector<16xf32>
        %max3A_665 = arith.maximumf %add3A_662, %max3A_664 : vector<16xf32>
        %swap3A_666 = arith.index_cast %select_n3A_635 : i32 to index
        %swap3A_667 = arith.index_cast %mul3A_653 : i32 to index
        %swap3A_668 = tpu.vector_load %arg20[%swap3A_666, %swap3A_667] {strides = array<i32>} : memref<40x128xf32, #tpu.memory_space<vmem>>, vector<1x16xf32>,
        %swap3A_669 = vector.shape_cast %swap3A_668 : vector<1x16xf32> to vector<16xf32>
        %swap3A_670 = vector.shape_cast %max3A_665 : vector<16xf32> to vector<1x16xf32>
        tpu.vector_store %arg20[%swap3A_666, %swap3A_667], %swap3A_670 {strides = array<i32>} : memref<40x128xf32, #tpu.memory_space<vmem>>, vector<1x16xf32>,
        %scan3A_671 = arith.constant 7 : i32
        %scan3A_672 = arith.addi %scan3A_229, %scan3A_671 : i32
        %mul3A_673 = arith.constant 1 : i32
        %mul3A_674 = arith.muli %scan3A_672, %mul3A_673 : i32
        %add3A_675 = arith.constant 0 : i32
        %add3A_676 = arith.addi %add3A_675, %mul3A_674 : i32
        %jit3A_677 = arith.constant 8 : i32
        %div3A_678 = arith.divsi %add3A_676, %jit3A_677 : i32
        %sign3A_679 = arith.constant 0 : i32
        %sign3A_680 = arith.cmpi sgt, %add3A_676, %sign3A_679 : i32
        %sign3A_681 = arith.extui %sign3A_680 : i1 to i32
        %sign3A_682 = arith.constant 0 : i32
        %sign3A_683 = arith.cmpi slt, %add3A_676, %sign3A_682 : i32
        %sign3A_684 = arith.extui %sign3A_683 : i1 to i32
        %sign3A_685 = arith.subi %sign3A_681, %sign3A_684 : i32
        %sign3A_686 = arith.constant 0 : i32
        %sign3A_687 = arith.cmpi sgt, %jit3A_677, %sign3A_686 : i32
        %sign3A_688 = arith.extui %sign3A_687 : i1 to i32
        %sign3A_689 = arith.constant 0 : i32
        %sign3A_690 = arith.cmpi slt, %jit3A_677, %sign3A_689 : i32
        %sign3A_691 = arith.extui %sign3A_690 : i1 to i32
        %sign3A_692 = arith.subi %sign3A_688, %sign3A_691 : i32
        %ne3A_693 = arith.cmpi ne, %sign3A_685, %sign3A_692 : i32
        %rem3A_694 = arith.remsi %add3A_676, %jit3A_677 : i32
        %ne3A_695 = arith.constant 0 : i32
        %ne3A_696 = arith.cmpi ne, %rem3A_694, %ne3A_695 : i32
        %and3A_697 = arith.andi %ne3A_693, %ne3A_696 : i1
        %sub3A_698 = arith.constant 1 : i32
        %sub3A_699 = arith.subi %div3A_678, %sub3A_698 : i32
        %select_n3A_700 = arith.select %and3A_697, %sub3A_699, %div3A_678 : i32
        %jit3A_701 = arith.constant 8 : i32
        %eq3A_702 = arith.constant 0 : i32
        %eq3A_703 = arith.cmpi eq, %jit3A_701, %eq3A_702 : i32
        %jit3A_704 = arith.constant 1 : i32
        %select_n3A_705 = arith.select %eq3A_703, %jit3A_704, %jit3A_701 : i32
        %rem3A_706 = arith.remsi %add3A_676, %select_n3A_705 : i32
        %ne3A_707 = arith.constant 0 : i32
        %ne3A_708 = arith.cmpi ne, %rem3A_706, %ne3A_707 : i32
        %lt3A_709 = arith.constant 0 : i32
        %lt3A_710 = arith.cmpi slt, %rem3A_706, %lt3A_709 : i32
        %lt3A_711 = arith.constant 0 : i32
        %lt3A_712 = arith.cmpi slt, %select_n3A_705, %lt3A_711 : i32
        %ne3A_713 = arith.xori %lt3A_710, %lt3A_712 : i1
        %and3A_714 = arith.andi %ne3A_713, %ne3A_708 : i1
        %add3A_715 = arith.addi %rem3A_706, %select_n3A_705 : i32
        %select_n3A_716 = arith.select %and3A_714, %add3A_715, %rem3A_706 : i32
        %mul3A_717 = arith.constant 16 : i32
        %mul3A_718 = arith.muli %select_n3A_716, %mul3A_717 : i32
        %get3A_719 = arith.index_cast %select_n3A_700 : i32 to index
        %get3A_720 = arith.index_cast %mul3A_718 : i32 to index
        %get3A_721 = tpu.vector_load %arg20[%get3A_719, %get3A_720] {strides = array<i32>} : memref<40x128xf32, #tpu.memory_space<vmem>>, vector<1x16xf32>,
        %get3A_722 = vector.shape_cast %get3A_721 : vector<1x16xf32> to vector<16xf32>
        %get3A_723 = arith.index_cast %select_n3A_700 : i32 to index
        %get3A_724 = arith.index_cast %mul3A_718 : i32 to index
        %get3A_725 = tpu.vector_load %arg16[%get3A_723, %get3A_724] {strides = array<i32>} : memref<40x128xf32, #tpu.memory_space<vmem>>, vector<1x16xf32>,
        %get3A_726 = vector.shape_cast %get3A_725 : vector<1x16xf32> to vector<16xf32>
        %add3A_727 = arith.addf %get3A_722, %get3A_726 : vector<16xf32>
        %max3A_728 = arith.constant 0.000000e+00 : f32
        %max3A_729 = vector.broadcast %max3A_728 : f32 to vector<16xf32>
        %max3A_730 = arith.maximumf %add3A_727, %max3A_729 : vector<16xf32>
        %swap3A_731 = arith.index_cast %select_n3A_700 : i32 to index
        %swap3A_732 = arith.index_cast %mul3A_718 : i32 to index
        %swap3A_733 = tpu.vector_load %arg20[%swap3A_731, %swap3A_732] {strides = array<i32>} : memref<40x128xf32, #tpu.memory_space<vmem>>, vector<1x16xf32>,
        %swap3A_734 = vector.shape_cast %swap3A_733 : vector<1x16xf32> to vector<16xf32>
        %swap3A_735 = vector.shape_cast %max3A_730 : vector<16xf32> to vector<1x16xf32>
        tpu.vector_store %arg20[%swap3A_731, %swap3A_732], %swap3A_735 {strides = array<i32>} : memref<40x128xf32, #tpu.memory_space<vmem>>, vector<1x16xf32>,
      }
      %scan3A_102 = arith.constant 320 : i32
      %dma_start3A_103 = arith.constant 0 : i32
      %dma_start3A_104 = arith.constant 0 : i32
      %dma_start3A_105 = tpu.memref_slice %arg7[%dma_start3A_103, %dma_start3A_104] : memref<10112x128xf32, #tpu.memory_space<vmem_shared>> -> memref<10112x128xf32, #tpu.memory_space<vmem_shared>>
      tpu.enqueue_indirect_dma source(%arg20 : memref<40x128xf32, #tpu.memory_space<vmem>>) target(%dma_start3A_105 : memref<10112x128xf32, #tpu.memory_space<vmem_shared>>) offsets(%arg12 : memref<40xi32, #tpu.memory_space<vmem>>) semaphore(%arg26 : memref<!tpu.dma_semaphore, #tpu.memory_space<semaphore_mem>>) {add = true}
      %mul3A_106 = arith.constant 4 : i32
      %mul3A_107 = arith.muli %add3A_68, %mul3A_106 : i32
      %add3A_108 = arith.constant 1 : i32
      %add3A_109 = arith.addi %mul3A_107, %add3A_108 : i32
      %add3A_110 = arith.constant 1 : i32
      %add3A_111 = arith.addi %add3A_109, %add3A_110 : i32
      %lt3A_112 = arith.constant 252 : i32
      %lt3A_113 = arith.cmpi slt, %add3A_111, %lt3A_112 : i32
      %convert_element_type3A_114 = arith.extui %lt3A_113 : i1 to i32
      %cond3A_115 = arith.constant 0 : i32
      %cond3A_116 = arith.cmpi ne, %convert_element_type3A_114, %cond3A_115 : i32
      scf.if %cond3A_116 {
        %dma_wait3A_229 = arith.constant 0 : i32
        %dma_wait3A_230 = tpu.memref_slice %arg3[%dma_wait3A_229] : memref<322560xi32, #tpu.memory_space<hbm>> -> memref<40xi32, #tpu.memory_space<hbm>>
        %dma_wait3A_231 = arith.constant 0 : i32
        %dma_wait3A_232 = tpu.memref_slice %arg3[%dma_wait3A_231] : memref<322560xi32, #tpu.memory_space<hbm>> -> memref<40xi32, #tpu.memory_space<hbm>>
        tpu.wait_dma2 semaphore(%arg24 : memref<!tpu.dma_semaphore, #tpu.memory_space<semaphore_mem>>) src(%dma_wait3A_232 : memref<40xi32, #tpu.memory_space<hbm>>) dst(%arg10 : memref<40xi32, #tpu.memory_space<vmem>>)
        %dma_wait3A_233 = arith.constant 0 : i32
        %dma_wait3A_234 = tpu.memref_slice %arg4[%dma_wait3A_233] : memref<322560xi32, #tpu.memory_space<hbm>> -> memref<40xi32, #tpu.memory_space<hbm>>
        %dma_wait3A_235 = arith.constant 0 : i32
        %dma_wait3A_236 = tpu.memref_slice %arg4[%dma_wait3A_235] : memref<322560xi32, #tpu.memory_space<hbm>> -> memref<40xi32, #tpu.memory_space<hbm>>
        tpu.wait_dma2 semaphore(%arg24 : memref<!tpu.dma_semaphore, #tpu.memory_space<semaphore_mem>>) src(%dma_wait3A_236 : memref<40xi32, #tpu.memory_space<hbm>>) dst(%arg14 : memref<40xi32, #tpu.memory_space<vmem>>)
        %dma_wait3A_237 = arith.constant 0 : i32
        %dma_wait3A_238 = arith.constant 0 : i32
        %dma_wait3A_239 = tpu.memref_slice %arg5[%dma_wait3A_237, %dma_wait3A_238] : memref<322560x128xf32, #tpu.memory_space<hbm>> -> memref<40x128xf32, #tpu.memory_space<hbm>>
        %dma_wait3A_240 = arith.constant 0 : i32
        %dma_wait3A_241 = arith.constant 0 : i32
        %dma_wait3A_242 = tpu.memref_slice %arg5[%dma_wait3A_240, %dma_wait3A_241] : memref<322560x128xf32, #tpu.memory_space<hbm>> -> memref<40x128xf32, #tpu.memory_space<hbm>>
        tpu.wait_dma2 semaphore(%arg24 : memref<!tpu.dma_semaphore, #tpu.memory_space<semaphore_mem>>) src(%dma_wait3A_242 : memref<40x128xf32, #tpu.memory_space<hbm>>) dst(%arg18 : memref<40x128xf32, #tpu.memory_space<vmem>>)
      } else {
      }
      %dma_wait3A_117 = arith.constant 0 : i32
      %dma_wait3A_118 = arith.constant 0 : i32
      %dma_wait3A_119 = tpu.memref_slice %arg2[%dma_wait3A_117, %dma_wait3A_118] : memref<10000x128xf32, #tpu.memory_space<hbm>> -> memref<10000x128xf32, #tpu.memory_space<hbm>>
      tpu.wait_indirect_dma semaphore(%arg25 : memref<!tpu.dma_semaphore, #tpu.memory_space<semaphore_mem>>) src(%dma_wait3A_119 : memref<10000x128xf32, #tpu.memory_space<hbm>>) dst(%arg21 : memref<40x128xf32, #tpu.memory_space<vmem>>)
      %add3A_120 = arith.constant 1 : i32
      %add3A_121 = arith.addi %add3A_109, %add3A_120 : i32
      %lt3A_122 = arith.constant 252 : i32
      %lt3A_123 = arith.cmpi slt, %add3A_121, %lt3A_122 : i32
      %convert_element_type3A_124 = arith.extui %lt3A_123 : i1 to i32
      %cond3A_125 = arith.constant 0 : i32
      %cond3A_126 = arith.cmpi ne, %convert_element_type3A_124, %cond3A_125 : i32
      scf.if %cond3A_126 {
        %dma_start3A_229 = arith.constant 0 : i32
        %dma_start3A_230 = arith.constant 0 : i32
        %dma_start3A_231 = tpu.memref_slice %arg2[%dma_start3A_229, %dma_start3A_230] : memref<10000x128xf32, #tpu.memory_space<hbm>> -> memref<10000x128xf32, #tpu.memory_space<hbm>>
        tpu.enqueue_indirect_dma source(%dma_start3A_231 : memref<10000x128xf32, #tpu.memory_space<hbm>>) target(%arg22 : memref<40x128xf32, #tpu.memory_space<vmem>>) offsets(%arg10 : memref<40xi32, #tpu.memory_space<vmem>>) semaphore(%arg25 : memref<!tpu.dma_semaphore, #tpu.memory_space<semaphore_mem>>)
      } else {
      }
      %ge3A_127 = arith.constant 2 : i32
      %ge3A_128 = arith.cmpi sge, %add3A_109, %ge3A_127 : i32
      %convert_element_type3A_129 = arith.extui %ge3A_128 : i1 to i32
      %cond3A_130 = arith.constant 0 : i32
      %cond3A_131 = arith.cmpi ne, %convert_element_type3A_129, %cond3A_130 : i32
      scf.if %cond3A_131 {
        %dma_wait3A_229 = arith.constant 0 : i32
        %dma_wait3A_230 = arith.constant 0 : i32
        %dma_wait3A_231 = tpu.memref_slice %arg7[%dma_wait3A_229, %dma_wait3A_230] : memref<10112x128xf32, #tpu.memory_space<vmem_shared>> -> memref<10112x128xf32, #tpu.memory_space<vmem_shared>>
        tpu.wait_indirect_dma semaphore(%arg29 : memref<!tpu.dma_semaphore, #tpu.memory_space<semaphore_mem>>) src(%arg23 : memref<40x128xf32, #tpu.memory_space<vmem>>) dst(%dma_wait3A_231 : memref<10112x128xf32, #tpu.memory_space<vmem_shared>>)
      } else {
      }
      %add3A_132 = arith.constant 2 : i32
      %add3A_133 = arith.addi %add3A_109, %add3A_132 : i32
      %lt3A_134 = arith.constant 252 : i32
      %lt3A_135 = arith.cmpi slt, %add3A_133, %lt3A_134 : i32
      %convert_element_type3A_136 = arith.extui %lt3A_135 : i1 to i32
      %cond3A_137 = arith.constant 0 : i32
      %cond3A_138 = arith.cmpi ne, %convert_element_type3A_136, %cond3A_137 : i32
      scf.if %cond3A_138 {
        %add3A_229 = arith.constant 2 : i32
        %add3A_230 = arith.addi %add3A_109, %add3A_229 : i32
        %mul3A_231 = arith.constant 40 : i32
        %mul3A_232 = arith.muli %add3A_230, %mul3A_231 : i32
        %add3A_233 = arith.addi %mul3A_2, %mul3A_232 : i32
        %dma_start3A_234 = tpu.memref_slice %arg3[%add3A_233] : memref<322560xi32, #tpu.memory_space<hbm>> -> memref<40xi32, #tpu.memory_space<hbm>>
        %dma_start3A_235 = tpu.memref_slice %arg3[%add3A_233] : memref<322560xi32, #tpu.memory_space<hbm>> -> memref<40xi32, #tpu.memory_space<hbm>>
        tpu.enqueue_dma source(%dma_start3A_235 : memref<40xi32, #tpu.memory_space<hbm>>) target(%arg11 : memref<40xi32, #tpu.memory_space<vmem>>) target_semaphore(%arg24 : memref<!tpu.dma_semaphore, #tpu.memory_space<semaphore_mem>>)
        %dma_start3A_236 = tpu.memref_slice %arg4[%add3A_233] : memref<322560xi32, #tpu.memory_space<hbm>> -> memref<40xi32, #tpu.memory_space<hbm>>
        %dma_start3A_237 = tpu.memref_slice %arg4[%add3A_233] : memref<322560xi32, #tpu.memory_space<hbm>> -> memref<40xi32, #tpu.memory_space<hbm>>
        tpu.enqueue_dma source(%dma_start3A_237 : memref<40xi32, #tpu.memory_space<hbm>>) target(%arg15 : memref<40xi32, #tpu.memory_space<vmem>>) target_semaphore(%arg24 : memref<!tpu.dma_semaphore, #tpu.memory_space<semaphore_mem>>)
        %dma_start3A_238 = arith.constant 0 : i32
        %dma_start3A_239 = tpu.memref_slice %arg5[%add3A_233, %dma_start3A_238] : memref<322560x128xf32, #tpu.memory_space<hbm>> -> memref<40x128xf32, #tpu.memory_space<hbm>>
        %dma_start3A_240 = arith.constant 0 : i32
        %dma_start3A_241 = tpu.memref_slice %arg5[%add3A_233, %dma_start3A_240] : memref<322560x128xf32, #tpu.memory_space<hbm>> -> memref<40x128xf32, #tpu.memory_space<hbm>>
        tpu.enqueue_dma source(%dma_start3A_241 : memref<40x128xf32, #tpu.memory_space<hbm>>) target(%arg19 : memref<40x128xf32, #tpu.memory_space<vmem>>) target_semaphore(%arg24 : memref<!tpu.dma_semaphore, #tpu.memory_space<semaphore_mem>>)
      } else {
      }
      %scan3A_139 = arith.constant 0 : i32
      %scan3A_140 = arith.constant 320 : i32
      %scan3A_141 = arith.addi %scan3A_139, %scan3A_140 : i32
      %scan3A_142 = arith.constant 8 : i32
      scf.for %scan3A_229 = %scan3A_139 to %scan3A_141 step %scan3A_142  : i32 {
        %mul3A_230 = arith.constant 1 : i32
        %mul3A_231 = arith.muli %scan3A_229, %mul3A_230 : i32
        %add3A_232 = arith.constant 0 : i32
        %add3A_233 = arith.addi %add3A_232, %mul3A_231 : i32
        %jit3A = arith.constant 8 : i32
        %div3A = arith.divsi %add3A_233, %jit3A : i32
        %sign3A = arith.constant 0 : i32
        %sign3A_234 = arith.cmpi sgt, %add3A_233, %sign3A : i32
        %sign3A_235 = arith.extui %sign3A_234 : i1 to i32
        %sign3A_236 = arith.constant 0 : i32
        %sign3A_237 = arith.cmpi slt, %add3A_233, %sign3A_236 : i32
        %sign3A_238 = arith.extui %sign3A_237 : i1 to i32
        %sign3A_239 = arith.subi %sign3A_235, %sign3A_238 : i32
        %sign3A_240 = arith.constant 0 : i32
        %sign3A_241 = arith.cmpi sgt, %jit3A, %sign3A_240 : i32
        %sign3A_242 = arith.extui %sign3A_241 : i1 to i32
        %sign3A_243 = arith.constant 0 : i32
        %sign3A_244 = arith.cmpi slt, %jit3A, %sign3A_243 : i32
        %sign3A_245 = arith.extui %sign3A_244 : i1 to i32
        %sign3A_246 = arith.subi %sign3A_242, %sign3A_245 : i32
        %ne3A = arith.cmpi ne, %sign3A_239, %sign3A_246 : i32
        %rem3A = arith.remsi %add3A_233, %jit3A : i32
        %ne3A_247 = arith.constant 0 : i32
        %ne3A_248 = arith.cmpi ne, %rem3A, %ne3A_247 : i32
        %and3A = arith.andi %ne3A, %ne3A_248 : i1
        %sub3A = arith.constant 1 : i32
        %sub3A_249 = arith.subi %div3A, %sub3A : i32
        %select_n3A = arith.select %and3A, %sub3A_249, %div3A : i32
        %jit3A_250 = arith.constant 8 : i32
        %eq3A = arith.constant 0 : i32
        %eq3A_251 = arith.cmpi eq, %jit3A_250, %eq3A : i32
        %jit3A_252 = arith.constant 1 : i32
        %select_n3A_253 = arith.select %eq3A_251, %jit3A_252, %jit3A_250 : i32
        %rem3A_254 = arith.remsi %add3A_233, %select_n3A_253 : i32
        %ne3A_255 = arith.constant 0 : i32
        %ne3A_256 = arith.cmpi ne, %rem3A_254, %ne3A_255 : i32
        %lt3A_257 = arith.constant 0 : i32
        %lt3A_258 = arith.cmpi slt, %rem3A_254, %lt3A_257 : i32
        %lt3A_259 = arith.constant 0 : i32
        %lt3A_260 = arith.cmpi slt, %select_n3A_253, %lt3A_259 : i32
        %ne3A_261 = arith.xori %lt3A_258, %lt3A_260 : i1
        %and3A_262 = arith.andi %ne3A_261, %ne3A_256 : i1
        %add3A_263 = arith.addi %rem3A_254, %select_n3A_253 : i32
        %select_n3A_264 = arith.select %and3A_262, %add3A_263, %rem3A_254 : i32
        %mul3A_265 = arith.constant 16 : i32
        %mul3A_266 = arith.muli %select_n3A_264, %mul3A_265 : i32
        %get3A = arith.index_cast %select_n3A : i32 to index
        %get3A_267 = arith.index_cast %mul3A_266 : i32 to index
        %get3A_268 = tpu.vector_load %arg21[%get3A, %get3A_267] {strides = array<i32>} : memref<40x128xf32, #tpu.memory_space<vmem>>, vector<1x16xf32>,
        %get3A_269 = vector.shape_cast %get3A_268 : vector<1x16xf32> to vector<16xf32>
        %get3A_270 = arith.index_cast %select_n3A : i32 to index
        %get3A_271 = arith.index_cast %mul3A_266 : i32 to index
        %get3A_272 = tpu.vector_load %arg17[%get3A_270, %get3A_271] {strides = array<i32>} : memref<40x128xf32, #tpu.memory_space<vmem>>, vector<1x16xf32>,
        %get3A_273 = vector.shape_cast %get3A_272 : vector<1x16xf32> to vector<16xf32>
        %add3A_274 = arith.addf %get3A_269, %get3A_273 : vector<16xf32>
        %max3A = arith.constant 0.000000e+00 : f32
        %max3A_275 = vector.broadcast %max3A : f32 to vector<16xf32>
        %max3A_276 = arith.maximumf %add3A_274, %max3A_275 : vector<16xf32>
        %swap3A = arith.index_cast %select_n3A : i32 to index
        %swap3A_277 = arith.index_cast %mul3A_266 : i32 to index
        %swap3A_278 = tpu.vector_load %arg21[%swap3A, %swap3A_277] {strides = array<i32>} : memref<40x128xf32, #tpu.memory_space<vmem>>, vector<1x16xf32>,
        %swap3A_279 = vector.shape_cast %swap3A_278 : vector<1x16xf32> to vector<16xf32>
        %swap3A_280 = vector.shape_cast %max3A_276 : vector<16xf32> to vector<1x16xf32>
        tpu.vector_store %arg21[%swap3A, %swap3A_277], %swap3A_280 {strides = array<i32>} : memref<40x128xf32, #tpu.memory_space<vmem>>, vector<1x16xf32>,
        %scan3A_281 = arith.constant 1 : i32
        %scan3A_282 = arith.addi %scan3A_229, %scan3A_281 : i32
        %mul3A_283 = arith.constant 1 : i32
        %mul3A_284 = arith.muli %scan3A_282, %mul3A_283 : i32
        %add3A_285 = arith.constant 0 : i32
        %add3A_286 = arith.addi %add3A_285, %mul3A_284 : i32
        %jit3A_287 = arith.constant 8 : i32
        %div3A_288 = arith.divsi %add3A_286, %jit3A_287 : i32
        %sign3A_289 = arith.constant 0 : i32
        %sign3A_290 = arith.cmpi sgt, %add3A_286, %sign3A_289 : i32
        %sign3A_291 = arith.extui %sign3A_290 : i1 to i32
        %sign3A_292 = arith.constant 0 : i32
        %sign3A_293 = arith.cmpi slt, %add3A_286, %sign3A_292 : i32
        %sign3A_294 = arith.extui %sign3A_293 : i1 to i32
        %sign3A_295 = arith.subi %sign3A_291, %sign3A_294 : i32
        %sign3A_296 = arith.constant 0 : i32
        %sign3A_297 = arith.cmpi sgt, %jit3A_287, %sign3A_296 : i32
        %sign3A_298 = arith.extui %sign3A_297 : i1 to i32
        %sign3A_299 = arith.constant 0 : i32
        %sign3A_300 = arith.cmpi slt, %jit3A_287, %sign3A_299 : i32
        %sign3A_301 = arith.extui %sign3A_300 : i1 to i32
        %sign3A_302 = arith.subi %sign3A_298, %sign3A_301 : i32
        %ne3A_303 = arith.cmpi ne, %sign3A_295, %sign3A_302 : i32
        %rem3A_304 = arith.remsi %add3A_286, %jit3A_287 : i32
        %ne3A_305 = arith.constant 0 : i32
        %ne3A_306 = arith.cmpi ne, %rem3A_304, %ne3A_305 : i32
        %and3A_307 = arith.andi %ne3A_303, %ne3A_306 : i1
        %sub3A_308 = arith.constant 1 : i32
        %sub3A_309 = arith.subi %div3A_288, %sub3A_308 : i32
        %select_n3A_310 = arith.select %and3A_307, %sub3A_309, %div3A_288 : i32
        %jit3A_311 = arith.constant 8 : i32
        %eq3A_312 = arith.constant 0 : i32
        %eq3A_313 = arith.cmpi eq, %jit3A_311, %eq3A_312 : i32
        %jit3A_314 = arith.constant 1 : i32
        %select_n3A_315 = arith.select %eq3A_313, %jit3A_314, %jit3A_311 : i32
        %rem3A_316 = arith.remsi %add3A_286, %select_n3A_315 : i32
        %ne3A_317 = arith.constant 0 : i32
        %ne3A_318 = arith.cmpi ne, %rem3A_316, %ne3A_317 : i32
        %lt3A_319 = arith.constant 0 : i32
        %lt3A_320 = arith.cmpi slt, %rem3A_316, %lt3A_319 : i32
        %lt3A_321 = arith.constant 0 : i32
        %lt3A_322 = arith.cmpi slt, %select_n3A_315, %lt3A_321 : i32
        %ne3A_323 = arith.xori %lt3A_320, %lt3A_322 : i1
        %and3A_324 = arith.andi %ne3A_323, %ne3A_318 : i1
        %add3A_325 = arith.addi %rem3A_316, %select_n3A_315 : i32
        %select_n3A_326 = arith.select %and3A_324, %add3A_325, %rem3A_316 : i32
        %mul3A_327 = arith.constant 16 : i32
        %mul3A_328 = arith.muli %select_n3A_326, %mul3A_327 : i32
        %get3A_329 = arith.index_cast %select_n3A_310 : i32 to index
        %get3A_330 = arith.index_cast %mul3A_328 : i32 to index
        %get3A_331 = tpu.vector_load %arg21[%get3A_329, %get3A_330] {strides = array<i32>} : memref<40x128xf32, #tpu.memory_space<vmem>>, vector<1x16xf32>,
        %get3A_332 = vector.shape_cast %get3A_331 : vector<1x16xf32> to vector<16xf32>
        %get3A_333 = arith.index_cast %select_n3A_310 : i32 to index
        %get3A_334 = arith.index_cast %mul3A_328 : i32 to index
        %get3A_335 = tpu.vector_load %arg17[%get3A_333, %get3A_334] {strides = array<i32>} : memref<40x128xf32, #tpu.memory_space<vmem>>, vector<1x16xf32>,
        %get3A_336 = vector.shape_cast %get3A_335 : vector<1x16xf32> to vector<16xf32>
        %add3A_337 = arith.addf %get3A_332, %get3A_336 : vector<16xf32>
        %max3A_338 = arith.constant 0.000000e+00 : f32
        %max3A_339 = vector.broadcast %max3A_338 : f32 to vector<16xf32>
        %max3A_340 = arith.maximumf %add3A_337, %max3A_339 : vector<16xf32>
        %swap3A_341 = arith.index_cast %select_n3A_310 : i32 to index
        %swap3A_342 = arith.index_cast %mul3A_328 : i32 to index
        %swap3A_343 = tpu.vector_load %arg21[%swap3A_341, %swap3A_342] {strides = array<i32>} : memref<40x128xf32, #tpu.memory_space<vmem>>, vector<1x16xf32>,
        %swap3A_344 = vector.shape_cast %swap3A_343 : vector<1x16xf32> to vector<16xf32>
        %swap3A_345 = vector.shape_cast %max3A_340 : vector<16xf32> to vector<1x16xf32>
        tpu.vector_store %arg21[%swap3A_341, %swap3A_342], %swap3A_345 {strides = array<i32>} : memref<40x128xf32, #tpu.memory_space<vmem>>, vector<1x16xf32>,
        %scan3A_346 = arith.constant 2 : i32
        %scan3A_347 = arith.addi %scan3A_229, %scan3A_346 : i32
        %mul3A_348 = arith.constant 1 : i32
        %mul3A_349 = arith.muli %scan3A_347, %mul3A_348 : i32
        %add3A_350 = arith.constant 0 : i32
        %add3A_351 = arith.addi %add3A_350, %mul3A_349 : i32
        %jit3A_352 = arith.constant 8 : i32
        %div3A_353 = arith.divsi %add3A_351, %jit3A_352 : i32
        %sign3A_354 = arith.constant 0 : i32
        %sign3A_355 = arith.cmpi sgt, %add3A_351, %sign3A_354 : i32
        %sign3A_356 = arith.extui %sign3A_355 : i1 to i32
        %sign3A_357 = arith.constant 0 : i32
        %sign3A_358 = arith.cmpi slt, %add3A_351, %sign3A_357 : i32
        %sign3A_359 = arith.extui %sign3A_358 : i1 to i32
        %sign3A_360 = arith.subi %sign3A_356, %sign3A_359 : i32
        %sign3A_361 = arith.constant 0 : i32
        %sign3A_362 = arith.cmpi sgt, %jit3A_352, %sign3A_361 : i32
        %sign3A_363 = arith.extui %sign3A_362 : i1 to i32
        %sign3A_364 = arith.constant 0 : i32
        %sign3A_365 = arith.cmpi slt, %jit3A_352, %sign3A_364 : i32
        %sign3A_366 = arith.extui %sign3A_365 : i1 to i32
        %sign3A_367 = arith.subi %sign3A_363, %sign3A_366 : i32
        %ne3A_368 = arith.cmpi ne, %sign3A_360, %sign3A_367 : i32
        %rem3A_369 = arith.remsi %add3A_351, %jit3A_352 : i32
        %ne3A_370 = arith.constant 0 : i32
        %ne3A_371 = arith.cmpi ne, %rem3A_369, %ne3A_370 : i32
        %and3A_372 = arith.andi %ne3A_368, %ne3A_371 : i1
        %sub3A_373 = arith.constant 1 : i32
        %sub3A_374 = arith.subi %div3A_353, %sub3A_373 : i32
        %select_n3A_375 = arith.select %and3A_372, %sub3A_374, %div3A_353 : i32
        %jit3A_376 = arith.constant 8 : i32
        %eq3A_377 = arith.constant 0 : i32
        %eq3A_378 = arith.cmpi eq, %jit3A_376, %eq3A_377 : i32
        %jit3A_379 = arith.constant 1 : i32
        %select_n3A_380 = arith.select %eq3A_378, %jit3A_379, %jit3A_376 : i32
        %rem3A_381 = arith.remsi %add3A_351, %select_n3A_380 : i32
        %ne3A_382 = arith.constant 0 : i32
        %ne3A_383 = arith.cmpi ne, %rem3A_381, %ne3A_382 : i32
        %lt3A_384 = arith.constant 0 : i32
        %lt3A_385 = arith.cmpi slt, %rem3A_381, %lt3A_384 : i32
        %lt3A_386 = arith.constant 0 : i32
        %lt3A_387 = arith.cmpi slt, %select_n3A_380, %lt3A_386 : i32
        %ne3A_388 = arith.xori %lt3A_385, %lt3A_387 : i1
        %and3A_389 = arith.andi %ne3A_388, %ne3A_383 : i1
        %add3A_390 = arith.addi %rem3A_381, %select_n3A_380 : i32
        %select_n3A_391 = arith.select %and3A_389, %add3A_390, %rem3A_381 : i32
        %mul3A_392 = arith.constant 16 : i32
        %mul3A_393 = arith.muli %select_n3A_391, %mul3A_392 : i32
        %get3A_394 = arith.index_cast %select_n3A_375 : i32 to index
        %get3A_395 = arith.index_cast %mul3A_393 : i32 to index
        %get3A_396 = tpu.vector_load %arg21[%get3A_394, %get3A_395] {strides = array<i32>} : memref<40x128xf32, #tpu.memory_space<vmem>>, vector<1x16xf32>,
        %get3A_397 = vector.shape_cast %get3A_396 : vector<1x16xf32> to vector<16xf32>
        %get3A_398 = arith.index_cast %select_n3A_375 : i32 to index
        %get3A_399 = arith.index_cast %mul3A_393 : i32 to index
        %get3A_400 = tpu.vector_load %arg17[%get3A_398, %get3A_399] {strides = array<i32>} : memref<40x128xf32, #tpu.memory_space<vmem>>, vector<1x16xf32>,
        %get3A_401 = vector.shape_cast %get3A_400 : vector<1x16xf32> to vector<16xf32>
        %add3A_402 = arith.addf %get3A_397, %get3A_401 : vector<16xf32>
        %max3A_403 = arith.constant 0.000000e+00 : f32
        %max3A_404 = vector.broadcast %max3A_403 : f32 to vector<16xf32>
        %max3A_405 = arith.maximumf %add3A_402, %max3A_404 : vector<16xf32>
        %swap3A_406 = arith.index_cast %select_n3A_375 : i32 to index
        %swap3A_407 = arith.index_cast %mul3A_393 : i32 to index
        %swap3A_408 = tpu.vector_load %arg21[%swap3A_406, %swap3A_407] {strides = array<i32>} : memref<40x128xf32, #tpu.memory_space<vmem>>, vector<1x16xf32>,
        %swap3A_409 = vector.shape_cast %swap3A_408 : vector<1x16xf32> to vector<16xf32>
        %swap3A_410 = vector.shape_cast %max3A_405 : vector<16xf32> to vector<1x16xf32>
        tpu.vector_store %arg21[%swap3A_406, %swap3A_407], %swap3A_410 {strides = array<i32>} : memref<40x128xf32, #tpu.memory_space<vmem>>, vector<1x16xf32>,
        %scan3A_411 = arith.constant 3 : i32
        %scan3A_412 = arith.addi %scan3A_229, %scan3A_411 : i32
        %mul3A_413 = arith.constant 1 : i32
        %mul3A_414 = arith.muli %scan3A_412, %mul3A_413 : i32
        %add3A_415 = arith.constant 0 : i32
        %add3A_416 = arith.addi %add3A_415, %mul3A_414 : i32
        %jit3A_417 = arith.constant 8 : i32
        %div3A_418 = arith.divsi %add3A_416, %jit3A_417 : i32
        %sign3A_419 = arith.constant 0 : i32
        %sign3A_420 = arith.cmpi sgt, %add3A_416, %sign3A_419 : i32
        %sign3A_421 = arith.extui %sign3A_420 : i1 to i32
        %sign3A_422 = arith.constant 0 : i32
        %sign3A_423 = arith.cmpi slt, %add3A_416, %sign3A_422 : i32
        %sign3A_424 = arith.extui %sign3A_423 : i1 to i32
        %sign3A_425 = arith.subi %sign3A_421, %sign3A_424 : i32
        %sign3A_426 = arith.constant 0 : i32
        %sign3A_427 = arith.cmpi sgt, %jit3A_417, %sign3A_426 : i32
        %sign3A_428 = arith.extui %sign3A_427 : i1 to i32
        %sign3A_429 = arith.constant 0 : i32
        %sign3A_430 = arith.cmpi slt, %jit3A_417, %sign3A_429 : i32
        %sign3A_431 = arith.extui %sign3A_430 : i1 to i32
        %sign3A_432 = arith.subi %sign3A_428, %sign3A_431 : i32
        %ne3A_433 = arith.cmpi ne, %sign3A_425, %sign3A_432 : i32
        %rem3A_434 = arith.remsi %add3A_416, %jit3A_417 : i32
        %ne3A_435 = arith.constant 0 : i32
        %ne3A_436 = arith.cmpi ne, %rem3A_434, %ne3A_435 : i32
        %and3A_437 = arith.andi %ne3A_433, %ne3A_436 : i1
        %sub3A_438 = arith.constant 1 : i32
        %sub3A_439 = arith.subi %div3A_418, %sub3A_438 : i32
        %select_n3A_440 = arith.select %and3A_437, %sub3A_439, %div3A_418 : i32
        %jit3A_441 = arith.constant 8 : i32
        %eq3A_442 = arith.constant 0 : i32
        %eq3A_443 = arith.cmpi eq, %jit3A_441, %eq3A_442 : i32
        %jit3A_444 = arith.constant 1 : i32
        %select_n3A_445 = arith.select %eq3A_443, %jit3A_444, %jit3A_441 : i32
        %rem3A_446 = arith.remsi %add3A_416, %select_n3A_445 : i32
        %ne3A_447 = arith.constant 0 : i32
        %ne3A_448 = arith.cmpi ne, %rem3A_446, %ne3A_447 : i32
        %lt3A_449 = arith.constant 0 : i32
        %lt3A_450 = arith.cmpi slt, %rem3A_446, %lt3A_449 : i32
        %lt3A_451 = arith.constant 0 : i32
        %lt3A_452 = arith.cmpi slt, %select_n3A_445, %lt3A_451 : i32
        %ne3A_453 = arith.xori %lt3A_450, %lt3A_452 : i1
        %and3A_454 = arith.andi %ne3A_453, %ne3A_448 : i1
        %add3A_455 = arith.addi %rem3A_446, %select_n3A_445 : i32
        %select_n3A_456 = arith.select %and3A_454, %add3A_455, %rem3A_446 : i32
        %mul3A_457 = arith.constant 16 : i32
        %mul3A_458 = arith.muli %select_n3A_456, %mul3A_457 : i32
        %get3A_459 = arith.index_cast %select_n3A_440 : i32 to index
        %get3A_460 = arith.index_cast %mul3A_458 : i32 to index
        %get3A_461 = tpu.vector_load %arg21[%get3A_459, %get3A_460] {strides = array<i32>} : memref<40x128xf32, #tpu.memory_space<vmem>>, vector<1x16xf32>,
        %get3A_462 = vector.shape_cast %get3A_461 : vector<1x16xf32> to vector<16xf32>
        %get3A_463 = arith.index_cast %select_n3A_440 : i32 to index
        %get3A_464 = arith.index_cast %mul3A_458 : i32 to index
        %get3A_465 = tpu.vector_load %arg17[%get3A_463, %get3A_464] {strides = array<i32>} : memref<40x128xf32, #tpu.memory_space<vmem>>, vector<1x16xf32>,
        %get3A_466 = vector.shape_cast %get3A_465 : vector<1x16xf32> to vector<16xf32>
        %add3A_467 = arith.addf %get3A_462, %get3A_466 : vector<16xf32>
        %max3A_468 = arith.constant 0.000000e+00 : f32
        %max3A_469 = vector.broadcast %max3A_468 : f32 to vector<16xf32>
        %max3A_470 = arith.maximumf %add3A_467, %max3A_469 : vector<16xf32>
        %swap3A_471 = arith.index_cast %select_n3A_440 : i32 to index
        %swap3A_472 = arith.index_cast %mul3A_458 : i32 to index
        %swap3A_473 = tpu.vector_load %arg21[%swap3A_471, %swap3A_472] {strides = array<i32>} : memref<40x128xf32, #tpu.memory_space<vmem>>, vector<1x16xf32>,
        %swap3A_474 = vector.shape_cast %swap3A_473 : vector<1x16xf32> to vector<16xf32>
        %swap3A_475 = vector.shape_cast %max3A_470 : vector<16xf32> to vector<1x16xf32>
        tpu.vector_store %arg21[%swap3A_471, %swap3A_472], %swap3A_475 {strides = array<i32>} : memref<40x128xf32, #tpu.memory_space<vmem>>, vector<1x16xf32>,
        %scan3A_476 = arith.constant 4 : i32
        %scan3A_477 = arith.addi %scan3A_229, %scan3A_476 : i32
        %mul3A_478 = arith.constant 1 : i32
        %mul3A_479 = arith.muli %scan3A_477, %mul3A_478 : i32
        %add3A_480 = arith.constant 0 : i32
        %add3A_481 = arith.addi %add3A_480, %mul3A_479 : i32
        %jit3A_482 = arith.constant 8 : i32
        %div3A_483 = arith.divsi %add3A_481, %jit3A_482 : i32
        %sign3A_484 = arith.constant 0 : i32
        %sign3A_485 = arith.cmpi sgt, %add3A_481, %sign3A_484 : i32
        %sign3A_486 = arith.extui %sign3A_485 : i1 to i32
        %sign3A_487 = arith.constant 0 : i32
        %sign3A_488 = arith.cmpi slt, %add3A_481, %sign3A_487 : i32
        %sign3A_489 = arith.extui %sign3A_488 : i1 to i32
        %sign3A_490 = arith.subi %sign3A_486, %sign3A_489 : i32
        %sign3A_491 = arith.constant 0 : i32
        %sign3A_492 = arith.cmpi sgt, %jit3A_482, %sign3A_491 : i32
        %sign3A_493 = arith.extui %sign3A_492 : i1 to i32
        %sign3A_494 = arith.constant 0 : i32
        %sign3A_495 = arith.cmpi slt, %jit3A_482, %sign3A_494 : i32
        %sign3A_496 = arith.extui %sign3A_495 : i1 to i32
        %sign3A_497 = arith.subi %sign3A_493, %sign3A_496 : i32
        %ne3A_498 = arith.cmpi ne, %sign3A_490, %sign3A_497 : i32
        %rem3A_499 = arith.remsi %add3A_481, %jit3A_482 : i32
        %ne3A_500 = arith.constant 0 : i32
        %ne3A_501 = arith.cmpi ne, %rem3A_499, %ne3A_500 : i32
        %and3A_502 = arith.andi %ne3A_498, %ne3A_501 : i1
        %sub3A_503 = arith.constant 1 : i32
        %sub3A_504 = arith.subi %div3A_483, %sub3A_503 : i32
        %select_n3A_505 = arith.select %and3A_502, %sub3A_504, %div3A_483 : i32
        %jit3A_506 = arith.constant 8 : i32
        %eq3A_507 = arith.constant 0 : i32
        %eq3A_508 = arith.cmpi eq, %jit3A_506, %eq3A_507 : i32
        %jit3A_509 = arith.constant 1 : i32
        %select_n3A_510 = arith.select %eq3A_508, %jit3A_509, %jit3A_506 : i32
        %rem3A_511 = arith.remsi %add3A_481, %select_n3A_510 : i32
        %ne3A_512 = arith.constant 0 : i32
        %ne3A_513 = arith.cmpi ne, %rem3A_511, %ne3A_512 : i32
        %lt3A_514 = arith.constant 0 : i32
        %lt3A_515 = arith.cmpi slt, %rem3A_511, %lt3A_514 : i32
        %lt3A_516 = arith.constant 0 : i32
        %lt3A_517 = arith.cmpi slt, %select_n3A_510, %lt3A_516 : i32
        %ne3A_518 = arith.xori %lt3A_515, %lt3A_517 : i1
        %and3A_519 = arith.andi %ne3A_518, %ne3A_513 : i1
        %add3A_520 = arith.addi %rem3A_511, %select_n3A_510 : i32
        %select_n3A_521 = arith.select %and3A_519, %add3A_520, %rem3A_511 : i32
        %mul3A_522 = arith.constant 16 : i32
        %mul3A_523 = arith.muli %select_n3A_521, %mul3A_522 : i32
        %get3A_524 = arith.index_cast %select_n3A_505 : i32 to index
        %get3A_525 = arith.index_cast %mul3A_523 : i32 to index
        %get3A_526 = tpu.vector_load %arg21[%get3A_524, %get3A_525] {strides = array<i32>} : memref<40x128xf32, #tpu.memory_space<vmem>>, vector<1x16xf32>,
        %get3A_527 = vector.shape_cast %get3A_526 : vector<1x16xf32> to vector<16xf32>
        %get3A_528 = arith.index_cast %select_n3A_505 : i32 to index
        %get3A_529 = arith.index_cast %mul3A_523 : i32 to index
        %get3A_530 = tpu.vector_load %arg17[%get3A_528, %get3A_529] {strides = array<i32>} : memref<40x128xf32, #tpu.memory_space<vmem>>, vector<1x16xf32>,
        %get3A_531 = vector.shape_cast %get3A_530 : vector<1x16xf32> to vector<16xf32>
        %add3A_532 = arith.addf %get3A_527, %get3A_531 : vector<16xf32>
        %max3A_533 = arith.constant 0.000000e+00 : f32
        %max3A_534 = vector.broadcast %max3A_533 : f32 to vector<16xf32>
        %max3A_535 = arith.maximumf %add3A_532, %max3A_534 : vector<16xf32>
        %swap3A_536 = arith.index_cast %select_n3A_505 : i32 to index
        %swap3A_537 = arith.index_cast %mul3A_523 : i32 to index
        %swap3A_538 = tpu.vector_load %arg21[%swap3A_536, %swap3A_537] {strides = array<i32>} : memref<40x128xf32, #tpu.memory_space<vmem>>, vector<1x16xf32>,
        %swap3A_539 = vector.shape_cast %swap3A_538 : vector<1x16xf32> to vector<16xf32>
        %swap3A_540 = vector.shape_cast %max3A_535 : vector<16xf32> to vector<1x16xf32>
        tpu.vector_store %arg21[%swap3A_536, %swap3A_537], %swap3A_540 {strides = array<i32>} : memref<40x128xf32, #tpu.memory_space<vmem>>, vector<1x16xf32>,
        %scan3A_541 = arith.constant 5 : i32
        %scan3A_542 = arith.addi %scan3A_229, %scan3A_541 : i32
        %mul3A_543 = arith.constant 1 : i32
        %mul3A_544 = arith.muli %scan3A_542, %mul3A_543 : i32
        %add3A_545 = arith.constant 0 : i32
        %add3A_546 = arith.addi %add3A_545, %mul3A_544 : i32
        %jit3A_547 = arith.constant 8 : i32
        %div3A_548 = arith.divsi %add3A_546, %jit3A_547 : i32
        %sign3A_549 = arith.constant 0 : i32
        %sign3A_550 = arith.cmpi sgt, %add3A_546, %sign3A_549 : i32
        %sign3A_551 = arith.extui %sign3A_550 : i1 to i32
        %sign3A_552 = arith.constant 0 : i32
        %sign3A_553 = arith.cmpi slt, %add3A_546, %sign3A_552 : i32
        %sign3A_554 = arith.extui %sign3A_553 : i1 to i32
        %sign3A_555 = arith.subi %sign3A_551, %sign3A_554 : i32
        %sign3A_556 = arith.constant 0 : i32
        %sign3A_557 = arith.cmpi sgt, %jit3A_547, %sign3A_556 : i32
        %sign3A_558 = arith.extui %sign3A_557 : i1 to i32
        %sign3A_559 = arith.constant 0 : i32
        %sign3A_560 = arith.cmpi slt, %jit3A_547, %sign3A_559 : i32
        %sign3A_561 = arith.extui %sign3A_560 : i1 to i32
        %sign3A_562 = arith.subi %sign3A_558, %sign3A_561 : i32
        %ne3A_563 = arith.cmpi ne, %sign3A_555, %sign3A_562 : i32
        %rem3A_564 = arith.remsi %add3A_546, %jit3A_547 : i32
        %ne3A_565 = arith.constant 0 : i32
        %ne3A_566 = arith.cmpi ne, %rem3A_564, %ne3A_565 : i32
        %and3A_567 = arith.andi %ne3A_563, %ne3A_566 : i1
        %sub3A_568 = arith.constant 1 : i32
        %sub3A_569 = arith.subi %div3A_548, %sub3A_568 : i32
        %select_n3A_570 = arith.select %and3A_567, %sub3A_569, %div3A_548 : i32
        %jit3A_571 = arith.constant 8 : i32
        %eq3A_572 = arith.constant 0 : i32
        %eq3A_573 = arith.cmpi eq, %jit3A_571, %eq3A_572 : i32
        %jit3A_574 = arith.constant 1 : i32
        %select_n3A_575 = arith.select %eq3A_573, %jit3A_574, %jit3A_571 : i32
        %rem3A_576 = arith.remsi %add3A_546, %select_n3A_575 : i32
        %ne3A_577 = arith.constant 0 : i32
        %ne3A_578 = arith.cmpi ne, %rem3A_576, %ne3A_577 : i32
        %lt3A_579 = arith.constant 0 : i32
        %lt3A_580 = arith.cmpi slt, %rem3A_576, %lt3A_579 : i32
        %lt3A_581 = arith.constant 0 : i32
        %lt3A_582 = arith.cmpi slt, %select_n3A_575, %lt3A_581 : i32
        %ne3A_583 = arith.xori %lt3A_580, %lt3A_582 : i1
        %and3A_584 = arith.andi %ne3A_583, %ne3A_578 : i1
        %add3A_585 = arith.addi %rem3A_576, %select_n3A_575 : i32
        %select_n3A_586 = arith.select %and3A_584, %add3A_585, %rem3A_576 : i32
        %mul3A_587 = arith.constant 16 : i32
        %mul3A_588 = arith.muli %select_n3A_586, %mul3A_587 : i32
        %get3A_589 = arith.index_cast %select_n3A_570 : i32 to index
        %get3A_590 = arith.index_cast %mul3A_588 : i32 to index
        %get3A_591 = tpu.vector_load %arg21[%get3A_589, %get3A_590] {strides = array<i32>} : memref<40x128xf32, #tpu.memory_space<vmem>>, vector<1x16xf32>,
        %get3A_592 = vector.shape_cast %get3A_591 : vector<1x16xf32> to vector<16xf32>
        %get3A_593 = arith.index_cast %select_n3A_570 : i32 to index
        %get3A_594 = arith.index_cast %mul3A_588 : i32 to index
        %get3A_595 = tpu.vector_load %arg17[%get3A_593, %get3A_594] {strides = array<i32>} : memref<40x128xf32, #tpu.memory_space<vmem>>, vector<1x16xf32>,
        %get3A_596 = vector.shape_cast %get3A_595 : vector<1x16xf32> to vector<16xf32>
        %add3A_597 = arith.addf %get3A_592, %get3A_596 : vector<16xf32>
        %max3A_598 = arith.constant 0.000000e+00 : f32
        %max3A_599 = vector.broadcast %max3A_598 : f32 to vector<16xf32>
        %max3A_600 = arith.maximumf %add3A_597, %max3A_599 : vector<16xf32>
        %swap3A_601 = arith.index_cast %select_n3A_570 : i32 to index
        %swap3A_602 = arith.index_cast %mul3A_588 : i32 to index
        %swap3A_603 = tpu.vector_load %arg21[%swap3A_601, %swap3A_602] {strides = array<i32>} : memref<40x128xf32, #tpu.memory_space<vmem>>, vector<1x16xf32>,
        %swap3A_604 = vector.shape_cast %swap3A_603 : vector<1x16xf32> to vector<16xf32>
        %swap3A_605 = vector.shape_cast %max3A_600 : vector<16xf32> to vector<1x16xf32>
        tpu.vector_store %arg21[%swap3A_601, %swap3A_602], %swap3A_605 {strides = array<i32>} : memref<40x128xf32, #tpu.memory_space<vmem>>, vector<1x16xf32>,
        %scan3A_606 = arith.constant 6 : i32
        %scan3A_607 = arith.addi %scan3A_229, %scan3A_606 : i32
        %mul3A_608 = arith.constant 1 : i32
        %mul3A_609 = arith.muli %scan3A_607, %mul3A_608 : i32
        %add3A_610 = arith.constant 0 : i32
        %add3A_611 = arith.addi %add3A_610, %mul3A_609 : i32
        %jit3A_612 = arith.constant 8 : i32
        %div3A_613 = arith.divsi %add3A_611, %jit3A_612 : i32
        %sign3A_614 = arith.constant 0 : i32
        %sign3A_615 = arith.cmpi sgt, %add3A_611, %sign3A_614 : i32
        %sign3A_616 = arith.extui %sign3A_615 : i1 to i32
        %sign3A_617 = arith.constant 0 : i32
        %sign3A_618 = arith.cmpi slt, %add3A_611, %sign3A_617 : i32
        %sign3A_619 = arith.extui %sign3A_618 : i1 to i32
        %sign3A_620 = arith.subi %sign3A_616, %sign3A_619 : i32
        %sign3A_621 = arith.constant 0 : i32
        %sign3A_622 = arith.cmpi sgt, %jit3A_612, %sign3A_621 : i32
        %sign3A_623 = arith.extui %sign3A_622 : i1 to i32
        %sign3A_624 = arith.constant 0 : i32
        %sign3A_625 = arith.cmpi slt, %jit3A_612, %sign3A_624 : i32
        %sign3A_626 = arith.extui %sign3A_625 : i1 to i32
        %sign3A_627 = arith.subi %sign3A_623, %sign3A_626 : i32
        %ne3A_628 = arith.cmpi ne, %sign3A_620, %sign3A_627 : i32
        %rem3A_629 = arith.remsi %add3A_611, %jit3A_612 : i32
        %ne3A_630 = arith.constant 0 : i32
        %ne3A_631 = arith.cmpi ne, %rem3A_629, %ne3A_630 : i32
        %and3A_632 = arith.andi %ne3A_628, %ne3A_631 : i1
        %sub3A_633 = arith.constant 1 : i32
        %sub3A_634 = arith.subi %div3A_613, %sub3A_633 : i32
        %select_n3A_635 = arith.select %and3A_632, %sub3A_634, %div3A_613 : i32
        %jit3A_636 = arith.constant 8 : i32
        %eq3A_637 = arith.constant 0 : i32
        %eq3A_638 = arith.cmpi eq, %jit3A_636, %eq3A_637 : i32
        %jit3A_639 = arith.constant 1 : i32
        %select_n3A_640 = arith.select %eq3A_638, %jit3A_639, %jit3A_636 : i32
        %rem3A_641 = arith.remsi %add3A_611, %select_n3A_640 : i32
        %ne3A_642 = arith.constant 0 : i32
        %ne3A_643 = arith.cmpi ne, %rem3A_641, %ne3A_642 : i32
        %lt3A_644 = arith.constant 0 : i32
        %lt3A_645 = arith.cmpi slt, %rem3A_641, %lt3A_644 : i32
        %lt3A_646 = arith.constant 0 : i32
        %lt3A_647 = arith.cmpi slt, %select_n3A_640, %lt3A_646 : i32
        %ne3A_648 = arith.xori %lt3A_645, %lt3A_647 : i1
        %and3A_649 = arith.andi %ne3A_648, %ne3A_643 : i1
        %add3A_650 = arith.addi %rem3A_641, %select_n3A_640 : i32
        %select_n3A_651 = arith.select %and3A_649, %add3A_650, %rem3A_641 : i32
        %mul3A_652 = arith.constant 16 : i32
        %mul3A_653 = arith.muli %select_n3A_651, %mul3A_652 : i32
        %get3A_654 = arith.index_cast %select_n3A_635 : i32 to index
        %get3A_655 = arith.index_cast %mul3A_653 : i32 to index
        %get3A_656 = tpu.vector_load %arg21[%get3A_654, %get3A_655] {strides = array<i32>} : memref<40x128xf32, #tpu.memory_space<vmem>>, vector<1x16xf32>,
        %get3A_657 = vector.shape_cast %get3A_656 : vector<1x16xf32> to vector<16xf32>
        %get3A_658 = arith.index_cast %select_n3A_635 : i32 to index
        %get3A_659 = arith.index_cast %mul3A_653 : i32 to index
        %get3A_660 = tpu.vector_load %arg17[%get3A_658, %get3A_659] {strides = array<i32>} : memref<40x128xf32, #tpu.memory_space<vmem>>, vector<1x16xf32>,
        %get3A_661 = vector.shape_cast %get3A_660 : vector<1x16xf32> to vector<16xf32>
        %add3A_662 = arith.addf %get3A_657, %get3A_661 : vector<16xf32>
        %max3A_663 = arith.constant 0.000000e+00 : f32
        %max3A_664 = vector.broadcast %max3A_663 : f32 to vector<16xf32>
        %max3A_665 = arith.maximumf %add3A_662, %max3A_664 : vector<16xf32>
        %swap3A_666 = arith.index_cast %select_n3A_635 : i32 to index
        %swap3A_667 = arith.index_cast %mul3A_653 : i32 to index
        %swap3A_668 = tpu.vector_load %arg21[%swap3A_666, %swap3A_667] {strides = array<i32>} : memref<40x128xf32, #tpu.memory_space<vmem>>, vector<1x16xf32>,
        %swap3A_669 = vector.shape_cast %swap3A_668 : vector<1x16xf32> to vector<16xf32>
        %swap3A_670 = vector.shape_cast %max3A_665 : vector<16xf32> to vector<1x16xf32>
        tpu.vector_store %arg21[%swap3A_666, %swap3A_667], %swap3A_670 {strides = array<i32>} : memref<40x128xf32, #tpu.memory_space<vmem>>, vector<1x16xf32>,
        %scan3A_671 = arith.constant 7 : i32
        %scan3A_672 = arith.addi %scan3A_229, %scan3A_671 : i32
        %mul3A_673 = arith.constant 1 : i32
        %mul3A_674 = arith.muli %scan3A_672, %mul3A_673 : i32
        %add3A_675 = arith.constant 0 : i32
        %add3A_676 = arith.addi %add3A_675, %mul3A_674 : i32
        %jit3A_677 = arith.constant 8 : i32
        %div3A_678 = arith.divsi %add3A_676, %jit3A_677 : i32
        %sign3A_679 = arith.constant 0 : i32
        %sign3A_680 = arith.cmpi sgt, %add3A_676, %sign3A_679 : i32
        %sign3A_681 = arith.extui %sign3A_680 : i1 to i32
        %sign3A_682 = arith.constant 0 : i32
        %sign3A_683 = arith.cmpi slt, %add3A_676, %sign3A_682 : i32
        %sign3A_684 = arith.extui %sign3A_683 : i1 to i32
        %sign3A_685 = arith.subi %sign3A_681, %sign3A_684 : i32
        %sign3A_686 = arith.constant 0 : i32
        %sign3A_687 = arith.cmpi sgt, %jit3A_677, %sign3A_686 : i32
        %sign3A_688 = arith.extui %sign3A_687 : i1 to i32
        %sign3A_689 = arith.constant 0 : i32
        %sign3A_690 = arith.cmpi slt, %jit3A_677, %sign3A_689 : i32
        %sign3A_691 = arith.extui %sign3A_690 : i1 to i32
        %sign3A_692 = arith.subi %sign3A_688, %sign3A_691 : i32
        %ne3A_693 = arith.cmpi ne, %sign3A_685, %sign3A_692 : i32
        %rem3A_694 = arith.remsi %add3A_676, %jit3A_677 : i32
        %ne3A_695 = arith.constant 0 : i32
        %ne3A_696 = arith.cmpi ne, %rem3A_694, %ne3A_695 : i32
        %and3A_697 = arith.andi %ne3A_693, %ne3A_696 : i1
        %sub3A_698 = arith.constant 1 : i32
        %sub3A_699 = arith.subi %div3A_678, %sub3A_698 : i32
        %select_n3A_700 = arith.select %and3A_697, %sub3A_699, %div3A_678 : i32
        %jit3A_701 = arith.constant 8 : i32
        %eq3A_702 = arith.constant 0 : i32
        %eq3A_703 = arith.cmpi eq, %jit3A_701, %eq3A_702 : i32
        %jit3A_704 = arith.constant 1 : i32
        %select_n3A_705 = arith.select %eq3A_703, %jit3A_704, %jit3A_701 : i32
        %rem3A_706 = arith.remsi %add3A_676, %select_n3A_705 : i32
        %ne3A_707 = arith.constant 0 : i32
        %ne3A_708 = arith.cmpi ne, %rem3A_706, %ne3A_707 : i32
        %lt3A_709 = arith.constant 0 : i32
        %lt3A_710 = arith.cmpi slt, %rem3A_706, %lt3A_709 : i32
        %lt3A_711 = arith.constant 0 : i32
        %lt3A_712 = arith.cmpi slt, %select_n3A_705, %lt3A_711 : i32
        %ne3A_713 = arith.xori %lt3A_710, %lt3A_712 : i1
        %and3A_714 = arith.andi %ne3A_713, %ne3A_708 : i1
        %add3A_715 = arith.addi %rem3A_706, %select_n3A_705 : i32
        %select_n3A_716 = arith.select %and3A_714, %add3A_715, %rem3A_706 : i32
        %mul3A_717 = arith.constant 16 : i32
        %mul3A_718 = arith.muli %select_n3A_716, %mul3A_717 : i32
        %get3A_719 = arith.index_cast %select_n3A_700 : i32 to index
        %get3A_720 = arith.index_cast %mul3A_718 : i32 to index
        %get3A_721 = tpu.vector_load %arg21[%get3A_719, %get3A_720] {strides = array<i32>} : memref<40x128xf32, #tpu.memory_space<vmem>>, vector<1x16xf32>,
        %get3A_722 = vector.shape_cast %get3A_721 : vector<1x16xf32> to vector<16xf32>
        %get3A_723 = arith.index_cast %select_n3A_700 : i32 to index
        %get3A_724 = arith.index_cast %mul3A_718 : i32 to index
        %get3A_725 = tpu.vector_load %arg17[%get3A_723, %get3A_724] {strides = array<i32>} : memref<40x128xf32, #tpu.memory_space<vmem>>, vector<1x16xf32>,
        %get3A_726 = vector.shape_cast %get3A_725 : vector<1x16xf32> to vector<16xf32>
        %add3A_727 = arith.addf %get3A_722, %get3A_726 : vector<16xf32>
        %max3A_728 = arith.constant 0.000000e+00 : f32
        %max3A_729 = vector.broadcast %max3A_728 : f32 to vector<16xf32>
        %max3A_730 = arith.maximumf %add3A_727, %max3A_729 : vector<16xf32>
        %swap3A_731 = arith.index_cast %select_n3A_700 : i32 to index
        %swap3A_732 = arith.index_cast %mul3A_718 : i32 to index
        %swap3A_733 = tpu.vector_load %arg21[%swap3A_731, %swap3A_732] {strides = array<i32>} : memref<40x128xf32, #tpu.memory_space<vmem>>, vector<1x16xf32>,
        %swap3A_734 = vector.shape_cast %swap3A_733 : vector<1x16xf32> to vector<16xf32>
        %swap3A_735 = vector.shape_cast %max3A_730 : vector<16xf32> to vector<1x16xf32>
        tpu.vector_store %arg21[%swap3A_731, %swap3A_732], %swap3A_735 {strides = array<i32>} : memref<40x128xf32, #tpu.memory_space<vmem>>, vector<1x16xf32>,
      }
      %scan3A_143 = arith.constant 320 : i32
      %dma_start3A_144 = arith.constant 0 : i32
      %dma_start3A_145 = arith.constant 0 : i32
      %dma_start3A_146 = tpu.memref_slice %arg7[%dma_start3A_144, %dma_start3A_145] : memref<10112x128xf32, #tpu.memory_space<vmem_shared>> -> memref<10112x128xf32, #tpu.memory_space<vmem_shared>>
      tpu.enqueue_indirect_dma source(%arg21 : memref<40x128xf32, #tpu.memory_space<vmem>>) target(%dma_start3A_146 : memref<10112x128xf32, #tpu.memory_space<vmem_shared>>) offsets(%arg13 : memref<40xi32, #tpu.memory_space<vmem>>) semaphore(%arg27 : memref<!tpu.dma_semaphore, #tpu.memory_space<semaphore_mem>>) {add = true}
      %mul3A_147 = arith.constant 4 : i32
      %mul3A_148 = arith.muli %add3A_68, %mul3A_147 : i32
      %add3A_149 = arith.constant 2 : i32
      %add3A_150 = arith.addi %mul3A_148, %add3A_149 : i32
      %add3A_151 = arith.constant 1 : i32
      %add3A_152 = arith.addi %add3A_150, %add3A_151 : i32
      %lt3A_153 = arith.constant 252 : i32
      %lt3A_154 = arith.cmpi slt, %add3A_152, %lt3A_153 : i32
      %convert_element_type3A_155 = arith.extui %lt3A_154 : i1 to i32
      %cond3A_156 = arith.constant 0 : i32
      %cond3A_157 = arith.cmpi ne, %convert_element_type3A_155, %cond3A_156 : i32
      scf.if %cond3A_157 {
        %dma_wait3A_229 = arith.constant 0 : i32
        %dma_wait3A_230 = tpu.memref_slice %arg3[%dma_wait3A_229] : memref<322560xi32, #tpu.memory_space<hbm>> -> memref<40xi32, #tpu.memory_space<hbm>>
        %dma_wait3A_231 = arith.constant 0 : i32
        %dma_wait3A_232 = tpu.memref_slice %arg3[%dma_wait3A_231] : memref<322560xi32, #tpu.memory_space<hbm>> -> memref<40xi32, #tpu.memory_space<hbm>>
        tpu.wait_dma2 semaphore(%arg24 : memref<!tpu.dma_semaphore, #tpu.memory_space<semaphore_mem>>) src(%dma_wait3A_232 : memref<40xi32, #tpu.memory_space<hbm>>) dst(%arg11 : memref<40xi32, #tpu.memory_space<vmem>>)
        %dma_wait3A_233 = arith.constant 0 : i32
        %dma_wait3A_234 = tpu.memref_slice %arg4[%dma_wait3A_233] : memref<322560xi32, #tpu.memory_space<hbm>> -> memref<40xi32, #tpu.memory_space<hbm>>
        %dma_wait3A_235 = arith.constant 0 : i32
        %dma_wait3A_236 = tpu.memref_slice %arg4[%dma_wait3A_235] : memref<322560xi32, #tpu.memory_space<hbm>> -> memref<40xi32, #tpu.memory_space<hbm>>
        tpu.wait_dma2 semaphore(%arg24 : memref<!tpu.dma_semaphore, #tpu.memory_space<semaphore_mem>>) src(%dma_wait3A_236 : memref<40xi32, #tpu.memory_space<hbm>>) dst(%arg15 : memref<40xi32, #tpu.memory_space<vmem>>)
        %dma_wait3A_237 = arith.constant 0 : i32
        %dma_wait3A_238 = arith.constant 0 : i32
        %dma_wait3A_239 = tpu.memref_slice %arg5[%dma_wait3A_237, %dma_wait3A_238] : memref<322560x128xf32, #tpu.memory_space<hbm>> -> memref<40x128xf32, #tpu.memory_space<hbm>>
        %dma_wait3A_240 = arith.constant 0 : i32
        %dma_wait3A_241 = arith.constant 0 : i32
        %dma_wait3A_242 = tpu.memref_slice %arg5[%dma_wait3A_240, %dma_wait3A_241] : memref<322560x128xf32, #tpu.memory_space<hbm>> -> memref<40x128xf32, #tpu.memory_space<hbm>>
        tpu.wait_dma2 semaphore(%arg24 : memref<!tpu.dma_semaphore, #tpu.memory_space<semaphore_mem>>) src(%dma_wait3A_242 : memref<40x128xf32, #tpu.memory_space<hbm>>) dst(%arg19 : memref<40x128xf32, #tpu.memory_space<vmem>>)
      } else {
      }
      %dma_wait3A_158 = arith.constant 0 : i32
      %dma_wait3A_159 = arith.constant 0 : i32
      %dma_wait3A_160 = tpu.memref_slice %arg2[%dma_wait3A_158, %dma_wait3A_159] : memref<10000x128xf32, #tpu.memory_space<hbm>> -> memref<10000x128xf32, #tpu.memory_space<hbm>>
      tpu.wait_indirect_dma semaphore(%arg25 : memref<!tpu.dma_semaphore, #tpu.memory_space<semaphore_mem>>) src(%dma_wait3A_160 : memref<10000x128xf32, #tpu.memory_space<hbm>>) dst(%arg22 : memref<40x128xf32, #tpu.memory_space<vmem>>)
      %add3A_161 = arith.constant 1 : i32
      %add3A_162 = arith.addi %add3A_150, %add3A_161 : i32
      %lt3A_163 = arith.constant 252 : i32
      %lt3A_164 = arith.cmpi slt, %add3A_162, %lt3A_163 : i32
      %convert_element_type3A_165 = arith.extui %lt3A_164 : i1 to i32
      %cond3A_166 = arith.constant 0 : i32
      %cond3A_167 = arith.cmpi ne, %convert_element_type3A_165, %cond3A_166 : i32
      scf.if %cond3A_167 {
        %dma_start3A_229 = arith.constant 0 : i32
        %dma_start3A_230 = arith.constant 0 : i32
        %dma_start3A_231 = tpu.memref_slice %arg2[%dma_start3A_229, %dma_start3A_230] : memref<10000x128xf32, #tpu.memory_space<hbm>> -> memref<10000x128xf32, #tpu.memory_space<hbm>>
        tpu.enqueue_indirect_dma source(%dma_start3A_231 : memref<10000x128xf32, #tpu.memory_space<hbm>>) target(%arg23 : memref<40x128xf32, #tpu.memory_space<vmem>>) offsets(%arg11 : memref<40xi32, #tpu.memory_space<vmem>>) semaphore(%arg25 : memref<!tpu.dma_semaphore, #tpu.memory_space<semaphore_mem>>)
      } else {
      }
      %ge3A_168 = arith.constant 2 : i32
      %ge3A_169 = arith.cmpi sge, %add3A_150, %ge3A_168 : i32
      %convert_element_type3A_170 = arith.extui %ge3A_169 : i1 to i32
      %cond3A_171 = arith.constant 0 : i32
      %cond3A_172 = arith.cmpi ne, %convert_element_type3A_170, %cond3A_171 : i32
      scf.if %cond3A_172 {
        %dma_wait3A_229 = arith.constant 0 : i32
        %dma_wait3A_230 = arith.constant 0 : i32
        %dma_wait3A_231 = tpu.memref_slice %arg7[%dma_wait3A_229, %dma_wait3A_230] : memref<10112x128xf32, #tpu.memory_space<vmem_shared>> -> memref<10112x128xf32, #tpu.memory_space<vmem_shared>>
        tpu.wait_indirect_dma semaphore(%arg26 : memref<!tpu.dma_semaphore, #tpu.memory_space<semaphore_mem>>) src(%arg20 : memref<40x128xf32, #tpu.memory_space<vmem>>) dst(%dma_wait3A_231 : memref<10112x128xf32, #tpu.memory_space<vmem_shared>>)
      } else {
      }
      %add3A_173 = arith.constant 2 : i32
      %add3A_174 = arith.addi %add3A_150, %add3A_173 : i32
      %lt3A_175 = arith.constant 252 : i32
      %lt3A_176 = arith.cmpi slt, %add3A_174, %lt3A_175 : i32
      %convert_element_type3A_177 = arith.extui %lt3A_176 : i1 to i32
      %cond3A_178 = arith.constant 0 : i32
      %cond3A_179 = arith.cmpi ne, %convert_element_type3A_177, %cond3A_178 : i32
      scf.if %cond3A_179 {
        %add3A_229 = arith.constant 2 : i32
        %add3A_230 = arith.addi %add3A_150, %add3A_229 : i32
        %mul3A_231 = arith.constant 40 : i32
        %mul3A_232 = arith.muli %add3A_230, %mul3A_231 : i32
        %add3A_233 = arith.addi %mul3A_2, %mul3A_232 : i32
        %dma_start3A_234 = tpu.memref_slice %arg3[%add3A_233] : memref<322560xi32, #tpu.memory_space<hbm>> -> memref<40xi32, #tpu.memory_space<hbm>>
        %dma_start3A_235 = tpu.memref_slice %arg3[%add3A_233] : memref<322560xi32, #tpu.memory_space<hbm>> -> memref<40xi32, #tpu.memory_space<hbm>>
        tpu.enqueue_dma source(%dma_start3A_235 : memref<40xi32, #tpu.memory_space<hbm>>) target(%arg8 : memref<40xi32, #tpu.memory_space<vmem>>) target_semaphore(%arg24 : memref<!tpu.dma_semaphore, #tpu.memory_space<semaphore_mem>>)
        %dma_start3A_236 = tpu.memref_slice %arg4[%add3A_233] : memref<322560xi32, #tpu.memory_space<hbm>> -> memref<40xi32, #tpu.memory_space<hbm>>
        %dma_start3A_237 = tpu.memref_slice %arg4[%add3A_233] : memref<322560xi32, #tpu.memory_space<hbm>> -> memref<40xi32, #tpu.memory_space<hbm>>
        tpu.enqueue_dma source(%dma_start3A_237 : memref<40xi32, #tpu.memory_space<hbm>>) target(%arg12 : memref<40xi32, #tpu.memory_space<vmem>>) target_semaphore(%arg24 : memref<!tpu.dma_semaphore, #tpu.memory_space<semaphore_mem>>)
        %dma_start3A_238 = arith.constant 0 : i32
        %dma_start3A_239 = tpu.memref_slice %arg5[%add3A_233, %dma_start3A_238] : memref<322560x128xf32, #tpu.memory_space<hbm>> -> memref<40x128xf32, #tpu.memory_space<hbm>>
        %dma_start3A_240 = arith.constant 0 : i32
        %dma_start3A_241 = tpu.memref_slice %arg5[%add3A_233, %dma_start3A_240] : memref<322560x128xf32, #tpu.memory_space<hbm>> -> memref<40x128xf32, #tpu.memory_space<hbm>>
        tpu.enqueue_dma source(%dma_start3A_241 : memref<40x128xf32, #tpu.memory_space<hbm>>) target(%arg16 : memref<40x128xf32, #tpu.memory_space<vmem>>) target_semaphore(%arg24 : memref<!tpu.dma_semaphore, #tpu.memory_space<semaphore_mem>>)
      } else {
      }
      %scan3A_180 = arith.constant 0 : i32
      %scan3A_181 = arith.constant 320 : i32
      %scan3A_182 = arith.addi %scan3A_180, %scan3A_181 : i32
      %scan3A_183 = arith.constant 8 : i32
      scf.for %scan3A_229 = %scan3A_180 to %scan3A_182 step %scan3A_183  : i32 {
        %mul3A_230 = arith.constant 1 : i32
        %mul3A_231 = arith.muli %scan3A_229, %mul3A_230 : i32
        %add3A_232 = arith.constant 0 : i32
        %add3A_233 = arith.addi %add3A_232, %mul3A_231 : i32
        %jit3A = arith.constant 8 : i32
        %div3A = arith.divsi %add3A_233, %jit3A : i32
        %sign3A = arith.constant 0 : i32
        %sign3A_234 = arith.cmpi sgt, %add3A_233, %sign3A : i32
        %sign3A_235 = arith.extui %sign3A_234 : i1 to i32
        %sign3A_236 = arith.constant 0 : i32
        %sign3A_237 = arith.cmpi slt, %add3A_233, %sign3A_236 : i32
        %sign3A_238 = arith.extui %sign3A_237 : i1 to i32
        %sign3A_239 = arith.subi %sign3A_235, %sign3A_238 : i32
        %sign3A_240 = arith.constant 0 : i32
        %sign3A_241 = arith.cmpi sgt, %jit3A, %sign3A_240 : i32
        %sign3A_242 = arith.extui %sign3A_241 : i1 to i32
        %sign3A_243 = arith.constant 0 : i32
        %sign3A_244 = arith.cmpi slt, %jit3A, %sign3A_243 : i32
        %sign3A_245 = arith.extui %sign3A_244 : i1 to i32
        %sign3A_246 = arith.subi %sign3A_242, %sign3A_245 : i32
        %ne3A = arith.cmpi ne, %sign3A_239, %sign3A_246 : i32
        %rem3A = arith.remsi %add3A_233, %jit3A : i32
        %ne3A_247 = arith.constant 0 : i32
        %ne3A_248 = arith.cmpi ne, %rem3A, %ne3A_247 : i32
        %and3A = arith.andi %ne3A, %ne3A_248 : i1
        %sub3A = arith.constant 1 : i32
        %sub3A_249 = arith.subi %div3A, %sub3A : i32
        %select_n3A = arith.select %and3A, %sub3A_249, %div3A : i32
        %jit3A_250 = arith.constant 8 : i32
        %eq3A = arith.constant 0 : i32
        %eq3A_251 = arith.cmpi eq, %jit3A_250, %eq3A : i32
        %jit3A_252 = arith.constant 1 : i32
        %select_n3A_253 = arith.select %eq3A_251, %jit3A_252, %jit3A_250 : i32
        %rem3A_254 = arith.remsi %add3A_233, %select_n3A_253 : i32
        %ne3A_255 = arith.constant 0 : i32
        %ne3A_256 = arith.cmpi ne, %rem3A_254, %ne3A_255 : i32
        %lt3A_257 = arith.constant 0 : i32
        %lt3A_258 = arith.cmpi slt, %rem3A_254, %lt3A_257 : i32
        %lt3A_259 = arith.constant 0 : i32
        %lt3A_260 = arith.cmpi slt, %select_n3A_253, %lt3A_259 : i32
        %ne3A_261 = arith.xori %lt3A_258, %lt3A_260 : i1
        %and3A_262 = arith.andi %ne3A_261, %ne3A_256 : i1
        %add3A_263 = arith.addi %rem3A_254, %select_n3A_253 : i32
        %select_n3A_264 = arith.select %and3A_262, %add3A_263, %rem3A_254 : i32
        %mul3A_265 = arith.constant 16 : i32
        %mul3A_266 = arith.muli %select_n3A_264, %mul3A_265 : i32
        %get3A = arith.index_cast %select_n3A : i32 to index
        %get3A_267 = arith.index_cast %mul3A_266 : i32 to index
        %get3A_268 = tpu.vector_load %arg22[%get3A, %get3A_267] {strides = array<i32>} : memref<40x128xf32, #tpu.memory_space<vmem>>, vector<1x16xf32>,
        %get3A_269 = vector.shape_cast %get3A_268 : vector<1x16xf32> to vector<16xf32>
        %get3A_270 = arith.index_cast %select_n3A : i32 to index
        %get3A_271 = arith.index_cast %mul3A_266 : i32 to index
        %get3A_272 = tpu.vector_load %arg18[%get3A_270, %get3A_271] {strides = array<i32>} : memref<40x128xf32, #tpu.memory_space<vmem>>, vector<1x16xf32>,
        %get3A_273 = vector.shape_cast %get3A_272 : vector<1x16xf32> to vector<16xf32>
        %add3A_274 = arith.addf %get3A_269, %get3A_273 : vector<16xf32>
        %max3A = arith.constant 0.000000e+00 : f32
        %max3A_275 = vector.broadcast %max3A : f32 to vector<16xf32>
        %max3A_276 = arith.maximumf %add3A_274, %max3A_275 : vector<16xf32>
        %swap3A = arith.index_cast %select_n3A : i32 to index
        %swap3A_277 = arith.index_cast %mul3A_266 : i32 to index
        %swap3A_278 = tpu.vector_load %arg22[%swap3A, %swap3A_277] {strides = array<i32>} : memref<40x128xf32, #tpu.memory_space<vmem>>, vector<1x16xf32>,
        %swap3A_279 = vector.shape_cast %swap3A_278 : vector<1x16xf32> to vector<16xf32>
        %swap3A_280 = vector.shape_cast %max3A_276 : vector<16xf32> to vector<1x16xf32>
        tpu.vector_store %arg22[%swap3A, %swap3A_277], %swap3A_280 {strides = array<i32>} : memref<40x128xf32, #tpu.memory_space<vmem>>, vector<1x16xf32>,
        %scan3A_281 = arith.constant 1 : i32
        %scan3A_282 = arith.addi %scan3A_229, %scan3A_281 : i32
        %mul3A_283 = arith.constant 1 : i32
        %mul3A_284 = arith.muli %scan3A_282, %mul3A_283 : i32
        %add3A_285 = arith.constant 0 : i32
        %add3A_286 = arith.addi %add3A_285, %mul3A_284 : i32
        %jit3A_287 = arith.constant 8 : i32
        %div3A_288 = arith.divsi %add3A_286, %jit3A_287 : i32
        %sign3A_289 = arith.constant 0 : i32
        %sign3A_290 = arith.cmpi sgt, %add3A_286, %sign3A_289 : i32
        %sign3A_291 = arith.extui %sign3A_290 : i1 to i32
        %sign3A_292 = arith.constant 0 : i32
        %sign3A_293 = arith.cmpi slt, %add3A_286, %sign3A_292 : i32
        %sign3A_294 = arith.extui %sign3A_293 : i1 to i32
        %sign3A_295 = arith.subi %sign3A_291, %sign3A_294 : i32
        %sign3A_296 = arith.constant 0 : i32
        %sign3A_297 = arith.cmpi sgt, %jit3A_287, %sign3A_296 : i32
        %sign3A_298 = arith.extui %sign3A_297 : i1 to i32
        %sign3A_299 = arith.constant 0 : i32
        %sign3A_300 = arith.cmpi slt, %jit3A_287, %sign3A_299 : i32
        %sign3A_301 = arith.extui %sign3A_300 : i1 to i32
        %sign3A_302 = arith.subi %sign3A_298, %sign3A_301 : i32
        %ne3A_303 = arith.cmpi ne, %sign3A_295, %sign3A_302 : i32
        %rem3A_304 = arith.remsi %add3A_286, %jit3A_287 : i32
        %ne3A_305 = arith.constant 0 : i32
        %ne3A_306 = arith.cmpi ne, %rem3A_304, %ne3A_305 : i32
        %and3A_307 = arith.andi %ne3A_303, %ne3A_306 : i1
        %sub3A_308 = arith.constant 1 : i32
        %sub3A_309 = arith.subi %div3A_288, %sub3A_308 : i32
        %select_n3A_310 = arith.select %and3A_307, %sub3A_309, %div3A_288 : i32
        %jit3A_311 = arith.constant 8 : i32
        %eq3A_312 = arith.constant 0 : i32
        %eq3A_313 = arith.cmpi eq, %jit3A_311, %eq3A_312 : i32
        %jit3A_314 = arith.constant 1 : i32
        %select_n3A_315 = arith.select %eq3A_313, %jit3A_314, %jit3A_311 : i32
        %rem3A_316 = arith.remsi %add3A_286, %select_n3A_315 : i32
        %ne3A_317 = arith.constant 0 : i32
        %ne3A_318 = arith.cmpi ne, %rem3A_316, %ne3A_317 : i32
        %lt3A_319 = arith.constant 0 : i32
        %lt3A_320 = arith.cmpi slt, %rem3A_316, %lt3A_319 : i32
        %lt3A_321 = arith.constant 0 : i32
        %lt3A_322 = arith.cmpi slt, %select_n3A_315, %lt3A_321 : i32
        %ne3A_323 = arith.xori %lt3A_320, %lt3A_322 : i1
        %and3A_324 = arith.andi %ne3A_323, %ne3A_318 : i1
        %add3A_325 = arith.addi %rem3A_316, %select_n3A_315 : i32
        %select_n3A_326 = arith.select %and3A_324, %add3A_325, %rem3A_316 : i32
        %mul3A_327 = arith.constant 16 : i32
        %mul3A_328 = arith.muli %select_n3A_326, %mul3A_327 : i32
        %get3A_329 = arith.index_cast %select_n3A_310 : i32 to index
        %get3A_330 = arith.index_cast %mul3A_328 : i32 to index
        %get3A_331 = tpu.vector_load %arg22[%get3A_329, %get3A_330] {strides = array<i32>} : memref<40x128xf32, #tpu.memory_space<vmem>>, vector<1x16xf32>,
        %get3A_332 = vector.shape_cast %get3A_331 : vector<1x16xf32> to vector<16xf32>
        %get3A_333 = arith.index_cast %select_n3A_310 : i32 to index
        %get3A_334 = arith.index_cast %mul3A_328 : i32 to index
        %get3A_335 = tpu.vector_load %arg18[%get3A_333, %get3A_334] {strides = array<i32>} : memref<40x128xf32, #tpu.memory_space<vmem>>, vector<1x16xf32>,
        %get3A_336 = vector.shape_cast %get3A_335 : vector<1x16xf32> to vector<16xf32>
        %add3A_337 = arith.addf %get3A_332, %get3A_336 : vector<16xf32>
        %max3A_338 = arith.constant 0.000000e+00 : f32
        %max3A_339 = vector.broadcast %max3A_338 : f32 to vector<16xf32>
        %max3A_340 = arith.maximumf %add3A_337, %max3A_339 : vector<16xf32>
        %swap3A_341 = arith.index_cast %select_n3A_310 : i32 to index
        %swap3A_342 = arith.index_cast %mul3A_328 : i32 to index
        %swap3A_343 = tpu.vector_load %arg22[%swap3A_341, %swap3A_342] {strides = array<i32>} : memref<40x128xf32, #tpu.memory_space<vmem>>, vector<1x16xf32>,
        %swap3A_344 = vector.shape_cast %swap3A_343 : vector<1x16xf32> to vector<16xf32>
        %swap3A_345 = vector.shape_cast %max3A_340 : vector<16xf32> to vector<1x16xf32>
        tpu.vector_store %arg22[%swap3A_341, %swap3A_342], %swap3A_345 {strides = array<i32>} : memref<40x128xf32, #tpu.memory_space<vmem>>, vector<1x16xf32>,
        %scan3A_346 = arith.constant 2 : i32
        %scan3A_347 = arith.addi %scan3A_229, %scan3A_346 : i32
        %mul3A_348 = arith.constant 1 : i32
        %mul3A_349 = arith.muli %scan3A_347, %mul3A_348 : i32
        %add3A_350 = arith.constant 0 : i32
        %add3A_351 = arith.addi %add3A_350, %mul3A_349 : i32
        %jit3A_352 = arith.constant 8 : i32
        %div3A_353 = arith.divsi %add3A_351, %jit3A_352 : i32
        %sign3A_354 = arith.constant 0 : i32
        %sign3A_355 = arith.cmpi sgt, %add3A_351, %sign3A_354 : i32
        %sign3A_356 = arith.extui %sign3A_355 : i1 to i32
        %sign3A_357 = arith.constant 0 : i32
        %sign3A_358 = arith.cmpi slt, %add3A_351, %sign3A_357 : i32
        %sign3A_359 = arith.extui %sign3A_358 : i1 to i32
        %sign3A_360 = arith.subi %sign3A_356, %sign3A_359 : i32
        %sign3A_361 = arith.constant 0 : i32
        %sign3A_362 = arith.cmpi sgt, %jit3A_352, %sign3A_361 : i32
        %sign3A_363 = arith.extui %sign3A_362 : i1 to i32
        %sign3A_364 = arith.constant 0 : i32
        %sign3A_365 = arith.cmpi slt, %jit3A_352, %sign3A_364 : i32
        %sign3A_366 = arith.extui %sign3A_365 : i1 to i32
        %sign3A_367 = arith.subi %sign3A_363, %sign3A_366 : i32
        %ne3A_368 = arith.cmpi ne, %sign3A_360, %sign3A_367 : i32
        %rem3A_369 = arith.remsi %add3A_351, %jit3A_352 : i32
        %ne3A_370 = arith.constant 0 : i32
        %ne3A_371 = arith.cmpi ne, %rem3A_369, %ne3A_370 : i32
        %and3A_372 = arith.andi %ne3A_368, %ne3A_371 : i1
        %sub3A_373 = arith.constant 1 : i32
        %sub3A_374 = arith.subi %div3A_353, %sub3A_373 : i32
        %select_n3A_375 = arith.select %and3A_372, %sub3A_374, %div3A_353 : i32
        %jit3A_376 = arith.constant 8 : i32
        %eq3A_377 = arith.constant 0 : i32
        %eq3A_378 = arith.cmpi eq, %jit3A_376, %eq3A_377 : i32
        %jit3A_379 = arith.constant 1 : i32
        %select_n3A_380 = arith.select %eq3A_378, %jit3A_379, %jit3A_376 : i32
        %rem3A_381 = arith.remsi %add3A_351, %select_n3A_380 : i32
        %ne3A_382 = arith.constant 0 : i32
        %ne3A_383 = arith.cmpi ne, %rem3A_381, %ne3A_382 : i32
        %lt3A_384 = arith.constant 0 : i32
        %lt3A_385 = arith.cmpi slt, %rem3A_381, %lt3A_384 : i32
        %lt3A_386 = arith.constant 0 : i32
        %lt3A_387 = arith.cmpi slt, %select_n3A_380, %lt3A_386 : i32
        %ne3A_388 = arith.xori %lt3A_385, %lt3A_387 : i1
        %and3A_389 = arith.andi %ne3A_388, %ne3A_383 : i1
        %add3A_390 = arith.addi %rem3A_381, %select_n3A_380 : i32
        %select_n3A_391 = arith.select %and3A_389, %add3A_390, %rem3A_381 : i32
        %mul3A_392 = arith.constant 16 : i32
        %mul3A_393 = arith.muli %select_n3A_391, %mul3A_392 : i32
        %get3A_394 = arith.index_cast %select_n3A_375 : i32 to index
        %get3A_395 = arith.index_cast %mul3A_393 : i32 to index
        %get3A_396 = tpu.vector_load %arg22[%get3A_394, %get3A_395] {strides = array<i32>} : memref<40x128xf32, #tpu.memory_space<vmem>>, vector<1x16xf32>,
        %get3A_397 = vector.shape_cast %get3A_396 : vector<1x16xf32> to vector<16xf32>
        %get3A_398 = arith.index_cast %select_n3A_375 : i32 to index
        %get3A_399 = arith.index_cast %mul3A_393 : i32 to index
        %get3A_400 = tpu.vector_load %arg18[%get3A_398, %get3A_399] {strides = array<i32>} : memref<40x128xf32, #tpu.memory_space<vmem>>, vector<1x16xf32>,
        %get3A_401 = vector.shape_cast %get3A_400 : vector<1x16xf32> to vector<16xf32>
        %add3A_402 = arith.addf %get3A_397, %get3A_401 : vector<16xf32>
        %max3A_403 = arith.constant 0.000000e+00 : f32
        %max3A_404 = vector.broadcast %max3A_403 : f32 to vector<16xf32>
        %max3A_405 = arith.maximumf %add3A_402, %max3A_404 : vector<16xf32>
        %swap3A_406 = arith.index_cast %select_n3A_375 : i32 to index
        %swap3A_407 = arith.index_cast %mul3A_393 : i32 to index
        %swap3A_408 = tpu.vector_load %arg22[%swap3A_406, %swap3A_407] {strides = array<i32>} : memref<40x128xf32, #tpu.memory_space<vmem>>, vector<1x16xf32>,
        %swap3A_409 = vector.shape_cast %swap3A_408 : vector<1x16xf32> to vector<16xf32>
        %swap3A_410 = vector.shape_cast %max3A_405 : vector<16xf32> to vector<1x16xf32>
        tpu.vector_store %arg22[%swap3A_406, %swap3A_407], %swap3A_410 {strides = array<i32>} : memref<40x128xf32, #tpu.memory_space<vmem>>, vector<1x16xf32>,
        %scan3A_411 = arith.constant 3 : i32
        %scan3A_412 = arith.addi %scan3A_229, %scan3A_411 : i32
        %mul3A_413 = arith.constant 1 : i32
        %mul3A_414 = arith.muli %scan3A_412, %mul3A_413 : i32
        %add3A_415 = arith.constant 0 : i32
        %add3A_416 = arith.addi %add3A_415, %mul3A_414 : i32
        %jit3A_417 = arith.constant 8 : i32
        %div3A_418 = arith.divsi %add3A_416, %jit3A_417 : i32
        %sign3A_419 = arith.constant 0 : i32
        %sign3A_420 = arith.cmpi sgt, %add3A_416, %sign3A_419 : i32
        %sign3A_421 = arith.extui %sign3A_420 : i1 to i32
        %sign3A_422 = arith.constant 0 : i32
        %sign3A_423 = arith.cmpi slt, %add3A_416, %sign3A_422 : i32
        %sign3A_424 = arith.extui %sign3A_423 : i1 to i32
        %sign3A_425 = arith.subi %sign3A_421, %sign3A_424 : i32
        %sign3A_426 = arith.constant 0 : i32
        %sign3A_427 = arith.cmpi sgt, %jit3A_417, %sign3A_426 : i32
        %sign3A_428 = arith.extui %sign3A_427 : i1 to i32
        %sign3A_429 = arith.constant 0 : i32
        %sign3A_430 = arith.cmpi slt, %jit3A_417, %sign3A_429 : i32
        %sign3A_431 = arith.extui %sign3A_430 : i1 to i32
        %sign3A_432 = arith.subi %sign3A_428, %sign3A_431 : i32
        %ne3A_433 = arith.cmpi ne, %sign3A_425, %sign3A_432 : i32
        %rem3A_434 = arith.remsi %add3A_416, %jit3A_417 : i32
        %ne3A_435 = arith.constant 0 : i32
        %ne3A_436 = arith.cmpi ne, %rem3A_434, %ne3A_435 : i32
        %and3A_437 = arith.andi %ne3A_433, %ne3A_436 : i1
        %sub3A_438 = arith.constant 1 : i32
        %sub3A_439 = arith.subi %div3A_418, %sub3A_438 : i32
        %select_n3A_440 = arith.select %and3A_437, %sub3A_439, %div3A_418 : i32
        %jit3A_441 = arith.constant 8 : i32
        %eq3A_442 = arith.constant 0 : i32
        %eq3A_443 = arith.cmpi eq, %jit3A_441, %eq3A_442 : i32
        %jit3A_444 = arith.constant 1 : i32
        %select_n3A_445 = arith.select %eq3A_443, %jit3A_444, %jit3A_441 : i32
        %rem3A_446 = arith.remsi %add3A_416, %select_n3A_445 : i32
        %ne3A_447 = arith.constant 0 : i32
        %ne3A_448 = arith.cmpi ne, %rem3A_446, %ne3A_447 : i32
        %lt3A_449 = arith.constant 0 : i32
        %lt3A_450 = arith.cmpi slt, %rem3A_446, %lt3A_449 : i32
        %lt3A_451 = arith.constant 0 : i32
        %lt3A_452 = arith.cmpi slt, %select_n3A_445, %lt3A_451 : i32
        %ne3A_453 = arith.xori %lt3A_450, %lt3A_452 : i1
        %and3A_454 = arith.andi %ne3A_453, %ne3A_448 : i1
        %add3A_455 = arith.addi %rem3A_446, %select_n3A_445 : i32
        %select_n3A_456 = arith.select %and3A_454, %add3A_455, %rem3A_446 : i32
        %mul3A_457 = arith.constant 16 : i32
        %mul3A_458 = arith.muli %select_n3A_456, %mul3A_457 : i32
        %get3A_459 = arith.index_cast %select_n3A_440 : i32 to index
        %get3A_460 = arith.index_cast %mul3A_458 : i32 to index
        %get3A_461 = tpu.vector_load %arg22[%get3A_459, %get3A_460] {strides = array<i32>} : memref<40x128xf32, #tpu.memory_space<vmem>>, vector<1x16xf32>,
        %get3A_462 = vector.shape_cast %get3A_461 : vector<1x16xf32> to vector<16xf32>
        %get3A_463 = arith.index_cast %select_n3A_440 : i32 to index
        %get3A_464 = arith.index_cast %mul3A_458 : i32 to index
        %get3A_465 = tpu.vector_load %arg18[%get3A_463, %get3A_464] {strides = array<i32>} : memref<40x128xf32, #tpu.memory_space<vmem>>, vector<1x16xf32>,
        %get3A_466 = vector.shape_cast %get3A_465 : vector<1x16xf32> to vector<16xf32>
        %add3A_467 = arith.addf %get3A_462, %get3A_466 : vector<16xf32>
        %max3A_468 = arith.constant 0.000000e+00 : f32
        %max3A_469 = vector.broadcast %max3A_468 : f32 to vector<16xf32>
        %max3A_470 = arith.maximumf %add3A_467, %max3A_469 : vector<16xf32>
        %swap3A_471 = arith.index_cast %select_n3A_440 : i32 to index
        %swap3A_472 = arith.index_cast %mul3A_458 : i32 to index
        %swap3A_473 = tpu.vector_load %arg22[%swap3A_471, %swap3A_472] {strides = array<i32>} : memref<40x128xf32, #tpu.memory_space<vmem>>, vector<1x16xf32>,
        %swap3A_474 = vector.shape_cast %swap3A_473 : vector<1x16xf32> to vector<16xf32>
        %swap3A_475 = vector.shape_cast %max3A_470 : vector<16xf32> to vector<1x16xf32>
        tpu.vector_store %arg22[%swap3A_471, %swap3A_472], %swap3A_475 {strides = array<i32>} : memref<40x128xf32, #tpu.memory_space<vmem>>, vector<1x16xf32>,
        %scan3A_476 = arith.constant 4 : i32
        %scan3A_477 = arith.addi %scan3A_229, %scan3A_476 : i32
        %mul3A_478 = arith.constant 1 : i32
        %mul3A_479 = arith.muli %scan3A_477, %mul3A_478 : i32
        %add3A_480 = arith.constant 0 : i32
        %add3A_481 = arith.addi %add3A_480, %mul3A_479 : i32
        %jit3A_482 = arith.constant 8 : i32
        %div3A_483 = arith.divsi %add3A_481, %jit3A_482 : i32
        %sign3A_484 = arith.constant 0 : i32
        %sign3A_485 = arith.cmpi sgt, %add3A_481, %sign3A_484 : i32
        %sign3A_486 = arith.extui %sign3A_485 : i1 to i32
        %sign3A_487 = arith.constant 0 : i32
        %sign3A_488 = arith.cmpi slt, %add3A_481, %sign3A_487 : i32
        %sign3A_489 = arith.extui %sign3A_488 : i1 to i32
        %sign3A_490 = arith.subi %sign3A_486, %sign3A_489 : i32
        %sign3A_491 = arith.constant 0 : i32
        %sign3A_492 = arith.cmpi sgt, %jit3A_482, %sign3A_491 : i32
        %sign3A_493 = arith.extui %sign3A_492 : i1 to i32
        %sign3A_494 = arith.constant 0 : i32
        %sign3A_495 = arith.cmpi slt, %jit3A_482, %sign3A_494 : i32
        %sign3A_496 = arith.extui %sign3A_495 : i1 to i32
        %sign3A_497 = arith.subi %sign3A_493, %sign3A_496 : i32
        %ne3A_498 = arith.cmpi ne, %sign3A_490, %sign3A_497 : i32
        %rem3A_499 = arith.remsi %add3A_481, %jit3A_482 : i32
        %ne3A_500 = arith.constant 0 : i32
        %ne3A_501 = arith.cmpi ne, %rem3A_499, %ne3A_500 : i32
        %and3A_502 = arith.andi %ne3A_498, %ne3A_501 : i1
        %sub3A_503 = arith.constant 1 : i32
        %sub3A_504 = arith.subi %div3A_483, %sub3A_503 : i32
        %select_n3A_505 = arith.select %and3A_502, %sub3A_504, %div3A_483 : i32
        %jit3A_506 = arith.constant 8 : i32
        %eq3A_507 = arith.constant 0 : i32
        %eq3A_508 = arith.cmpi eq, %jit3A_506, %eq3A_507 : i32
        %jit3A_509 = arith.constant 1 : i32
        %select_n3A_510 = arith.select %eq3A_508, %jit3A_509, %jit3A_506 : i32
        %rem3A_511 = arith.remsi %add3A_481, %select_n3A_510 : i32
        %ne3A_512 = arith.constant 0 : i32
        %ne3A_513 = arith.cmpi ne, %rem3A_511, %ne3A_512 : i32
        %lt3A_514 = arith.constant 0 : i32
        %lt3A_515 = arith.cmpi slt, %rem3A_511, %lt3A_514 : i32
        %lt3A_516 = arith.constant 0 : i32
        %lt3A_517 = arith.cmpi slt, %select_n3A_510, %lt3A_516 : i32
        %ne3A_518 = arith.xori %lt3A_515, %lt3A_517 : i1
        %and3A_519 = arith.andi %ne3A_518, %ne3A_513 : i1
        %add3A_520 = arith.addi %rem3A_511, %select_n3A_510 : i32
        %select_n3A_521 = arith.select %and3A_519, %add3A_520, %rem3A_511 : i32
        %mul3A_522 = arith.constant 16 : i32
        %mul3A_523 = arith.muli %select_n3A_521, %mul3A_522 : i32
        %get3A_524 = arith.index_cast %select_n3A_505 : i32 to index
        %get3A_525 = arith.index_cast %mul3A_523 : i32 to index
        %get3A_526 = tpu.vector_load %arg22[%get3A_524, %get3A_525] {strides = array<i32>} : memref<40x128xf32, #tpu.memory_space<vmem>>, vector<1x16xf32>,
        %get3A_527 = vector.shape_cast %get3A_526 : vector<1x16xf32> to vector<16xf32>
        %get3A_528 = arith.index_cast %select_n3A_505 : i32 to index
        %get3A_529 = arith.index_cast %mul3A_523 : i32 to index
        %get3A_530 = tpu.vector_load %arg18[%get3A_528, %get3A_529] {strides = array<i32>} : memref<40x128xf32, #tpu.memory_space<vmem>>, vector<1x16xf32>,
        %get3A_531 = vector.shape_cast %get3A_530 : vector<1x16xf32> to vector<16xf32>
        %add3A_532 = arith.addf %get3A_527, %get3A_531 : vector<16xf32>
        %max3A_533 = arith.constant 0.000000e+00 : f32
        %max3A_534 = vector.broadcast %max3A_533 : f32 to vector<16xf32>
        %max3A_535 = arith.maximumf %add3A_532, %max3A_534 : vector<16xf32>
        %swap3A_536 = arith.index_cast %select_n3A_505 : i32 to index
        %swap3A_537 = arith.index_cast %mul3A_523 : i32 to index
        %swap3A_538 = tpu.vector_load %arg22[%swap3A_536, %swap3A_537] {strides = array<i32>} : memref<40x128xf32, #tpu.memory_space<vmem>>, vector<1x16xf32>,
        %swap3A_539 = vector.shape_cast %swap3A_538 : vector<1x16xf32> to vector<16xf32>
        %swap3A_540 = vector.shape_cast %max3A_535 : vector<16xf32> to vector<1x16xf32>
        tpu.vector_store %arg22[%swap3A_536, %swap3A_537], %swap3A_540 {strides = array<i32>} : memref<40x128xf32, #tpu.memory_space<vmem>>, vector<1x16xf32>,
        %scan3A_541 = arith.constant 5 : i32
        %scan3A_542 = arith.addi %scan3A_229, %scan3A_541 : i32
        %mul3A_543 = arith.constant 1 : i32
        %mul3A_544 = arith.muli %scan3A_542, %mul3A_543 : i32
        %add3A_545 = arith.constant 0 : i32
        %add3A_546 = arith.addi %add3A_545, %mul3A_544 : i32
        %jit3A_547 = arith.constant 8 : i32
        %div3A_548 = arith.divsi %add3A_546, %jit3A_547 : i32
        %sign3A_549 = arith.constant 0 : i32
        %sign3A_550 = arith.cmpi sgt, %add3A_546, %sign3A_549 : i32
        %sign3A_551 = arith.extui %sign3A_550 : i1 to i32
        %sign3A_552 = arith.constant 0 : i32
        %sign3A_553 = arith.cmpi slt, %add3A_546, %sign3A_552 : i32
        %sign3A_554 = arith.extui %sign3A_553 : i1 to i32
        %sign3A_555 = arith.subi %sign3A_551, %sign3A_554 : i32
        %sign3A_556 = arith.constant 0 : i32
        %sign3A_557 = arith.cmpi sgt, %jit3A_547, %sign3A_556 : i32
        %sign3A_558 = arith.extui %sign3A_557 : i1 to i32
        %sign3A_559 = arith.constant 0 : i32
        %sign3A_560 = arith.cmpi slt, %jit3A_547, %sign3A_559 : i32
        %sign3A_561 = arith.extui %sign3A_560 : i1 to i32
        %sign3A_562 = arith.subi %sign3A_558, %sign3A_561 : i32
        %ne3A_563 = arith.cmpi ne, %sign3A_555, %sign3A_562 : i32
        %rem3A_564 = arith.remsi %add3A_546, %jit3A_547 : i32
        %ne3A_565 = arith.constant 0 : i32
        %ne3A_566 = arith.cmpi ne, %rem3A_564, %ne3A_565 : i32
        %and3A_567 = arith.andi %ne3A_563, %ne3A_566 : i1
        %sub3A_568 = arith.constant 1 : i32
        %sub3A_569 = arith.subi %div3A_548, %sub3A_568 : i32
        %select_n3A_570 = arith.select %and3A_567, %sub3A_569, %div3A_548 : i32
        %jit3A_571 = arith.constant 8 : i32
        %eq3A_572 = arith.constant 0 : i32
        %eq3A_573 = arith.cmpi eq, %jit3A_571, %eq3A_572 : i32
        %jit3A_574 = arith.constant 1 : i32
        %select_n3A_575 = arith.select %eq3A_573, %jit3A_574, %jit3A_571 : i32
        %rem3A_576 = arith.remsi %add3A_546, %select_n3A_575 : i32
        %ne3A_577 = arith.constant 0 : i32
        %ne3A_578 = arith.cmpi ne, %rem3A_576, %ne3A_577 : i32
        %lt3A_579 = arith.constant 0 : i32
        %lt3A_580 = arith.cmpi slt, %rem3A_576, %lt3A_579 : i32
        %lt3A_581 = arith.constant 0 : i32
        %lt3A_582 = arith.cmpi slt, %select_n3A_575, %lt3A_581 : i32
        %ne3A_583 = arith.xori %lt3A_580, %lt3A_582 : i1
        %and3A_584 = arith.andi %ne3A_583, %ne3A_578 : i1
        %add3A_585 = arith.addi %rem3A_576, %select_n3A_575 : i32
        %select_n3A_586 = arith.select %and3A_584, %add3A_585, %rem3A_576 : i32
        %mul3A_587 = arith.constant 16 : i32
        %mul3A_588 = arith.muli %select_n3A_586, %mul3A_587 : i32
        %get3A_589 = arith.index_cast %select_n3A_570 : i32 to index
        %get3A_590 = arith.index_cast %mul3A_588 : i32 to index
        %get3A_591 = tpu.vector_load %arg22[%get3A_589, %get3A_590] {strides = array<i32>} : memref<40x128xf32, #tpu.memory_space<vmem>>, vector<1x16xf32>,
        %get3A_592 = vector.shape_cast %get3A_591 : vector<1x16xf32> to vector<16xf32>
        %get3A_593 = arith.index_cast %select_n3A_570 : i32 to index
        %get3A_594 = arith.index_cast %mul3A_588 : i32 to index
        %get3A_595 = tpu.vector_load %arg18[%get3A_593, %get3A_594] {strides = array<i32>} : memref<40x128xf32, #tpu.memory_space<vmem>>, vector<1x16xf32>,
        %get3A_596 = vector.shape_cast %get3A_595 : vector<1x16xf32> to vector<16xf32>
        %add3A_597 = arith.addf %get3A_592, %get3A_596 : vector<16xf32>
        %max3A_598 = arith.constant 0.000000e+00 : f32
        %max3A_599 = vector.broadcast %max3A_598 : f32 to vector<16xf32>
        %max3A_600 = arith.maximumf %add3A_597, %max3A_599 : vector<16xf32>
        %swap3A_601 = arith.index_cast %select_n3A_570 : i32 to index
        %swap3A_602 = arith.index_cast %mul3A_588 : i32 to index
        %swap3A_603 = tpu.vector_load %arg22[%swap3A_601, %swap3A_602] {strides = array<i32>} : memref<40x128xf32, #tpu.memory_space<vmem>>, vector<1x16xf32>,
        %swap3A_604 = vector.shape_cast %swap3A_603 : vector<1x16xf32> to vector<16xf32>
        %swap3A_605 = vector.shape_cast %max3A_600 : vector<16xf32> to vector<1x16xf32>
        tpu.vector_store %arg22[%swap3A_601, %swap3A_602], %swap3A_605 {strides = array<i32>} : memref<40x128xf32, #tpu.memory_space<vmem>>, vector<1x16xf32>,
        %scan3A_606 = arith.constant 6 : i32
        %scan3A_607 = arith.addi %scan3A_229, %scan3A_606 : i32
        %mul3A_608 = arith.constant 1 : i32
        %mul3A_609 = arith.muli %scan3A_607, %mul3A_608 : i32
        %add3A_610 = arith.constant 0 : i32
        %add3A_611 = arith.addi %add3A_610, %mul3A_609 : i32
        %jit3A_612 = arith.constant 8 : i32
        %div3A_613 = arith.divsi %add3A_611, %jit3A_612 : i32
        %sign3A_614 = arith.constant 0 : i32
        %sign3A_615 = arith.cmpi sgt, %add3A_611, %sign3A_614 : i32
        %sign3A_616 = arith.extui %sign3A_615 : i1 to i32
        %sign3A_617 = arith.constant 0 : i32
        %sign3A_618 = arith.cmpi slt, %add3A_611, %sign3A_617 : i32
        %sign3A_619 = arith.extui %sign3A_618 : i1 to i32
        %sign3A_620 = arith.subi %sign3A_616, %sign3A_619 : i32
        %sign3A_621 = arith.constant 0 : i32
        %sign3A_622 = arith.cmpi sgt, %jit3A_612, %sign3A_621 : i32
        %sign3A_623 = arith.extui %sign3A_622 : i1 to i32
        %sign3A_624 = arith.constant 0 : i32
        %sign3A_625 = arith.cmpi slt, %jit3A_612, %sign3A_624 : i32
        %sign3A_626 = arith.extui %sign3A_625 : i1 to i32
        %sign3A_627 = arith.subi %sign3A_623, %sign3A_626 : i32
        %ne3A_628 = arith.cmpi ne, %sign3A_620, %sign3A_627 : i32
        %rem3A_629 = arith.remsi %add3A_611, %jit3A_612 : i32
        %ne3A_630 = arith.constant 0 : i32
        %ne3A_631 = arith.cmpi ne, %rem3A_629, %ne3A_630 : i32
        %and3A_632 = arith.andi %ne3A_628, %ne3A_631 : i1
        %sub3A_633 = arith.constant 1 : i32
        %sub3A_634 = arith.subi %div3A_613, %sub3A_633 : i32
        %select_n3A_635 = arith.select %and3A_632, %sub3A_634, %div3A_613 : i32
        %jit3A_636 = arith.constant 8 : i32
        %eq3A_637 = arith.constant 0 : i32
        %eq3A_638 = arith.cmpi eq, %jit3A_636, %eq3A_637 : i32
        %jit3A_639 = arith.constant 1 : i32
        %select_n3A_640 = arith.select %eq3A_638, %jit3A_639, %jit3A_636 : i32
        %rem3A_641 = arith.remsi %add3A_611, %select_n3A_640 : i32
        %ne3A_642 = arith.constant 0 : i32
        %ne3A_643 = arith.cmpi ne, %rem3A_641, %ne3A_642 : i32
        %lt3A_644 = arith.constant 0 : i32
        %lt3A_645 = arith.cmpi slt, %rem3A_641, %lt3A_644 : i32
        %lt3A_646 = arith.constant 0 : i32
        %lt3A_647 = arith.cmpi slt, %select_n3A_640, %lt3A_646 : i32
        %ne3A_648 = arith.xori %lt3A_645, %lt3A_647 : i1
        %and3A_649 = arith.andi %ne3A_648, %ne3A_643 : i1
        %add3A_650 = arith.addi %rem3A_641, %select_n3A_640 : i32
        %select_n3A_651 = arith.select %and3A_649, %add3A_650, %rem3A_641 : i32
        %mul3A_652 = arith.constant 16 : i32
        %mul3A_653 = arith.muli %select_n3A_651, %mul3A_652 : i32
        %get3A_654 = arith.index_cast %select_n3A_635 : i32 to index
        %get3A_655 = arith.index_cast %mul3A_653 : i32 to index
        %get3A_656 = tpu.vector_load %arg22[%get3A_654, %get3A_655] {strides = array<i32>} : memref<40x128xf32, #tpu.memory_space<vmem>>, vector<1x16xf32>,
        %get3A_657 = vector.shape_cast %get3A_656 : vector<1x16xf32> to vector<16xf32>
        %get3A_658 = arith.index_cast %select_n3A_635 : i32 to index
        %get3A_659 = arith.index_cast %mul3A_653 : i32 to index
        %get3A_660 = tpu.vector_load %arg18[%get3A_658, %get3A_659] {strides = array<i32>} : memref<40x128xf32, #tpu.memory_space<vmem>>, vector<1x16xf32>,
        %get3A_661 = vector.shape_cast %get3A_660 : vector<1x16xf32> to vector<16xf32>
        %add3A_662 = arith.addf %get3A_657, %get3A_661 : vector<16xf32>
        %max3A_663 = arith.constant 0.000000e+00 : f32
        %max3A_664 = vector.broadcast %max3A_663 : f32 to vector<16xf32>
        %max3A_665 = arith.maximumf %add3A_662, %max3A_664 : vector<16xf32>
        %swap3A_666 = arith.index_cast %select_n3A_635 : i32 to index
        %swap3A_667 = arith.index_cast %mul3A_653 : i32 to index
        %swap3A_668 = tpu.vector_load %arg22[%swap3A_666, %swap3A_667] {strides = array<i32>} : memref<40x128xf32, #tpu.memory_space<vmem>>, vector<1x16xf32>,
        %swap3A_669 = vector.shape_cast %swap3A_668 : vector<1x16xf32> to vector<16xf32>
        %swap3A_670 = vector.shape_cast %max3A_665 : vector<16xf32> to vector<1x16xf32>
        tpu.vector_store %arg22[%swap3A_666, %swap3A_667], %swap3A_670 {strides = array<i32>} : memref<40x128xf32, #tpu.memory_space<vmem>>, vector<1x16xf32>,
        %scan3A_671 = arith.constant 7 : i32
        %scan3A_672 = arith.addi %scan3A_229, %scan3A_671 : i32
        %mul3A_673 = arith.constant 1 : i32
        %mul3A_674 = arith.muli %scan3A_672, %mul3A_673 : i32
        %add3A_675 = arith.constant 0 : i32
        %add3A_676 = arith.addi %add3A_675, %mul3A_674 : i32
        %jit3A_677 = arith.constant 8 : i32
        %div3A_678 = arith.divsi %add3A_676, %jit3A_677 : i32
        %sign3A_679 = arith.constant 0 : i32
        %sign3A_680 = arith.cmpi sgt, %add3A_676, %sign3A_679 : i32
        %sign3A_681 = arith.extui %sign3A_680 : i1 to i32
        %sign3A_682 = arith.constant 0 : i32
        %sign3A_683 = arith.cmpi slt, %add3A_676, %sign3A_682 : i32
        %sign3A_684 = arith.extui %sign3A_683 : i1 to i32
        %sign3A_685 = arith.subi %sign3A_681, %sign3A_684 : i32
        %sign3A_686 = arith.constant 0 : i32
        %sign3A_687 = arith.cmpi sgt, %jit3A_677, %sign3A_686 : i32
        %sign3A_688 = arith.extui %sign3A_687 : i1 to i32
        %sign3A_689 = arith.constant 0 : i32
        %sign3A_690 = arith.cmpi slt, %jit3A_677, %sign3A_689 : i32
        %sign3A_691 = arith.extui %sign3A_690 : i1 to i32
        %sign3A_692 = arith.subi %sign3A_688, %sign3A_691 : i32
        %ne3A_693 = arith.cmpi ne, %sign3A_685, %sign3A_692 : i32
        %rem3A_694 = arith.remsi %add3A_676, %jit3A_677 : i32
        %ne3A_695 = arith.constant 0 : i32
        %ne3A_696 = arith.cmpi ne, %rem3A_694, %ne3A_695 : i32
        %and3A_697 = arith.andi %ne3A_693, %ne3A_696 : i1
        %sub3A_698 = arith.constant 1 : i32
        %sub3A_699 = arith.subi %div3A_678, %sub3A_698 : i32
        %select_n3A_700 = arith.select %and3A_697, %sub3A_699, %div3A_678 : i32
        %jit3A_701 = arith.constant 8 : i32
        %eq3A_702 = arith.constant 0 : i32
        %eq3A_703 = arith.cmpi eq, %jit3A_701, %eq3A_702 : i32
        %jit3A_704 = arith.constant 1 : i32
        %select_n3A_705 = arith.select %eq3A_703, %jit3A_704, %jit3A_701 : i32
        %rem3A_706 = arith.remsi %add3A_676, %select_n3A_705 : i32
        %ne3A_707 = arith.constant 0 : i32
        %ne3A_708 = arith.cmpi ne, %rem3A_706, %ne3A_707 : i32
        %lt3A_709 = arith.constant 0 : i32
        %lt3A_710 = arith.cmpi slt, %rem3A_706, %lt3A_709 : i32
        %lt3A_711 = arith.constant 0 : i32
        %lt3A_712 = arith.cmpi slt, %select_n3A_705, %lt3A_711 : i32
        %ne3A_713 = arith.xori %lt3A_710, %lt3A_712 : i1
        %and3A_714 = arith.andi %ne3A_713, %ne3A_708 : i1
        %add3A_715 = arith.addi %rem3A_706, %select_n3A_705 : i32
        %select_n3A_716 = arith.select %and3A_714, %add3A_715, %rem3A_706 : i32
        %mul3A_717 = arith.constant 16 : i32
        %mul3A_718 = arith.muli %select_n3A_716, %mul3A_717 : i32
        %get3A_719 = arith.index_cast %select_n3A_700 : i32 to index
        %get3A_720 = arith.index_cast %mul3A_718 : i32 to index
        %get3A_721 = tpu.vector_load %arg22[%get3A_719, %get3A_720] {strides = array<i32>} : memref<40x128xf32, #tpu.memory_space<vmem>>, vector<1x16xf32>,
        %get3A_722 = vector.shape_cast %get3A_721 : vector<1x16xf32> to vector<16xf32>
        %get3A_723 = arith.index_cast %select_n3A_700 : i32 to index
        %get3A_724 = arith.index_cast %mul3A_718 : i32 to index
        %get3A_725 = tpu.vector_load %arg18[%get3A_723, %get3A_724] {strides = array<i32>} : memref<40x128xf32, #tpu.memory_space<vmem>>, vector<1x16xf32>,
        %get3A_726 = vector.shape_cast %get3A_725 : vector<1x16xf32> to vector<16xf32>
        %add3A_727 = arith.addf %get3A_722, %get3A_726 : vector<16xf32>
        %max3A_728 = arith.constant 0.000000e+00 : f32
        %max3A_729 = vector.broadcast %max3A_728 : f32 to vector<16xf32>
        %max3A_730 = arith.maximumf %add3A_727, %max3A_729 : vector<16xf32>
        %swap3A_731 = arith.index_cast %select_n3A_700 : i32 to index
        %swap3A_732 = arith.index_cast %mul3A_718 : i32 to index
        %swap3A_733 = tpu.vector_load %arg22[%swap3A_731, %swap3A_732] {strides = array<i32>} : memref<40x128xf32, #tpu.memory_space<vmem>>, vector<1x16xf32>,
        %swap3A_734 = vector.shape_cast %swap3A_733 : vector<1x16xf32> to vector<16xf32>
        %swap3A_735 = vector.shape_cast %max3A_730 : vector<16xf32> to vector<1x16xf32>
        tpu.vector_store %arg22[%swap3A_731, %swap3A_732], %swap3A_735 {strides = array<i32>} : memref<40x128xf32, #tpu.memory_space<vmem>>, vector<1x16xf32>,
      }
      %scan3A_184 = arith.constant 320 : i32
      %dma_start3A_185 = arith.constant 0 : i32
      %dma_start3A_186 = arith.constant 0 : i32
      %dma_start3A_187 = tpu.memref_slice %arg7[%dma_start3A_185, %dma_start3A_186] : memref<10112x128xf32, #tpu.memory_space<vmem_shared>> -> memref<10112x128xf32, #tpu.memory_space<vmem_shared>>
      tpu.enqueue_indirect_dma source(%arg22 : memref<40x128xf32, #tpu.memory_space<vmem>>) target(%dma_start3A_187 : memref<10112x128xf32, #tpu.memory_space<vmem_shared>>) offsets(%arg14 : memref<40xi32, #tpu.memory_space<vmem>>) semaphore(%arg28 : memref<!tpu.dma_semaphore, #tpu.memory_space<semaphore_mem>>) {add = true}
      %mul3A_188 = arith.constant 4 : i32
      %mul3A_189 = arith.muli %add3A_68, %mul3A_188 : i32
      %add3A_190 = arith.constant 3 : i32
      %add3A_191 = arith.addi %mul3A_189, %add3A_190 : i32
      %add3A_192 = arith.constant 1 : i32
      %add3A_193 = arith.addi %add3A_191, %add3A_192 : i32
      %lt3A_194 = arith.constant 252 : i32
      %lt3A_195 = arith.cmpi slt, %add3A_193, %lt3A_194 : i32
      %convert_element_type3A_196 = arith.extui %lt3A_195 : i1 to i32
      %cond3A_197 = arith.constant 0 : i32
      %cond3A_198 = arith.cmpi ne, %convert_element_type3A_196, %cond3A_197 : i32
      scf.if %cond3A_198 {
        %dma_wait3A_229 = arith.constant 0 : i32
        %dma_wait3A_230 = tpu.memref_slice %arg3[%dma_wait3A_229] : memref<322560xi32, #tpu.memory_space<hbm>> -> memref<40xi32, #tpu.memory_space<hbm>>
        %dma_wait3A_231 = arith.constant 0 : i32
        %dma_wait3A_232 = tpu.memref_slice %arg3[%dma_wait3A_231] : memref<322560xi32, #tpu.memory_space<hbm>> -> memref<40xi32, #tpu.memory_space<hbm>>
        tpu.wait_dma2 semaphore(%arg24 : memref<!tpu.dma_semaphore, #tpu.memory_space<semaphore_mem>>) src(%dma_wait3A_232 : memref<40xi32, #tpu.memory_space<hbm>>) dst(%arg8 : memref<40xi32, #tpu.memory_space<vmem>>)
        %dma_wait3A_233 = arith.constant 0 : i32
        %dma_wait3A_234 = tpu.memref_slice %arg4[%dma_wait3A_233] : memref<322560xi32, #tpu.memory_space<hbm>> -> memref<40xi32, #tpu.memory_space<hbm>>
        %dma_wait3A_235 = arith.constant 0 : i32
        %dma_wait3A_236 = tpu.memref_slice %arg4[%dma_wait3A_235] : memref<322560xi32, #tpu.memory_space<hbm>> -> memref<40xi32, #tpu.memory_space<hbm>>
        tpu.wait_dma2 semaphore(%arg24 : memref<!tpu.dma_semaphore, #tpu.memory_space<semaphore_mem>>) src(%dma_wait3A_236 : memref<40xi32, #tpu.memory_space<hbm>>) dst(%arg12 : memref<40xi32, #tpu.memory_space<vmem>>)
        %dma_wait3A_237 = arith.constant 0 : i32
        %dma_wait3A_238 = arith.constant 0 : i32
        %dma_wait3A_239 = tpu.memref_slice %arg5[%dma_wait3A_237, %dma_wait3A_238] : memref<322560x128xf32, #tpu.memory_space<hbm>> -> memref<40x128xf32, #tpu.memory_space<hbm>>
        %dma_wait3A_240 = arith.constant 0 : i32
        %dma_wait3A_241 = arith.constant 0 : i32
        %dma_wait3A_242 = tpu.memref_slice %arg5[%dma_wait3A_240, %dma_wait3A_241] : memref<322560x128xf32, #tpu.memory_space<hbm>> -> memref<40x128xf32, #tpu.memory_space<hbm>>
        tpu.wait_dma2 semaphore(%arg24 : memref<!tpu.dma_semaphore, #tpu.memory_space<semaphore_mem>>) src(%dma_wait3A_242 : memref<40x128xf32, #tpu.memory_space<hbm>>) dst(%arg16 : memref<40x128xf32, #tpu.memory_space<vmem>>)
      } else {
      }
      %dma_wait3A_199 = arith.constant 0 : i32
      %dma_wait3A_200 = arith.constant 0 : i32
      %dma_wait3A_201 = tpu.memref_slice %arg2[%dma_wait3A_199, %dma_wait3A_200] : memref<10000x128xf32, #tpu.memory_space<hbm>> -> memref<10000x128xf32, #tpu.memory_space<hbm>>
      tpu.wait_indirect_dma semaphore(%arg25 : memref<!tpu.dma_semaphore, #tpu.memory_space<semaphore_mem>>) src(%dma_wait3A_201 : memref<10000x128xf32, #tpu.memory_space<hbm>>) dst(%arg23 : memref<40x128xf32, #tpu.memory_space<vmem>>)
      %add3A_202 = arith.constant 1 : i32
      %add3A_203 = arith.addi %add3A_191, %add3A_202 : i32
      %lt3A_204 = arith.constant 252 : i32
      %lt3A_205 = arith.cmpi slt, %add3A_203, %lt3A_204 : i32
      %convert_element_type3A_206 = arith.extui %lt3A_205 : i1 to i32
      %cond3A_207 = arith.constant 0 : i32
      %cond3A_208 = arith.cmpi ne, %convert_element_type3A_206, %cond3A_207 : i32
      scf.if %cond3A_208 {
        %dma_start3A_229 = arith.constant 0 : i32
        %dma_start3A_230 = arith.constant 0 : i32
        %dma_start3A_231 = tpu.memref_slice %arg2[%dma_start3A_229, %dma_start3A_230] : memref<10000x128xf32, #tpu.memory_space<hbm>> -> memref<10000x128xf32, #tpu.memory_space<hbm>>
        tpu.enqueue_indirect_dma source(%dma_start3A_231 : memref<10000x128xf32, #tpu.memory_space<hbm>>) target(%arg20 : memref<40x128xf32, #tpu.memory_space<vmem>>) offsets(%arg8 : memref<40xi32, #tpu.memory_space<vmem>>) semaphore(%arg25 : memref<!tpu.dma_semaphore, #tpu.memory_space<semaphore_mem>>)
      } else {
      }
      %ge3A_209 = arith.constant 2 : i32
      %ge3A_210 = arith.cmpi sge, %add3A_191, %ge3A_209 : i32
      %convert_element_type3A_211 = arith.extui %ge3A_210 : i1 to i32
      %cond3A_212 = arith.constant 0 : i32
      %cond3A_213 = arith.cmpi ne, %convert_element_type3A_211, %cond3A_212 : i32
      scf.if %cond3A_213 {
        %dma_wait3A_229 = arith.constant 0 : i32
        %dma_wait3A_230 = arith.constant 0 : i32
        %dma_wait3A_231 = tpu.memref_slice %arg7[%dma_wait3A_229, %dma_wait3A_230] : memref<10112x128xf32, #tpu.memory_space<vmem_shared>> -> memref<10112x128xf32, #tpu.memory_space<vmem_shared>>
        tpu.wait_indirect_dma semaphore(%arg27 : memref<!tpu.dma_semaphore, #tpu.memory_space<semaphore_mem>>) src(%arg21 : memref<40x128xf32, #tpu.memory_space<vmem>>) dst(%dma_wait3A_231 : memref<10112x128xf32, #tpu.memory_space<vmem_shared>>)
      } else {
      }
      %add3A_214 = arith.constant 2 : i32
      %add3A_215 = arith.addi %add3A_191, %add3A_214 : i32
      %lt3A_216 = arith.constant 252 : i32
      %lt3A_217 = arith.cmpi slt, %add3A_215, %lt3A_216 : i32
      %convert_element_type3A_218 = arith.extui %lt3A_217 : i1 to i32
      %cond3A_219 = arith.constant 0 : i32
      %cond3A_220 = arith.cmpi ne, %convert_element_type3A_218, %cond3A_219 : i32
      scf.if %cond3A_220 {
        %add3A_229 = arith.constant 2 : i32
        %add3A_230 = arith.addi %add3A_191, %add3A_229 : i32
        %mul3A_231 = arith.constant 40 : i32
        %mul3A_232 = arith.muli %add3A_230, %mul3A_231 : i32
        %add3A_233 = arith.addi %mul3A_2, %mul3A_232 : i32
        %dma_start3A_234 = tpu.memref_slice %arg3[%add3A_233] : memref<322560xi32, #tpu.memory_space<hbm>> -> memref<40xi32, #tpu.memory_space<hbm>>
        %dma_start3A_235 = tpu.memref_slice %arg3[%add3A_233] : memref<322560xi32, #tpu.memory_space<hbm>> -> memref<40xi32, #tpu.memory_space<hbm>>
        tpu.enqueue_dma source(%dma_start3A_235 : memref<40xi32, #tpu.memory_space<hbm>>) target(%arg9 : memref<40xi32, #tpu.memory_space<vmem>>) target_semaphore(%arg24 : memref<!tpu.dma_semaphore, #tpu.memory_space<semaphore_mem>>)
        %dma_start3A_236 = tpu.memref_slice %arg4[%add3A_233] : memref<322560xi32, #tpu.memory_space<hbm>> -> memref<40xi32, #tpu.memory_space<hbm>>
        %dma_start3A_237 = tpu.memref_slice %arg4[%add3A_233] : memref<322560xi32, #tpu.memory_space<hbm>> -> memref<40xi32, #tpu.memory_space<hbm>>
        tpu.enqueue_dma source(%dma_start3A_237 : memref<40xi32, #tpu.memory_space<hbm>>) target(%arg13 : memref<40xi32, #tpu.memory_space<vmem>>) target_semaphore(%arg24 : memref<!tpu.dma_semaphore, #tpu.memory_space<semaphore_mem>>)
        %dma_start3A_238 = arith.constant 0 : i32
        %dma_start3A_239 = tpu.memref_slice %arg5[%add3A_233, %dma_start3A_238] : memref<322560x128xf32, #tpu.memory_space<hbm>> -> memref<40x128xf32, #tpu.memory_space<hbm>>
        %dma_start3A_240 = arith.constant 0 : i32
        %dma_start3A_241 = tpu.memref_slice %arg5[%add3A_233, %dma_start3A_240] : memref<322560x128xf32, #tpu.memory_space<hbm>> -> memref<40x128xf32, #tpu.memory_space<hbm>>
        tpu.enqueue_dma source(%dma_start3A_241 : memref<40x128xf32, #tpu.memory_space<hbm>>) target(%arg17 : memref<40x128xf32, #tpu.memory_space<vmem>>) target_semaphore(%arg24 : memref<!tpu.dma_semaphore, #tpu.memory_space<semaphore_mem>>)
      } else {
      }
      %scan3A_221 = arith.constant 0 : i32
      %scan3A_222 = arith.constant 320 : i32
      %scan3A_223 = arith.addi %scan3A_221, %scan3A_222 : i32
      %scan3A_224 = arith.constant 8 : i32
      scf.for %scan3A_229 = %scan3A_221 to %scan3A_223 step %scan3A_224  : i32 {
        %mul3A_230 = arith.constant 1 : i32
        %mul3A_231 = arith.muli %scan3A_229, %mul3A_230 : i32
        %add3A_232 = arith.constant 0 : i32
        %add3A_233 = arith.addi %add3A_232, %mul3A_231 : i32
        %jit3A = arith.constant 8 : i32
        %div3A = arith.divsi %add3A_233, %jit3A : i32
        %sign3A = arith.constant 0 : i32
        %sign3A_234 = arith.cmpi sgt, %add3A_233, %sign3A : i32
        %sign3A_235 = arith.extui %sign3A_234 : i1 to i32
        %sign3A_236 = arith.constant 0 : i32
        %sign3A_237 = arith.cmpi slt, %add3A_233, %sign3A_236 : i32
        %sign3A_238 = arith.extui %sign3A_237 : i1 to i32
        %sign3A_239 = arith.subi %sign3A_235, %sign3A_238 : i32
        %sign3A_240 = arith.constant 0 : i32
        %sign3A_241 = arith.cmpi sgt, %jit3A, %sign3A_240 : i32
        %sign3A_242 = arith.extui %sign3A_241 : i1 to i32
        %sign3A_243 = arith.constant 0 : i32
        %sign3A_244 = arith.cmpi slt, %jit3A, %sign3A_243 : i32
        %sign3A_245 = arith.extui %sign3A_244 : i1 to i32
        %sign3A_246 = arith.subi %sign3A_242, %sign3A_245 : i32
        %ne3A = arith.cmpi ne, %sign3A_239, %sign3A_246 : i32
        %rem3A = arith.remsi %add3A_233, %jit3A : i32
        %ne3A_247 = arith.constant 0 : i32
        %ne3A_248 = arith.cmpi ne, %rem3A, %ne3A_247 : i32
        %and3A = arith.andi %ne3A, %ne3A_248 : i1
        %sub3A = arith.constant 1 : i32
        %sub3A_249 = arith.subi %div3A, %sub3A : i32
        %select_n3A = arith.select %and3A, %sub3A_249, %div3A : i32
        %jit3A_250 = arith.constant 8 : i32
        %eq3A = arith.constant 0 : i32
        %eq3A_251 = arith.cmpi eq, %jit3A_250, %eq3A : i32
        %jit3A_252 = arith.constant 1 : i32
        %select_n3A_253 = arith.select %eq3A_251, %jit3A_252, %jit3A_250 : i32
        %rem3A_254 = arith.remsi %add3A_233, %select_n3A_253 : i32
        %ne3A_255 = arith.constant 0 : i32
        %ne3A_256 = arith.cmpi ne, %rem3A_254, %ne3A_255 : i32
        %lt3A_257 = arith.constant 0 : i32
        %lt3A_258 = arith.cmpi slt, %rem3A_254, %lt3A_257 : i32
        %lt3A_259 = arith.constant 0 : i32
        %lt3A_260 = arith.cmpi slt, %select_n3A_253, %lt3A_259 : i32
        %ne3A_261 = arith.xori %lt3A_258, %lt3A_260 : i1
        %and3A_262 = arith.andi %ne3A_261, %ne3A_256 : i1
        %add3A_263 = arith.addi %rem3A_254, %select_n3A_253 : i32
        %select_n3A_264 = arith.select %and3A_262, %add3A_263, %rem3A_254 : i32
        %mul3A_265 = arith.constant 16 : i32
        %mul3A_266 = arith.muli %select_n3A_264, %mul3A_265 : i32
        %get3A = arith.index_cast %select_n3A : i32 to index
        %get3A_267 = arith.index_cast %mul3A_266 : i32 to index
        %get3A_268 = tpu.vector_load %arg23[%get3A, %get3A_267] {strides = array<i32>} : memref<40x128xf32, #tpu.memory_space<vmem>>, vector<1x16xf32>,
        %get3A_269 = vector.shape_cast %get3A_268 : vector<1x16xf32> to vector<16xf32>
        %get3A_270 = arith.index_cast %select_n3A : i32 to index
        %get3A_271 = arith.index_cast %mul3A_266 : i32 to index
        %get3A_272 = tpu.vector_load %arg19[%get3A_270, %get3A_271] {strides = array<i32>} : memref<40x128xf32, #tpu.memory_space<vmem>>, vector<1x16xf32>,
        %get3A_273 = vector.shape_cast %get3A_272 : vector<1x16xf32> to vector<16xf32>
        %add3A_274 = arith.addf %get3A_269, %get3A_273 : vector<16xf32>
        %max3A = arith.constant 0.000000e+00 : f32
        %max3A_275 = vector.broadcast %max3A : f32 to vector<16xf32>
        %max3A_276 = arith.maximumf %add3A_274, %max3A_275 : vector<16xf32>
        %swap3A = arith.index_cast %select_n3A : i32 to index
        %swap3A_277 = arith.index_cast %mul3A_266 : i32 to index
        %swap3A_278 = tpu.vector_load %arg23[%swap3A, %swap3A_277] {strides = array<i32>} : memref<40x128xf32, #tpu.memory_space<vmem>>, vector<1x16xf32>,
        %swap3A_279 = vector.shape_cast %swap3A_278 : vector<1x16xf32> to vector<16xf32>
        %swap3A_280 = vector.shape_cast %max3A_276 : vector<16xf32> to vector<1x16xf32>
        tpu.vector_store %arg23[%swap3A, %swap3A_277], %swap3A_280 {strides = array<i32>} : memref<40x128xf32, #tpu.memory_space<vmem>>, vector<1x16xf32>,
        %scan3A_281 = arith.constant 1 : i32
        %scan3A_282 = arith.addi %scan3A_229, %scan3A_281 : i32
        %mul3A_283 = arith.constant 1 : i32
        %mul3A_284 = arith.muli %scan3A_282, %mul3A_283 : i32
        %add3A_285 = arith.constant 0 : i32
        %add3A_286 = arith.addi %add3A_285, %mul3A_284 : i32
        %jit3A_287 = arith.constant 8 : i32
        %div3A_288 = arith.divsi %add3A_286, %jit3A_287 : i32
        %sign3A_289 = arith.constant 0 : i32
        %sign3A_290 = arith.cmpi sgt, %add3A_286, %sign3A_289 : i32
        %sign3A_291 = arith.extui %sign3A_290 : i1 to i32
        %sign3A_292 = arith.constant 0 : i32
        %sign3A_293 = arith.cmpi slt, %add3A_286, %sign3A_292 : i32
        %sign3A_294 = arith.extui %sign3A_293 : i1 to i32
        %sign3A_295 = arith.subi %sign3A_291, %sign3A_294 : i32
        %sign3A_296 = arith.constant 0 : i32
        %sign3A_297 = arith.cmpi sgt, %jit3A_287, %sign3A_296 : i32
        %sign3A_298 = arith.extui %sign3A_297 : i1 to i32
        %sign3A_299 = arith.constant 0 : i32
        %sign3A_300 = arith.cmpi slt, %jit3A_287, %sign3A_299 : i32
        %sign3A_301 = arith.extui %sign3A_300 : i1 to i32
        %sign3A_302 = arith.subi %sign3A_298, %sign3A_301 : i32
        %ne3A_303 = arith.cmpi ne, %sign3A_295, %sign3A_302 : i32
        %rem3A_304 = arith.remsi %add3A_286, %jit3A_287 : i32
        %ne3A_305 = arith.constant 0 : i32
        %ne3A_306 = arith.cmpi ne, %rem3A_304, %ne3A_305 : i32
        %and3A_307 = arith.andi %ne3A_303, %ne3A_306 : i1
        %sub3A_308 = arith.constant 1 : i32
        %sub3A_309 = arith.subi %div3A_288, %sub3A_308 : i32
        %select_n3A_310 = arith.select %and3A_307, %sub3A_309, %div3A_288 : i32
        %jit3A_311 = arith.constant 8 : i32
        %eq3A_312 = arith.constant 0 : i32
        %eq3A_313 = arith.cmpi eq, %jit3A_311, %eq3A_312 : i32
        %jit3A_314 = arith.constant 1 : i32
        %select_n3A_315 = arith.select %eq3A_313, %jit3A_314, %jit3A_311 : i32
        %rem3A_316 = arith.remsi %add3A_286, %select_n3A_315 : i32
        %ne3A_317 = arith.constant 0 : i32
        %ne3A_318 = arith.cmpi ne, %rem3A_316, %ne3A_317 : i32
        %lt3A_319 = arith.constant 0 : i32
        %lt3A_320 = arith.cmpi slt, %rem3A_316, %lt3A_319 : i32
        %lt3A_321 = arith.constant 0 : i32
        %lt3A_322 = arith.cmpi slt, %select_n3A_315, %lt3A_321 : i32
        %ne3A_323 = arith.xori %lt3A_320, %lt3A_322 : i1
        %and3A_324 = arith.andi %ne3A_323, %ne3A_318 : i1
        %add3A_325 = arith.addi %rem3A_316, %select_n3A_315 : i32
        %select_n3A_326 = arith.select %and3A_324, %add3A_325, %rem3A_316 : i32
        %mul3A_327 = arith.constant 16 : i32
        %mul3A_328 = arith.muli %select_n3A_326, %mul3A_327 : i32
        %get3A_329 = arith.index_cast %select_n3A_310 : i32 to index
        %get3A_330 = arith.index_cast %mul3A_328 : i32 to index
        %get3A_331 = tpu.vector_load %arg23[%get3A_329, %get3A_330] {strides = array<i32>} : memref<40x128xf32, #tpu.memory_space<vmem>>, vector<1x16xf32>,
        %get3A_332 = vector.shape_cast %get3A_331 : vector<1x16xf32> to vector<16xf32>
        %get3A_333 = arith.index_cast %select_n3A_310 : i32 to index
        %get3A_334 = arith.index_cast %mul3A_328 : i32 to index
        %get3A_335 = tpu.vector_load %arg19[%get3A_333, %get3A_334] {strides = array<i32>} : memref<40x128xf32, #tpu.memory_space<vmem>>, vector<1x16xf32>,
        %get3A_336 = vector.shape_cast %get3A_335 : vector<1x16xf32> to vector<16xf32>
        %add3A_337 = arith.addf %get3A_332, %get3A_336 : vector<16xf32>
        %max3A_338 = arith.constant 0.000000e+00 : f32
        %max3A_339 = vector.broadcast %max3A_338 : f32 to vector<16xf32>
        %max3A_340 = arith.maximumf %add3A_337, %max3A_339 : vector<16xf32>
        %swap3A_341 = arith.index_cast %select_n3A_310 : i32 to index
        %swap3A_342 = arith.index_cast %mul3A_328 : i32 to index
        %swap3A_343 = tpu.vector_load %arg23[%swap3A_341, %swap3A_342] {strides = array<i32>} : memref<40x128xf32, #tpu.memory_space<vmem>>, vector<1x16xf32>,
        %swap3A_344 = vector.shape_cast %swap3A_343 : vector<1x16xf32> to vector<16xf32>
        %swap3A_345 = vector.shape_cast %max3A_340 : vector<16xf32> to vector<1x16xf32>
        tpu.vector_store %arg23[%swap3A_341, %swap3A_342], %swap3A_345 {strides = array<i32>} : memref<40x128xf32, #tpu.memory_space<vmem>>, vector<1x16xf32>,
        %scan3A_346 = arith.constant 2 : i32
        %scan3A_347 = arith.addi %scan3A_229, %scan3A_346 : i32
        %mul3A_348 = arith.constant 1 : i32
        %mul3A_349 = arith.muli %scan3A_347, %mul3A_348 : i32
        %add3A_350 = arith.constant 0 : i32
        %add3A_351 = arith.addi %add3A_350, %mul3A_349 : i32
        %jit3A_352 = arith.constant 8 : i32
        %div3A_353 = arith.divsi %add3A_351, %jit3A_352 : i32
        %sign3A_354 = arith.constant 0 : i32
        %sign3A_355 = arith.cmpi sgt, %add3A_351, %sign3A_354 : i32
        %sign3A_356 = arith.extui %sign3A_355 : i1 to i32
        %sign3A_357 = arith.constant 0 : i32
        %sign3A_358 = arith.cmpi slt, %add3A_351, %sign3A_357 : i32
        %sign3A_359 = arith.extui %sign3A_358 : i1 to i32
        %sign3A_360 = arith.subi %sign3A_356, %sign3A_359 : i32
        %sign3A_361 = arith.constant 0 : i32
        %sign3A_362 = arith.cmpi sgt, %jit3A_352, %sign3A_361 : i32
        %sign3A_363 = arith.extui %sign3A_362 : i1 to i32
        %sign3A_364 = arith.constant 0 : i32
        %sign3A_365 = arith.cmpi slt, %jit3A_352, %sign3A_364 : i32
        %sign3A_366 = arith.extui %sign3A_365 : i1 to i32
        %sign3A_367 = arith.subi %sign3A_363, %sign3A_366 : i32
        %ne3A_368 = arith.cmpi ne, %sign3A_360, %sign3A_367 : i32
        %rem3A_369 = arith.remsi %add3A_351, %jit3A_352 : i32
        %ne3A_370 = arith.constant 0 : i32
        %ne3A_371 = arith.cmpi ne, %rem3A_369, %ne3A_370 : i32
        %and3A_372 = arith.andi %ne3A_368, %ne3A_371 : i1
        %sub3A_373 = arith.constant 1 : i32
        %sub3A_374 = arith.subi %div3A_353, %sub3A_373 : i32
        %select_n3A_375 = arith.select %and3A_372, %sub3A_374, %div3A_353 : i32
        %jit3A_376 = arith.constant 8 : i32
        %eq3A_377 = arith.constant 0 : i32
        %eq3A_378 = arith.cmpi eq, %jit3A_376, %eq3A_377 : i32
        %jit3A_379 = arith.constant 1 : i32
        %select_n3A_380 = arith.select %eq3A_378, %jit3A_379, %jit3A_376 : i32
        %rem3A_381 = arith.remsi %add3A_351, %select_n3A_380 : i32
        %ne3A_382 = arith.constant 0 : i32
        %ne3A_383 = arith.cmpi ne, %rem3A_381, %ne3A_382 : i32
        %lt3A_384 = arith.constant 0 : i32
        %lt3A_385 = arith.cmpi slt, %rem3A_381, %lt3A_384 : i32
        %lt3A_386 = arith.constant 0 : i32
        %lt3A_387 = arith.cmpi slt, %select_n3A_380, %lt3A_386 : i32
        %ne3A_388 = arith.xori %lt3A_385, %lt3A_387 : i1
        %and3A_389 = arith.andi %ne3A_388, %ne3A_383 : i1
        %add3A_390 = arith.addi %rem3A_381, %select_n3A_380 : i32
        %select_n3A_391 = arith.select %and3A_389, %add3A_390, %rem3A_381 : i32
        %mul3A_392 = arith.constant 16 : i32
        %mul3A_393 = arith.muli %select_n3A_391, %mul3A_392 : i32
        %get3A_394 = arith.index_cast %select_n3A_375 : i32 to index
        %get3A_395 = arith.index_cast %mul3A_393 : i32 to index
        %get3A_396 = tpu.vector_load %arg23[%get3A_394, %get3A_395] {strides = array<i32>} : memref<40x128xf32, #tpu.memory_space<vmem>>, vector<1x16xf32>,
        %get3A_397 = vector.shape_cast %get3A_396 : vector<1x16xf32> to vector<16xf32>
        %get3A_398 = arith.index_cast %select_n3A_375 : i32 to index
        %get3A_399 = arith.index_cast %mul3A_393 : i32 to index
        %get3A_400 = tpu.vector_load %arg19[%get3A_398, %get3A_399] {strides = array<i32>} : memref<40x128xf32, #tpu.memory_space<vmem>>, vector<1x16xf32>,
        %get3A_401 = vector.shape_cast %get3A_400 : vector<1x16xf32> to vector<16xf32>
        %add3A_402 = arith.addf %get3A_397, %get3A_401 : vector<16xf32>
        %max3A_403 = arith.constant 0.000000e+00 : f32
        %max3A_404 = vector.broadcast %max3A_403 : f32 to vector<16xf32>
        %max3A_405 = arith.maximumf %add3A_402, %max3A_404 : vector<16xf32>
        %swap3A_406 = arith.index_cast %select_n3A_375 : i32 to index
        %swap3A_407 = arith.index_cast %mul3A_393 : i32 to index
        %swap3A_408 = tpu.vector_load %arg23[%swap3A_406, %swap3A_407] {strides = array<i32>} : memref<40x128xf32, #tpu.memory_space<vmem>>, vector<1x16xf32>,
        %swap3A_409 = vector.shape_cast %swap3A_408 : vector<1x16xf32> to vector<16xf32>
        %swap3A_410 = vector.shape_cast %max3A_405 : vector<16xf32> to vector<1x16xf32>
        tpu.vector_store %arg23[%swap3A_406, %swap3A_407], %swap3A_410 {strides = array<i32>} : memref<40x128xf32, #tpu.memory_space<vmem>>, vector<1x16xf32>,
        %scan3A_411 = arith.constant 3 : i32
        %scan3A_412 = arith.addi %scan3A_229, %scan3A_411 : i32
        %mul3A_413 = arith.constant 1 : i32
        %mul3A_414 = arith.muli %scan3A_412, %mul3A_413 : i32
        %add3A_415 = arith.constant 0 : i32
        %add3A_416 = arith.addi %add3A_415, %mul3A_414 : i32
        %jit3A_417 = arith.constant 8 : i32
        %div3A_418 = arith.divsi %add3A_416, %jit3A_417 : i32
        %sign3A_419 = arith.constant 0 : i32
        %sign3A_420 = arith.cmpi sgt, %add3A_416, %sign3A_419 : i32
        %sign3A_421 = arith.extui %sign3A_420 : i1 to i32
        %sign3A_422 = arith.constant 0 : i32
        %sign3A_423 = arith.cmpi slt, %add3A_416, %sign3A_422 : i32
        %sign3A_424 = arith.extui %sign3A_423 : i1 to i32
        %sign3A_425 = arith.subi %sign3A_421, %sign3A_424 : i32
        %sign3A_426 = arith.constant 0 : i32
        %sign3A_427 = arith.cmpi sgt, %jit3A_417, %sign3A_426 : i32
        %sign3A_428 = arith.extui %sign3A_427 : i1 to i32
        %sign3A_429 = arith.constant 0 : i32
        %sign3A_430 = arith.cmpi slt, %jit3A_417, %sign3A_429 : i32
        %sign3A_431 = arith.extui %sign3A_430 : i1 to i32
        %sign3A_432 = arith.subi %sign3A_428, %sign3A_431 : i32
        %ne3A_433 = arith.cmpi ne, %sign3A_425, %sign3A_432 : i32
        %rem3A_434 = arith.remsi %add3A_416, %jit3A_417 : i32
        %ne3A_435 = arith.constant 0 : i32
        %ne3A_436 = arith.cmpi ne, %rem3A_434, %ne3A_435 : i32
        %and3A_437 = arith.andi %ne3A_433, %ne3A_436 : i1
        %sub3A_438 = arith.constant 1 : i32
        %sub3A_439 = arith.subi %div3A_418, %sub3A_438 : i32
        %select_n3A_440 = arith.select %and3A_437, %sub3A_439, %div3A_418 : i32
        %jit3A_441 = arith.constant 8 : i32
        %eq3A_442 = arith.constant 0 : i32
        %eq3A_443 = arith.cmpi eq, %jit3A_441, %eq3A_442 : i32
        %jit3A_444 = arith.constant 1 : i32
        %select_n3A_445 = arith.select %eq3A_443, %jit3A_444, %jit3A_441 : i32
        %rem3A_446 = arith.remsi %add3A_416, %select_n3A_445 : i32
        %ne3A_447 = arith.constant 0 : i32
        %ne3A_448 = arith.cmpi ne, %rem3A_446, %ne3A_447 : i32
        %lt3A_449 = arith.constant 0 : i32
        %lt3A_450 = arith.cmpi slt, %rem3A_446, %lt3A_449 : i32
        %lt3A_451 = arith.constant 0 : i32
        %lt3A_452 = arith.cmpi slt, %select_n3A_445, %lt3A_451 : i32
        %ne3A_453 = arith.xori %lt3A_450, %lt3A_452 : i1
        %and3A_454 = arith.andi %ne3A_453, %ne3A_448 : i1
        %add3A_455 = arith.addi %rem3A_446, %select_n3A_445 : i32
        %select_n3A_456 = arith.select %and3A_454, %add3A_455, %rem3A_446 : i32
        %mul3A_457 = arith.constant 16 : i32
        %mul3A_458 = arith.muli %select_n3A_456, %mul3A_457 : i32
        %get3A_459 = arith.index_cast %select_n3A_440 : i32 to index
        %get3A_460 = arith.index_cast %mul3A_458 : i32 to index
        %get3A_461 = tpu.vector_load %arg23[%get3A_459, %get3A_460] {strides = array<i32>} : memref<40x128xf32, #tpu.memory_space<vmem>>, vector<1x16xf32>,
        %get3A_462 = vector.shape_cast %get3A_461 : vector<1x16xf32> to vector<16xf32>
        %get3A_463 = arith.index_cast %select_n3A_440 : i32 to index
        %get3A_464 = arith.index_cast %mul3A_458 : i32 to index
        %get3A_465 = tpu.vector_load %arg19[%get3A_463, %get3A_464] {strides = array<i32>} : memref<40x128xf32, #tpu.memory_space<vmem>>, vector<1x16xf32>,
        %get3A_466 = vector.shape_cast %get3A_465 : vector<1x16xf32> to vector<16xf32>
        %add3A_467 = arith.addf %get3A_462, %get3A_466 : vector<16xf32>
        %max3A_468 = arith.constant 0.000000e+00 : f32
        %max3A_469 = vector.broadcast %max3A_468 : f32 to vector<16xf32>
        %max3A_470 = arith.maximumf %add3A_467, %max3A_469 : vector<16xf32>
        %swap3A_471 = arith.index_cast %select_n3A_440 : i32 to index
        %swap3A_472 = arith.index_cast %mul3A_458 : i32 to index
        %swap3A_473 = tpu.vector_load %arg23[%swap3A_471, %swap3A_472] {strides = array<i32>} : memref<40x128xf32, #tpu.memory_space<vmem>>, vector<1x16xf32>,
        %swap3A_474 = vector.shape_cast %swap3A_473 : vector<1x16xf32> to vector<16xf32>
        %swap3A_475 = vector.shape_cast %max3A_470 : vector<16xf32> to vector<1x16xf32>
        tpu.vector_store %arg23[%swap3A_471, %swap3A_472], %swap3A_475 {strides = array<i32>} : memref<40x128xf32, #tpu.memory_space<vmem>>, vector<1x16xf32>,
        %scan3A_476 = arith.constant 4 : i32
        %scan3A_477 = arith.addi %scan3A_229, %scan3A_476 : i32
        %mul3A_478 = arith.constant 1 : i32
        %mul3A_479 = arith.muli %scan3A_477, %mul3A_478 : i32
        %add3A_480 = arith.constant 0 : i32
        %add3A_481 = arith.addi %add3A_480, %mul3A_479 : i32
        %jit3A_482 = arith.constant 8 : i32
        %div3A_483 = arith.divsi %add3A_481, %jit3A_482 : i32
        %sign3A_484 = arith.constant 0 : i32
        %sign3A_485 = arith.cmpi sgt, %add3A_481, %sign3A_484 : i32
        %sign3A_486 = arith.extui %sign3A_485 : i1 to i32
        %sign3A_487 = arith.constant 0 : i32
        %sign3A_488 = arith.cmpi slt, %add3A_481, %sign3A_487 : i32
        %sign3A_489 = arith.extui %sign3A_488 : i1 to i32
        %sign3A_490 = arith.subi %sign3A_486, %sign3A_489 : i32
        %sign3A_491 = arith.constant 0 : i32
        %sign3A_492 = arith.cmpi sgt, %jit3A_482, %sign3A_491 : i32
        %sign3A_493 = arith.extui %sign3A_492 : i1 to i32
        %sign3A_494 = arith.constant 0 : i32
        %sign3A_495 = arith.cmpi slt, %jit3A_482, %sign3A_494 : i32
        %sign3A_496 = arith.extui %sign3A_495 : i1 to i32
        %sign3A_497 = arith.subi %sign3A_493, %sign3A_496 : i32
        %ne3A_498 = arith.cmpi ne, %sign3A_490, %sign3A_497 : i32
        %rem3A_499 = arith.remsi %add3A_481, %jit3A_482 : i32
        %ne3A_500 = arith.constant 0 : i32
        %ne3A_501 = arith.cmpi ne, %rem3A_499, %ne3A_500 : i32
        %and3A_502 = arith.andi %ne3A_498, %ne3A_501 : i1
        %sub3A_503 = arith.constant 1 : i32
        %sub3A_504 = arith.subi %div3A_483, %sub3A_503 : i32
        %select_n3A_505 = arith.select %and3A_502, %sub3A_504, %div3A_483 : i32
        %jit3A_506 = arith.constant 8 : i32
        %eq3A_507 = arith.constant 0 : i32
        %eq3A_508 = arith.cmpi eq, %jit3A_506, %eq3A_507 : i32
        %jit3A_509 = arith.constant 1 : i32
        %select_n3A_510 = arith.select %eq3A_508, %jit3A_509, %jit3A_506 : i32
        %rem3A_511 = arith.remsi %add3A_481, %select_n3A_510 : i32
        %ne3A_512 = arith.constant 0 : i32
        %ne3A_513 = arith.cmpi ne, %rem3A_511, %ne3A_512 : i32
        %lt3A_514 = arith.constant 0 : i32
        %lt3A_515 = arith.cmpi slt, %rem3A_511, %lt3A_514 : i32
        %lt3A_516 = arith.constant 0 : i32
        %lt3A_517 = arith.cmpi slt, %select_n3A_510, %lt3A_516 : i32
        %ne3A_518 = arith.xori %lt3A_515, %lt3A_517 : i1
        %and3A_519 = arith.andi %ne3A_518, %ne3A_513 : i1
        %add3A_520 = arith.addi %rem3A_511, %select_n3A_510 : i32
        %select_n3A_521 = arith.select %and3A_519, %add3A_520, %rem3A_511 : i32
        %mul3A_522 = arith.constant 16 : i32
        %mul3A_523 = arith.muli %select_n3A_521, %mul3A_522 : i32
        %get3A_524 = arith.index_cast %select_n3A_505 : i32 to index
        %get3A_525 = arith.index_cast %mul3A_523 : i32 to index
        %get3A_526 = tpu.vector_load %arg23[%get3A_524, %get3A_525] {strides = array<i32>} : memref<40x128xf32, #tpu.memory_space<vmem>>, vector<1x16xf32>,
        %get3A_527 = vector.shape_cast %get3A_526 : vector<1x16xf32> to vector<16xf32>
        %get3A_528 = arith.index_cast %select_n3A_505 : i32 to index
        %get3A_529 = arith.index_cast %mul3A_523 : i32 to index
        %get3A_530 = tpu.vector_load %arg19[%get3A_528, %get3A_529] {strides = array<i32>} : memref<40x128xf32, #tpu.memory_space<vmem>>, vector<1x16xf32>,
        %get3A_531 = vector.shape_cast %get3A_530 : vector<1x16xf32> to vector<16xf32>
        %add3A_532 = arith.addf %get3A_527, %get3A_531 : vector<16xf32>
        %max3A_533 = arith.constant 0.000000e+00 : f32
        %max3A_534 = vector.broadcast %max3A_533 : f32 to vector<16xf32>
        %max3A_535 = arith.maximumf %add3A_532, %max3A_534 : vector<16xf32>
        %swap3A_536 = arith.index_cast %select_n3A_505 : i32 to index
        %swap3A_537 = arith.index_cast %mul3A_523 : i32 to index
        %swap3A_538 = tpu.vector_load %arg23[%swap3A_536, %swap3A_537] {strides = array<i32>} : memref<40x128xf32, #tpu.memory_space<vmem>>, vector<1x16xf32>,
        %swap3A_539 = vector.shape_cast %swap3A_538 : vector<1x16xf32> to vector<16xf32>
        %swap3A_540 = vector.shape_cast %max3A_535 : vector<16xf32> to vector<1x16xf32>
        tpu.vector_store %arg23[%swap3A_536, %swap3A_537], %swap3A_540 {strides = array<i32>} : memref<40x128xf32, #tpu.memory_space<vmem>>, vector<1x16xf32>,
        %scan3A_541 = arith.constant 5 : i32
        %scan3A_542 = arith.addi %scan3A_229, %scan3A_541 : i32
        %mul3A_543 = arith.constant 1 : i32
        %mul3A_544 = arith.muli %scan3A_542, %mul3A_543 : i32
        %add3A_545 = arith.constant 0 : i32
        %add3A_546 = arith.addi %add3A_545, %mul3A_544 : i32
        %jit3A_547 = arith.constant 8 : i32
        %div3A_548 = arith.divsi %add3A_546, %jit3A_547 : i32
        %sign3A_549 = arith.constant 0 : i32
        %sign3A_550 = arith.cmpi sgt, %add3A_546, %sign3A_549 : i32
        %sign3A_551 = arith.extui %sign3A_550 : i1 to i32
        %sign3A_552 = arith.constant 0 : i32
        %sign3A_553 = arith.cmpi slt, %add3A_546, %sign3A_552 : i32
        %sign3A_554 = arith.extui %sign3A_553 : i1 to i32
        %sign3A_555 = arith.subi %sign3A_551, %sign3A_554 : i32
        %sign3A_556 = arith.constant 0 : i32
        %sign3A_557 = arith.cmpi sgt, %jit3A_547, %sign3A_556 : i32
        %sign3A_558 = arith.extui %sign3A_557 : i1 to i32
        %sign3A_559 = arith.constant 0 : i32
        %sign3A_560 = arith.cmpi slt, %jit3A_547, %sign3A_559 : i32
        %sign3A_561 = arith.extui %sign3A_560 : i1 to i32
        %sign3A_562 = arith.subi %sign3A_558, %sign3A_561 : i32
        %ne3A_563 = arith.cmpi ne, %sign3A_555, %sign3A_562 : i32
        %rem3A_564 = arith.remsi %add3A_546, %jit3A_547 : i32
        %ne3A_565 = arith.constant 0 : i32
        %ne3A_566 = arith.cmpi ne, %rem3A_564, %ne3A_565 : i32
        %and3A_567 = arith.andi %ne3A_563, %ne3A_566 : i1
        %sub3A_568 = arith.constant 1 : i32
        %sub3A_569 = arith.subi %div3A_548, %sub3A_568 : i32
        %select_n3A_570 = arith.select %and3A_567, %sub3A_569, %div3A_548 : i32
        %jit3A_571 = arith.constant 8 : i32
        %eq3A_572 = arith.constant 0 : i32
        %eq3A_573 = arith.cmpi eq, %jit3A_571, %eq3A_572 : i32
        %jit3A_574 = arith.constant 1 : i32
        %select_n3A_575 = arith.select %eq3A_573, %jit3A_574, %jit3A_571 : i32
        %rem3A_576 = arith.remsi %add3A_546, %select_n3A_575 : i32
        %ne3A_577 = arith.constant 0 : i32
        %ne3A_578 = arith.cmpi ne, %rem3A_576, %ne3A_577 : i32
        %lt3A_579 = arith.constant 0 : i32
        %lt3A_580 = arith.cmpi slt, %rem3A_576, %lt3A_579 : i32
        %lt3A_581 = arith.constant 0 : i32
        %lt3A_582 = arith.cmpi slt, %select_n3A_575, %lt3A_581 : i32
        %ne3A_583 = arith.xori %lt3A_580, %lt3A_582 : i1
        %and3A_584 = arith.andi %ne3A_583, %ne3A_578 : i1
        %add3A_585 = arith.addi %rem3A_576, %select_n3A_575 : i32
        %select_n3A_586 = arith.select %and3A_584, %add3A_585, %rem3A_576 : i32
        %mul3A_587 = arith.constant 16 : i32
        %mul3A_588 = arith.muli %select_n3A_586, %mul3A_587 : i32
        %get3A_589 = arith.index_cast %select_n3A_570 : i32 to index
        %get3A_590 = arith.index_cast %mul3A_588 : i32 to index
        %get3A_591 = tpu.vector_load %arg23[%get3A_589, %get3A_590] {strides = array<i32>} : memref<40x128xf32, #tpu.memory_space<vmem>>, vector<1x16xf32>,
        %get3A_592 = vector.shape_cast %get3A_591 : vector<1x16xf32> to vector<16xf32>
        %get3A_593 = arith.index_cast %select_n3A_570 : i32 to index
        %get3A_594 = arith.index_cast %mul3A_588 : i32 to index
        %get3A_595 = tpu.vector_load %arg19[%get3A_593, %get3A_594] {strides = array<i32>} : memref<40x128xf32, #tpu.memory_space<vmem>>, vector<1x16xf32>,
        %get3A_596 = vector.shape_cast %get3A_595 : vector<1x16xf32> to vector<16xf32>
        %add3A_597 = arith.addf %get3A_592, %get3A_596 : vector<16xf32>
        %max3A_598 = arith.constant 0.000000e+00 : f32
        %max3A_599 = vector.broadcast %max3A_598 : f32 to vector<16xf32>
        %max3A_600 = arith.maximumf %add3A_597, %max3A_599 : vector<16xf32>
        %swap3A_601 = arith.index_cast %select_n3A_570 : i32 to index
        %swap3A_602 = arith.index_cast %mul3A_588 : i32 to index
        %swap3A_603 = tpu.vector_load %arg23[%swap3A_601, %swap3A_602] {strides = array<i32>} : memref<40x128xf32, #tpu.memory_space<vmem>>, vector<1x16xf32>,
        %swap3A_604 = vector.shape_cast %swap3A_603 : vector<1x16xf32> to vector<16xf32>
        %swap3A_605 = vector.shape_cast %max3A_600 : vector<16xf32> to vector<1x16xf32>
        tpu.vector_store %arg23[%swap3A_601, %swap3A_602], %swap3A_605 {strides = array<i32>} : memref<40x128xf32, #tpu.memory_space<vmem>>, vector<1x16xf32>,
        %scan3A_606 = arith.constant 6 : i32
        %scan3A_607 = arith.addi %scan3A_229, %scan3A_606 : i32
        %mul3A_608 = arith.constant 1 : i32
        %mul3A_609 = arith.muli %scan3A_607, %mul3A_608 : i32
        %add3A_610 = arith.constant 0 : i32
        %add3A_611 = arith.addi %add3A_610, %mul3A_609 : i32
        %jit3A_612 = arith.constant 8 : i32
        %div3A_613 = arith.divsi %add3A_611, %jit3A_612 : i32
        %sign3A_614 = arith.constant 0 : i32
        %sign3A_615 = arith.cmpi sgt, %add3A_611, %sign3A_614 : i32
        %sign3A_616 = arith.extui %sign3A_615 : i1 to i32
        %sign3A_617 = arith.constant 0 : i32
        %sign3A_618 = arith.cmpi slt, %add3A_611, %sign3A_617 : i32
        %sign3A_619 = arith.extui %sign3A_618 : i1 to i32
        %sign3A_620 = arith.subi %sign3A_616, %sign3A_619 : i32
        %sign3A_621 = arith.constant 0 : i32
        %sign3A_622 = arith.cmpi sgt, %jit3A_612, %sign3A_621 : i32
        %sign3A_623 = arith.extui %sign3A_622 : i1 to i32
        %sign3A_624 = arith.constant 0 : i32
        %sign3A_625 = arith.cmpi slt, %jit3A_612, %sign3A_624 : i32
        %sign3A_626 = arith.extui %sign3A_625 : i1 to i32
        %sign3A_627 = arith.subi %sign3A_623, %sign3A_626 : i32
        %ne3A_628 = arith.cmpi ne, %sign3A_620, %sign3A_627 : i32
        %rem3A_629 = arith.remsi %add3A_611, %jit3A_612 : i32
        %ne3A_630 = arith.constant 0 : i32
        %ne3A_631 = arith.cmpi ne, %rem3A_629, %ne3A_630 : i32
        %and3A_632 = arith.andi %ne3A_628, %ne3A_631 : i1
        %sub3A_633 = arith.constant 1 : i32
        %sub3A_634 = arith.subi %div3A_613, %sub3A_633 : i32
        %select_n3A_635 = arith.select %and3A_632, %sub3A_634, %div3A_613 : i32
        %jit3A_636 = arith.constant 8 : i32
        %eq3A_637 = arith.constant 0 : i32
        %eq3A_638 = arith.cmpi eq, %jit3A_636, %eq3A_637 : i32
        %jit3A_639 = arith.constant 1 : i32
        %select_n3A_640 = arith.select %eq3A_638, %jit3A_639, %jit3A_636 : i32
        %rem3A_641 = arith.remsi %add3A_611, %select_n3A_640 : i32
        %ne3A_642 = arith.constant 0 : i32
        %ne3A_643 = arith.cmpi ne, %rem3A_641, %ne3A_642 : i32
        %lt3A_644 = arith.constant 0 : i32
        %lt3A_645 = arith.cmpi slt, %rem3A_641, %lt3A_644 : i32
        %lt3A_646 = arith.constant 0 : i32
        %lt3A_647 = arith.cmpi slt, %select_n3A_640, %lt3A_646 : i32
        %ne3A_648 = arith.xori %lt3A_645, %lt3A_647 : i1
        %and3A_649 = arith.andi %ne3A_648, %ne3A_643 : i1
        %add3A_650 = arith.addi %rem3A_641, %select_n3A_640 : i32
        %select_n3A_651 = arith.select %and3A_649, %add3A_650, %rem3A_641 : i32
        %mul3A_652 = arith.constant 16 : i32
        %mul3A_653 = arith.muli %select_n3A_651, %mul3A_652 : i32
        %get3A_654 = arith.index_cast %select_n3A_635 : i32 to index
        %get3A_655 = arith.index_cast %mul3A_653 : i32 to index
        %get3A_656 = tpu.vector_load %arg23[%get3A_654, %get3A_655] {strides = array<i32>} : memref<40x128xf32, #tpu.memory_space<vmem>>, vector<1x16xf32>,
        %get3A_657 = vector.shape_cast %get3A_656 : vector<1x16xf32> to vector<16xf32>
        %get3A_658 = arith.index_cast %select_n3A_635 : i32 to index
        %get3A_659 = arith.index_cast %mul3A_653 : i32 to index
        %get3A_660 = tpu.vector_load %arg19[%get3A_658, %get3A_659] {strides = array<i32>} : memref<40x128xf32, #tpu.memory_space<vmem>>, vector<1x16xf32>,
        %get3A_661 = vector.shape_cast %get3A_660 : vector<1x16xf32> to vector<16xf32>
        %add3A_662 = arith.addf %get3A_657, %get3A_661 : vector<16xf32>
        %max3A_663 = arith.constant 0.000000e+00 : f32
        %max3A_664 = vector.broadcast %max3A_663 : f32 to vector<16xf32>
        %max3A_665 = arith.maximumf %add3A_662, %max3A_664 : vector<16xf32>
        %swap3A_666 = arith.index_cast %select_n3A_635 : i32 to index
        %swap3A_667 = arith.index_cast %mul3A_653 : i32 to index
        %swap3A_668 = tpu.vector_load %arg23[%swap3A_666, %swap3A_667] {strides = array<i32>} : memref<40x128xf32, #tpu.memory_space<vmem>>, vector<1x16xf32>,
        %swap3A_669 = vector.shape_cast %swap3A_668 : vector<1x16xf32> to vector<16xf32>
        %swap3A_670 = vector.shape_cast %max3A_665 : vector<16xf32> to vector<1x16xf32>
        tpu.vector_store %arg23[%swap3A_666, %swap3A_667], %swap3A_670 {strides = array<i32>} : memref<40x128xf32, #tpu.memory_space<vmem>>, vector<1x16xf32>,
        %scan3A_671 = arith.constant 7 : i32
        %scan3A_672 = arith.addi %scan3A_229, %scan3A_671 : i32
        %mul3A_673 = arith.constant 1 : i32
        %mul3A_674 = arith.muli %scan3A_672, %mul3A_673 : i32
        %add3A_675 = arith.constant 0 : i32
        %add3A_676 = arith.addi %add3A_675, %mul3A_674 : i32
        %jit3A_677 = arith.constant 8 : i32
        %div3A_678 = arith.divsi %add3A_676, %jit3A_677 : i32
        %sign3A_679 = arith.constant 0 : i32
        %sign3A_680 = arith.cmpi sgt, %add3A_676, %sign3A_679 : i32
        %sign3A_681 = arith.extui %sign3A_680 : i1 to i32
        %sign3A_682 = arith.constant 0 : i32
        %sign3A_683 = arith.cmpi slt, %add3A_676, %sign3A_682 : i32
        %sign3A_684 = arith.extui %sign3A_683 : i1 to i32
        %sign3A_685 = arith.subi %sign3A_681, %sign3A_684 : i32
        %sign3A_686 = arith.constant 0 : i32
        %sign3A_687 = arith.cmpi sgt, %jit3A_677, %sign3A_686 : i32
        %sign3A_688 = arith.extui %sign3A_687 : i1 to i32
        %sign3A_689 = arith.constant 0 : i32
        %sign3A_690 = arith.cmpi slt, %jit3A_677, %sign3A_689 : i32
        %sign3A_691 = arith.extui %sign3A_690 : i1 to i32
        %sign3A_692 = arith.subi %sign3A_688, %sign3A_691 : i32
        %ne3A_693 = arith.cmpi ne, %sign3A_685, %sign3A_692 : i32
        %rem3A_694 = arith.remsi %add3A_676, %jit3A_677 : i32
        %ne3A_695 = arith.constant 0 : i32
        %ne3A_696 = arith.cmpi ne, %rem3A_694, %ne3A_695 : i32
        %and3A_697 = arith.andi %ne3A_693, %ne3A_696 : i1
        %sub3A_698 = arith.constant 1 : i32
        %sub3A_699 = arith.subi %div3A_678, %sub3A_698 : i32
        %select_n3A_700 = arith.select %and3A_697, %sub3A_699, %div3A_678 : i32
        %jit3A_701 = arith.constant 8 : i32
        %eq3A_702 = arith.constant 0 : i32
        %eq3A_703 = arith.cmpi eq, %jit3A_701, %eq3A_702 : i32
        %jit3A_704 = arith.constant 1 : i32
        %select_n3A_705 = arith.select %eq3A_703, %jit3A_704, %jit3A_701 : i32
        %rem3A_706 = arith.remsi %add3A_676, %select_n3A_705 : i32
        %ne3A_707 = arith.constant 0 : i32
        %ne3A_708 = arith.cmpi ne, %rem3A_706, %ne3A_707 : i32
        %lt3A_709 = arith.constant 0 : i32
        %lt3A_710 = arith.cmpi slt, %rem3A_706, %lt3A_709 : i32
        %lt3A_711 = arith.constant 0 : i32
        %lt3A_712 = arith.cmpi slt, %select_n3A_705, %lt3A_711 : i32
        %ne3A_713 = arith.xori %lt3A_710, %lt3A_712 : i1
        %and3A_714 = arith.andi %ne3A_713, %ne3A_708 : i1
        %add3A_715 = arith.addi %rem3A_706, %select_n3A_705 : i32
        %select_n3A_716 = arith.select %and3A_714, %add3A_715, %rem3A_706 : i32
        %mul3A_717 = arith.constant 16 : i32
        %mul3A_718 = arith.muli %select_n3A_716, %mul3A_717 : i32
        %get3A_719 = arith.index_cast %select_n3A_700 : i32 to index
        %get3A_720 = arith.index_cast %mul3A_718 : i32 to index
        %get3A_721 = tpu.vector_load %arg23[%get3A_719, %get3A_720] {strides = array<i32>} : memref<40x128xf32, #tpu.memory_space<vmem>>, vector<1x16xf32>,
        %get3A_722 = vector.shape_cast %get3A_721 : vector<1x16xf32> to vector<16xf32>
        %get3A_723 = arith.index_cast %select_n3A_700 : i32 to index
        %get3A_724 = arith.index_cast %mul3A_718 : i32 to index
        %get3A_725 = tpu.vector_load %arg19[%get3A_723, %get3A_724] {strides = array<i32>} : memref<40x128xf32, #tpu.memory_space<vmem>>, vector<1x16xf32>,
        %get3A_726 = vector.shape_cast %get3A_725 : vector<1x16xf32> to vector<16xf32>
        %add3A_727 = arith.addf %get3A_722, %get3A_726 : vector<16xf32>
        %max3A_728 = arith.constant 0.000000e+00 : f32
        %max3A_729 = vector.broadcast %max3A_728 : f32 to vector<16xf32>
        %max3A_730 = arith.maximumf %add3A_727, %max3A_729 : vector<16xf32>
        %swap3A_731 = arith.index_cast %select_n3A_700 : i32 to index
        %swap3A_732 = arith.index_cast %mul3A_718 : i32 to index
        %swap3A_733 = tpu.vector_load %arg23[%swap3A_731, %swap3A_732] {strides = array<i32>} : memref<40x128xf32, #tpu.memory_space<vmem>>, vector<1x16xf32>,
        %swap3A_734 = vector.shape_cast %swap3A_733 : vector<1x16xf32> to vector<16xf32>
        %swap3A_735 = vector.shape_cast %max3A_730 : vector<16xf32> to vector<1x16xf32>
        tpu.vector_store %arg23[%swap3A_731, %swap3A_732], %swap3A_735 {strides = array<i32>} : memref<40x128xf32, #tpu.memory_space<vmem>>, vector<1x16xf32>,
      }
      %scan3A_225 = arith.constant 320 : i32
      %dma_start3A_226 = arith.constant 0 : i32
      %dma_start3A_227 = arith.constant 0 : i32
      %dma_start3A_228 = tpu.memref_slice %arg7[%dma_start3A_226, %dma_start3A_227] : memref<10112x128xf32, #tpu.memory_space<vmem_shared>> -> memref<10112x128xf32, #tpu.memory_space<vmem_shared>>
      tpu.enqueue_indirect_dma source(%arg23 : memref<40x128xf32, #tpu.memory_space<vmem>>) target(%dma_start3A_228 : memref<10112x128xf32, #tpu.memory_space<vmem_shared>>) offsets(%arg15 : memref<40xi32, #tpu.memory_space<vmem>>) semaphore(%arg29 : memref<!tpu.dma_semaphore, #tpu.memory_space<semaphore_mem>>) {add = true}
    }
    %scan3A_56 = arith.constant 63 : i32
    %dma_wait3A_57 = arith.constant 0 : i32
    %dma_wait3A_58 = arith.constant 0 : i32
    %dma_wait3A_59 = tpu.memref_slice %arg7[%dma_wait3A_57, %dma_wait3A_58] : memref<10112x128xf32, #tpu.memory_space<vmem_shared>> -> memref<10112x128xf32, #tpu.memory_space<vmem_shared>>
    tpu.wait_indirect_dma semaphore(%arg28 : memref<!tpu.dma_semaphore, #tpu.memory_space<semaphore_mem>>) src(%arg22 : memref<40x128xf32, #tpu.memory_space<vmem>>) dst(%dma_wait3A_59 : memref<10112x128xf32, #tpu.memory_space<vmem_shared>>)
    %dma_wait3A_60 = arith.constant 0 : i32
    %dma_wait3A_61 = arith.constant 0 : i32
    %dma_wait3A_62 = tpu.memref_slice %arg7[%dma_wait3A_60, %dma_wait3A_61] : memref<10112x128xf32, #tpu.memory_space<vmem_shared>> -> memref<10112x128xf32, #tpu.memory_space<vmem_shared>>
    tpu.wait_indirect_dma semaphore(%arg29 : memref<!tpu.dma_semaphore, #tpu.memory_space<semaphore_mem>>) src(%arg23 : memref<40x128xf32, #tpu.memory_space<vmem>>) dst(%dma_wait3A_62 : memref<10112x128xf32, #tpu.memory_space<vmem_shared>>)
    %barrier3A_63 = arith.constant 0 : index
    tpu.barrier barrier_id(%barrier3A_63)
    "tpu.region"() ({
      %run_scoped3A = tpu.sem_alloc : memref<!tpu.dma_semaphore, #tpu.memory_space<semaphore_mem>>
      %dma_start3A_64 = arith.constant 0 : i32
      %dma_start3A_65 = tpu.memref_slice %arg6[%arg0, %mul3A_4, %dma_start3A_64] : memref<2x10112x128xf32, #tpu.memory_space<hbm>> -> memref<1x632x128xf32, #tpu.memory_space<hbm>>
      %dma_start3A_66 = tpu.memref_squeeze %dma_start3A_65 : memref<1x632x128xf32, #tpu.memory_space<hbm>> -> memref<632x128xf32, #tpu.memory_space<hbm>>
      %dma_start3A_67 = arith.constant 0 : i32
      %dma_start3A_68 = tpu.memref_slice %arg7[%mul3A_4, %dma_start3A_67] : memref<10112x128xf32, #tpu.memory_space<vmem_shared>> -> memref<632x128xf32, #tpu.memory_space<vmem_shared>>
      tpu.enqueue_dma source(%dma_start3A_68 : memref<632x128xf32, #tpu.memory_space<vmem_shared>>) target(%dma_start3A_66 : memref<632x128xf32, #tpu.memory_space<hbm>>) target_semaphore(%run_scoped3A : memref<!tpu.dma_semaphore, #tpu.memory_space<semaphore_mem>>)
      %dma_wait3A_69 = arith.constant 0 : i32
      %dma_wait3A_70 = tpu.memref_slice %arg6[%arg0, %mul3A_4, %dma_wait3A_69] : memref<2x10112x128xf32, #tpu.memory_space<hbm>> -> memref<1x632x128xf32, #tpu.memory_space<hbm>>
      %dma_wait3A_71 = tpu.memref_squeeze %dma_wait3A_70 : memref<1x632x128xf32, #tpu.memory_space<hbm>> -> memref<632x128xf32, #tpu.memory_space<hbm>>
      %dma_wait3A_72 = arith.constant 0 : i32
      %dma_wait3A_73 = tpu.memref_slice %arg7[%mul3A_4, %dma_wait3A_72] : memref<10112x128xf32, #tpu.memory_space<vmem_shared>> -> memref<632x128xf32, #tpu.memory_space<vmem_shared>>
      tpu.wait_dma2 semaphore(%run_scoped3A : memref<!tpu.dma_semaphore, #tpu.memory_space<semaphore_mem>>) src(%dma_wait3A_73 : memref<632x128xf32, #tpu.memory_space<vmem_shared>>) dst(%dma_wait3A_71 : memref<632x128xf32, #tpu.memory_space<hbm>>)
      tpu.yield
    }) : () -> ()
    return
  }
}

module attributes {stable_mosaic.version = 14 : i64} {
  func.func @body(%arg0: i32, %arg1: memref<2000x16xf32, #tpu.memory_space<vmem>>, %arg2: memref<16x128xf32, #tpu.memory_space<vmem>>, %arg3: memref<1x128xf32, #tpu.memory_space<vmem>>, %arg4: memref<2000x128xf32, #tpu.memory_space<vmem>>) attributes {dimension_semantics = [#tpu.dimension_semantics<arbitrary>], iteration_bounds = array<i64: 160>, scalar_prefetch = 0 : i64, scratch_operands = 0 : i64, tpu.core_type = #tpu.core_type<tc>, window_params = [{transform_indices = @transform_0, window_bounds = array<i64: 2000, 16>}, {pipeline_mode = #tpu.pipeline_mode<synchronous>, transform_indices = @transform_1, window_bounds = array<i64: 16, 128>}, {pipeline_mode = #tpu.pipeline_mode<synchronous>, transform_indices = @transform_2, window_bounds = array<i64: 1, 128>}, {transform_indices = @transform_3, window_bounds = array<i64: 2000, 128>}]} {
    %get3A = arith.constant 0 : index
    %get3A_0 = arith.constant 0 : index
    %get3A_1 = vector.load %arg1[%get3A, %get3A_0] : memref<2000x16xf32, #tpu.memory_space<vmem>>, vector<2000x16xf32>
    %get3A_2 = arith.constant 0 : index
    %get3A_3 = arith.constant 0 : index
    %get3A_4 = vector.load %arg2[%get3A_2, %get3A_3] : memref<16x128xf32, #tpu.memory_space<vmem>>, vector<16x128xf32>
    %dot_general3A = arith.constant dense<0.000000e+00> : vector<2000x128xf32>
    %dot_general3A_5 = tpu.matmul %get3A_1, %get3A_4, %dot_general3A {dimension_numbers = #tpu.dot_dimension_numbers<[1], [0], [0], [1], [0, 0, 1, 1], [], []>, transpose_lhs_hint = false} : vector<2000x16xf32>, vector<16x128xf32>, vector<2000x128xf32> -> vector<2000x128xf32>
    %get3A_6 = arith.constant 0 : index
    %get3A_7 = arith.constant 0 : index
    %get3A_8 = vector.load %arg3[%get3A_6, %get3A_7] : memref<1x128xf32, #tpu.memory_space<vmem>>, vector<1x128xf32>
    %add3A = vector.broadcast %get3A_8 : vector<1x128xf32> to vector<2000x128xf32>
    %add3A_9 = arith.addf %dot_general3A_5, %add3A : vector<2000x128xf32>
    %swap3A = arith.constant 0 : index
    %swap3A_10 = arith.constant 0 : index
    %swap3A_11 = vector.load %arg4[%swap3A, %swap3A_10] : memref<2000x128xf32, #tpu.memory_space<vmem>>, vector<2000x128xf32>
    tpu.vector_store %arg4[%swap3A, %swap3A_10], %add3A_9 {strides = array<i32>} : memref<2000x128xf32, #tpu.memory_space<vmem>>, vector<2000x128xf32>,
    return
  }
  func.func @transform_0(%arg0: i32) -> (i32, i32) {
    %c0_i32 = arith.constant 0 : i32
    %c0_i32_0 = arith.constant 0 : i32
    return %arg0, %c0_i32 : i32, i32
  }
  func.func @transform_1(%arg0: i32) -> (i32, i32) {
    %c0_i32 = arith.constant 0 : i32
    %c0_i32_0 = arith.constant 0 : i32
    %c0_i32_1 = arith.constant 0 : i32
    return %c0_i32, %c0_i32_0 : i32, i32
  }
  func.func @transform_2(%arg0: i32) -> (i32, i32) {
    %c0_i32 = arith.constant 0 : i32
    %c0_i32_0 = arith.constant 0 : i32
    %c0_i32_1 = arith.constant 0 : i32
    return %c0_i32, %c0_i32_0 : i32, i32
  }
  func.func @transform_3(%arg0: i32) -> (i32, i32) {
    %c0_i32 = arith.constant 0 : i32
    %c0_i32_0 = arith.constant 0 : i32
    return %arg0, %c0_i32 : i32, i32
  }
}

module attributes {stable_mosaic.version = 14 : i64} {
  func.func @body(%arg0: i32, %arg1: memref<1000x128xf32, #tpu.memory_space<vmem>>, %arg2: memref<2x1000x128xf32, #tpu.memory_space<vmem>>, %arg3: memref<128x128xf32, #tpu.memory_space<vmem>>, %arg4: memref<1x128xf32, #tpu.memory_space<vmem>>, %arg5: memref<1000x128xf32, #tpu.memory_space<vmem>>) attributes {dimension_semantics = [#tpu.dimension_semantics<arbitrary>], iteration_bounds = array<i64: 10>, scalar_prefetch = 0 : i64, scratch_operands = 0 : i64, tpu.core_type = #tpu.core_type<tc>, window_params = [{transform_indices = @transform_0, window_bounds = array<i64: 1000, 128>}, {transform_indices = @transform_1, window_bounds = array<i64: 2, 1000, 128>}, {pipeline_mode = #tpu.pipeline_mode<synchronous>, transform_indices = @transform_2, window_bounds = array<i64: 128, 128>}, {pipeline_mode = #tpu.pipeline_mode<synchronous>, transform_indices = @transform_3, window_bounds = array<i64: 1, 128>}, {transform_indices = @transform_4, window_bounds = array<i64: 1000, 128>}]} {
    %get3A = arith.constant 0 : index
    %get3A_0 = arith.constant 0 : index
    %get3A_1 = vector.load %arg1[%get3A, %get3A_0] : memref<1000x128xf32, #tpu.memory_space<vmem>>, vector<1000x128xf32>
    %get3A_2 = arith.constant 0 : index
    %get3A_3 = arith.constant 0 : index
    %get3A_4 = arith.constant 0 : index
    %get3A_5 = vector.load %arg2[%get3A_2, %get3A_3, %get3A_4] : memref<2x1000x128xf32, #tpu.memory_space<vmem>>, vector<1x1000x128xf32>
    %get3A_6 = vector.shape_cast %get3A_5 : vector<1x1000x128xf32> to vector<1000x128xf32>
    %add3A = arith.addf %get3A_1, %get3A_6 : vector<1000x128xf32>
    %get3A_7 = arith.constant 1 : index
    %get3A_8 = arith.constant 0 : index
    %get3A_9 = arith.constant 0 : index
    %get3A_10 = vector.load %arg2[%get3A_7, %get3A_8, %get3A_9] : memref<2x1000x128xf32, #tpu.memory_space<vmem>>, vector<1x1000x128xf32>
    %get3A_11 = vector.shape_cast %get3A_10 : vector<1x1000x128xf32> to vector<1000x128xf32>
    %add3A_12 = arith.addf %add3A, %get3A_11 : vector<1000x128xf32>
    %get3A_13 = arith.constant 0 : index
    %get3A_14 = arith.constant 0 : index
    %get3A_15 = vector.load %arg3[%get3A_13, %get3A_14] : memref<128x128xf32, #tpu.memory_space<vmem>>, vector<128x128xf32>
    %dot_general3A = arith.constant dense<0.000000e+00> : vector<1000x128xf32>
    %dot_general3A_16 = tpu.matmul %add3A_12, %get3A_15, %dot_general3A {dimension_numbers = #tpu.dot_dimension_numbers<[1], [0], [0], [1], [0, 0, 1, 1], [], []>, transpose_lhs_hint = false} : vector<1000x128xf32>, vector<128x128xf32>, vector<1000x128xf32> -> vector<1000x128xf32>
    %get3A_17 = arith.constant 0 : index
    %get3A_18 = arith.constant 0 : index
    %get3A_19 = vector.load %arg4[%get3A_17, %get3A_18] : memref<1x128xf32, #tpu.memory_space<vmem>>, vector<1x128xf32>
    %add3A_20 = vector.broadcast %get3A_19 : vector<1x128xf32> to vector<1000x128xf32>
    %add3A_21 = arith.addf %dot_general3A_16, %add3A_20 : vector<1000x128xf32>
    %ge3A = arith.constant 0.000000e+00 : f32
    %ge3A_22 = vector.broadcast %ge3A : f32 to vector<1000x128xf32>
    %ge3A_23 = arith.cmpf oge, %add3A_21, %ge3A_22 : vector<1000x128xf32>
    %mul3A = arith.constant 0.00999999977 : f32
    %mul3A_24 = vector.broadcast %mul3A : f32 to vector<1000x128xf32>
    %mul3A_25 = arith.mulf %mul3A_24, %add3A_21 : vector<1000x128xf32>
    %select_n3A = arith.select %ge3A_23, %add3A_21, %mul3A_25 : vector<1000x128xi1>, vector<1000x128xf32>
    %swap3A = arith.constant 0 : index
    %swap3A_26 = arith.constant 0 : index
    %swap3A_27 = vector.load %arg5[%swap3A, %swap3A_26] : memref<1000x128xf32, #tpu.memory_space<vmem>>, vector<1000x128xf32>
    tpu.vector_store %arg5[%swap3A, %swap3A_26], %select_n3A {strides = array<i32>} : memref<1000x128xf32, #tpu.memory_space<vmem>>, vector<1000x128xf32>,
    return
  }
  func.func @transform_0(%arg0: i32) -> (i32, i32) {
    %c0_i32 = arith.constant 0 : i32
    %c0_i32_0 = arith.constant 0 : i32
    return %arg0, %c0_i32 : i32, i32
  }
  func.func @transform_1(%arg0: i32) -> (i32, i32, i32) {
    %c0_i32 = arith.constant 0 : i32
    %c0_i32_0 = arith.constant 0 : i32
    %c0_i32_1 = arith.constant 0 : i32
    return %c0_i32, %arg0, %c0_i32_0 : i32, i32, i32
  }
  func.func @transform_2(%arg0: i32) -> (i32, i32) {
    %c0_i32 = arith.constant 0 : i32
    %c0_i32_0 = arith.constant 0 : i32
    %c0_i32_1 = arith.constant 0 : i32
    return %c0_i32, %c0_i32_0 : i32, i32
  }
  func.func @transform_3(%arg0: i32) -> (i32, i32) {
    %c0_i32 = arith.constant 0 : i32
    %c0_i32_0 = arith.constant 0 : i32
    %c0_i32_1 = arith.constant 0 : i32
    return %c0_i32, %c0_i32_0 : i32, i32
  }
  func.func @transform_4(%arg0: i32) -> (i32, i32) {
    %c0_i32 = arith.constant 0 : i32
    %c0_i32_0 = arith.constant 0 : i32
    return %arg0, %c0_i32 : i32, i32
  }
}

module attributes {stable_mosaic.version = 14 : i64} {
  func.func @body(%arg0: i32, %arg1: memref<1000x128xf32, #tpu.memory_space<vmem>>, %arg2: memref<2x1000x128xf32, #tpu.memory_space<vmem>>, %arg3: memref<128x128xf32, #tpu.memory_space<vmem>>, %arg4: memref<1x128xf32, #tpu.memory_space<vmem>>, %arg5: memref<128x128xf32, #tpu.memory_space<vmem>>, %arg6: memref<1x128xf32, #tpu.memory_space<vmem>>, %arg7: memref<128x128xf32, #tpu.memory_space<vmem>>, %arg8: memref<1x128xf32, #tpu.memory_space<vmem>>, %arg9: memref<1000x128xf32, #tpu.memory_space<vmem>>) attributes {dimension_semantics = [#tpu.dimension_semantics<arbitrary>], iteration_bounds = array<i64: 10>, scalar_prefetch = 0 : i64, scratch_operands = 0 : i64, tpu.core_type = #tpu.core_type<tc>, window_params = [{transform_indices = @transform_0, window_bounds = array<i64: 1000, 128>}, {transform_indices = @transform_1, window_bounds = array<i64: 2, 1000, 128>}, {pipeline_mode = #tpu.pipeline_mode<synchronous>, transform_indices = @transform_2, window_bounds = array<i64: 128, 128>}, {pipeline_mode = #tpu.pipeline_mode<synchronous>, transform_indices = @transform_3, window_bounds = array<i64: 1, 128>}, {pipeline_mode = #tpu.pipeline_mode<synchronous>, transform_indices = @transform_4, window_bounds = array<i64: 128, 128>}, {pipeline_mode = #tpu.pipeline_mode<synchronous>, transform_indices = @transform_5, window_bounds = array<i64: 1, 128>}, {pipeline_mode = #tpu.pipeline_mode<synchronous>, transform_indices = @transform_6, window_bounds = array<i64: 128, 128>}, {pipeline_mode = #tpu.pipeline_mode<synchronous>, transform_indices = @transform_7, window_bounds = array<i64: 1, 128>}, {transform_indices = @transform_8, window_bounds = array<i64: 1000, 128>}]} {
    %get3A = arith.constant 0 : index
    %get3A_0 = arith.constant 0 : index
    %get3A_1 = vector.load %arg1[%get3A, %get3A_0] : memref<1000x128xf32, #tpu.memory_space<vmem>>, vector<1000x128xf32>
    %get3A_2 = arith.constant 0 : index
    %get3A_3 = arith.constant 0 : index
    %get3A_4 = arith.constant 0 : index
    %get3A_5 = vector.load %arg2[%get3A_2, %get3A_3, %get3A_4] : memref<2x1000x128xf32, #tpu.memory_space<vmem>>, vector<1x1000x128xf32>
    %get3A_6 = vector.shape_cast %get3A_5 : vector<1x1000x128xf32> to vector<1000x128xf32>
    %add3A = arith.addf %get3A_1, %get3A_6 : vector<1000x128xf32>
    %get3A_7 = arith.constant 1 : index
    %get3A_8 = arith.constant 0 : index
    %get3A_9 = arith.constant 0 : index
    %get3A_10 = vector.load %arg2[%get3A_7, %get3A_8, %get3A_9] : memref<2x1000x128xf32, #tpu.memory_space<vmem>>, vector<1x1000x128xf32>
    %get3A_11 = vector.shape_cast %get3A_10 : vector<1x1000x128xf32> to vector<1000x128xf32>
    %add3A_12 = arith.addf %add3A, %get3A_11 : vector<1000x128xf32>
    %get3A_13 = arith.constant 0 : index
    %get3A_14 = arith.constant 0 : index
    %get3A_15 = vector.load %arg3[%get3A_13, %get3A_14] : memref<128x128xf32, #tpu.memory_space<vmem>>, vector<128x128xf32>
    %dot_general3A = arith.constant dense<0.000000e+00> : vector<1000x128xf32>
    %dot_general3A_16 = tpu.matmul %add3A_12, %get3A_15, %dot_general3A {dimension_numbers = #tpu.dot_dimension_numbers<[1], [0], [0], [1], [0, 0, 1, 1], [], []>, transpose_lhs_hint = false} : vector<1000x128xf32>, vector<128x128xf32>, vector<1000x128xf32> -> vector<1000x128xf32>
    %get3A_17 = arith.constant 0 : index
    %get3A_18 = arith.constant 0 : index
    %get3A_19 = vector.load %arg4[%get3A_17, %get3A_18] : memref<1x128xf32, #tpu.memory_space<vmem>>, vector<1x128xf32>
    %add3A_20 = vector.broadcast %get3A_19 : vector<1x128xf32> to vector<1000x128xf32>
    %add3A_21 = arith.addf %dot_general3A_16, %add3A_20 : vector<1000x128xf32>
    %ge3A = arith.constant 0.000000e+00 : f32
    %ge3A_22 = vector.broadcast %ge3A : f32 to vector<1000x128xf32>
    %ge3A_23 = arith.cmpf oge, %add3A_21, %ge3A_22 : vector<1000x128xf32>
    %mul3A = arith.constant 0.00999999977 : f32
    %mul3A_24 = vector.broadcast %mul3A : f32 to vector<1000x128xf32>
    %mul3A_25 = arith.mulf %mul3A_24, %add3A_21 : vector<1000x128xf32>
    %select_n3A = arith.select %ge3A_23, %add3A_21, %mul3A_25 : vector<1000x128xi1>, vector<1000x128xf32>
    %get3A_26 = arith.constant 0 : index
    %get3A_27 = arith.constant 0 : index
    %get3A_28 = vector.load %arg5[%get3A_26, %get3A_27] : memref<128x128xf32, #tpu.memory_space<vmem>>, vector<128x128xf32>
    %dot_general3A_29 = arith.constant dense<0.000000e+00> : vector<1000x128xf32>
    %dot_general3A_30 = tpu.matmul %select_n3A, %get3A_28, %dot_general3A_29 {dimension_numbers = #tpu.dot_dimension_numbers<[1], [0], [0], [1], [0, 0, 1, 1], [], []>, transpose_lhs_hint = false} : vector<1000x128xf32>, vector<128x128xf32>, vector<1000x128xf32> -> vector<1000x128xf32>
    %get3A_31 = arith.constant 0 : index
    %get3A_32 = arith.constant 0 : index
    %get3A_33 = vector.load %arg6[%get3A_31, %get3A_32] : memref<1x128xf32, #tpu.memory_space<vmem>>, vector<1x128xf32>
    %add3A_34 = vector.broadcast %get3A_33 : vector<1x128xf32> to vector<1000x128xf32>
    %add3A_35 = arith.addf %dot_general3A_30, %add3A_34 : vector<1000x128xf32>
    %get3A_36 = arith.constant 0 : index
    %get3A_37 = arith.constant 0 : index
    %get3A_38 = vector.load %arg7[%get3A_36, %get3A_37] : memref<128x128xf32, #tpu.memory_space<vmem>>, vector<128x128xf32>
    %dot_general3A_39 = arith.constant dense<0.000000e+00> : vector<1000x128xf32>
    %dot_general3A_40 = tpu.matmul %add3A_35, %get3A_38, %dot_general3A_39 {dimension_numbers = #tpu.dot_dimension_numbers<[1], [0], [0], [1], [0, 0, 1, 1], [], []>, transpose_lhs_hint = false} : vector<1000x128xf32>, vector<128x128xf32>, vector<1000x128xf32> -> vector<1000x128xf32>
    %get3A_41 = arith.constant 0 : index
    %get3A_42 = arith.constant 0 : index
    %get3A_43 = vector.load %arg8[%get3A_41, %get3A_42] : memref<1x128xf32, #tpu.memory_space<vmem>>, vector<1x128xf32>
    %add3A_44 = vector.broadcast %get3A_43 : vector<1x128xf32> to vector<1000x128xf32>
    %add3A_45 = arith.addf %dot_general3A_40, %add3A_44 : vector<1000x128xf32>
    %swap3A = arith.constant 0 : index
    %swap3A_46 = arith.constant 0 : index
    %swap3A_47 = vector.load %arg9[%swap3A, %swap3A_46] : memref<1000x128xf32, #tpu.memory_space<vmem>>, vector<1000x128xf32>
    tpu.vector_store %arg9[%swap3A, %swap3A_46], %add3A_45 {strides = array<i32>} : memref<1000x128xf32, #tpu.memory_space<vmem>>, vector<1000x128xf32>,
    return
  }
  func.func @transform_0(%arg0: i32) -> (i32, i32) {
    %c0_i32 = arith.constant 0 : i32
    %c0_i32_0 = arith.constant 0 : i32
    return %arg0, %c0_i32 : i32, i32
  }
  func.func @transform_1(%arg0: i32) -> (i32, i32, i32) {
    %c0_i32 = arith.constant 0 : i32
    %c0_i32_0 = arith.constant 0 : i32
    %c0_i32_1 = arith.constant 0 : i32
    return %c0_i32, %arg0, %c0_i32_0 : i32, i32, i32
  }
  func.func @transform_2(%arg0: i32) -> (i32, i32) {
    %c0_i32 = arith.constant 0 : i32
    %c0_i32_0 = arith.constant 0 : i32
    %c0_i32_1 = arith.constant 0 : i32
    return %c0_i32, %c0_i32_0 : i32, i32
  }
  func.func @transform_3(%arg0: i32) -> (i32, i32) {
    %c0_i32 = arith.constant 0 : i32
    %c0_i32_0 = arith.constant 0 : i32
    %c0_i32_1 = arith.constant 0 : i32
    return %c0_i32, %c0_i32_0 : i32, i32
  }
  func.func @transform_4(%arg0: i32) -> (i32, i32) {
    %c0_i32 = arith.constant 0 : i32
    %c0_i32_0 = arith.constant 0 : i32
    %c0_i32_1 = arith.constant 0 : i32
    return %c0_i32, %c0_i32_0 : i32, i32
  }
  func.func @transform_5(%arg0: i32) -> (i32, i32) {
    %c0_i32 = arith.constant 0 : i32
    %c0_i32_0 = arith.constant 0 : i32
    %c0_i32_1 = arith.constant 0 : i32
    return %c0_i32, %c0_i32_0 : i32, i32
  }
  func.func @transform_6(%arg0: i32) -> (i32, i32) {
    %c0_i32 = arith.constant 0 : i32
    %c0_i32_0 = arith.constant 0 : i32
    %c0_i32_1 = arith.constant 0 : i32
    return %c0_i32, %c0_i32_0 : i32, i32
  }
  func.func @transform_7(%arg0: i32) -> (i32, i32) {
    %c0_i32 = arith.constant 0 : i32
    %c0_i32_0 = arith.constant 0 : i32
    %c0_i32_1 = arith.constant 0 : i32
    return %c0_i32, %c0_i32_0 : i32, i32
  }
  func.func @transform_8(%arg0: i32) -> (i32, i32) {
    %c0_i32 = arith.constant 0 : i32
    %c0_i32_0 = arith.constant 0 : i32
    return %arg0, %c0_i32 : i32, i32
  }
}

</mosaic_0001>

<sc_bundles>
// kernel: kernel.11.cloned.1.call-start
scs
__scs_entry_jumppad:
0x0: {  	(pc) =	sbr.rel $0x88, $3  }
0x1: {  	(tag) =	ssettag $0x0;
	lr =	simm.s32 $0x1  }
0x2: {  	[smem:$0x3F94] =	sst lr;
	_ =	strace $0xD0000000  }
0x3: {  	_ = 	snop  }
0x4: {  	_ = 	snop  }
0x5: {  	_ = 	snop  }
0x6: {  	_ = 	snop  }
0x7: {  	_ = 	snop  }
__scs_overlays_trampoline_lowered:
0x8: {  	[smem:$0x3FA3] =	sst s0  }
0x9: {  	[smem:$0x3FA4] =	sst s1  }
0xa: {  	[smem:$0x3FA5] =	sst s2  }
0xb: {  	[smem:$0x3FA6] =	sst s3  }
0xc: {  	[smem:$0x3FA7] =	sst s4  }
0xd: {  	[smem:$0x3FA8] =	sst s5  }
0xe: {  	[smem:$0x3FA9] =	sst s6  }
0xf: {  	[smem:$0x3FAA] =	sst s7  }
0x10: {  	[smem:$0x3FAB] =	sst s8  }
0x11: {  	[smem:$0x3FAC] =	sst s9;
	s0 =	simm.s32 @!p0 $0x0  }
0x12: {  	s1 =	sld [smem:$0x3F92];
	s0 =	simm.s32 @p0 $0x1  }
0x13: {  	[smem:$0x3FAD] =	sst s0;
	s0 =	simm.s32 @!p1 $0x0  }
0x14: {  	s2 =	sld [smem:$0x3F91];
	s0 =	simm.s32 @p1 $0x1  }
0x15: {  	[smem:$0x3FAE] =	sst s0;
	s0 =	simm.s32 @!p2 $0x0  }
0x16: {  	s3 =	sld [smem:$0x3FDB];
	s0 =	simm.s32 @p2 $0x1  }
0x17: {  	s4 =	simm.s32 $0x1BF5;
	[smem:$0x3FB0] =	sst s0  }
0x18: {  	s0 =	sld [smem:$0x3F93];
	_ =	swait.ge [sflag:s4], $0x0  }
0x19: {  	s7 =	sld [smem:$0x3F94]  }
0x1a: {  	s8 =	sadd.s32 $0xFFFFE003, lr  }
0x1b: {  	s9 =	sadd.s32 $0xFFFFFEF7, lr;
	s5 =	simm.s32 $0xFFFFFFFF;
	p2 =	slt.u32 s8, $0xFFFFF086  }
0x1c: {  	p1 =	slt.u32 s9, $0xF7A;
	s5 =	simm.s32 @!p2 $0x0  }
0x1d: {  	s5 =	simm.s32 @p1 $0x1;
	p0 =	seq.s32 s7, s2  }
0x1e: {  	s7 =	smul.u32 @!p0 $0xF7A, s2;
	p2 =	seq.s32 @!p0 s5, $0x0  }
0x1f: {  	s9 =	smul.u32 $0xF7A, s1;
	s8 =	simm.s32 @!p0 $0x1BF5;
	p2 =	por !p2, p0  }
0x20: {  	[sflag:s8] =	ssyncset.s32 @!p0 $0xFFFFF086;
	s6 =	sadd.s32 @!p0 s3, s7;
	s7 =	simm.s32 @!p0 $0x108  }
0x21: {  	s3 =	sadd.s32 s3, s9;
	s6 =	sadd.s32 @!p0 $0x88, s6;
	s7 =	simm.s32 @p2 $0x1082  }
0x22: {  	[simem:s7], [sflag:s8] =	dma.local @!p0 [hbm:s6], $0xF7A  }
0x23: {  	s9 =	sor.u32 $0xD0000000, s2;
	s6 =	simm.s32 $0x108;
	_ =	swait.ge @!p0 [sflag:s8], $0x0  }
0x24: {  	s3 =	sadd.s32 $0x88, s3;
	s6 =	simm.s32 @!p1 $0x1082;
	[sflag:s4] =	ssyncset.s32 $0xFFFFF086  }
0x25: {  	[simem:s6], [sflag:s4] =	dma.local [hbm:s3], $0xF7A  }
0x26: {  	[smem:$0x3F94] =	sst s1;
	(tag) =	ssettag s2;
	_ =	strace s9  }
0x27: {  	s1 =	sld [smem:$0x3FA4]  }
0x28: {  	s2 =	sld [smem:$0x3FA5]  }
0x29: {  	s4 =	sld [smem:$0x3FA7]  }
0x2a: {  	p0 =	seq.s32 s5, $0x0;
	s5 =	sld [smem:$0x3FA8]  }
0x2b: {  	s6 =	sld [smem:$0x3FA9]  }
0x2c: {  	s7 =	sld [smem:$0x3FAA]  }
0x2d: {  	s3 =	simm.s32 $0x108;
	s8 =	sld [smem:$0x3FAB]  }
0x2e: {  	s3 =	simm.s32 @!p0 $0x1082;
	s9 =	sld [smem:$0x3FAC]  }
0x2f: {  	lr =	sadd.s32 s0, s3;
	s0 =	sld [smem:$0x3FA3]  }
0x30: {  	s3 =	sld [smem:$0x3FA6]  }
0x31: {  	[smem:$0x3FAF] =	sst s10  }
0x32: {  	s10 =	sld [smem:$0x3FAD];
	_ =	sdelay $0x3  }
0x33: {  	p0 =	seq.s32 s10, $0x1;
	s10 =	sld [smem:$0x3FAF];
	_ =	sdelay $0x3  }
0x34: {  	[smem:$0x3FAF] =	sst s10  }
0x35: {  	s10 =	sld [smem:$0x3FAE];
	_ =	sdelay $0x3  }
0x36: {  	p1 =	seq.s32 s10, $0x1;
	s10 =	sld [smem:$0x3FAF];
	_ =	sdelay $0x3  }
0x37: {  	[smem:$0x3FAF] =	sst s10  }
0x38: {  	s10 =	sld [smem:$0x3FB0]  }
0x39: {  	_ = 	snop;
	(pc) =	sbr.ind lr, $3  }
0x3a: {  	_ = 	snop  }
0x3b: {  	_ = 	snop  }
0x3c: {  	p2 =	seq.s32 s10, $0x1;
	s10 =	sld [smem:$0x3FAF]  }
0x3d: {  	_ =	shalt  }
0x3e: {  	_ =	shalt  }
0x3f: {  	_ =	shalt  }
0x40: {  	_ =	shalt  }
0x41: {  	_ =	shalt  }
0x42: {  	_ =	shalt  }
0x43: {  	_ =	shalt  }
0x44: {  	_ =	shalt  }
0x45: {  	_ =	shalt  }
0x46: {  	_ =	shalt  }
0x47: {  	_ =	shalt  }
0x48: {  	_ =	shalt  }
0x49: {  	_ =	shalt  }
0x4a: {  	_ =	shalt  }
0x4b: {  	_ =	shalt  }
0x4c: {  	_ =	shalt  }
0x4d: {  	_ =	shalt  }
0x4e: {  	_ =	shalt  }
0x4f: {  	_ =	shalt  }
0x50: {  	_ =	shalt  }
0x51: {  	_ =	shalt  }
0x52: {  	_ =	shalt  }
0x53: {  	_ =	shalt  }
0x54: {  	_ =	shalt  }
0x55: {  	_ =	shalt  }
0x56: {  	_ =	shalt  }
0x57: {  	_ =	shalt  }
0x58: {  	_ =	shalt  }
0x59: {  	_ =	shalt  }
0x5a: {  	_ =	shalt  }
0x5b: {  	_ =	shalt  }
0x5c: {  	_ =	shalt  }
0x5d: {  	_ =	shalt  }
0x5e: {  	_ =	shalt  }
0x5f: {  	_ =	shalt  }
0x60: {  	_ =	shalt  }
0x61: {  	_ =	shalt  }
0x62: {  	_ =	shalt  }
0x63: {  	_ =	shalt  }
0x64: {  	_ =	shalt  }
0x65: {  	_ =	shalt  }
0x66: {  	_ =	shalt  }
0x67: {  	_ =	shalt  }
0x68: {  	_ =	shalt  }
0x69: {  	_ =	shalt  }
0x6a: {  	_ =	shalt  }
0x6b: {  	_ =	shalt  }
0x6c: {  	_ =	shalt  }
0x6d: {  	_ =	shalt  }
0x6e: {  	_ =	shalt  }
0x6f: {  	_ =	shalt  }
0x70: {  	_ =	shalt  }
0x71: {  	_ =	shalt  }
0x72: {  	_ =	shalt  }
0x73: {  	_ =	shalt  }
0x74: {  	_ =	shalt  }
0x75: {  	_ =	shalt  }
0x76: {  	_ =	shalt  }
0x77: {  	_ =	shalt  }
0x78: {  	_ =	shalt  }
0x79: {  	_ =	shalt  }
0x7a: {  	_ =	shalt  }
0x7b: {  	_ =	shalt  }
0x7c: {  	_ =	shalt  }
0x7d: {  	_ =	shalt  }
0x7e: {  	_ =	shalt  }
0x7f: {  	_ =	shalt  }
0x80: {  	_ =	shalt  }
0x81: {  	_ =	shalt  }
0x82: {  	_ =	shalt  }
0x83: {  	_ =	shalt  }
0x84: {  	_ =	shalt  }
0x85: {  	_ =	shalt  }
0x86: {  	_ =	shalt  }
0x87: {  	_ =	shalt  }
.Lfunc_end0:
.L_simem_size_0:
called_computation.1_lowered:
.L_overlay_start_0:
0x88: {  	s2 =	sld [smem:$0x3FD9]  }
0x89: {  	s3 =	sld [smem:$0x3FFE];
	_ =	sdelay $0x1  }
0x8a: {  	s1 =	srdreg.scid  }
0x8b: {  	s0 =	sand.u32 $0x1, s1  }
0x8c: {  	s17 =	sshll.u32 s0, $0xA;
	s2 =	sadd.s32 s3, s2  }
0x8d: {  	s2 =	sadd.s32 s2, s17  }
0x8e: {  	[smem:$0x3FBB] =	sst s2  }
0x8f: {  	_ = 	snop  }
0x90: {  	s2 =	sld [smem:$0x3FD0];
	(tm) =	ssettm $0x1  }
0x91: {  	s18 =	sld [smem:$0x3FFB];
	_ =	sdelay $0x3  }
0x92: {  	_ =	strace s18  }
0x93: {  	s3 =	sld [smem:$0x3FFC];
	_ =	sdelay $0x3  }
0x94: {  	_ =	strace s3  }
0x95: {  	s3 =	sld [smem:$0x3FFD];
	_ =	sdelay $0x3  }
0x96: {  	_ =	strace s3  }
0x97: {  	_ =	strace $0x8FFFFFFF  }
0x98: {  	s19 =	sld [smem:$0x3FDB];
	_ =	sdelay $0x1  }
0x99: {  	s4 =	simm.s32 $_scs_section_size  }
0x9a: {  	s5 =	simm.s32 $_size__tile_overlayer_lowered;
	s6 =	simm.s32 $_tile_overlayer_lowered  }
0x9b: {  	s22 =	simm.s32 $0x1BFF;
	s21 =	sshll.u32 s6, $0x1;
	s3 =	sadd.s32 s4, s19  }
0x9c: {  	s7 =	simm.s32 $0x0;
	s20 =	sshll.u32 s5, $0x1;
	s5 =	sadd.s32 s21, s3  }
0x9d: {  	[timem:s7], [sflag:s22] =	dma.local [hbm:s5], s20  }
0x9e: {  	_ =	swait.ge [sflag:s22], s20  }
0x9f: {  	s4 =	ssub.s32 $0x0, s20;
	[sflag:s22] =	ssyncset.done $0x0  }
0xa0: {  	[sflag:s22] =	ssyncadd.s32 s4;
	_ =	sdelay $0x1  }
0xa1: {  	s23 =	simm.s32 $0x1B8B  }
0xa2: {  	_ =	swait.ge [sflag:s23], $0x1  }
0xa3: {  	[sflag:s23] =	ssyncset.done $0x0  }
0xa4: {  	s25 =	simm.s32 $0x1B8E;
	s24 =	sld [smem:$0x3FFE];
	[sflag:s23] =	ssyncadd.s32 $0xFFFFFFFF  }
0xa5: {  	s26 =	simm.s32 $execute0_lowered;
	[smem:$0x3FD2] =	sst s25  }
0xa6: {  	s5 =	sshll.u32 s26, $0x1;
	_ =	strace $0x80000049;
	[dreg:$0x1] =	wrdreg $0xFFFFFFFF  }
0xa7: {  	s28 =	simm.s32 $_size_execute0_lowered;
	s3 =	sadd.s32 s3, s5;
	[dreg:$0x0] =	wrdreg $0x0  }
0xa8: {  	s5 =	sshll.u32 s28, $0x1;
	[dreg:$0x2] =	wrdreg s3  }
0xa9: {  	[dreg:$0x3] =	wrdreg s5  }
0xaa: {  	[dreg:$0x4] =	wrdreg $0xC0  }
0xab: {  	_ =	task [dreg:s7], $0x5FFFF  }
0xac: {  	[dreg:$0x1] =	wrdreg $0xFFFFFFFF  }
0xad: {  	[dreg:$0x0] =	wrdreg $0x60  }
0xae: {  	[dreg:$0x2] =	wrdreg s2  }
0xaf: {  	[dreg:$0x3] =	wrdreg s24  }
0xb0: {  	[dreg:$0x4] =	wrdreg $0x0  }
0xb1: {  	[dreg:$0x5] =	wrdreg $0x9  }
0xb2: {  	_ =	task.clear_ibuf [dreg:s7], $0x6FFFF;
	_ =	strace $0x90000049  }
0xb3: {  	s29 =	simm.s32 $0x9;
	_ =	strace $0x8000004B  }
0xb4: {  	_ =	swait.ge [sflag:s29], $0x1  }
0xb5: {  	[sflag:s29] =	ssyncadd.s32 $0xFFFFFFFF  }
0xb6: {  	_ =	strace $0x9000004B  }
0xb7: {  	_ =	sfence  }
0xb8: {  	s30 =	sld [smem:$0x0];
	_ =	sdelay $0x2  }
0xb9: {  	s31 =	sshll.u32 s1, $0xD;
	s1 =	sshrl.u32 s1, $0x2  }
0xba: {  	s3 =	sand.u32 $0x4000, s31;
	s1 =	sadd.s32 s1, s30  }
0xbb: {  	s0 =	sor.u32 s3, s0;
	s1 =	sshll.u32 s1, $0x11  }
0xbc: {  	s0 =	sor.u32 s1, s0  }
0xbd: {  	s0 =	sadd.s32 $0x8F2B, s0  }
0xbe: {  	[sflag:s0] =	ssyncadd.remote.s32 $0x1  }
0xbf: {  	_ =	sfence.sel $0xFFFF  }
0xc0: {  	[dreg:$0x0] =	wrdreg $0xFFFFFFFF;
	(pc) =	sbr.abs _section_cstart, $3  }
0xc1: {  	[dreg:$0x1] =	wrdreg $0xFFFFFFFF  }
0xc2: {  	_ =	task.clear_ibuf [dreg:s7], $0x2FFFF;
	_ =	strace $0x9FFFFFFF  }
0xc3: {  	(tm) =	ssettm $0x7FFFFFFF  }
tec
execute0_lowered:
.L_overlay_start_1:
0x0: {  	(tag) =	ssettag $0x1  }
0x1: {  	s3 =	srdreg.scid;
	s10 =	stileid.u32  }
0x2: {  	s1 =	rddreg [dreg:$0x0];
	s3 =	sand.u32 $0x1, s3;
	s9 =	smul.u32 $0x13C00, s10  }
0x3: {  	s0 =	rddreg [dreg:$0x1];
	s8 =	smul.u32 $0x13C000, s3  }
0x4: {  	s4 =	simm.s32 $0x0;
	s5 =	sadd.s32 $0x4E4800, s0;
	s18 =	sshll.u32 s3, $0x4  }
0x5: {  	s6 =	sadd.s32 $0x4EE600, s0;
	s8 =	sadd.s32 s9, s8;
	s9 =	sor.u32 s10, s18  }
0x6: {  	[smem:$0x7FF] =	sst s4;
	s7 =	sadd.s32 $0xA33400, s0;
	s12 =	smul.u32 $0x2760, s9  }
0x7: {  	s2 =	rddreg [dreg:$0x2];
	_ =	strace $0x8000004A;
	s9 =	smul.u32 $0x27600, s9  }
0x8: {  	s3 =	ssub.s32 $0x2, s3;
	s10 =	smul.u32 $0x4F000, s10;
	s8 =	sshrl.u32 s8, $0x3  }
0x9: {  	s11 =	sshrl.u32 s3, $0x1;
	s0 =	sadd.s32 s8, s0;
	s24 =	sadd.s32 s7, s9  }
0xa: {  	s19 =	sshrl.u32 s10, $0x2;
	s0 =	sadd.s32 $0x2800, s0;
	[dreg:$0x8] =	wrdreg s24  }
0xb: {  	s3 =	ssub.s32 s3, s11;
	s11 =	sadd.s32 s19, s2;
	[dreg:$0xc] =	wrdreg s0  }
0xc: {  	s20 =	sshrl.u32 s12, $0x3;
	s21 =	sadd.s32 $0x12C00, s11;
	[dreg:$0x4] =	wrdreg s11  }
0xd: {  	s23 =	sadd.s32 $0x28, s12;
	s22 =	sadd.s32 s5, s20;
	[dreg:$0x5] =	wrdreg s21  }
0xe: {  	s16 =	sadd.s32 $0x50, s12;
	s8 =	sadd.s32 s6, s20;
	[dreg:$0x6] =	wrdreg s22  }
0xf: {  	s17 =	sadd.s32 $0x78, s12;
	s9 =	sadd.s32 $0x1400, s11;
	[dreg:$0x7] =	wrdreg s8  }
0x10: {  	s18 =	sadd.s32 $0xA0, s12;
	s10 =	sadd.s32 $0x2800, s11;
	[dreg:$0xe] =	wrdreg s9  }
0x11: {  	s19 =	sadd.s32 $0xC8, s12;
	s12 =	sadd.s32 $0x3C00, s11;
	[dreg:$0xf] =	wrdreg s10  }
0x12: {  	s29 =	simm.s32 $0x1B800;
	s13 =	sadd.s32 $0x5000, s11;
	[dreg:$0x10] =	wrdreg s12  }
0x13: {  	s30 =	simm.s32 $0x13D80;
	s14 =	sadd.s32 $0x6400, s11;
	[dreg:$0x11] =	wrdreg s13  }
0x14: {  	s31 =	simm.s32 $0x13F80;
	s15 =	sadd.s32 $0x7800, s11;
	[dreg:$0x12] =	wrdreg s14  }
0x15: {  	s25 =	sshrl.u32 s23, $0x3;
	s20 =	sadd.s32 $0x8C00, s11;
	[dreg:$0x13] =	wrdreg s15  }
0x16: {  	s28 =	sshll.u32 s23, $0x4;
	s23 =	sadd.s32 $0xC800, s11;
	[dreg:$0x14] =	wrdreg s20  }
0x17: {  	s24 =	sadd.s32 $0xDC00, s11;
	s26 =	sadd.s32 s5, s25;
	[dreg:$0x17] =	wrdreg s23  }
0x18: {  	s8 =	sadd.s32 s6, s25;
	s21 =	sadd.s32 $0xA000, s11;
	[dreg:$0x18] =	wrdreg s24  }
0x19: {  	s22 =	sadd.s32 $0xB400, s11;
	s25 =	sadd.s32 $0xF000, s11;
	[dreg:$0x9] =	wrdreg s26  }
0x1a: {  	s12 =	simm.s32 $0x19000;
	s13 =	simm.s32 $0x7;
	[dreg:$0xa] =	wrdreg s8  }
0x1b: {  	s20 =	simm.s32 $0x1;
	s14 =	simm.s32 $0x13E80;
	[dreg:$0x15] =	wrdreg s21  }
0x1c: {  	s23 =	simm.s32 $0x2;
	s24 =	simm.s32 $0x1A400;
	[dreg:$0x16] =	wrdreg s22  }
0x1d: {  	s9 =	simm.s32 $0x3;
	s8 =	sadd.s32 s7, s28;
	[dreg:$0x19] =	wrdreg s25  }
0x1e: {  	s26 =	sadd.s32 $0x10400, s11;
	s28 =	sadd.s32 $0x11800, s11;
	[dreg:$0xb] =	wrdreg s8  }
0x1f: {  	s21 =	simm.s32 $0x28;
	s25 =	simm.s32 $0x13D00;
	[dreg:$0x1a] =	wrdreg s26  }
0x20: {  	s8 =	smax.u32 s3, $0x1;
	[dreg:$0x1b] =	wrdreg s28;
	s26 =	simm.s32 $0x13F00  }
0x21: {  	v0 =	vimm.f32 $0.0e+00;
	s3 =	simm.s32 $0x1CC00;
	[dreg:$0xd] =	wrdreg s8;
	s8 =	simm.s32 $0x0  }
.LBB2_1:
0x22: {  	[dreg:$0x1c] =	wrdreg s8;
	s0 =	simm.s32 $0x0;
	s8 =	simm.s32 $0x200  }
.LBB2_2:
0x23: {  	p0 =	sne.s32 s8, $0x4E00;
	[tilespmem:s0+$0x19070] =	vst v0  }
0x24: {  	[tilespmem:s0+$0x19000] =	vst v0  }
0x25: {  	[tilespmem:s0+$0x19010] =	vst v0  }
.Ltmp0:
0x26: {  	[tilespmem:s0+$0x19020] =	vst v0;
	(pc) =	sbr.rel @p0 .LBB2_2-.Ltmp0, $4  }
0x27: {  	[tilespmem:s0+$0x19030] =	vst v0  }
0x28: {  	[tilespmem:s0+$0x19040] =	vst v0  }
0x29: {  	[tilespmem:s0+$0x19050] =	vst v0  }
0x2a: {  	[tilespmem:s0+$0x19060] =	vst v0;
	s0 =	sshra.s32 s8, $0x2;
	s8 =	sadd.s32 $0x200, s8  }
0x2b: {  	[tilespmem:s0+$0x19070] =	vst v0  }
0x2c: {  	[tilespmem:s0+$0x19000] =	vst v0  }
0x2d: {  	[tilespmem:s0+$0x19010] =	vst v0  }
0x2e: {  	[tilespmem:s0+$0x19020] =	vst v0  }
0x2f: {  	[tilespmem:s0+$0x19030] =	vst v0  }
0x30: {  	[tilespmem:s0+$0x19040] =	vst v0  }
0x31: {  	[tilespmem:s0+$0x19050] =	vst v0  }
0x32: {  	[tilespmem:s0+$0x19060] =	vst v0  }
0x33: {  	[spmem:s11] =	stream.linear.scatter [tilespmem:s12], [sflag:$0x7], $0x1400, $0x38;
	[tilespmem:$0x1E000] =	vst v63  }
0x34: {  	_ =	swait.ge [sflag:s13], $0x1400  }
0x35: {  	[sflag:s13] =	ssyncset.done $0x0  }
0x36: {  	s22 =	rddreg [dreg:$0xe];
	[sflag:s13] =	ssyncadd.s32 $0xFFFFEC00  }
0x37: {  	[spmem:s22] =	stream.linear.scatter [tilespmem:s12], [sflag:$0x7], $0x1400, $0x38;
	[tilespmem:$0x1E000] =	vst v63  }
0x38: {  	_ =	swait.ge [sflag:s13], $0x1400  }
0x39: {  	[sflag:s13] =	ssyncset.done $0x0  }
0x3a: {  	s28 =	rddreg [dreg:$0xf];
	[sflag:s13] =	ssyncadd.s32 $0xFFFFEC00  }
0x3b: {  	[spmem:s28] =	stream.linear.scatter [tilespmem:s12], [sflag:$0x7], $0x1400, $0x38;
	[tilespmem:$0x1E000] =	vst v63  }
0x3c: {  	_ =	swait.ge [sflag:s13], $0x1400  }
0x3d: {  	[sflag:s13] =	ssyncset.done $0x0  }
0x3e: {  	s8 =	rddreg [dreg:$0x10];
	[sflag:s13] =	ssyncadd.s32 $0xFFFFEC00  }
0x3f: {  	[spmem:s8] =	stream.linear.scatter [tilespmem:s12], [sflag:$0x7], $0x1400, $0x38;
	[tilespmem:$0x1E000] =	vst v63  }
0x40: {  	_ =	swait.ge [sflag:s13], $0x1400  }
0x41: {  	[sflag:s13] =	ssyncset.done $0x0  }
0x42: {  	s10 =	rddreg [dreg:$0x11];
	[sflag:s13] =	ssyncadd.s32 $0xFFFFEC00  }
0x43: {  	[spmem:s10] =	stream.linear.scatter [tilespmem:s12], [sflag:$0x7], $0x1400, $0x38;
	[tilespmem:$0x1E000] =	vst v63  }
0x44: {  	_ =	swait.ge [sflag:s13], $0x1400  }
0x45: {  	[sflag:s13] =	ssyncset.done $0x0  }
0x46: {  	s11 =	rddreg [dreg:$0x12];
	[sflag:s13] =	ssyncadd.s32 $0xFFFFEC00  }
0x47: {  	[spmem:s11] =	stream.linear.scatter [tilespmem:s12], [sflag:$0x7], $0x1400, $0x38;
	[tilespmem:$0x1E000] =	vst v63  }
0x48: {  	_ =	swait.ge [sflag:s13], $0x1400  }
0x49: {  	[sflag:s13] =	ssyncset.done $0x0  }
0x4a: {  	s15 =	rddreg [dreg:$0x13];
	[sflag:s13] =	ssyncadd.s32 $0xFFFFEC00  }
0x4b: {  	[spmem:s15] =	stream.linear.scatter [tilespmem:s12], [sflag:$0x7], $0x1400, $0x38;
	[tilespmem:$0x1E000] =	vst v63  }
0x4c: {  	_ =	swait.ge [sflag:s13], $0x1400  }
0x4d: {  	[sflag:s13] =	ssyncset.done $0x0  }
0x4e: {  	s22 =	rddreg [dreg:$0x14];
	[sflag:s13] =	ssyncadd.s32 $0xFFFFEC00  }
0x4f: {  	[spmem:s22] =	stream.linear.scatter [tilespmem:s12], [sflag:$0x7], $0x1400, $0x38;
	[tilespmem:$0x1E000] =	vst v63  }
0x50: {  	_ =	swait.ge [sflag:s13], $0x1400  }
0x51: {  	[sflag:s13] =	ssyncset.done $0x0  }
0x52: {  	s28 =	rddreg [dreg:$0x15];
	[sflag:s13] =	ssyncadd.s32 $0xFFFFEC00  }
0x53: {  	[spmem:s28] =	stream.linear.scatter [tilespmem:s12], [sflag:$0x7], $0x1400, $0x38;
	[tilespmem:$0x1E000] =	vst v63  }
0x54: {  	_ =	swait.ge [sflag:s13], $0x1400  }
0x55: {  	[sflag:s13] =	ssyncset.done $0x0  }
0x56: {  	s8 =	rddreg [dreg:$0x16];
	[sflag:s13] =	ssyncadd.s32 $0xFFFFEC00  }
0x57: {  	[spmem:s8] =	stream.linear.scatter [tilespmem:s12], [sflag:$0x7], $0x1400, $0x38;
	[tilespmem:$0x1E000] =	vst v63  }
0x58: {  	_ =	swait.ge [sflag:s13], $0x1400  }
0x59: {  	[sflag:s13] =	ssyncset.done $0x0  }
0x5a: {  	s10 =	rddreg [dreg:$0x17];
	[sflag:s13] =	ssyncadd.s32 $0xFFFFEC00  }
0x5b: {  	[spmem:s10] =	stream.linear.scatter [tilespmem:s12], [sflag:$0x7], $0x1400, $0x38;
	[tilespmem:$0x1E000] =	vst v63  }
0x5c: {  	_ =	swait.ge [sflag:s13], $0x1400  }
0x5d: {  	[sflag:s13] =	ssyncset.done $0x0  }
0x5e: {  	s11 =	rddreg [dreg:$0x18];
	[sflag:s13] =	ssyncadd.s32 $0xFFFFEC00  }
0x5f: {  	[spmem:s11] =	stream.linear.scatter [tilespmem:s12], [sflag:$0x7], $0x1400, $0x38;
	[tilespmem:$0x1E000] =	vst v63  }
0x60: {  	_ =	swait.ge [sflag:s13], $0x1400  }
0x61: {  	[sflag:s13] =	ssyncset.done $0x0  }
0x62: {  	s15 =	rddreg [dreg:$0x19];
	[sflag:s13] =	ssyncadd.s32 $0xFFFFEC00  }
0x63: {  	[spmem:s15] =	stream.linear.scatter [tilespmem:s12], [sflag:$0x7], $0x1400, $0x38;
	[tilespmem:$0x1E000] =	vst v63  }
0x64: {  	_ =	swait.ge [sflag:s13], $0x1400  }
0x65: {  	[sflag:s13] =	ssyncset.done $0x0  }
0x66: {  	s22 =	rddreg [dreg:$0x1a];
	[sflag:s13] =	ssyncadd.s32 $0xFFFFEC00  }
0x67: {  	[spmem:s22] =	stream.linear.scatter [tilespmem:s12], [sflag:$0x7], $0x1400, $0x38;
	[tilespmem:$0x1E000] =	vst v63  }
0x68: {  	_ =	swait.ge [sflag:s13], $0x1400  }
0x69: {  	[sflag:s13] =	ssyncset.done $0x0  }
0x6a: {  	s28 =	rddreg [dreg:$0x1b];
	[sflag:s13] =	ssyncadd.s32 $0xFFFFEC00  }
0x6b: {  	[spmem:s28] =	stream.linear.scatter [tilespmem:s12], [sflag:$0x7], $0x1400, $0x38;
	[tilespmem:$0x1E000] =	vst v63  }
0x6c: {  	_ =	swait.ge [sflag:s13], $0x1400  }
0x6d: {  	[sflag:s13] =	ssyncset.done $0x0  }
0x6e: {  	s8 =	rddreg [dreg:$0x5];
	[sflag:s13] =	ssyncadd.s32 $0xFFFFEC00  }
0x6f: {  	[spmem:s8] =	stream.linear.scatter [tilespmem:s12], [sflag:$0x7], $0x1000, $0x38;
	[tilespmem:$0x1E000] =	vst v63  }
0x70: {  	_ =	swait.ge [sflag:s13], $0x1000  }
0x71: {  	[sflag:s13] =	ssyncset.done $0x0  }
0x72: {  	[sflag:s13] =	ssyncadd.s32 $0xFFFFF000  }
0x73: {  	[bflag:$0x0] =	sbarrier.arrive $0xFFFF  }
0x74: {  	s11 =	simm.s32 $0x0;
	s8 =	simm.s32 $0x13C00;
	s10 =	rddreg [dreg:$0x6]  }
0x75: {  	[tilespmem:s8], [sflag:$0x1] =	stream.linear.gather [hbm4b:s10+s11], $0x28, $0x38;
	[tilespmem:$0x1E000] =	vst v63  }
0x76: {  	s15 =	rddreg [dreg:$0x7];
	s10 =	simm.s32 $0x13E00  }
0x77: {  	[tilespmem:s10], [sflag:$0x1] =	stream.linear.gather [hbm4b:s15+s11], $0x28, $0x38;
	[tilespmem:$0x1E000] =	vst v63  }
0x78: {  	s28 =	simm.s32 $0x14000;
	s22 =	rddreg [dreg:$0x8]  }
0x79: {  	[tilespmem:s28], [sflag:$0x1] =	stream.linear.gather [hbm4b:s22+s11], $0x1400, $0x38;
	[tilespmem:$0x1E000] =	vst v63  }
0x7a: {  	_ =	swait.ge [sflag:s20], $0x28  }
0x7b: {  	[sflag:s20] =	ssyncset.done $0x0  }
0x7c: {  	[sflag:s20] =	ssyncadd.s32 $0xFFFFFFD8  }
0x7d: {  	_ =	swait.ge [sflag:s20], $0x28  }
0x7e: {  	[sflag:s20] =	ssyncset.done $0x0  }
0x7f: {  	[sflag:s20] =	ssyncadd.s32 $0xFFFFFFD8  }
0x80: {  	_ =	swait.ge [sflag:s20], $0x1400  }
0x81: {  	[sflag:s20] =	ssyncset.done $0x0  }
0x82: {  	[sflag:s20] =	ssyncadd.s32 $0xFFFFEC00  }
0x83: {  	[tilespmem:s12], [sflag:$0x2] =	stream.indirect.gather [hbm4b:s1+s21], $0x80, s8, s21, $0xb8;
	[tilespmem:$0x1E000] =	vst v63  }
0x84: {  	s10 =	simm.s32 $0x13C80;
	s8 =	rddreg [dreg:$0x9]  }
0x85: {  	[tilespmem:s10], [sflag:$0x1] =	stream.linear.gather [hbm4b:s8+s11], $0x28, $0x38;
	[tilespmem:$0x1E000] =	vst v63  }
0x86: {  	s15 =	rddreg [dreg:$0xa]  }
0x87: {  	[tilespmem:s14], [sflag:$0x1] =	stream.linear.gather [hbm4b:s15+s11], $0x28, $0x38;
	[tilespmem:$0x1E000] =	vst v63  }
0x88: {  	s28 =	simm.s32 $0x15400;
	s22 =	rddreg [dreg:$0xb]  }
0x89: {  	[tilespmem:s28], [sflag:$0x1] =	stream.linear.gather [hbm4b:s22+s11], $0x1400, $0x38;
	[tilespmem:$0x1E000] =	vst v63  }
.LBB2_4:
0x8a: {  	_ =	swait.ge [sflag:s20], $0x28  }
0x8b: {  	[sflag:s20] =	ssyncset.done $0x0  }
0x8c: {  	[sflag:s20] =	ssyncadd.s32 $0xFFFFFFD8  }
0x8d: {  	_ =	swait.ge [sflag:s20], $0x28  }
0x8e: {  	[sflag:s20] =	ssyncset.done $0x0  }
0x8f: {  	[sflag:s20] =	ssyncadd.s32 $0xFFFFFFD8  }
0x90: {  	_ =	swait.ge [sflag:s20], $0x1400  }
0x91: {  	[sflag:s20] =	ssyncset.done $0x0  }
0x92: {  	[sflag:s20] =	ssyncadd.s32 $0xFFFFEC00  }
0x93: {  	_ =	swait.ge [sflag:s23], $0x1400  }
0x94: {  	s0 =	simm.s32 $0x13C80;
	[sflag:s23] =	ssyncset.done $0x0  }
0x95: {  	p0 =	seq.s32 s11, $0x0;
	s8 =	smul.u32 $0xA0, s11;
	[sflag:s23] =	ssyncadd.s32 $0xFFFFEC00  }
0x96: {  	[tilespmem:s24], [sflag:$0x2] =	stream.indirect.gather [hbm4b:s1+s21], $0x80, s0, s21, $0xb8;
	[tilespmem:$0x1E000] =	vst v63  }
0x97: {  	s0 =	simm.s32 @!p0 $0x5  }
0x98: {  	s10 =	sadd.s32 s8, s16;
	_ =	swait.ge @!p0 [sflag:s0], $0x1400  }
0x99: {  	s15 =	sshrl.u32 s10, $0x3;
	[sflag:s0] =	ssyncset.done @!p0 $0x0  }
0x9a: {  	s22 =	sadd.s32 s5, s15;
	[sflag:s0] =	ssyncadd.s32 @!p0 $0xFFFFEC00  }
0x9b: {  	[tilespmem:s25], [sflag:$0x1] =	stream.linear.gather [hbm4b:s22+s4], $0x28, $0x38;
	[tilespmem:$0x1E000] =	vst v63  }
0x9c: {  	s22 =	sadd.s32 s6, s15;
	s15 =	sshll.u32 s10, $0x4  }
0x9d: {  	[tilespmem:s26], [sflag:$0x1] =	stream.linear.gather [hbm4b:s22+s4], $0x28, $0x38;
	[tilespmem:$0x1E000] =	vst v63  }
0x9e: {  	s10 =	simm.s32 $0x19040;
	s0 =	sadd.s32 s7, s15;
	s22 =	simm.s32 $0x16800  }
0x9f: {  	[tilespmem:s22], [sflag:$0x1] =	stream.linear.gather [hbm4b:s0+s4], $0x1400, $0x38;
	[tilespmem:$0x1E000] =	vst v63  }
0xa0: {  	s28 =	simm.s32 $0x14040;
	v1 =	vld [tilespmem:s10+$0xFFFFFFC0]  }
0xa1: {  	v2 =	vld [tilespmem:s28+$0xFFFFFFC0];
	_ =	sdelay $0x4  }
0xa2: {  	v1 =	vadd.f32 v2, v1;
	_ =	sdelay $0x1  }
0xa3: {  	v1 =	vmax.f32 v1, $0.0e+00  }
0xa4: {  	[tilespmem:s10+$0xFFFFFFC0] =	vst v1;
	v1 =	vld [tilespmem:s10+$0xFFFFFFD0]  }
0xa5: {  	v2 =	vld [tilespmem:s28+$0xFFFFFFD0];
	_ =	sdelay $0x4  }
0xa6: {  	v1 =	vadd.f32 v2, v1;
	_ =	sdelay $0x1  }
0xa7: {  	v1 =	vmax.f32 v1, $0.0e+00  }
0xa8: {  	[tilespmem:s10+$0xFFFFFFD0] =	vst v1;
	v1 =	vld [tilespmem:s10+$0xFFFFFFE0]  }
0xa9: {  	v2 =	vld [tilespmem:s28+$0xFFFFFFE0];
	_ =	sdelay $0x4  }
0xaa: {  	v1 =	vadd.f32 v2, v1;
	_ =	sdelay $0x1  }
0xab: {  	v1 =	vmax.f32 v1, $0.0e+00  }
0xac: {  	[tilespmem:s10+$0xFFFFFFE0] =	vst v1;
	v1 =	vld [tilespmem:s10+$0xFFFFFFF0]  }
0xad: {  	v2 =	vld [tilespmem:s28+$0xFFFFFFF0];
	_ =	sdelay $0x4  }
0xae: {  	v1 =	vadd.f32 v2, v1;
	_ =	sdelay $0x1  }
0xaf: {  	v1 =	vmax.f32 v1, $0.0e+00  }
0xb0: {  	[tilespmem:s10+$0xFFFFFFF0] =	vst v1;
	v1 =	vld [tilespmem:s10+$0x0]  }
0xb1: {  	v2 =	vld [tilespmem:s28+$0x0];
	_ =	sdelay $0x4  }
0xb2: {  	v1 =	vadd.f32 v2, v1;
	_ =	sdelay $0x1  }
0xb3: {  	v1 =	vmax.f32 v1, $0.0e+00  }
0xb4: {  	[tilespmem:s10+$0x0] =	vst v1;
	v1 =	vld [tilespmem:s10+$0x10]  }
0xb5: {  	v2 =	vld [tilespmem:s28+$0x10];
	_ =	sdelay $0x4  }
0xb6: {  	v1 =	vadd.f32 v2, v1;
	_ =	sdelay $0x1  }
0xb7: {  	v1 =	vmax.f32 v1, $0.0e+00  }
0xb8: {  	[tilespmem:s10+$0x10] =	vst v1;
	v1 =	vld [tilespmem:s10+$0x20]  }
0xb9: {  	v2 =	vld [tilespmem:s28+$0x20];
	_ =	sdelay $0x4  }
0xba: {  	v1 =	vadd.f32 v2, v1;
	_ =	sdelay $0x1  }
0xbb: {  	v1 =	vmax.f32 v1, $0.0e+00  }
0xbc: {  	[tilespmem:s10+$0x20] =	vst v1;
	v1 =	vld [tilespmem:s10+$0x30]  }
0xbd: {  	v2 =	vld [tilespmem:s28+$0x30];
	_ =	sdelay $0x4  }
0xbe: {  	v1 =	vadd.f32 v2, v1;
	_ =	sdelay $0x1  }
0xbf: {  	s15 =	simm.s32 $0x190C0;
	s0 =	simm.s32 $0x0;
	v1 =	vmax.f32 v1, $0.0e+00  }
.LBB2_5:
0xc0: {  	v2 =	vld [tilespmem:s15+$0xFFFFFFC0];
	[tilespmem:s10+$0x30] =	vst v1;
	s28 =	sadd.s32 $0x80, s28;
	s10 =	smov.u32 s15  }
0xc1: {  	s0 =	sadd.s32 $0x8, s0;
	v1 =	vld [tilespmem:s28+$0xFFFFFFC0]  }
0xc2: {  	p1 =	slt.u32 s0, $0x138;
	_ =	sdelay $0x3  }
0xc3: {  	v1 =	vadd.f32 v1, v2;
	_ =	sdelay $0x1  }
0xc4: {  	v1 =	vmax.f32 v1, $0.0e+00  }
0xc5: {  	[tilespmem:s15+$0xFFFFFFC0] =	vst v1;
	v1 =	vld [tilespmem:s15+$0xFFFFFFD0]  }
0xc6: {  	v2 =	vld [tilespmem:s28+$0xFFFFFFD0];
	_ =	sdelay $0x4  }
0xc7: {  	v1 =	vadd.f32 v2, v1;
	_ =	sdelay $0x1  }
0xc8: {  	v1 =	vmax.f32 v1, $0.0e+00  }
0xc9: {  	[tilespmem:s15+$0xFFFFFFD0] =	vst v1;
	v1 =	vld [tilespmem:s15+$0xFFFFFFE0]  }
0xca: {  	v2 =	vld [tilespmem:s28+$0xFFFFFFE0];
	_ =	sdelay $0x4  }
0xcb: {  	v1 =	vadd.f32 v2, v1;
	_ =	sdelay $0x1  }
0xcc: {  	v1 =	vmax.f32 v1, $0.0e+00  }
0xcd: {  	[tilespmem:s15+$0xFFFFFFE0] =	vst v1;
	v1 =	vld [tilespmem:s15+$0xFFFFFFF0]  }
0xce: {  	v2 =	vld [tilespmem:s28+$0xFFFFFFF0];
	_ =	sdelay $0x4  }
0xcf: {  	v1 =	vadd.f32 v2, v1;
	_ =	sdelay $0x1  }
0xd0: {  	v1 =	vmax.f32 v1, $0.0e+00  }
0xd1: {  	[tilespmem:s15+$0xFFFFFFF0] =	vst v1;
	v1 =	vld [tilespmem:s15+$0x0]  }
0xd2: {  	v2 =	vld [tilespmem:s28+$0x0];
	_ =	sdelay $0x4  }
0xd3: {  	v1 =	vadd.f32 v2, v1;
	_ =	sdelay $0x1  }
0xd4: {  	v1 =	vmax.f32 v1, $0.0e+00  }
0xd5: {  	[tilespmem:s15+$0x0] =	vst v1;
	v1 =	vld [tilespmem:s15+$0x10]  }
0xd6: {  	v2 =	vld [tilespmem:s28+$0x10];
	_ =	sdelay $0x4  }
0xd7: {  	v1 =	vadd.f32 v2, v1;
	_ =	sdelay $0x1  }
0xd8: {  	v1 =	vmax.f32 v1, $0.0e+00  }
0xd9: {  	[tilespmem:s15+$0x10] =	vst v1;
	v1 =	vld [tilespmem:s15+$0x20]  }
0xda: {  	v2 =	vld [tilespmem:s28+$0x20];
	_ =	sdelay $0x4  }
0xdb: {  	v1 =	vadd.f32 v2, v1;
	_ =	sdelay $0x1  }
0xdc: {  	v1 =	vmax.f32 v1, $0.0e+00  }
0xdd: {  	[tilespmem:s15+$0x20] =	vst v1;
	v1 =	vld [tilespmem:s15+$0x30]  }
0xde: {  	v2 =	vld [tilespmem:s28+$0x30];
	_ =	sdelay $0x2  }
.Ltmp1:
0xdf: {  	(pc) =	sbr.rel @p1 .LBB2_5-.Ltmp1, $3  }
0xe0: {  	_ = 	snop  }
0xe1: {  	v1 =	vadd.f32 v2, v1;
	_ =	sdelay $0x1  }
0xe2: {  	s15 =	sadd.s32 $0x80, s15;
	v1 =	vmax.f32 v1, $0.0e+00  }
0xe3: {  	[tilespmem:s10+$0x30] =	vst v1;
	s0 =	simm.s32 $0x13E00  }
0xe4: {  	[spmem:s2] =	stream.indirect.scatter.add.f32 [tilespmem:s12], [sflag:$0x3], $0x80, s0, s21, $0xb8;
	[tilespmem:$0x1E000] =	vst v63  }
0xe5: {  	_ =	swait.ge [sflag:s20], $0x28  }
0xe6: {  	[sflag:s20] =	ssyncset.done $0x0  }
0xe7: {  	[sflag:s20] =	ssyncadd.s32 $0xFFFFFFD8  }
0xe8: {  	_ =	swait.ge [sflag:s20], $0x28  }
0xe9: {  	[sflag:s20] =	ssyncset.done $0x0  }
0xea: {  	[sflag:s20] =	ssyncadd.s32 $0xFFFFFFD8  }
0xeb: {  	_ =	swait.ge [sflag:s20], $0x1400  }
0xec: {  	[sflag:s20] =	ssyncset.done $0x0  }
0xed: {  	[sflag:s20] =	ssyncadd.s32 $0xFFFFEC00  }
0xee: {  	_ =	swait.ge [sflag:s23], $0x1400  }
0xef: {  	[sflag:s23] =	ssyncset.done $0x0  }
0xf0: {  	s0 =	simm.s32 @!p0 $0x6;
	[sflag:s23] =	ssyncadd.s32 $0xFFFFEC00  }
0xf1: {  	[tilespmem:s29], [sflag:$0x2] =	stream.indirect.gather [hbm4b:s1+s21], $0x80, s25, s21, $0xb8;
	[tilespmem:$0x1E000] =	vst v63  }
0xf2: {  	s10 =	sadd.s32 s8, s17;
	_ =	swait.ge @!p0 [sflag:s0], $0x1400  }
0xf3: {  	s15 =	sshrl.u32 s10, $0x3;
	[sflag:s0] =	ssyncset.done @!p0 $0x0  }
0xf4: {  	s22 =	sadd.s32 s5, s15;
	[sflag:s0] =	ssyncadd.s32 @!p0 $0xFFFFEC00  }
0xf5: {  	[tilespmem:s30], [sflag:$0x1] =	stream.linear.gather [hbm4b:s22+s4], $0x28, $0x38;
	[tilespmem:$0x1E000] =	vst v63  }
0xf6: {  	s22 =	sadd.s32 s6, s15;
	s15 =	sshll.u32 s10, $0x4  }
0xf7: {  	[tilespmem:s31], [sflag:$0x1] =	stream.linear.gather [hbm4b:s22+s4], $0x28, $0x38;
	[tilespmem:$0x1E000] =	vst v63  }
0xf8: {  	s10 =	simm.s32 $0x1A440;
	s0 =	sadd.s32 s7, s15;
	s22 =	simm.s32 $0x17C00  }
0xf9: {  	[tilespmem:s22], [sflag:$0x1] =	stream.linear.gather [hbm4b:s0+s4], $0x1400, $0x38;
	[tilespmem:$0x1E000] =	vst v63  }
0xfa: {  	s28 =	simm.s32 $0x15440;
	v1 =	vld [tilespmem:s10+$0xFFFFFFC0]  }
0xfb: {  	v2 =	vld [tilespmem:s28+$0xFFFFFFC0];
	_ =	sdelay $0x4  }
0xfc: {  	v1 =	vadd.f32 v2, v1;
	_ =	sdelay $0x1  }
0xfd: {  	v1 =	vmax.f32 v1, $0.0e+00  }
0xfe: {  	[tilespmem:s10+$0xFFFFFFC0] =	vst v1;
	v1 =	vld [tilespmem:s10+$0xFFFFFFD0]  }
0xff: {  	v2 =	vld [tilespmem:s28+$0xFFFFFFD0];
	_ =	sdelay $0x4  }
0x100: {  	v1 =	vadd.f32 v2, v1;
	_ =	sdelay $0x1  }
0x101: {  	v1 =	vmax.f32 v1, $0.0e+00  }
0x102: {  	[tilespmem:s10+$0xFFFFFFD0] =	vst v1;
	v1 =	vld [tilespmem:s10+$0xFFFFFFE0]  }
0x103: {  	v2 =	vld [tilespmem:s28+$0xFFFFFFE0];
	_ =	sdelay $0x4  }
0x104: {  	v1 =	vadd.f32 v2, v1;
	_ =	sdelay $0x1  }
0x105: {  	v1 =	vmax.f32 v1, $0.0e+00  }
0x106: {  	[tilespmem:s10+$0xFFFFFFE0] =	vst v1;
	v1 =	vld [tilespmem:s10+$0xFFFFFFF0]  }
0x107: {  	v2 =	vld [tilespmem:s28+$0xFFFFFFF0];
	_ =	sdelay $0x4  }
0x108: {  	v1 =	vadd.f32 v2, v1;
	_ =	sdelay $0x1  }
0x109: {  	v1 =	vmax.f32 v1, $0.0e+00  }
0x10a: {  	[tilespmem:s10+$0xFFFFFFF0] =	vst v1;
	v1 =	vld [tilespmem:s10+$0x0]  }
0x10b: {  	v2 =	vld [tilespmem:s28+$0x0];
	_ =	sdelay $0x4  }
0x10c: {  	v1 =	vadd.f32 v2, v1;
	_ =	sdelay $0x1  }
0x10d: {  	v1 =	vmax.f32 v1, $0.0e+00  }
0x10e: {  	[tilespmem:s10+$0x0] =	vst v1;
	v1 =	vld [tilespmem:s10+$0x10]  }
0x10f: {  	v2 =	vld [tilespmem:s28+$0x10];
	_ =	sdelay $0x4  }
0x110: {  	v1 =	vadd.f32 v2, v1;
	_ =	sdelay $0x1  }
0x111: {  	v1 =	vmax.f32 v1, $0.0e+00  }
0x112: {  	[tilespmem:s10+$0x10] =	vst v1;
	v1 =	vld [tilespmem:s10+$0x20]  }
0x113: {  	v2 =	vld [tilespmem:s28+$0x20];
	_ =	sdelay $0x4  }
0x114: {  	v1 =	vadd.f32 v2, v1;
	_ =	sdelay $0x1  }
0x115: {  	v1 =	vmax.f32 v1, $0.0e+00  }
0x116: {  	[tilespmem:s10+$0x20] =	vst v1;
	v1 =	vld [tilespmem:s10+$0x30]  }
0x117: {  	v2 =	vld [tilespmem:s28+$0x30];
	_ =	sdelay $0x4  }
0x118: {  	v1 =	vadd.f32 v2, v1;
	_ =	sdelay $0x1  }
0x119: {  	s15 =	simm.s32 $0x1A4C0;
	s0 =	simm.s32 $0x0;
	v1 =	vmax.f32 v1, $0.0e+00  }
.LBB2_7:
0x11a: {  	v2 =	vld [tilespmem:s15+$0xFFFFFFC0];
	[tilespmem:s10+$0x30] =	vst v1;
	s28 =	sadd.s32 $0x80, s28;
	s10 =	smov.u32 s15  }
0x11b: {  	s0 =	sadd.s32 $0x8, s0;
	v1 =	vld [tilespmem:s28+$0xFFFFFFC0]  }
0x11c: {  	p0 =	slt.u32 s0, $0x138;
	_ =	sdelay $0x3  }
0x11d: {  	v1 =	vadd.f32 v1, v2;
	_ =	sdelay $0x1  }
0x11e: {  	v1 =	vmax.f32 v1, $0.0e+00  }
0x11f: {  	[tilespmem:s15+$0xFFFFFFC0] =	vst v1;
	v1 =	vld [tilespmem:s15+$0xFFFFFFD0]  }
0x120: {  	v2 =	vld [tilespmem:s28+$0xFFFFFFD0];
	_ =	sdelay $0x4  }
0x121: {  	v1 =	vadd.f32 v2, v1;
	_ =	sdelay $0x1  }
0x122: {  	v1 =	vmax.f32 v1, $0.0e+00  }
0x123: {  	[tilespmem:s15+$0xFFFFFFD0] =	vst v1;
	v1 =	vld [tilespmem:s15+$0xFFFFFFE0]  }
0x124: {  	v2 =	vld [tilespmem:s28+$0xFFFFFFE0];
	_ =	sdelay $0x4  }
0x125: {  	v1 =	vadd.f32 v2, v1;
	_ =	sdelay $0x1  }
0x126: {  	v1 =	vmax.f32 v1, $0.0e+00  }
0x127: {  	[tilespmem:s15+$0xFFFFFFE0] =	vst v1;
	v1 =	vld [tilespmem:s15+$0xFFFFFFF0]  }
0x128: {  	v2 =	vld [tilespmem:s28+$0xFFFFFFF0];
	_ =	sdelay $0x4  }
0x129: {  	v1 =	vadd.f32 v2, v1;
	_ =	sdelay $0x1  }
0x12a: {  	v1 =	vmax.f32 v1, $0.0e+00  }
0x12b: {  	[tilespmem:s15+$0xFFFFFFF0] =	vst v1;
	v1 =	vld [tilespmem:s15+$0x0]  }
0x12c: {  	v2 =	vld [tilespmem:s28+$0x0];
	_ =	sdelay $0x4  }
0x12d: {  	v1 =	vadd.f32 v2, v1;
	_ =	sdelay $0x1  }
0x12e: {  	v1 =	vmax.f32 v1, $0.0e+00  }
0x12f: {  	[tilespmem:s15+$0x0] =	vst v1;
	v1 =	vld [tilespmem:s15+$0x10]  }
0x130: {  	v2 =	vld [tilespmem:s28+$0x10];
	_ =	sdelay $0x4  }
0x131: {  	v1 =	vadd.f32 v2, v1;
	_ =	sdelay $0x1  }
0x132: {  	v1 =	vmax.f32 v1, $0.0e+00  }
0x133: {  	[tilespmem:s15+$0x10] =	vst v1;
	v1 =	vld [tilespmem:s15+$0x20]  }
0x134: {  	v2 =	vld [tilespmem:s28+$0x20];
	_ =	sdelay $0x4  }
0x135: {  	v1 =	vadd.f32 v2, v1;
	_ =	sdelay $0x1  }
0x136: {  	v1 =	vmax.f32 v1, $0.0e+00  }
0x137: {  	[tilespmem:s15+$0x20] =	vst v1;
	v1 =	vld [tilespmem:s15+$0x30]  }
0x138: {  	v2 =	vld [tilespmem:s28+$0x30];
	_ =	sdelay $0x2  }
.Ltmp2:
0x139: {  	(pc) =	sbr.rel @p0 .LBB2_7-.Ltmp2, $3  }
0x13a: {  	_ = 	snop  }
0x13b: {  	v1 =	vadd.f32 v2, v1;
	_ =	sdelay $0x1  }
0x13c: {  	s15 =	sadd.s32 $0x80, s15;
	v1 =	vmax.f32 v1, $0.0e+00  }
0x13d: {  	[tilespmem:s10+$0x30] =	vst v1  }
0x13e: {  	[spmem:s2] =	stream.indirect.scatter.add.f32 [tilespmem:s24], [sflag:$0x4], $0x80, s14, s21, $0xb8;
	[tilespmem:$0x1E000] =	vst v63  }
0x13f: {  	_ =	swait.ge [sflag:s20], $0x28  }
0x140: {  	[sflag:s20] =	ssyncset.done $0x0  }
0x141: {  	[sflag:s20] =	ssyncadd.s32 $0xFFFFFFD8  }
0x142: {  	_ =	swait.ge [sflag:s20], $0x28  }
0x143: {  	[sflag:s20] =	ssyncset.done $0x0  }
0x144: {  	[sflag:s20] =	ssyncadd.s32 $0xFFFFFFD8  }
0x145: {  	_ =	swait.ge [sflag:s20], $0x1400  }
0x146: {  	[sflag:s20] =	ssyncset.done $0x0  }
0x147: {  	[sflag:s20] =	ssyncadd.s32 $0xFFFFEC00  }
0x148: {  	_ =	swait.ge [sflag:s23], $0x1400  }
0x149: {  	[sflag:s23] =	ssyncset.done $0x0  }
0x14a: {  	p0 =	seq.s32 s11, $0x3E;
	[sflag:s23] =	ssyncadd.s32 $0xFFFFEC00  }
0x14b: {  	[tilespmem:s3], [sflag:$0x2] =	stream.indirect.gather [hbm4b:s1+s21], $0x80, s30, s21, $0xb8;
	[tilespmem:$0x1E000] =	vst v63  }
0x14c: {  	s0 =	sadd.s32 @!p0 s8, s18;
	_ =	swait.ge [sflag:s9], $0x1400  }
0x14d: {  	s28 =	simm.s32 @!p0 $0x0;
	s10 =	sshrl.u32 @!p0 s0, $0x3;
	[sflag:s9] =	ssyncset.done $0x0  }
0x14e: {  	s22 =	simm.s32 @!p0 $0x13C00;
	s15 =	sadd.s32 @!p0 s5, s10;
	[sflag:s9] =	ssyncadd.s32 $0xFFFFEC00  }
0x14f: {  	[tilespmem:s22], [sflag:$0x1] =	stream.linear.gather @!p0 [hbm4b:s15+s28], $0x28, $0x38;
	[tilespmem:$0x1E000] =	vst v63  }
0x150: {  	s0 =	sshll.u32 @!p0 s0, $0x4;
	s10 =	sadd.s32 @!p0 s6, s10;
	s15 =	simm.s32 @!p0 $0x13E00  }
0x151: {  	[tilespmem:s15], [sflag:$0x1] =	stream.linear.gather @!p0 [hbm4b:s10+s28], $0x28, $0x38;
	[tilespmem:$0x1E000] =	vst v63  }
0x152: {  	s0 =	sadd.s32 @!p0 s7, s0;
	s10 =	simm.s32 @!p0 $0x14000  }
0x153: {  	[tilespmem:s10], [sflag:$0x1] =	stream.linear.gather @!p0 [hbm4b:s0+s28], $0x1400, $0x38;
	[tilespmem:$0x1E000] =	vst v63  }
0x154: {  	s10 =	simm.s32 $0x1B840  }
0x155: {  	s28 =	simm.s32 $0x16840;
	v1 =	vld [tilespmem:s10+$0xFFFFFFC0]  }
0x156: {  	v2 =	vld [tilespmem:s28+$0xFFFFFFC0];
	_ =	sdelay $0x4  }
0x157: {  	v1 =	vadd.f32 v2, v1;
	_ =	sdelay $0x1  }
0x158: {  	v1 =	vmax.f32 v1, $0.0e+00  }
0x159: {  	[tilespmem:s10+$0xFFFFFFC0] =	vst v1;
	v1 =	vld [tilespmem:s10+$0xFFFFFFD0]  }
0x15a: {  	v2 =	vld [tilespmem:s28+$0xFFFFFFD0];
	_ =	sdelay $0x4  }
0x15b: {  	v1 =	vadd.f32 v2, v1;
	_ =	sdelay $0x1  }
0x15c: {  	v1 =	vmax.f32 v1, $0.0e+00  }
0x15d: {  	[tilespmem:s10+$0xFFFFFFD0] =	vst v1;
	v1 =	vld [tilespmem:s10+$0xFFFFFFE0]  }
0x15e: {  	v2 =	vld [tilespmem:s28+$0xFFFFFFE0];
	_ =	sdelay $0x4  }
0x15f: {  	v1 =	vadd.f32 v2, v1;
	_ =	sdelay $0x1  }
0x160: {  	v1 =	vmax.f32 v1, $0.0e+00  }
0x161: {  	[tilespmem:s10+$0xFFFFFFE0] =	vst v1;
	v1 =	vld [tilespmem:s10+$0xFFFFFFF0]  }
0x162: {  	v2 =	vld [tilespmem:s28+$0xFFFFFFF0];
	_ =	sdelay $0x4  }
0x163: {  	v1 =	vadd.f32 v2, v1;
	_ =	sdelay $0x1  }
0x164: {  	v1 =	vmax.f32 v1, $0.0e+00  }
0x165: {  	[tilespmem:s10+$0xFFFFFFF0] =	vst v1;
	v1 =	vld [tilespmem:s10+$0x0]  }
0x166: {  	v2 =	vld [tilespmem:s28+$0x0];
	_ =	sdelay $0x4  }
0x167: {  	v1 =	vadd.f32 v2, v1;
	_ =	sdelay $0x1  }
0x168: {  	v1 =	vmax.f32 v1, $0.0e+00  }
0x169: {  	[tilespmem:s10+$0x0] =	vst v1;
	v1 =	vld [tilespmem:s10+$0x10]  }
0x16a: {  	v2 =	vld [tilespmem:s28+$0x10];
	_ =	sdelay $0x4  }
0x16b: {  	v1 =	vadd.f32 v2, v1;
	_ =	sdelay $0x1  }
0x16c: {  	v1 =	vmax.f32 v1, $0.0e+00  }
0x16d: {  	[tilespmem:s10+$0x10] =	vst v1;
	v1 =	vld [tilespmem:s10+$0x20]  }
0x16e: {  	v2 =	vld [tilespmem:s28+$0x20];
	_ =	sdelay $0x4  }
0x16f: {  	v1 =	vadd.f32 v2, v1;
	_ =	sdelay $0x1  }
0x170: {  	v1 =	vmax.f32 v1, $0.0e+00  }
0x171: {  	[tilespmem:s10+$0x20] =	vst v1;
	v1 =	vld [tilespmem:s10+$0x30]  }
0x172: {  	v2 =	vld [tilespmem:s28+$0x30];
	_ =	sdelay $0x4  }
0x173: {  	v1 =	vadd.f32 v2, v1;
	_ =	sdelay $0x1  }
0x174: {  	s15 =	simm.s32 $0x1B8C0;
	s0 =	simm.s32 $0x0;
	v1 =	vmax.f32 v1, $0.0e+00  }
.LBB2_9:
0x175: {  	v2 =	vld [tilespmem:s15+$0xFFFFFFC0];
	[tilespmem:s10+$0x30] =	vst v1;
	s28 =	sadd.s32 $0x80, s28;
	s10 =	smov.u32 s15  }
0x176: {  	s0 =	sadd.s32 $0x8, s0;
	v1 =	vld [tilespmem:s28+$0xFFFFFFC0]  }
0x177: {  	p0 =	slt.u32 s0, $0x138;
	_ =	sdelay $0x3  }
0x178: {  	v1 =	vadd.f32 v1, v2;
	_ =	sdelay $0x1  }
0x179: {  	v1 =	vmax.f32 v1, $0.0e+00  }
0x17a: {  	[tilespmem:s15+$0xFFFFFFC0] =	vst v1;
	v1 =	vld [tilespmem:s15+$0xFFFFFFD0]  }
0x17b: {  	v2 =	vld [tilespmem:s28+$0xFFFFFFD0];
	_ =	sdelay $0x4  }
0x17c: {  	v1 =	vadd.f32 v2, v1;
	_ =	sdelay $0x1  }
0x17d: {  	v1 =	vmax.f32 v1, $0.0e+00  }
0x17e: {  	[tilespmem:s15+$0xFFFFFFD0] =	vst v1;
	v1 =	vld [tilespmem:s15+$0xFFFFFFE0]  }
0x17f: {  	v2 =	vld [tilespmem:s28+$0xFFFFFFE0];
	_ =	sdelay $0x4  }
0x180: {  	v1 =	vadd.f32 v2, v1;
	_ =	sdelay $0x1  }
0x181: {  	v1 =	vmax.f32 v1, $0.0e+00  }
0x182: {  	[tilespmem:s15+$0xFFFFFFE0] =	vst v1;
	v1 =	vld [tilespmem:s15+$0xFFFFFFF0]  }
0x183: {  	v2 =	vld [tilespmem:s28+$0xFFFFFFF0];
	_ =	sdelay $0x4  }
0x184: {  	v1 =	vadd.f32 v2, v1;
	_ =	sdelay $0x1  }
0x185: {  	v1 =	vmax.f32 v1, $0.0e+00  }
0x186: {  	[tilespmem:s15+$0xFFFFFFF0] =	vst v1;
	v1 =	vld [tilespmem:s15+$0x0]  }
0x187: {  	v2 =	vld [tilespmem:s28+$0x0];
	_ =	sdelay $0x4  }
0x188: {  	v1 =	vadd.f32 v2, v1;
	_ =	sdelay $0x1  }
0x189: {  	v1 =	vmax.f32 v1, $0.0e+00  }
0x18a: {  	[tilespmem:s15+$0x0] =	vst v1;
	v1 =	vld [tilespmem:s15+$0x10]  }
0x18b: {  	v2 =	vld [tilespmem:s28+$0x10];
	_ =	sdelay $0x4  }
0x18c: {  	v1 =	vadd.f32 v2, v1;
	_ =	sdelay $0x1  }
0x18d: {  	v1 =	vmax.f32 v1, $0.0e+00  }
0x18e: {  	[tilespmem:s15+$0x10] =	vst v1;
	v1 =	vld [tilespmem:s15+$0x20]  }
0x18f: {  	v2 =	vld [tilespmem:s28+$0x20];
	_ =	sdelay $0x4  }
0x190: {  	v1 =	vadd.f32 v2, v1;
	_ =	sdelay $0x1  }
0x191: {  	v1 =	vmax.f32 v1, $0.0e+00  }
0x192: {  	[tilespmem:s15+$0x20] =	vst v1;
	v1 =	vld [tilespmem:s15+$0x30]  }
0x193: {  	v2 =	vld [tilespmem:s28+$0x30];
	_ =	sdelay $0x2  }
.Ltmp3:
0x194: {  	(pc) =	sbr.rel @p0 .LBB2_9-.Ltmp3, $3  }
0x195: {  	_ = 	snop  }
0x196: {  	v1 =	vadd.f32 v2, v1;
	_ =	sdelay $0x1  }
0x197: {  	s15 =	sadd.s32 $0x80, s15;
	v1 =	vmax.f32 v1, $0.0e+00  }
0x198: {  	[tilespmem:s10+$0x30] =	vst v1;
	p0 =	sne.s32 s11, $0x3E  }
0x199: {  	[spmem:s2] =	stream.indirect.scatter.add.f32 [tilespmem:s29], [sflag:$0x5], $0x80, s26, s21, $0xb8;
	[tilespmem:$0x1E000] =	vst v63  }
0x19a: {  	s0 =	simm.s32 @p0 $0x1  }
0x19b: {  	_ =	swait.ge @p0 [sflag:s0], $0x28  }
0x19c: {  	[sflag:s0] =	ssyncset.done @p0 $0x0  }
0x19d: {  	[sflag:s0] =	ssyncadd.s32 @p0 $0xFFFFFFD8  }
0x19e: {  	_ =	swait.ge @p0 [sflag:s0], $0x28  }
0x19f: {  	[sflag:s0] =	ssyncset.done @p0 $0x0  }
0x1a0: {  	[sflag:s0] =	ssyncadd.s32 @p0 $0xFFFFFFD8  }
0x1a1: {  	_ =	swait.ge @p0 [sflag:s0], $0x1400  }
0x1a2: {  	[sflag:s0] =	ssyncset.done @p0 $0x0  }
0x1a3: {  	[sflag:s0] =	ssyncadd.s32 @p0 $0xFFFFEC00;
	s0 =	simm.s32 @p0 $0x2  }
0x1a4: {  	_ =	swait.ge @p0 [sflag:s0], $0x1400  }
0x1a5: {  	s10 =	simm.s32 @p0 $0x13C00;
	[sflag:s0] =	ssyncset.done @p0 $0x0  }
0x1a6: {  	s15 =	simm.s32 @p0 $0x19000;
	[sflag:s0] =	ssyncadd.s32 @p0 $0xFFFFEC00;
	s0 =	simm.s32 @p0 $0x28  }
0x1a7: {  	[tilespmem:s15], [sflag:$0x2] =	stream.indirect.gather @p0 [hbm4b:s1+s0], $0x80, s10, s0, $0xb8;
	[tilespmem:$0x1E000] =	vst v63  }
0x1a8: {  	s0 =	simm.s32 @p0 $0x4  }
0x1a9: {  	_ =	swait.ge @p0 [sflag:s0], $0x1400  }
0x1aa: {  	s8 =	sadd.s32 @p0 s8, s19;
	[sflag:s0] =	ssyncset.done @p0 $0x0  }
0x1ab: {  	[sflag:s0] =	ssyncadd.s32 @p0 $0xFFFFEC00;
	s0 =	sshrl.u32 @p0 s8, $0x3  }
0x1ac: {  	s22 =	simm.s32 @p0 $0x13C80;
	s15 =	simm.s32 @p0 $0x0;
	s10 =	sadd.s32 @p0 s5, s0  }
0x1ad: {  	[tilespmem:s22], [sflag:$0x1] =	stream.linear.gather @p0 [hbm4b:s10+s15], $0x28, $0x38;
	[tilespmem:$0x1E000] =	vst v63  }
0x1ae: {  	s0 =	sadd.s32 @p0 s6, s0;
	s10 =	simm.s32 @p0 $0x13E80  }
0x1af: {  	[tilespmem:s10], [sflag:$0x1] =	stream.linear.gather @p0 [hbm4b:s0+s15], $0x28, $0x38;
	[tilespmem:$0x1E000] =	vst v63  }
0x1b0: {  	s0 =	sshll.u32 @p0 s8, $0x4  }
0x1b1: {  	s8 =	simm.s32 @p0 $0x15400;
	s0 =	sadd.s32 @p0 s7, s0  }
0x1b2: {  	[tilespmem:s8], [sflag:$0x1] =	stream.linear.gather @p0 [hbm4b:s0+s15], $0x1400, $0x38;
	[tilespmem:$0x1E000] =	vst v63  }
0x1b3: {  	s0 =	simm.s32 @!p0 $0x2  }
0x1b4: {  	_ =	swait.ge @!p0 [sflag:s0], $0x1400  }
0x1b5: {  	[sflag:s0] =	ssyncset.done @!p0 $0x0  }
0x1b6: {  	[sflag:s0] =	ssyncadd.s32 @!p0 $0xFFFFEC00;
	s0 =	simm.s32 @!p0 $0x4  }
0x1b7: {  	_ =	swait.ge @!p0 [sflag:s0], $0x1400  }
0x1b8: {  	[sflag:s0] =	ssyncset.done @!p0 $0x0  }
0x1b9: {  	s8 =	simm.s32 $0x1CC40;
	[sflag:s0] =	ssyncadd.s32 @!p0 $0xFFFFEC00  }
0x1ba: {  	s10 =	simm.s32 $0x17C40;
	v1 =	vld [tilespmem:s8+$0xFFFFFFC0]  }
0x1bb: {  	v2 =	vld [tilespmem:s10+$0xFFFFFFC0];
	_ =	sdelay $0x4  }
0x1bc: {  	v1 =	vadd.f32 v2, v1;
	_ =	sdelay $0x1  }
0x1bd: {  	v1 =	vmax.f32 v1, $0.0e+00  }
0x1be: {  	[tilespmem:s8+$0xFFFFFFC0] =	vst v1;
	v1 =	vld [tilespmem:s8+$0xFFFFFFD0]  }
0x1bf: {  	v2 =	vld [tilespmem:s10+$0xFFFFFFD0];
	_ =	sdelay $0x4  }
0x1c0: {  	v1 =	vadd.f32 v2, v1;
	_ =	sdelay $0x1  }
0x1c1: {  	v1 =	vmax.f32 v1, $0.0e+00  }
0x1c2: {  	[tilespmem:s8+$0xFFFFFFD0] =	vst v1;
	v1 =	vld [tilespmem:s8+$0xFFFFFFE0]  }
0x1c3: {  	v2 =	vld [tilespmem:s10+$0xFFFFFFE0];
	_ =	sdelay $0x4  }
0x1c4: {  	v1 =	vadd.f32 v2, v1;
	_ =	sdelay $0x1  }
0x1c5: {  	v1 =	vmax.f32 v1, $0.0e+00  }
0x1c6: {  	[tilespmem:s8+$0xFFFFFFE0] =	vst v1;
	v1 =	vld [tilespmem:s8+$0xFFFFFFF0]  }
0x1c7: {  	v2 =	vld [tilespmem:s10+$0xFFFFFFF0];
	_ =	sdelay $0x4  }
0x1c8: {  	v1 =	vadd.f32 v2, v1;
	_ =	sdelay $0x1  }
0x1c9: {  	v1 =	vmax.f32 v1, $0.0e+00  }
0x1ca: {  	[tilespmem:s8+$0xFFFFFFF0] =	vst v1;
	v1 =	vld [tilespmem:s8+$0x0]  }
0x1cb: {  	v2 =	vld [tilespmem:s10+$0x0];
	_ =	sdelay $0x4  }
0x1cc: {  	v1 =	vadd.f32 v2, v1;
	_ =	sdelay $0x1  }
0x1cd: {  	v1 =	vmax.f32 v1, $0.0e+00  }
0x1ce: {  	[tilespmem:s8+$0x0] =	vst v1;
	v1 =	vld [tilespmem:s8+$0x10]  }
0x1cf: {  	v2 =	vld [tilespmem:s10+$0x10];
	_ =	sdelay $0x4  }
0x1d0: {  	v1 =	vadd.f32 v2, v1;
	_ =	sdelay $0x1  }
0x1d1: {  	v1 =	vmax.f32 v1, $0.0e+00  }
0x1d2: {  	[tilespmem:s8+$0x10] =	vst v1;
	v1 =	vld [tilespmem:s8+$0x20]  }
0x1d3: {  	v2 =	vld [tilespmem:s10+$0x20];
	_ =	sdelay $0x4  }
0x1d4: {  	v1 =	vadd.f32 v2, v1;
	_ =	sdelay $0x1  }
0x1d5: {  	v1 =	vmax.f32 v1, $0.0e+00  }
0x1d6: {  	[tilespmem:s8+$0x20] =	vst v1;
	v1 =	vld [tilespmem:s8+$0x30]  }
0x1d7: {  	v2 =	vld [tilespmem:s10+$0x30];
	_ =	sdelay $0x4  }
0x1d8: {  	v1 =	vadd.f32 v2, v1;
	_ =	sdelay $0x1  }
0x1d9: {  	s15 =	simm.s32 $0x1CCC0;
	s0 =	simm.s32 $0x0;
	v1 =	vmax.f32 v1, $0.0e+00  }
.LBB2_11:
0x1da: {  	v2 =	vld [tilespmem:s15+$0xFFFFFFC0];
	[tilespmem:s8+$0x30] =	vst v1;
	s10 =	sadd.s32 $0x80, s10;
	s8 =	smov.u32 s15  }
0x1db: {  	s0 =	sadd.s32 $0x8, s0;
	v1 =	vld [tilespmem:s10+$0xFFFFFFC0]  }
0x1dc: {  	p0 =	slt.u32 s0, $0x138;
	_ =	sdelay $0x3  }
0x1dd: {  	v1 =	vadd.f32 v1, v2;
	_ =	sdelay $0x1  }
0x1de: {  	v1 =	vmax.f32 v1, $0.0e+00  }
0x1df: {  	[tilespmem:s15+$0xFFFFFFC0] =	vst v1;
	v1 =	vld [tilespmem:s15+$0xFFFFFFD0]  }
0x1e0: {  	v2 =	vld [tilespmem:s10+$0xFFFFFFD0];
	_ =	sdelay $0x4  }
0x1e1: {  	v1 =	vadd.f32 v2, v1;
	_ =	sdelay $0x1  }
0x1e2: {  	v1 =	vmax.f32 v1, $0.0e+00  }
0x1e3: {  	[tilespmem:s15+$0xFFFFFFD0] =	vst v1;
	v1 =	vld [tilespmem:s15+$0xFFFFFFE0]  }
0x1e4: {  	v2 =	vld [tilespmem:s10+$0xFFFFFFE0];
	_ =	sdelay $0x4  }
0x1e5: {  	v1 =	vadd.f32 v2, v1;
	_ =	sdelay $0x1  }
0x1e6: {  	v1 =	vmax.f32 v1, $0.0e+00  }
0x1e7: {  	[tilespmem:s15+$0xFFFFFFE0] =	vst v1;
	v1 =	vld [tilespmem:s15+$0xFFFFFFF0]  }
0x1e8: {  	v2 =	vld [tilespmem:s10+$0xFFFFFFF0];
	_ =	sdelay $0x4  }
0x1e9: {  	v1 =	vadd.f32 v2, v1;
	_ =	sdelay $0x1  }
0x1ea: {  	v1 =	vmax.f32 v1, $0.0e+00  }
0x1eb: {  	[tilespmem:s15+$0xFFFFFFF0] =	vst v1;
	v1 =	vld [tilespmem:s15+$0x0]  }
0x1ec: {  	v2 =	vld [tilespmem:s10+$0x0];
	_ =	sdelay $0x4  }
0x1ed: {  	v1 =	vadd.f32 v2, v1;
	_ =	sdelay $0x1  }
0x1ee: {  	v1 =	vmax.f32 v1, $0.0e+00  }
0x1ef: {  	[tilespmem:s15+$0x0] =	vst v1;
	v1 =	vld [tilespmem:s15+$0x10]  }
0x1f0: {  	v2 =	vld [tilespmem:s10+$0x10];
	_ =	sdelay $0x4  }
0x1f1: {  	v1 =	vadd.f32 v2, v1;
	_ =	sdelay $0x1  }
0x1f2: {  	v1 =	vmax.f32 v1, $0.0e+00  }
0x1f3: {  	[tilespmem:s15+$0x10] =	vst v1;
	v1 =	vld [tilespmem:s15+$0x20]  }
0x1f4: {  	v2 =	vld [tilespmem:s10+$0x20];
	_ =	sdelay $0x4  }
0x1f5: {  	v1 =	vadd.f32 v2, v1;
	_ =	sdelay $0x1  }
0x1f6: {  	v1 =	vmax.f32 v1, $0.0e+00  }
0x1f7: {  	[tilespmem:s15+$0x20] =	vst v1;
	v1 =	vld [tilespmem:s15+$0x30]  }
0x1f8: {  	v2 =	vld [tilespmem:s10+$0x30];
	_ =	sdelay $0x2  }
.Ltmp4:
0x1f9: {  	(pc) =	sbr.rel @p0 .LBB2_11-.Ltmp4, $3  }
0x1fa: {  	_ = 	snop  }
0x1fb: {  	v1 =	vadd.f32 v2, v1;
	_ =	sdelay $0x1  }
0x1fc: {  	s15 =	sadd.s32 $0x80, s15;
	v1 =	vmax.f32 v1, $0.0e+00  }
0x1fd: {  	s11 =	sadd.s32 $0x1, s11  }
0x1fe: {  	p0 =	sne.s32 s11, $0x3F  }
.Ltmp5:
0x1ff: {  	_ = 	snop;
	(pc) =	sbr.rel @p0 .LBB2_4-.Ltmp5, $3  }
0x200: {  	_ =	sdelay $0x1  }
0x201: {  	[tilespmem:s8+$0x30] =	vst v1  }
0x202: {  	[spmem:s2] =	stream.indirect.scatter.add.f32 [tilespmem:s3], [sflag:$0x6], $0x80, s31, s21, $0xb8;
	[tilespmem:$0x1E000] =	vst v63  }
0x203: {  	s0 =	simm.s32 $0x5  }
0x204: {  	_ =	swait.ge [sflag:s0], $0x1400  }
0x205: {  	[sflag:s0] =	ssyncset.done $0x0  }
0x206: {  	s11 =	simm.s32 $0x6;
	[sflag:s0] =	ssyncadd.s32 $0xFFFFEC00  }
0x207: {  	_ =	swait.ge [sflag:s11], $0x1400  }
0x208: {  	[sflag:s11] =	ssyncset.done $0x0  }
0x209: {  	[sflag:s11] =	ssyncadd.s32 $0xFFFFEC00  }
0x20a: {  	s15 =	stileid.u32;
	[bflag:$0x0] =	sbarrier.arrive $0xFFFF  }
0x20b: {  	s0 =	sshll.u32 s15, $0x6;
	s11 =	rddreg [dreg:$0x4]  }
0x20c: {  	s0 =	sor.u32 $0x1C07, s0;
	s10 =	rddreg [dreg:$0xc];
	s8 =	sshrl.u32 s11, $0x3  }
0x20d: {  	[hbm:s10], [sflag:s0] =	dma.local [spmem:s8], $0x2780  }
0x20e: {  	_ =	swait.ge [sflag:s13], $0x2780  }
0x20f: {  	s22 =	rddreg [dreg:$0x1c]  }
0x210: {  	s28 =	rddreg [dreg:$0xd];
	s8 =	sadd.s32 $0x1, s22  }
0x211: {  	p0 =	sne.s32 s8, s28  }
.Ltmp6:
0x212: {  	_ = 	snop;
	(pc) =	sbr.rel @p0 .LBB2_1-.Ltmp6, $3  }
0x213: {  	_ =	sdelay $0x1  }
0x214: {  	[sflag:s13] =	ssyncset.done $0x0  }
0x215: {  	[sflag:s13] =	ssyncadd.s32 $0xFFFFD880  }
0x216: {  	_ =	sfence.sel $0x180000  }
0x217: {  	[bflag:$0x0] =	sbarrier.arrive $0xFFFF  }
0x218: {  	_ =	strace $0x9000004A  }
0x219: {  	s0 =	stileid.u32;
	[bflag:$0x2] =	sbarrier.arrive $0xFFFF  }
0x21a: {  	p0 =	sne.s32 s0, $0x0;
	s0 =	rddreg [dreg:$0x3]  }
0x21b: {  	s0 =	sadd.s32 @!p0 $0x100000, s0  }
0x21c: {  	[sflag:s0] =	ssyncadd.tile.s32 @!p0 $0x1;
	_ =	shalt  }
.Lfunc_end2:
_tile_overlayer_lowered:
.L_overlay_start_2:
0x21d: {  	(tag) =	ssettag $0x2  }
0x21e: {  	s0 =	rddreg [dreg:$0x0];
	s2 =	stileid.u32  }
0x21f: {  	s1 =	rddreg [dreg:$0x1];
	p0 =	sne.s32 s2, $0x0  }
0x220: {  	s3 =	rddreg [dreg:$0x2];
	[bflag:$0x3] =	sbarrier.arrive $0xFFFF;
	s2 =	simm.s32 @!p0 $0x1C07  }
0x221: {  	[timem:s3], [sflag:s2] =	dma.local @!p0 [hbm:s0], s1  }
0x222: {  	s0 =	simm.s32 @!p0 $0x7  }
0x223: {  	_ =	swait.ge @!p0 [sflag:s0], s1  }
0x224: {  	s1 =	ssub.s32 @!p0 $0x0, s1;
	[sflag:s0] =	ssyncset.done @!p0 $0x0  }
0x225: {  	[sflag:s0] =	ssyncadd.s32 @!p0 s1  }
0x226: {  	[bflag:$0x3] =	sbarrier.arrive $0xFFFF  }
0x227: {  	_ =	shalt  }

// kernel: kernel.8.cloned.1.call-start
scs
__scs_entry_jumppad:
0x0: {  	(pc) =	sbr.rel $0x88, $3  }
0x1: {  	(tag) =	ssettag $0x0;
	lr =	simm.s32 $0x1  }
0x2: {  	[smem:$0x3F94] =	sst lr;
	_ =	strace $0xD0000000  }
0x3: {  	_ = 	snop  }
0x4: {  	_ = 	snop  }
0x5: {  	_ = 	snop  }
0x6: {  	_ = 	snop  }
0x7: {  	_ = 	snop  }
__scs_overlays_trampoline_lowered:
0x8: {  	[smem:$0x3FA3] =	sst s0  }
0x9: {  	[smem:$0x3FA4] =	sst s1  }
0xa: {  	[smem:$0x3FA5] =	sst s2  }
0xb: {  	[smem:$0x3FA6] =	sst s3  }
0xc: {  	[smem:$0x3FA7] =	sst s4  }
0xd: {  	[smem:$0x3FA8] =	sst s5  }
0xe: {  	[smem:$0x3FA9] =	sst s6  }
0xf: {  	[smem:$0x3FAA] =	sst s7  }
0x10: {  	[smem:$0x3FAB] =	sst s8  }
0x11: {  	[smem:$0x3FAC] =	sst s9;
	s0 =	simm.s32 @!p0 $0x0  }
0x12: {  	s1 =	sld [smem:$0x3F92];
	s0 =	simm.s32 @p0 $0x1  }
0x13: {  	[smem:$0x3FAD] =	sst s0;
	s0 =	simm.s32 @!p1 $0x0  }
0x14: {  	s2 =	sld [smem:$0x3F91];
	s0 =	simm.s32 @p1 $0x1  }
0x15: {  	[smem:$0x3FAE] =	sst s0;
	s0 =	simm.s32 @!p2 $0x0  }
0x16: {  	s3 =	sld [smem:$0x3FDB];
	s0 =	simm.s32 @p2 $0x1  }
0x17: {  	s4 =	simm.s32 $0x1BF5;
	[smem:$0x3FB0] =	sst s0  }
0x18: {  	s0 =	sld [smem:$0x3F93];
	_ =	swait.ge [sflag:s4], $0x0  }
0x19: {  	s7 =	sld [smem:$0x3F94]  }
0x1a: {  	s8 =	sadd.s32 $0xFFFFE003, lr  }
0x1b: {  	s9 =	sadd.s32 $0xFFFFFEF7, lr;
	s5 =	simm.s32 $0xFFFFFFFF;
	p2 =	slt.u32 s8, $0xFFFFF086  }
0x1c: {  	p1 =	slt.u32 s9, $0xF7A;
	s5 =	simm.s32 @!p2 $0x0  }
0x1d: {  	s5 =	simm.s32 @p1 $0x1;
	p0 =	seq.s32 s7, s2  }
0x1e: {  	s7 =	smul.u32 @!p0 $0xF7A, s2;
	p2 =	seq.s32 @!p0 s5, $0x0  }
0x1f: {  	s9 =	smul.u32 $0xF7A, s1;
	s8 =	simm.s32 @!p0 $0x1BF5;
	p2 =	por !p2, p0  }
0x20: {  	[sflag:s8] =	ssyncset.s32 @!p0 $0xFFFFF086;
	s6 =	sadd.s32 @!p0 s3, s7;
	s7 =	simm.s32 @!p0 $0x108  }
0x21: {  	s3 =	sadd.s32 s3, s9;
	s6 =	sadd.s32 @!p0 $0x88, s6;
	s7 =	simm.s32 @p2 $0x1082  }
0x22: {  	[simem:s7], [sflag:s8] =	dma.local @!p0 [hbm:s6], $0xF7A  }
0x23: {  	s9 =	sor.u32 $0xD0000000, s2;
	s6 =	simm.s32 $0x108;
	_ =	swait.ge @!p0 [sflag:s8], $0x0  }
0x24: {  	s3 =	sadd.s32 $0x88, s3;
	s6 =	simm.s32 @!p1 $0x1082;
	[sflag:s4] =	ssyncset.s32 $0xFFFFF086  }
0x25: {  	[simem:s6], [sflag:s4] =	dma.local [hbm:s3], $0xF7A  }
0x26: {  	[smem:$0x3F94] =	sst s1;
	(tag) =	ssettag s2;
	_ =	strace s9  }
0x27: {  	s1 =	sld [smem:$0x3FA4]  }
0x28: {  	s2 =	sld [smem:$0x3FA5]  }
0x29: {  	s4 =	sld [smem:$0x3FA7]  }
0x2a: {  	p0 =	seq.s32 s5, $0x0;
	s5 =	sld [smem:$0x3FA8]  }
0x2b: {  	s6 =	sld [smem:$0x3FA9]  }
0x2c: {  	s7 =	sld [smem:$0x3FAA]  }
0x2d: {  	s3 =	simm.s32 $0x108;
	s8 =	sld [smem:$0x3FAB]  }
0x2e: {  	s3 =	simm.s32 @!p0 $0x1082;
	s9 =	sld [smem:$0x3FAC]  }
0x2f: {  	lr =	sadd.s32 s0, s3;
	s0 =	sld [smem:$0x3FA3]  }
0x30: {  	s3 =	sld [smem:$0x3FA6]  }
0x31: {  	[smem:$0x3FAF] =	sst s10  }
0x32: {  	s10 =	sld [smem:$0x3FAD];
	_ =	sdelay $0x3  }
0x33: {  	p0 =	seq.s32 s10, $0x1;
	s10 =	sld [smem:$0x3FAF];
	_ =	sdelay $0x3  }
0x34: {  	[smem:$0x3FAF] =	sst s10  }
0x35: {  	s10 =	sld [smem:$0x3FAE];
	_ =	sdelay $0x3  }
0x36: {  	p1 =	seq.s32 s10, $0x1;
	s10 =	sld [smem:$0x3FAF];
	_ =	sdelay $0x3  }
0x37: {  	[smem:$0x3FAF] =	sst s10  }
0x38: {  	s10 =	sld [smem:$0x3FB0]  }
0x39: {  	_ = 	snop;
	(pc) =	sbr.ind lr, $3  }
0x3a: {  	_ = 	snop  }
0x3b: {  	_ = 	snop  }
0x3c: {  	p2 =	seq.s32 s10, $0x1;
	s10 =	sld [smem:$0x3FAF]  }
0x3d: {  	_ =	shalt  }
0x3e: {  	_ =	shalt  }
0x3f: {  	_ =	shalt  }
0x40: {  	_ =	shalt  }
0x41: {  	_ =	shalt  }
0x42: {  	_ =	shalt  }
0x43: {  	_ =	shalt  }
0x44: {  	_ =	shalt  }
0x45: {  	_ =	shalt  }
0x46: {  	_ =	shalt  }
0x47: {  	_ =	shalt  }
0x48: {  	_ =	shalt  }
0x49: {  	_ =	shalt  }
0x4a: {  	_ =	shalt  }
0x4b: {  	_ =	shalt  }
0x4c: {  	_ =	shalt  }
0x4d: {  	_ =	shalt  }
0x4e: {  	_ =	shalt  }
0x4f: {  	_ =	shalt  }
0x50: {  	_ =	shalt  }
0x51: {  	_ =	shalt  }
0x52: {  	_ =	shalt  }
0x53: {  	_ =	shalt  }
0x54: {  	_ =	shalt  }
0x55: {  	_ =	shalt  }
0x56: {  	_ =	shalt  }
0x57: {  	_ =	shalt  }
0x58: {  	_ =	shalt  }
0x59: {  	_ =	shalt  }
0x5a: {  	_ =	shalt  }
0x5b: {  	_ =	shalt  }
0x5c: {  	_ =	shalt  }
0x5d: {  	_ =	shalt  }
0x5e: {  	_ =	shalt  }
0x5f: {  	_ =	shalt  }
0x60: {  	_ =	shalt  }
0x61: {  	_ =	shalt  }
0x62: {  	_ =	shalt  }
0x63: {  	_ =	shalt  }
0x64: {  	_ =	shalt  }
0x65: {  	_ =	shalt  }
0x66: {  	_ =	shalt  }
0x67: {  	_ =	shalt  }
0x68: {  	_ =	shalt  }
0x69: {  	_ =	shalt  }
0x6a: {  	_ =	shalt  }
0x6b: {  	_ =	shalt  }
0x6c: {  	_ =	shalt  }
0x6d: {  	_ =	shalt  }
0x6e: {  	_ =	shalt  }
0x6f: {  	_ =	shalt  }
0x70: {  	_ =	shalt  }
0x71: {  	_ =	shalt  }
0x72: {  	_ =	shalt  }
0x73: {  	_ =	shalt  }
0x74: {  	_ =	shalt  }
0x75: {  	_ =	shalt  }
0x76: {  	_ =	shalt  }
0x77: {  	_ =	shalt  }
0x78: {  	_ =	shalt  }
0x79: {  	_ =	shalt  }
0x7a: {  	_ =	shalt  }
0x7b: {  	_ =	shalt  }
0x7c: {  	_ =	shalt  }
0x7d: {  	_ =	shalt  }
0x7e: {  	_ =	shalt  }
0x7f: {  	_ =	shalt  }
0x80: {  	_ =	shalt  }
0x81: {  	_ =	shalt  }
0x82: {  	_ =	shalt  }
0x83: {  	_ =	shalt  }
0x84: {  	_ =	shalt  }
0x85: {  	_ =	shalt  }
0x86: {  	_ =	shalt  }
0x87: {  	_ =	shalt  }
.Lfunc_end0:
.L_simem_size_0:
called_computation_lowered:
.L_overlay_start_0:
0x88: {  	s2 =	sld [smem:$0x3FD9]  }
0x89: {  	s3 =	sld [smem:$0x3FFE];
	_ =	sdelay $0x1  }
0x8a: {  	s1 =	srdreg.scid  }
0x8b: {  	s0 =	sand.u32 $0x1, s1  }
0x8c: {  	s17 =	sshll.u32 s0, $0xA;
	s2 =	sadd.s32 s3, s2  }
0x8d: {  	s2 =	sadd.s32 s2, s17  }
0x8e: {  	[smem:$0x3FBB] =	sst s2  }
0x8f: {  	_ = 	snop  }
0x90: {  	s2 =	sld [smem:$0x3FC9];
	(tm) =	ssettm $0x1  }
0x91: {  	s18 =	sld [smem:$0x3FFB];
	_ =	sdelay $0x3  }
0x92: {  	_ =	strace s18  }
0x93: {  	s3 =	sld [smem:$0x3FFC];
	_ =	sdelay $0x3  }
0x94: {  	_ =	strace s3  }
0x95: {  	s3 =	sld [smem:$0x3FFD];
	_ =	sdelay $0x3  }
0x96: {  	_ =	strace s3  }
0x97: {  	_ =	strace $0x8FFFFFFF  }
0x98: {  	s19 =	sld [smem:$0x3FDB];
	_ =	sdelay $0x1  }
0x99: {  	s4 =	simm.s32 $_scs_section_size  }
0x9a: {  	s5 =	simm.s32 $_size__tile_overlayer_lowered;
	s6 =	simm.s32 $_tile_overlayer_lowered  }
0x9b: {  	s22 =	simm.s32 $0x1BFF;
	s21 =	sshll.u32 s6, $0x1;
	s3 =	sadd.s32 s4, s19  }
0x9c: {  	s7 =	simm.s32 $0x0;
	s20 =	sshll.u32 s5, $0x1;
	s5 =	sadd.s32 s21, s3  }
0x9d: {  	[timem:s7], [sflag:s22] =	dma.local [hbm:s5], s20  }
0x9e: {  	_ =	swait.ge [sflag:s22], s20  }
0x9f: {  	s4 =	ssub.s32 $0x0, s20;
	[sflag:s22] =	ssyncset.done $0x0  }
0xa0: {  	[sflag:s22] =	ssyncadd.s32 s4;
	_ =	sdelay $0x1  }
0xa1: {  	s23 =	simm.s32 $0x1B8B  }
0xa2: {  	_ =	swait.ge [sflag:s23], $0x1  }
0xa3: {  	[sflag:s23] =	ssyncset.done $0x0  }
0xa4: {  	s25 =	simm.s32 $0x1B8E;
	s24 =	sld [smem:$0x3FFE];
	[sflag:s23] =	ssyncadd.s32 $0xFFFFFFFF  }
0xa5: {  	s26 =	simm.s32 $execute0_lowered;
	[smem:$0x3FD2] =	sst s25  }
0xa6: {  	s5 =	sshll.u32 s26, $0x1;
	_ =	strace $0x80000046;
	[dreg:$0x1] =	wrdreg $0xFFFFFFFF  }
0xa7: {  	s28 =	simm.s32 $_size_execute0_lowered;
	s3 =	sadd.s32 s3, s5;
	[dreg:$0x0] =	wrdreg $0x0  }
0xa8: {  	s5 =	sshll.u32 s28, $0x1;
	[dreg:$0x2] =	wrdreg s3  }
0xa9: {  	[dreg:$0x3] =	wrdreg s5  }
0xaa: {  	[dreg:$0x4] =	wrdreg $0xC0  }
0xab: {  	_ =	task [dreg:s7], $0x5FFFF  }
0xac: {  	[dreg:$0x1] =	wrdreg $0xFFFFFFFF  }
0xad: {  	[dreg:$0x0] =	wrdreg $0x60  }
0xae: {  	[dreg:$0x2] =	wrdreg s2  }
0xaf: {  	[dreg:$0x3] =	wrdreg s24  }
0xb0: {  	[dreg:$0x4] =	wrdreg $0x0  }
0xb1: {  	[dreg:$0x5] =	wrdreg $0x9  }
0xb2: {  	_ =	task.clear_ibuf [dreg:s7], $0x6FFFF;
	_ =	strace $0x90000046  }
0xb3: {  	s29 =	simm.s32 $0x9;
	_ =	strace $0x80000048  }
0xb4: {  	_ =	swait.ge [sflag:s29], $0x1  }
0xb5: {  	[sflag:s29] =	ssyncadd.s32 $0xFFFFFFFF  }
0xb6: {  	_ =	strace $0x90000048  }
0xb7: {  	_ =	sfence  }
0xb8: {  	s30 =	sld [smem:$0x0];
	_ =	sdelay $0x2  }
0xb9: {  	s31 =	sshll.u32 s1, $0xD;
	s1 =	sshrl.u32 s1, $0x2  }
0xba: {  	s3 =	sand.u32 $0x4000, s31;
	s1 =	sadd.s32 s1, s30  }
0xbb: {  	s0 =	sor.u32 s3, s0;
	s1 =	sshll.u32 s1, $0x11  }
0xbc: {  	s0 =	sor.u32 s1, s0  }
0xbd: {  	s0 =	sadd.s32 $0x8F2B, s0  }
0xbe: {  	[sflag:s0] =	ssyncadd.remote.s32 $0x1  }
0xbf: {  	_ =	sfence.sel $0xFFFF  }
0xc0: {  	[dreg:$0x0] =	wrdreg $0xFFFFFFFF;
	(pc) =	sbr.abs _section_cstart, $3  }
0xc1: {  	[dreg:$0x1] =	wrdreg $0xFFFFFFFF  }
0xc2: {  	_ =	task.clear_ibuf [dreg:s7], $0x2FFFF;
	_ =	strace $0x9FFFFFFF  }
0xc3: {  	(tm) =	ssettm $0x7FFFFFFF  }
tec
execute0_lowered:
.L_overlay_start_1:
0x0: {  	(tag) =	ssettag $0x1  }
0x1: {  	s3 =	srdreg.scid;
	s10 =	stileid.u32  }
0x2: {  	s1 =	rddreg [dreg:$0x0];
	s3 =	sand.u32 $0x1, s3;
	s9 =	smul.u32 $0x13C00, s10  }
0x3: {  	s0 =	rddreg [dreg:$0x1];
	s8 =	smul.u32 $0x13C000, s3  }
0x4: {  	s4 =	simm.s32 $0x0;
	s5 =	sadd.s32 $0x4E4800, s0;
	s18 =	sshll.u32 s3, $0x4  }
0x5: {  	s6 =	sadd.s32 $0x4EE600, s0;
	s8 =	sadd.s32 s9, s8;
	s9 =	sor.u32 s10, s18  }
0x6: {  	[smem:$0x7FF] =	sst s4;
	s7 =	sadd.s32 $0x4F8400, s0;
	s12 =	smul.u32 $0x2760, s9  }
0x7: {  	s2 =	rddreg [dreg:$0x2];
	_ =	strace $0x80000047;
	s9 =	smul.u32 $0x27600, s9  }
0x8: {  	s3 =	ssub.s32 $0x2, s3;
	s10 =	smul.u32 $0x4F000, s10;
	s8 =	sshrl.u32 s8, $0x3  }
0x9: {  	s11 =	sshrl.u32 s3, $0x1;
	s0 =	sadd.s32 s8, s0;
	s24 =	sadd.s32 s7, s9  }
0xa: {  	s19 =	sshrl.u32 s10, $0x2;
	s0 =	sadd.s32 $0x9E4400, s0;
	[dreg:$0x8] =	wrdreg s24  }
0xb: {  	s3 =	ssub.s32 s3, s11;
	s11 =	sadd.s32 s19, s2;
	[dreg:$0xc] =	wrdreg s0  }
0xc: {  	s20 =	sshrl.u32 s12, $0x3;
	s21 =	sadd.s32 $0x12C00, s11;
	[dreg:$0x4] =	wrdreg s11  }
0xd: {  	s23 =	sadd.s32 $0x28, s12;
	s22 =	sadd.s32 s5, s20;
	[dreg:$0x5] =	wrdreg s21  }
0xe: {  	s16 =	sadd.s32 $0x50, s12;
	s8 =	sadd.s32 s6, s20;
	[dreg:$0x6] =	wrdreg s22  }
0xf: {  	s17 =	sadd.s32 $0x78, s12;
	s9 =	sadd.s32 $0x1400, s11;
	[dreg:$0x7] =	wrdreg s8  }
0x10: {  	s18 =	sadd.s32 $0xA0, s12;
	s10 =	sadd.s32 $0x2800, s11;
	[dreg:$0xe] =	wrdreg s9  }
0x11: {  	s19 =	sadd.s32 $0xC8, s12;
	s12 =	sadd.s32 $0x3C00, s11;
	[dreg:$0xf] =	wrdreg s10  }
0x12: {  	s29 =	simm.s32 $0x1B800;
	s13 =	sadd.s32 $0x5000, s11;
	[dreg:$0x10] =	wrdreg s12  }
0x13: {  	s30 =	simm.s32 $0x13D80;
	s14 =	sadd.s32 $0x6400, s11;
	[dreg:$0x11] =	wrdreg s13  }
0x14: {  	s31 =	simm.s32 $0x13F80;
	s15 =	sadd.s32 $0x7800, s11;
	[dreg:$0x12] =	wrdreg s14  }
0x15: {  	s25 =	sshrl.u32 s23, $0x3;
	s20 =	sadd.s32 $0x8C00, s11;
	[dreg:$0x13] =	wrdreg s15  }
0x16: {  	s28 =	sshll.u32 s23, $0x4;
	s23 =	sadd.s32 $0xC800, s11;
	[dreg:$0x14] =	wrdreg s20  }
0x17: {  	s24 =	sadd.s32 $0xDC00, s11;
	s26 =	sadd.s32 s5, s25;
	[dreg:$0x17] =	wrdreg s23  }
0x18: {  	s8 =	sadd.s32 s6, s25;
	s21 =	sadd.s32 $0xA000, s11;
	[dreg:$0x18] =	wrdreg s24  }
0x19: {  	s22 =	sadd.s32 $0xB400, s11;
	s25 =	sadd.s32 $0xF000, s11;
	[dreg:$0x9] =	wrdreg s26  }
0x1a: {  	s12 =	simm.s32 $0x19000;
	s13 =	simm.s32 $0x7;
	[dreg:$0xa] =	wrdreg s8  }
0x1b: {  	s20 =	simm.s32 $0x1;
	s14 =	simm.s32 $0x13E80;
	[dreg:$0x15] =	wrdreg s21  }
0x1c: {  	s23 =	simm.s32 $0x2;
	s24 =	simm.s32 $0x1A400;
	[dreg:$0x16] =	wrdreg s22  }
0x1d: {  	s9 =	simm.s32 $0x3;
	s8 =	sadd.s32 s7, s28;
	[dreg:$0x19] =	wrdreg s25  }
0x1e: {  	s26 =	sadd.s32 $0x10400, s11;
	s28 =	sadd.s32 $0x11800, s11;
	[dreg:$0xb] =	wrdreg s8  }
0x1f: {  	s21 =	simm.s32 $0x28;
	s25 =	simm.s32 $0x13D00;
	[dreg:$0x1a] =	wrdreg s26  }
0x20: {  	s8 =	smax.u32 s3, $0x1;
	[dreg:$0x1b] =	wrdreg s28;
	s26 =	simm.s32 $0x13F00  }
0x21: {  	v0 =	vimm.f32 $0.0e+00;
	s3 =	simm.s32 $0x1CC00;
	[dreg:$0xd] =	wrdreg s8;
	s8 =	simm.s32 $0x0  }
.LBB2_1:
0x22: {  	[dreg:$0x1c] =	wrdreg s8;
	s0 =	simm.s32 $0x0;
	s8 =	simm.s32 $0x200  }
.LBB2_2:
0x23: {  	p0 =	sne.s32 s8, $0x4E00;
	[tilespmem:s0+$0x19070] =	vst v0  }
0x24: {  	[tilespmem:s0+$0x19000] =	vst v0  }
0x25: {  	[tilespmem:s0+$0x19010] =	vst v0  }
.Ltmp0:
0x26: {  	[tilespmem:s0+$0x19020] =	vst v0;
	(pc) =	sbr.rel @p0 .LBB2_2-.Ltmp0, $4  }
0x27: {  	[tilespmem:s0+$0x19030] =	vst v0  }
0x28: {  	[tilespmem:s0+$0x19040] =	vst v0  }
0x29: {  	[tilespmem:s0+$0x19050] =	vst v0  }
0x2a: {  	[tilespmem:s0+$0x19060] =	vst v0;
	s0 =	sshra.s32 s8, $0x2;
	s8 =	sadd.s32 $0x200, s8  }
0x2b: {  	[tilespmem:s0+$0x19070] =	vst v0  }
0x2c: {  	[tilespmem:s0+$0x19000] =	vst v0  }
0x2d: {  	[tilespmem:s0+$0x19010] =	vst v0  }
0x2e: {  	[tilespmem:s0+$0x19020] =	vst v0  }
0x2f: {  	[tilespmem:s0+$0x19030] =	vst v0  }
0x30: {  	[tilespmem:s0+$0x19040] =	vst v0  }
0x31: {  	[tilespmem:s0+$0x19050] =	vst v0  }
0x32: {  	[tilespmem:s0+$0x19060] =	vst v0  }
0x33: {  	[spmem:s11] =	stream.linear.scatter [tilespmem:s12], [sflag:$0x7], $0x1400, $0x38;
	[tilespmem:$0x1E000] =	vst v63  }
0x34: {  	_ =	swait.ge [sflag:s13], $0x1400  }
0x35: {  	[sflag:s13] =	ssyncset.done $0x0  }
0x36: {  	s22 =	rddreg [dreg:$0xe];
	[sflag:s13] =	ssyncadd.s32 $0xFFFFEC00  }
0x37: {  	[spmem:s22] =	stream.linear.scatter [tilespmem:s12], [sflag:$0x7], $0x1400, $0x38;
	[tilespmem:$0x1E000] =	vst v63  }
0x38: {  	_ =	swait.ge [sflag:s13], $0x1400  }
0x39: {  	[sflag:s13] =	ssyncset.done $0x0  }
0x3a: {  	s28 =	rddreg [dreg:$0xf];
	[sflag:s13] =	ssyncadd.s32 $0xFFFFEC00  }
0x3b: {  	[spmem:s28] =	stream.linear.scatter [tilespmem:s12], [sflag:$0x7], $0x1400, $0x38;
	[tilespmem:$0x1E000] =	vst v63  }
0x3c: {  	_ =	swait.ge [sflag:s13], $0x1400  }
0x3d: {  	[sflag:s13] =	ssyncset.done $0x0  }
0x3e: {  	s8 =	rddreg [dreg:$0x10];
	[sflag:s13] =	ssyncadd.s32 $0xFFFFEC00  }
0x3f: {  	[spmem:s8] =	stream.linear.scatter [tilespmem:s12], [sflag:$0x7], $0x1400, $0x38;
	[tilespmem:$0x1E000] =	vst v63  }
0x40: {  	_ =	swait.ge [sflag:s13], $0x1400  }
0x41: {  	[sflag:s13] =	ssyncset.done $0x0  }
0x42: {  	s10 =	rddreg [dreg:$0x11];
	[sflag:s13] =	ssyncadd.s32 $0xFFFFEC00  }
0x43: {  	[spmem:s10] =	stream.linear.scatter [tilespmem:s12], [sflag:$0x7], $0x1400, $0x38;
	[tilespmem:$0x1E000] =	vst v63  }
0x44: {  	_ =	swait.ge [sflag:s13], $0x1400  }
0x45: {  	[sflag:s13] =	ssyncset.done $0x0  }
0x46: {  	s11 =	rddreg [dreg:$0x12];
	[sflag:s13] =	ssyncadd.s32 $0xFFFFEC00  }
0x47: {  	[spmem:s11] =	stream.linear.scatter [tilespmem:s12], [sflag:$0x7], $0x1400, $0x38;
	[tilespmem:$0x1E000] =	vst v63  }
0x48: {  	_ =	swait.ge [sflag:s13], $0x1400  }
0x49: {  	[sflag:s13] =	ssyncset.done $0x0  }
0x4a: {  	s15 =	rddreg [dreg:$0x13];
	[sflag:s13] =	ssyncadd.s32 $0xFFFFEC00  }
0x4b: {  	[spmem:s15] =	stream.linear.scatter [tilespmem:s12], [sflag:$0x7], $0x1400, $0x38;
	[tilespmem:$0x1E000] =	vst v63  }
0x4c: {  	_ =	swait.ge [sflag:s13], $0x1400  }
0x4d: {  	[sflag:s13] =	ssyncset.done $0x0  }
0x4e: {  	s22 =	rddreg [dreg:$0x14];
	[sflag:s13] =	ssyncadd.s32 $0xFFFFEC00  }
0x4f: {  	[spmem:s22] =	stream.linear.scatter [tilespmem:s12], [sflag:$0x7], $0x1400, $0x38;
	[tilespmem:$0x1E000] =	vst v63  }
0x50: {  	_ =	swait.ge [sflag:s13], $0x1400  }
0x51: {  	[sflag:s13] =	ssyncset.done $0x0  }
0x52: {  	s28 =	rddreg [dreg:$0x15];
	[sflag:s13] =	ssyncadd.s32 $0xFFFFEC00  }
0x53: {  	[spmem:s28] =	stream.linear.scatter [tilespmem:s12], [sflag:$0x7], $0x1400, $0x38;
	[tilespmem:$0x1E000] =	vst v63  }
0x54: {  	_ =	swait.ge [sflag:s13], $0x1400  }
0x55: {  	[sflag:s13] =	ssyncset.done $0x0  }
0x56: {  	s8 =	rddreg [dreg:$0x16];
	[sflag:s13] =	ssyncadd.s32 $0xFFFFEC00  }
0x57: {  	[spmem:s8] =	stream.linear.scatter [tilespmem:s12], [sflag:$0x7], $0x1400, $0x38;
	[tilespmem:$0x1E000] =	vst v63  }
0x58: {  	_ =	swait.ge [sflag:s13], $0x1400  }
0x59: {  	[sflag:s13] =	ssyncset.done $0x0  }
0x5a: {  	s10 =	rddreg [dreg:$0x17];
	[sflag:s13] =	ssyncadd.s32 $0xFFFFEC00  }
0x5b: {  	[spmem:s10] =	stream.linear.scatter [tilespmem:s12], [sflag:$0x7], $0x1400, $0x38;
	[tilespmem:$0x1E000] =	vst v63  }
0x5c: {  	_ =	swait.ge [sflag:s13], $0x1400  }
0x5d: {  	[sflag:s13] =	ssyncset.done $0x0  }
0x5e: {  	s11 =	rddreg [dreg:$0x18];
	[sflag:s13] =	ssyncadd.s32 $0xFFFFEC00  }
0x5f: {  	[spmem:s11] =	stream.linear.scatter [tilespmem:s12], [sflag:$0x7], $0x1400, $0x38;
	[tilespmem:$0x1E000] =	vst v63  }
0x60: {  	_ =	swait.ge [sflag:s13], $0x1400  }
0x61: {  	[sflag:s13] =	ssyncset.done $0x0  }
0x62: {  	s15 =	rddreg [dreg:$0x19];
	[sflag:s13] =	ssyncadd.s32 $0xFFFFEC00  }
0x63: {  	[spmem:s15] =	stream.linear.scatter [tilespmem:s12], [sflag:$0x7], $0x1400, $0x38;
	[tilespmem:$0x1E000] =	vst v63  }
0x64: {  	_ =	swait.ge [sflag:s13], $0x1400  }
0x65: {  	[sflag:s13] =	ssyncset.done $0x0  }
0x66: {  	s22 =	rddreg [dreg:$0x1a];
	[sflag:s13] =	ssyncadd.s32 $0xFFFFEC00  }
0x67: {  	[spmem:s22] =	stream.linear.scatter [tilespmem:s12], [sflag:$0x7], $0x1400, $0x38;
	[tilespmem:$0x1E000] =	vst v63  }
0x68: {  	_ =	swait.ge [sflag:s13], $0x1400  }
0x69: {  	[sflag:s13] =	ssyncset.done $0x0  }
0x6a: {  	s28 =	rddreg [dreg:$0x1b];
	[sflag:s13] =	ssyncadd.s32 $0xFFFFEC00  }
0x6b: {  	[spmem:s28] =	stream.linear.scatter [tilespmem:s12], [sflag:$0x7], $0x1400, $0x38;
	[tilespmem:$0x1E000] =	vst v63  }
0x6c: {  	_ =	swait.ge [sflag:s13], $0x1400  }
0x6d: {  	[sflag:s13] =	ssyncset.done $0x0  }
0x6e: {  	s8 =	rddreg [dreg:$0x5];
	[sflag:s13] =	ssyncadd.s32 $0xFFFFEC00  }
0x6f: {  	[spmem:s8] =	stream.linear.scatter [tilespmem:s12], [sflag:$0x7], $0x1000, $0x38;
	[tilespmem:$0x1E000] =	vst v63  }
0x70: {  	_ =	swait.ge [sflag:s13], $0x1000  }
0x71: {  	[sflag:s13] =	ssyncset.done $0x0  }
0x72: {  	[sflag:s13] =	ssyncadd.s32 $0xFFFFF000  }
0x73: {  	[bflag:$0x0] =	sbarrier.arrive $0xFFFF  }
0x74: {  	s11 =	simm.s32 $0x0;
	s8 =	simm.s32 $0x13C00;
	s10 =	rddreg [dreg:$0x6]  }
0x75: {  	[tilespmem:s8], [sflag:$0x1] =	stream.linear.gather [hbm4b:s10+s11], $0x28, $0x38;
	[tilespmem:$0x1E000] =	vst v63  }
0x76: {  	s15 =	rddreg [dreg:$0x7];
	s10 =	simm.s32 $0x13E00  }
0x77: {  	[tilespmem:s10], [sflag:$0x1] =	stream.linear.gather [hbm4b:s15+s11], $0x28, $0x38;
	[tilespmem:$0x1E000] =	vst v63  }
0x78: {  	s28 =	simm.s32 $0x14000;
	s22 =	rddreg [dreg:$0x8]  }
0x79: {  	[tilespmem:s28], [sflag:$0x1] =	stream.linear.gather [hbm4b:s22+s11], $0x1400, $0x38;
	[tilespmem:$0x1E000] =	vst v63  }
0x7a: {  	_ =	swait.ge [sflag:s20], $0x28  }
0x7b: {  	[sflag:s20] =	ssyncset.done $0x0  }
0x7c: {  	[sflag:s20] =	ssyncadd.s32 $0xFFFFFFD8  }
0x7d: {  	_ =	swait.ge [sflag:s20], $0x28  }
0x7e: {  	[sflag:s20] =	ssyncset.done $0x0  }
0x7f: {  	[sflag:s20] =	ssyncadd.s32 $0xFFFFFFD8  }
0x80: {  	_ =	swait.ge [sflag:s20], $0x1400  }
0x81: {  	[sflag:s20] =	ssyncset.done $0x0  }
0x82: {  	[sflag:s20] =	ssyncadd.s32 $0xFFFFEC00  }
0x83: {  	[tilespmem:s12], [sflag:$0x2] =	stream.indirect.gather [hbm4b:s1+s21], $0x80, s8, s21, $0xb8;
	[tilespmem:$0x1E000] =	vst v63  }
0x84: {  	s10 =	simm.s32 $0x13C80;
	s8 =	rddreg [dreg:$0x9]  }
0x85: {  	[tilespmem:s10], [sflag:$0x1] =	stream.linear.gather [hbm4b:s8+s11], $0x28, $0x38;
	[tilespmem:$0x1E000] =	vst v63  }
0x86: {  	s15 =	rddreg [dreg:$0xa]  }
0x87: {  	[tilespmem:s14], [sflag:$0x1] =	stream.linear.gather [hbm4b:s15+s11], $0x28, $0x38;
	[tilespmem:$0x1E000] =	vst v63  }
0x88: {  	s28 =	simm.s32 $0x15400;
	s22 =	rddreg [dreg:$0xb]  }
0x89: {  	[tilespmem:s28], [sflag:$0x1] =	stream.linear.gather [hbm4b:s22+s11], $0x1400, $0x38;
	[tilespmem:$0x1E000] =	vst v63  }
.LBB2_4:
0x8a: {  	_ =	swait.ge [sflag:s20], $0x28  }
0x8b: {  	[sflag:s20] =	ssyncset.done $0x0  }
0x8c: {  	[sflag:s20] =	ssyncadd.s32 $0xFFFFFFD8  }
0x8d: {  	_ =	swait.ge [sflag:s20], $0x28  }
0x8e: {  	[sflag:s20] =	ssyncset.done $0x0  }
0x8f: {  	[sflag:s20] =	ssyncadd.s32 $0xFFFFFFD8  }
0x90: {  	_ =	swait.ge [sflag:s20], $0x1400  }
0x91: {  	[sflag:s20] =	ssyncset.done $0x0  }
0x92: {  	[sflag:s20] =	ssyncadd.s32 $0xFFFFEC00  }
0x93: {  	_ =	swait.ge [sflag:s23], $0x1400  }
0x94: {  	s0 =	simm.s32 $0x13C80;
	[sflag:s23] =	ssyncset.done $0x0  }
0x95: {  	p0 =	seq.s32 s11, $0x0;
	s8 =	smul.u32 $0xA0, s11;
	[sflag:s23] =	ssyncadd.s32 $0xFFFFEC00  }
0x96: {  	[tilespmem:s24], [sflag:$0x2] =	stream.indirect.gather [hbm4b:s1+s21], $0x80, s0, s21, $0xb8;
	[tilespmem:$0x1E000] =	vst v63  }
0x97: {  	s0 =	simm.s32 @!p0 $0x5  }
0x98: {  	s10 =	sadd.s32 s8, s16;
	_ =	swait.ge @!p0 [sflag:s0], $0x1400  }
0x99: {  	s15 =	sshrl.u32 s10, $0x3;
	[sflag:s0] =	ssyncset.done @!p0 $0x0  }
0x9a: {  	s22 =	sadd.s32 s5, s15;
	[sflag:s0] =	ssyncadd.s32 @!p0 $0xFFFFEC00  }
0x9b: {  	[tilespmem:s25], [sflag:$0x1] =	stream.linear.gather [hbm4b:s22+s4], $0x28, $0x38;
	[tilespmem:$0x1E000] =	vst v63  }
0x9c: {  	s22 =	sadd.s32 s6, s15;
	s15 =	sshll.u32 s10, $0x4  }
0x9d: {  	[tilespmem:s26], [sflag:$0x1] =	stream.linear.gather [hbm4b:s22+s4], $0x28, $0x38;
	[tilespmem:$0x1E000] =	vst v63  }
0x9e: {  	s10 =	simm.s32 $0x19040;
	s0 =	sadd.s32 s7, s15;
	s22 =	simm.s32 $0x16800  }
0x9f: {  	[tilespmem:s22], [sflag:$0x1] =	stream.linear.gather [hbm4b:s0+s4], $0x1400, $0x38;
	[tilespmem:$0x1E000] =	vst v63  }
0xa0: {  	s28 =	simm.s32 $0x14040;
	v1 =	vld [tilespmem:s10+$0xFFFFFFC0]  }
0xa1: {  	v2 =	vld [tilespmem:s28+$0xFFFFFFC0];
	_ =	sdelay $0x4  }
0xa2: {  	v1 =	vadd.f32 v2, v1;
	_ =	sdelay $0x1  }
0xa3: {  	v1 =	vmax.f32 v1, $0.0e+00  }
0xa4: {  	[tilespmem:s10+$0xFFFFFFC0] =	vst v1;
	v1 =	vld [tilespmem:s10+$0xFFFFFFD0]  }
0xa5: {  	v2 =	vld [tilespmem:s28+$0xFFFFFFD0];
	_ =	sdelay $0x4  }
0xa6: {  	v1 =	vadd.f32 v2, v1;
	_ =	sdelay $0x1  }
0xa7: {  	v1 =	vmax.f32 v1, $0.0e+00  }
0xa8: {  	[tilespmem:s10+$0xFFFFFFD0] =	vst v1;
	v1 =	vld [tilespmem:s10+$0xFFFFFFE0]  }
0xa9: {  	v2 =	vld [tilespmem:s28+$0xFFFFFFE0];
	_ =	sdelay $0x4  }
0xaa: {  	v1 =	vadd.f32 v2, v1;
	_ =	sdelay $0x1  }
0xab: {  	v1 =	vmax.f32 v1, $0.0e+00  }
0xac: {  	[tilespmem:s10+$0xFFFFFFE0] =	vst v1;
	v1 =	vld [tilespmem:s10+$0xFFFFFFF0]  }
0xad: {  	v2 =	vld [tilespmem:s28+$0xFFFFFFF0];
	_ =	sdelay $0x4  }
0xae: {  	v1 =	vadd.f32 v2, v1;
	_ =	sdelay $0x1  }
0xaf: {  	v1 =	vmax.f32 v1, $0.0e+00  }
0xb0: {  	[tilespmem:s10+$0xFFFFFFF0] =	vst v1;
	v1 =	vld [tilespmem:s10+$0x0]  }
0xb1: {  	v2 =	vld [tilespmem:s28+$0x0];
	_ =	sdelay $0x4  }
0xb2: {  	v1 =	vadd.f32 v2, v1;
	_ =	sdelay $0x1  }
0xb3: {  	v1 =	vmax.f32 v1, $0.0e+00  }
0xb4: {  	[tilespmem:s10+$0x0] =	vst v1;
	v1 =	vld [tilespmem:s10+$0x10]  }
0xb5: {  	v2 =	vld [tilespmem:s28+$0x10];
	_ =	sdelay $0x4  }
0xb6: {  	v1 =	vadd.f32 v2, v1;
	_ =	sdelay $0x1  }
0xb7: {  	v1 =	vmax.f32 v1, $0.0e+00  }
0xb8: {  	[tilespmem:s10+$0x10] =	vst v1;
	v1 =	vld [tilespmem:s10+$0x20]  }
0xb9: {  	v2 =	vld [tilespmem:s28+$0x20];
	_ =	sdelay $0x4  }
0xba: {  	v1 =	vadd.f32 v2, v1;
	_ =	sdelay $0x1  }
0xbb: {  	v1 =	vmax.f32 v1, $0.0e+00  }
0xbc: {  	[tilespmem:s10+$0x20] =	vst v1;
	v1 =	vld [tilespmem:s10+$0x30]  }
0xbd: {  	v2 =	vld [tilespmem:s28+$0x30];
	_ =	sdelay $0x4  }
0xbe: {  	v1 =	vadd.f32 v2, v1;
	_ =	sdelay $0x1  }
0xbf: {  	s15 =	simm.s32 $0x190C0;
	s0 =	simm.s32 $0x0;
	v1 =	vmax.f32 v1, $0.0e+00  }
.LBB2_5:
0xc0: {  	v2 =	vld [tilespmem:s15+$0xFFFFFFC0];
	[tilespmem:s10+$0x30] =	vst v1;
	s28 =	sadd.s32 $0x80, s28;
	s10 =	smov.u32 s15  }
0xc1: {  	s0 =	sadd.s32 $0x8, s0;
	v1 =	vld [tilespmem:s28+$0xFFFFFFC0]  }
0xc2: {  	p1 =	slt.u32 s0, $0x138;
	_ =	sdelay $0x3  }
0xc3: {  	v1 =	vadd.f32 v1, v2;
	_ =	sdelay $0x1  }
0xc4: {  	v1 =	vmax.f32 v1, $0.0e+00  }
0xc5: {  	[tilespmem:s15+$0xFFFFFFC0] =	vst v1;
	v1 =	vld [tilespmem:s15+$0xFFFFFFD0]  }
0xc6: {  	v2 =	vld [tilespmem:s28+$0xFFFFFFD0];
	_ =	sdelay $0x4  }
0xc7: {  	v1 =	vadd.f32 v2, v1;
	_ =	sdelay $0x1  }
0xc8: {  	v1 =	vmax.f32 v1, $0.0e+00  }
0xc9: {  	[tilespmem:s15+$0xFFFFFFD0] =	vst v1;
	v1 =	vld [tilespmem:s15+$0xFFFFFFE0]  }
0xca: {  	v2 =	vld [tilespmem:s28+$0xFFFFFFE0];
	_ =	sdelay $0x4  }
0xcb: {  	v1 =	vadd.f32 v2, v1;
	_ =	sdelay $0x1  }
0xcc: {  	v1 =	vmax.f32 v1, $0.0e+00  }
0xcd: {  	[tilespmem:s15+$0xFFFFFFE0] =	vst v1;
	v1 =	vld [tilespmem:s15+$0xFFFFFFF0]  }
0xce: {  	v2 =	vld [tilespmem:s28+$0xFFFFFFF0];
	_ =	sdelay $0x4  }
0xcf: {  	v1 =	vadd.f32 v2, v1;
	_ =	sdelay $0x1  }
0xd0: {  	v1 =	vmax.f32 v1, $0.0e+00  }
0xd1: {  	[tilespmem:s15+$0xFFFFFFF0] =	vst v1;
	v1 =	vld [tilespmem:s15+$0x0]  }
0xd2: {  	v2 =	vld [tilespmem:s28+$0x0];
	_ =	sdelay $0x4  }
0xd3: {  	v1 =	vadd.f32 v2, v1;
	_ =	sdelay $0x1  }
0xd4: {  	v1 =	vmax.f32 v1, $0.0e+00  }
0xd5: {  	[tilespmem:s15+$0x0] =	vst v1;
	v1 =	vld [tilespmem:s15+$0x10]  }
0xd6: {  	v2 =	vld [tilespmem:s28+$0x10];
	_ =	sdelay $0x4  }
0xd7: {  	v1 =	vadd.f32 v2, v1;
	_ =	sdelay $0x1  }
0xd8: {  	v1 =	vmax.f32 v1, $0.0e+00  }
0xd9: {  	[tilespmem:s15+$0x10] =	vst v1;
	v1 =	vld [tilespmem:s15+$0x20]  }
0xda: {  	v2 =	vld [tilespmem:s28+$0x20];
	_ =	sdelay $0x4  }
0xdb: {  	v1 =	vadd.f32 v2, v1;
	_ =	sdelay $0x1  }
0xdc: {  	v1 =	vmax.f32 v1, $0.0e+00  }
0xdd: {  	[tilespmem:s15+$0x20] =	vst v1;
	v1 =	vld [tilespmem:s15+$0x30]  }
0xde: {  	v2 =	vld [tilespmem:s28+$0x30];
	_ =	sdelay $0x2  }
.Ltmp1:
0xdf: {  	(pc) =	sbr.rel @p1 .LBB2_5-.Ltmp1, $3  }
0xe0: {  	_ = 	snop  }
0xe1: {  	v1 =	vadd.f32 v2, v1;
	_ =	sdelay $0x1  }
0xe2: {  	s15 =	sadd.s32 $0x80, s15;
	v1 =	vmax.f32 v1, $0.0e+00  }
0xe3: {  	[tilespmem:s10+$0x30] =	vst v1;
	s0 =	simm.s32 $0x13E00  }
0xe4: {  	[spmem:s2] =	stream.indirect.scatter.add.f32 [tilespmem:s12], [sflag:$0x3], $0x80, s0, s21, $0xb8;
	[tilespmem:$0x1E000] =	vst v63  }
0xe5: {  	_ =	swait.ge [sflag:s20], $0x28  }
0xe6: {  	[sflag:s20] =	ssyncset.done $0x0  }
0xe7: {  	[sflag:s20] =	ssyncadd.s32 $0xFFFFFFD8  }
0xe8: {  	_ =	swait.ge [sflag:s20], $0x28  }
0xe9: {  	[sflag:s20] =	ssyncset.done $0x0  }
0xea: {  	[sflag:s20] =	ssyncadd.s32 $0xFFFFFFD8  }
0xeb: {  	_ =	swait.ge [sflag:s20], $0x1400  }
0xec: {  	[sflag:s20] =	ssyncset.done $0x0  }
0xed: {  	[sflag:s20] =	ssyncadd.s32 $0xFFFFEC00  }
0xee: {  	_ =	swait.ge [sflag:s23], $0x1400  }
0xef: {  	[sflag:s23] =	ssyncset.done $0x0  }
0xf0: {  	s0 =	simm.s32 @!p0 $0x6;
	[sflag:s23] =	ssyncadd.s32 $0xFFFFEC00  }
0xf1: {  	[tilespmem:s29], [sflag:$0x2] =	stream.indirect.gather [hbm4b:s1+s21], $0x80, s25, s21, $0xb8;
	[tilespmem:$0x1E000] =	vst v63  }
0xf2: {  	s10 =	sadd.s32 s8, s17;
	_ =	swait.ge @!p0 [sflag:s0], $0x1400  }
0xf3: {  	s15 =	sshrl.u32 s10, $0x3;
	[sflag:s0] =	ssyncset.done @!p0 $0x0  }
0xf4: {  	s22 =	sadd.s32 s5, s15;
	[sflag:s0] =	ssyncadd.s32 @!p0 $0xFFFFEC00  }
0xf5: {  	[tilespmem:s30], [sflag:$0x1] =	stream.linear.gather [hbm4b:s22+s4], $0x28, $0x38;
	[tilespmem:$0x1E000] =	vst v63  }
0xf6: {  	s22 =	sadd.s32 s6, s15;
	s15 =	sshll.u32 s10, $0x4  }
0xf7: {  	[tilespmem:s31], [sflag:$0x1] =	stream.linear.gather [hbm4b:s22+s4], $0x28, $0x38;
	[tilespmem:$0x1E000] =	vst v63  }
0xf8: {  	s10 =	simm.s32 $0x1A440;
	s0 =	sadd.s32 s7, s15;
	s22 =	simm.s32 $0x17C00  }
0xf9: {  	[tilespmem:s22], [sflag:$0x1] =	stream.linear.gather [hbm4b:s0+s4], $0x1400, $0x38;
	[tilespmem:$0x1E000] =	vst v63  }
0xfa: {  	s28 =	simm.s32 $0x15440;
	v1 =	vld [tilespmem:s10+$0xFFFFFFC0]  }
0xfb: {  	v2 =	vld [tilespmem:s28+$0xFFFFFFC0];
	_ =	sdelay $0x4  }
0xfc: {  	v1 =	vadd.f32 v2, v1;
	_ =	sdelay $0x1  }
0xfd: {  	v1 =	vmax.f32 v1, $0.0e+00  }
0xfe: {  	[tilespmem:s10+$0xFFFFFFC0] =	vst v1;
	v1 =	vld [tilespmem:s10+$0xFFFFFFD0]  }
0xff: {  	v2 =	vld [tilespmem:s28+$0xFFFFFFD0];
	_ =	sdelay $0x4  }
0x100: {  	v1 =	vadd.f32 v2, v1;
	_ =	sdelay $0x1  }
0x101: {  	v1 =	vmax.f32 v1, $0.0e+00  }
0x102: {  	[tilespmem:s10+$0xFFFFFFD0] =	vst v1;
	v1 =	vld [tilespmem:s10+$0xFFFFFFE0]  }
0x103: {  	v2 =	vld [tilespmem:s28+$0xFFFFFFE0];
	_ =	sdelay $0x4  }
0x104: {  	v1 =	vadd.f32 v2, v1;
	_ =	sdelay $0x1  }
0x105: {  	v1 =	vmax.f32 v1, $0.0e+00  }
0x106: {  	[tilespmem:s10+$0xFFFFFFE0] =	vst v1;
	v1 =	vld [tilespmem:s10+$0xFFFFFFF0]  }
0x107: {  	v2 =	vld [tilespmem:s28+$0xFFFFFFF0];
	_ =	sdelay $0x4  }
0x108: {  	v1 =	vadd.f32 v2, v1;
	_ =	sdelay $0x1  }
0x109: {  	v1 =	vmax.f32 v1, $0.0e+00  }
0x10a: {  	[tilespmem:s10+$0xFFFFFFF0] =	vst v1;
	v1 =	vld [tilespmem:s10+$0x0]  }
0x10b: {  	v2 =	vld [tilespmem:s28+$0x0];
	_ =	sdelay $0x4  }
0x10c: {  	v1 =	vadd.f32 v2, v1;
	_ =	sdelay $0x1  }
0x10d: {  	v1 =	vmax.f32 v1, $0.0e+00  }
0x10e: {  	[tilespmem:s10+$0x0] =	vst v1;
	v1 =	vld [tilespmem:s10+$0x10]  }
0x10f: {  	v2 =	vld [tilespmem:s28+$0x10];
	_ =	sdelay $0x4  }
0x110: {  	v1 =	vadd.f32 v2, v1;
	_ =	sdelay $0x1  }
0x111: {  	v1 =	vmax.f32 v1, $0.0e+00  }
0x112: {  	[tilespmem:s10+$0x10] =	vst v1;
	v1 =	vld [tilespmem:s10+$0x20]  }
0x113: {  	v2 =	vld [tilespmem:s28+$0x20];
	_ =	sdelay $0x4  }
0x114: {  	v1 =	vadd.f32 v2, v1;
	_ =	sdelay $0x1  }
0x115: {  	v1 =	vmax.f32 v1, $0.0e+00  }
0x116: {  	[tilespmem:s10+$0x20] =	vst v1;
	v1 =	vld [tilespmem:s10+$0x30]  }
0x117: {  	v2 =	vld [tilespmem:s28+$0x30];
	_ =	sdelay $0x4  }
0x118: {  	v1 =	vadd.f32 v2, v1;
	_ =	sdelay $0x1  }
0x119: {  	s15 =	simm.s32 $0x1A4C0;
	s0 =	simm.s32 $0x0;
	v1 =	vmax.f32 v1, $0.0e+00  }
.LBB2_7:
0x11a: {  	v2 =	vld [tilespmem:s15+$0xFFFFFFC0];
	[tilespmem:s10+$0x30] =	vst v1;
	s28 =	sadd.s32 $0x80, s28;
	s10 =	smov.u32 s15  }
0x11b: {  	s0 =	sadd.s32 $0x8, s0;
	v1 =	vld [tilespmem:s28+$0xFFFFFFC0]  }
0x11c: {  	p0 =	slt.u32 s0, $0x138;
	_ =	sdelay $0x3  }
0x11d: {  	v1 =	vadd.f32 v1, v2;
	_ =	sdelay $0x1  }
0x11e: {  	v1 =	vmax.f32 v1, $0.0e+00  }
0x11f: {  	[tilespmem:s15+$0xFFFFFFC0] =	vst v1;
	v1 =	vld [tilespmem:s15+$0xFFFFFFD0]  }
0x120: {  	v2 =	vld [tilespmem:s28+$0xFFFFFFD0];
	_ =	sdelay $0x4  }
0x121: {  	v1 =	vadd.f32 v2, v1;
	_ =	sdelay $0x1  }
0x122: {  	v1 =	vmax.f32 v1, $0.0e+00  }
0x123: {  	[tilespmem:s15+$0xFFFFFFD0] =	vst v1;
	v1 =	vld [tilespmem:s15+$0xFFFFFFE0]  }
0x124: {  	v2 =	vld [tilespmem:s28+$0xFFFFFFE0];
	_ =	sdelay $0x4  }
0x125: {  	v1 =	vadd.f32 v2, v1;
	_ =	sdelay $0x1  }
0x126: {  	v1 =	vmax.f32 v1, $0.0e+00  }
0x127: {  	[tilespmem:s15+$0xFFFFFFE0] =	vst v1;
	v1 =	vld [tilespmem:s15+$0xFFFFFFF0]  }
0x128: {  	v2 =	vld [tilespmem:s28+$0xFFFFFFF0];
	_ =	sdelay $0x4  }
0x129: {  	v1 =	vadd.f32 v2, v1;
	_ =	sdelay $0x1  }
0x12a: {  	v1 =	vmax.f32 v1, $0.0e+00  }
0x12b: {  	[tilespmem:s15+$0xFFFFFFF0] =	vst v1;
	v1 =	vld [tilespmem:s15+$0x0]  }
0x12c: {  	v2 =	vld [tilespmem:s28+$0x0];
	_ =	sdelay $0x4  }
0x12d: {  	v1 =	vadd.f32 v2, v1;
	_ =	sdelay $0x1  }
0x12e: {  	v1 =	vmax.f32 v1, $0.0e+00  }
0x12f: {  	[tilespmem:s15+$0x0] =	vst v1;
	v1 =	vld [tilespmem:s15+$0x10]  }
0x130: {  	v2 =	vld [tilespmem:s28+$0x10];
	_ =	sdelay $0x4  }
0x131: {  	v1 =	vadd.f32 v2, v1;
	_ =	sdelay $0x1  }
0x132: {  	v1 =	vmax.f32 v1, $0.0e+00  }
0x133: {  	[tilespmem:s15+$0x10] =	vst v1;
	v1 =	vld [tilespmem:s15+$0x20]  }
0x134: {  	v2 =	vld [tilespmem:s28+$0x20];
	_ =	sdelay $0x4  }
0x135: {  	v1 =	vadd.f32 v2, v1;
	_ =	sdelay $0x1  }
0x136: {  	v1 =	vmax.f32 v1, $0.0e+00  }
0x137: {  	[tilespmem:s15+$0x20] =	vst v1;
	v1 =	vld [tilespmem:s15+$0x30]  }
0x138: {  	v2 =	vld [tilespmem:s28+$0x30];
	_ =	sdelay $0x2  }
.Ltmp2:
0x139: {  	(pc) =	sbr.rel @p0 .LBB2_7-.Ltmp2, $3  }
0x13a: {  	_ = 	snop  }
0x13b: {  	v1 =	vadd.f32 v2, v1;
	_ =	sdelay $0x1  }
0x13c: {  	s15 =	sadd.s32 $0x80, s15;
	v1 =	vmax.f32 v1, $0.0e+00  }
0x13d: {  	[tilespmem:s10+$0x30] =	vst v1  }
0x13e: {  	[spmem:s2] =	stream.indirect.scatter.add.f32 [tilespmem:s24], [sflag:$0x4], $0x80, s14, s21, $0xb8;
	[tilespmem:$0x1E000] =	vst v63  }
0x13f: {  	_ =	swait.ge [sflag:s20], $0x28  }
0x140: {  	[sflag:s20] =	ssyncset.done $0x0  }
0x141: {  	[sflag:s20] =	ssyncadd.s32 $0xFFFFFFD8  }
0x142: {  	_ =	swait.ge [sflag:s20], $0x28  }
0x143: {  	[sflag:s20] =	ssyncset.done $0x0  }
0x144: {  	[sflag:s20] =	ssyncadd.s32 $0xFFFFFFD8  }
0x145: {  	_ =	swait.ge [sflag:s20], $0x1400  }
0x146: {  	[sflag:s20] =	ssyncset.done $0x0  }
0x147: {  	[sflag:s20] =	ssyncadd.s32 $0xFFFFEC00  }
0x148: {  	_ =	swait.ge [sflag:s23], $0x1400  }
0x149: {  	[sflag:s23] =	ssyncset.done $0x0  }
0x14a: {  	p0 =	seq.s32 s11, $0x3E;
	[sflag:s23] =	ssyncadd.s32 $0xFFFFEC00  }
0x14b: {  	[tilespmem:s3], [sflag:$0x2] =	stream.indirect.gather [hbm4b:s1+s21], $0x80, s30, s21, $0xb8;
	[tilespmem:$0x1E000] =	vst v63  }
0x14c: {  	s0 =	sadd.s32 @!p0 s8, s18;
	_ =	swait.ge [sflag:s9], $0x1400  }
0x14d: {  	s28 =	simm.s32 @!p0 $0x0;
	s10 =	sshrl.u32 @!p0 s0, $0x3;
	[sflag:s9] =	ssyncset.done $0x0  }
0x14e: {  	s22 =	simm.s32 @!p0 $0x13C00;
	s15 =	sadd.s32 @!p0 s5, s10;
	[sflag:s9] =	ssyncadd.s32 $0xFFFFEC00  }
0x14f: {  	[tilespmem:s22], [sflag:$0x1] =	stream.linear.gather @!p0 [hbm4b:s15+s28], $0x28, $0x38;
	[tilespmem:$0x1E000] =	vst v63  }
0x150: {  	s0 =	sshll.u32 @!p0 s0, $0x4;
	s10 =	sadd.s32 @!p0 s6, s10;
	s15 =	simm.s32 @!p0 $0x13E00  }
0x151: {  	[tilespmem:s15], [sflag:$0x1] =	stream.linear.gather @!p0 [hbm4b:s10+s28], $0x28, $0x38;
	[tilespmem:$0x1E000] =	vst v63  }
0x152: {  	s0 =	sadd.s32 @!p0 s7, s0;
	s10 =	simm.s32 @!p0 $0x14000  }
0x153: {  	[tilespmem:s10], [sflag:$0x1] =	stream.linear.gather @!p0 [hbm4b:s0+s28], $0x1400, $0x38;
	[tilespmem:$0x1E000] =	vst v63  }
0x154: {  	s10 =	simm.s32 $0x1B840  }
0x155: {  	s28 =	simm.s32 $0x16840;
	v1 =	vld [tilespmem:s10+$0xFFFFFFC0]  }
0x156: {  	v2 =	vld [tilespmem:s28+$0xFFFFFFC0];
	_ =	sdelay $0x4  }
0x157: {  	v1 =	vadd.f32 v2, v1;
	_ =	sdelay $0x1  }
0x158: {  	v1 =	vmax.f32 v1, $0.0e+00  }
0x159: {  	[tilespmem:s10+$0xFFFFFFC0] =	vst v1;
	v1 =	vld [tilespmem:s10+$0xFFFFFFD0]  }
0x15a: {  	v2 =	vld [tilespmem:s28+$0xFFFFFFD0];
	_ =	sdelay $0x4  }
0x15b: {  	v1 =	vadd.f32 v2, v1;
	_ =	sdelay $0x1  }
0x15c: {  	v1 =	vmax.f32 v1, $0.0e+00  }
0x15d: {  	[tilespmem:s10+$0xFFFFFFD0] =	vst v1;
	v1 =	vld [tilespmem:s10+$0xFFFFFFE0]  }
0x15e: {  	v2 =	vld [tilespmem:s28+$0xFFFFFFE0];
	_ =	sdelay $0x4  }
0x15f: {  	v1 =	vadd.f32 v2, v1;
	_ =	sdelay $0x1  }
0x160: {  	v1 =	vmax.f32 v1, $0.0e+00  }
0x161: {  	[tilespmem:s10+$0xFFFFFFE0] =	vst v1;
	v1 =	vld [tilespmem:s10+$0xFFFFFFF0]  }
0x162: {  	v2 =	vld [tilespmem:s28+$0xFFFFFFF0];
	_ =	sdelay $0x4  }
0x163: {  	v1 =	vadd.f32 v2, v1;
	_ =	sdelay $0x1  }
0x164: {  	v1 =	vmax.f32 v1, $0.0e+00  }
0x165: {  	[tilespmem:s10+$0xFFFFFFF0] =	vst v1;
	v1 =	vld [tilespmem:s10+$0x0]  }
0x166: {  	v2 =	vld [tilespmem:s28+$0x0];
	_ =	sdelay $0x4  }
0x167: {  	v1 =	vadd.f32 v2, v1;
	_ =	sdelay $0x1  }
0x168: {  	v1 =	vmax.f32 v1, $0.0e+00  }
0x169: {  	[tilespmem:s10+$0x0] =	vst v1;
	v1 =	vld [tilespmem:s10+$0x10]  }
0x16a: {  	v2 =	vld [tilespmem:s28+$0x10];
	_ =	sdelay $0x4  }
0x16b: {  	v1 =	vadd.f32 v2, v1;
	_ =	sdelay $0x1  }
0x16c: {  	v1 =	vmax.f32 v1, $0.0e+00  }
0x16d: {  	[tilespmem:s10+$0x10] =	vst v1;
	v1 =	vld [tilespmem:s10+$0x20]  }
0x16e: {  	v2 =	vld [tilespmem:s28+$0x20];
	_ =	sdelay $0x4  }
0x16f: {  	v1 =	vadd.f32 v2, v1;
	_ =	sdelay $0x1  }
0x170: {  	v1 =	vmax.f32 v1, $0.0e+00  }
0x171: {  	[tilespmem:s10+$0x20] =	vst v1;
	v1 =	vld [tilespmem:s10+$0x30]  }
0x172: {  	v2 =	vld [tilespmem:s28+$0x30];
	_ =	sdelay $0x4  }
0x173: {  	v1 =	vadd.f32 v2, v1;
	_ =	sdelay $0x1  }
0x174: {  	s15 =	simm.s32 $0x1B8C0;
	s0 =	simm.s32 $0x0;
	v1 =	vmax.f32 v1, $0.0e+00  }
.LBB2_9:
0x175: {  	v2 =	vld [tilespmem:s15+$0xFFFFFFC0];
	[tilespmem:s10+$0x30] =	vst v1;
	s28 =	sadd.s32 $0x80, s28;
	s10 =	smov.u32 s15  }
0x176: {  	s0 =	sadd.s32 $0x8, s0;
	v1 =	vld [tilespmem:s28+$0xFFFFFFC0]  }
0x177: {  	p0 =	slt.u32 s0, $0x138;
	_ =	sdelay $0x3  }
0x178: {  	v1 =	vadd.f32 v1, v2;
	_ =	sdelay $0x1  }
0x179: {  	v1 =	vmax.f32 v1, $0.0e+00  }
0x17a: {  	[tilespmem:s15+$0xFFFFFFC0] =	vst v1;
	v1 =	vld [tilespmem:s15+$0xFFFFFFD0]  }
0x17b: {  	v2 =	vld [tilespmem:s28+$0xFFFFFFD0];
	_ =	sdelay $0x4  }
0x17c: {  	v1 =	vadd.f32 v2, v1;
	_ =	sdelay $0x1  }
0x17d: {  	v1 =	vmax.f32 v1, $0.0e+00  }
0x17e: {  	[tilespmem:s15+$0xFFFFFFD0] =	vst v1;
	v1 =	vld [tilespmem:s15+$0xFFFFFFE0]  }
0x17f: {  	v2 =	vld [tilespmem:s28+$0xFFFFFFE0];
	_ =	sdelay $0x4  }
0x180: {  	v1 =	vadd.f32 v2, v1;
	_ =	sdelay $0x1  }
0x181: {  	v1 =	vmax.f32 v1, $0.0e+00  }
0x182: {  	[tilespmem:s15+$0xFFFFFFE0] =	vst v1;
	v1 =	vld [tilespmem:s15+$0xFFFFFFF0]  }
0x183: {  	v2 =	vld [tilespmem:s28+$0xFFFFFFF0];
	_ =	sdelay $0x4  }
0x184: {  	v1 =	vadd.f32 v2, v1;
	_ =	sdelay $0x1  }
0x185: {  	v1 =	vmax.f32 v1, $0.0e+00  }
0x186: {  	[tilespmem:s15+$0xFFFFFFF0] =	vst v1;
	v1 =	vld [tilespmem:s15+$0x0]  }
0x187: {  	v2 =	vld [tilespmem:s28+$0x0];
	_ =	sdelay $0x4  }
0x188: {  	v1 =	vadd.f32 v2, v1;
	_ =	sdelay $0x1  }
0x189: {  	v1 =	vmax.f32 v1, $0.0e+00  }
0x18a: {  	[tilespmem:s15+$0x0] =	vst v1;
	v1 =	vld [tilespmem:s15+$0x10]  }
0x18b: {  	v2 =	vld [tilespmem:s28+$0x10];
	_ =	sdelay $0x4  }
0x18c: {  	v1 =	vadd.f32 v2, v1;
	_ =	sdelay $0x1  }
0x18d: {  	v1 =	vmax.f32 v1, $0.0e+00  }
0x18e: {  	[tilespmem:s15+$0x10] =	vst v1;
	v1 =	vld [tilespmem:s15+$0x20]  }
0x18f: {  	v2 =	vld [tilespmem:s28+$0x20];
	_ =	sdelay $0x4  }
0x190: {  	v1 =	vadd.f32 v2, v1;
	_ =	sdelay $0x1  }
0x191: {  	v1 =	vmax.f32 v1, $0.0e+00  }
0x192: {  	[tilespmem:s15+$0x20] =	vst v1;
	v1 =	vld [tilespmem:s15+$0x30]  }
0x193: {  	v2 =	vld [tilespmem:s28+$0x30];
	_ =	sdelay $0x2  }
.Ltmp3:
0x194: {  	(pc) =	sbr.rel @p0 .LBB2_9-.Ltmp3, $3  }
0x195: {  	_ = 	snop  }
0x196: {  	v1 =	vadd.f32 v2, v1;
	_ =	sdelay $0x1  }
0x197: {  	s15 =	sadd.s32 $0x80, s15;
	v1 =	vmax.f32 v1, $0.0e+00  }
0x198: {  	[tilespmem:s10+$0x30] =	vst v1;
	p0 =	sne.s32 s11, $0x3E  }
0x199: {  	[spmem:s2] =	stream.indirect.scatter.add.f32 [tilespmem:s29], [sflag:$0x5], $0x80, s26, s21, $0xb8;
	[tilespmem:$0x1E000] =	vst v63  }
0x19a: {  	s0 =	simm.s32 @p0 $0x1  }
0x19b: {  	_ =	swait.ge @p0 [sflag:s0], $0x28  }
0x19c: {  	[sflag:s0] =	ssyncset.done @p0 $0x0  }
0x19d: {  	[sflag:s0] =	ssyncadd.s32 @p0 $0xFFFFFFD8  }
0x19e: {  	_ =	swait.ge @p0 [sflag:s0], $0x28  }
0x19f: {  	[sflag:s0] =	ssyncset.done @p0 $0x0  }
0x1a0: {  	[sflag:s0] =	ssyncadd.s32 @p0 $0xFFFFFFD8  }
0x1a1: {  	_ =	swait.ge @p0 [sflag:s0], $0x1400  }
0x1a2: {  	[sflag:s0] =	ssyncset.done @p0 $0x0  }
0x1a3: {  	[sflag:s0] =	ssyncadd.s32 @p0 $0xFFFFEC00;
	s0 =	simm.s32 @p0 $0x2  }
0x1a4: {  	_ =	swait.ge @p0 [sflag:s0], $0x1400  }
0x1a5: {  	s10 =	simm.s32 @p0 $0x13C00;
	[sflag:s0] =	ssyncset.done @p0 $0x0  }
0x1a6: {  	s15 =	simm.s32 @p0 $0x19000;
	[sflag:s0] =	ssyncadd.s32 @p0 $0xFFFFEC00;
	s0 =	simm.s32 @p0 $0x28  }
0x1a7: {  	[tilespmem:s15], [sflag:$0x2] =	stream.indirect.gather @p0 [hbm4b:s1+s0], $0x80, s10, s0, $0xb8;
	[tilespmem:$0x1E000] =	vst v63  }
0x1a8: {  	s0 =	simm.s32 @p0 $0x4  }
0x1a9: {  	_ =	swait.ge @p0 [sflag:s0], $0x1400  }
0x1aa: {  	s8 =	sadd.s32 @p0 s8, s19;
	[sflag:s0] =	ssyncset.done @p0 $0x0  }
0x1ab: {  	[sflag:s0] =	ssyncadd.s32 @p0 $0xFFFFEC00;
	s0 =	sshrl.u32 @p0 s8, $0x3  }
0x1ac: {  	s22 =	simm.s32 @p0 $0x13C80;
	s15 =	simm.s32 @p0 $0x0;
	s10 =	sadd.s32 @p0 s5, s0  }
0x1ad: {  	[tilespmem:s22], [sflag:$0x1] =	stream.linear.gather @p0 [hbm4b:s10+s15], $0x28, $0x38;
	[tilespmem:$0x1E000] =	vst v63  }
0x1ae: {  	s0 =	sadd.s32 @p0 s6, s0;
	s10 =	simm.s32 @p0 $0x13E80  }
0x1af: {  	[tilespmem:s10], [sflag:$0x1] =	stream.linear.gather @p0 [hbm4b:s0+s15], $0x28, $0x38;
	[tilespmem:$0x1E000] =	vst v63  }
0x1b0: {  	s0 =	sshll.u32 @p0 s8, $0x4  }
0x1b1: {  	s8 =	simm.s32 @p0 $0x15400;
	s0 =	sadd.s32 @p0 s7, s0  }
0x1b2: {  	[tilespmem:s8], [sflag:$0x1] =	stream.linear.gather @p0 [hbm4b:s0+s15], $0x1400, $0x38;
	[tilespmem:$0x1E000] =	vst v63  }
0x1b3: {  	s0 =	simm.s32 @!p0 $0x2  }
0x1b4: {  	_ =	swait.ge @!p0 [sflag:s0], $0x1400  }
0x1b5: {  	[sflag:s0] =	ssyncset.done @!p0 $0x0  }
0x1b6: {  	[sflag:s0] =	ssyncadd.s32 @!p0 $0xFFFFEC00;
	s0 =	simm.s32 @!p0 $0x4  }
0x1b7: {  	_ =	swait.ge @!p0 [sflag:s0], $0x1400  }
0x1b8: {  	[sflag:s0] =	ssyncset.done @!p0 $0x0  }
0x1b9: {  	s8 =	simm.s32 $0x1CC40;
	[sflag:s0] =	ssyncadd.s32 @!p0 $0xFFFFEC00  }
0x1ba: {  	s10 =	simm.s32 $0x17C40;
	v1 =	vld [tilespmem:s8+$0xFFFFFFC0]  }
0x1bb: {  	v2 =	vld [tilespmem:s10+$0xFFFFFFC0];
	_ =	sdelay $0x4  }
0x1bc: {  	v1 =	vadd.f32 v2, v1;
	_ =	sdelay $0x1  }
0x1bd: {  	v1 =	vmax.f32 v1, $0.0e+00  }
0x1be: {  	[tilespmem:s8+$0xFFFFFFC0] =	vst v1;
	v1 =	vld [tilespmem:s8+$0xFFFFFFD0]  }
0x1bf: {  	v2 =	vld [tilespmem:s10+$0xFFFFFFD0];
	_ =	sdelay $0x4  }
0x1c0: {  	v1 =	vadd.f32 v2, v1;
	_ =	sdelay $0x1  }
0x1c1: {  	v1 =	vmax.f32 v1, $0.0e+00  }
0x1c2: {  	[tilespmem:s8+$0xFFFFFFD0] =	vst v1;
	v1 =	vld [tilespmem:s8+$0xFFFFFFE0]  }
0x1c3: {  	v2 =	vld [tilespmem:s10+$0xFFFFFFE0];
	_ =	sdelay $0x4  }
0x1c4: {  	v1 =	vadd.f32 v2, v1;
	_ =	sdelay $0x1  }
0x1c5: {  	v1 =	vmax.f32 v1, $0.0e+00  }
0x1c6: {  	[tilespmem:s8+$0xFFFFFFE0] =	vst v1;
	v1 =	vld [tilespmem:s8+$0xFFFFFFF0]  }
0x1c7: {  	v2 =	vld [tilespmem:s10+$0xFFFFFFF0];
	_ =	sdelay $0x4  }
0x1c8: {  	v1 =	vadd.f32 v2, v1;
	_ =	sdelay $0x1  }
0x1c9: {  	v1 =	vmax.f32 v1, $0.0e+00  }
0x1ca: {  	[tilespmem:s8+$0xFFFFFFF0] =	vst v1;
	v1 =	vld [tilespmem:s8+$0x0]  }
0x1cb: {  	v2 =	vld [tilespmem:s10+$0x0];
	_ =	sdelay $0x4  }
0x1cc: {  	v1 =	vadd.f32 v2, v1;
	_ =	sdelay $0x1  }
0x1cd: {  	v1 =	vmax.f32 v1, $0.0e+00  }
0x1ce: {  	[tilespmem:s8+$0x0] =	vst v1;
	v1 =	vld [tilespmem:s8+$0x10]  }
0x1cf: {  	v2 =	vld [tilespmem:s10+$0x10];
	_ =	sdelay $0x4  }
0x1d0: {  	v1 =	vadd.f32 v2, v1;
	_ =	sdelay $0x1  }
0x1d1: {  	v1 =	vmax.f32 v1, $0.0e+00  }
0x1d2: {  	[tilespmem:s8+$0x10] =	vst v1;
	v1 =	vld [tilespmem:s8+$0x20]  }
0x1d3: {  	v2 =	vld [tilespmem:s10+$0x20];
	_ =	sdelay $0x4  }
0x1d4: {  	v1 =	vadd.f32 v2, v1;
	_ =	sdelay $0x1  }
0x1d5: {  	v1 =	vmax.f32 v1, $0.0e+00  }
0x1d6: {  	[tilespmem:s8+$0x20] =	vst v1;
	v1 =	vld [tilespmem:s8+$0x30]  }
0x1d7: {  	v2 =	vld [tilespmem:s10+$0x30];
	_ =	sdelay $0x4  }
0x1d8: {  	v1 =	vadd.f32 v2, v1;
	_ =	sdelay $0x1  }
0x1d9: {  	s15 =	simm.s32 $0x1CCC0;
	s0 =	simm.s32 $0x0;
	v1 =	vmax.f32 v1, $0.0e+00  }
.LBB2_11:
0x1da: {  	v2 =	vld [tilespmem:s15+$0xFFFFFFC0];
	[tilespmem:s8+$0x30] =	vst v1;
	s10 =	sadd.s32 $0x80, s10;
	s8 =	smov.u32 s15  }
0x1db: {  	s0 =	sadd.s32 $0x8, s0;
	v1 =	vld [tilespmem:s10+$0xFFFFFFC0]  }
0x1dc: {  	p0 =	slt.u32 s0, $0x138;
	_ =	sdelay $0x3  }
0x1dd: {  	v1 =	vadd.f32 v1, v2;
	_ =	sdelay $0x1  }
0x1de: {  	v1 =	vmax.f32 v1, $0.0e+00  }
0x1df: {  	[tilespmem:s15+$0xFFFFFFC0] =	vst v1;
	v1 =	vld [tilespmem:s15+$0xFFFFFFD0]  }
0x1e0: {  	v2 =	vld [tilespmem:s10+$0xFFFFFFD0];
	_ =	sdelay $0x4  }
0x1e1: {  	v1 =	vadd.f32 v2, v1;
	_ =	sdelay $0x1  }
0x1e2: {  	v1 =	vmax.f32 v1, $0.0e+00  }
0x1e3: {  	[tilespmem:s15+$0xFFFFFFD0] =	vst v1;
	v1 =	vld [tilespmem:s15+$0xFFFFFFE0]  }
0x1e4: {  	v2 =	vld [tilespmem:s10+$0xFFFFFFE0];
	_ =	sdelay $0x4  }
0x1e5: {  	v1 =	vadd.f32 v2, v1;
	_ =	sdelay $0x1  }
0x1e6: {  	v1 =	vmax.f32 v1, $0.0e+00  }
0x1e7: {  	[tilespmem:s15+$0xFFFFFFE0] =	vst v1;
	v1 =	vld [tilespmem:s15+$0xFFFFFFF0]  }
0x1e8: {  	v2 =	vld [tilespmem:s10+$0xFFFFFFF0];
	_ =	sdelay $0x4  }
0x1e9: {  	v1 =	vadd.f32 v2, v1;
	_ =	sdelay $0x1  }
0x1ea: {  	v1 =	vmax.f32 v1, $0.0e+00  }
0x1eb: {  	[tilespmem:s15+$0xFFFFFFF0] =	vst v1;
	v1 =	vld [tilespmem:s15+$0x0]  }
0x1ec: {  	v2 =	vld [tilespmem:s10+$0x0];
	_ =	sdelay $0x4  }
0x1ed: {  	v1 =	vadd.f32 v2, v1;
	_ =	sdelay $0x1  }
0x1ee: {  	v1 =	vmax.f32 v1, $0.0e+00  }
0x1ef: {  	[tilespmem:s15+$0x0] =	vst v1;
	v1 =	vld [tilespmem:s15+$0x10]  }
0x1f0: {  	v2 =	vld [tilespmem:s10+$0x10];
	_ =	sdelay $0x4  }
0x1f1: {  	v1 =	vadd.f32 v2, v1;
	_ =	sdelay $0x1  }
0x1f2: {  	v1 =	vmax.f32 v1, $0.0e+00  }
0x1f3: {  	[tilespmem:s15+$0x10] =	vst v1;
	v1 =	vld [tilespmem:s15+$0x20]  }
0x1f4: {  	v2 =	vld [tilespmem:s10+$0x20];
	_ =	sdelay $0x4  }
0x1f5: {  	v1 =	vadd.f32 v2, v1;
	_ =	sdelay $0x1  }
0x1f6: {  	v1 =	vmax.f32 v1, $0.0e+00  }
0x1f7: {  	[tilespmem:s15+$0x20] =	vst v1;
	v1 =	vld [tilespmem:s15+$0x30]  }
0x1f8: {  	v2 =	vld [tilespmem:s10+$0x30];
	_ =	sdelay $0x2  }
.Ltmp4:
0x1f9: {  	(pc) =	sbr.rel @p0 .LBB2_11-.Ltmp4, $3  }
0x1fa: {  	_ = 	snop  }
0x1fb: {  	v1 =	vadd.f32 v2, v1;
	_ =	sdelay $0x1  }
0x1fc: {  	s15 =	sadd.s32 $0x80, s15;
	v1 =	vmax.f32 v1, $0.0e+00  }
0x1fd: {  	s11 =	sadd.s32 $0x1, s11  }
0x1fe: {  	p0 =	sne.s32 s11, $0x3F  }
.Ltmp5:
0x1ff: {  	_ = 	snop;
	(pc) =	sbr.rel @p0 .LBB2_4-.Ltmp5, $3  }
0x200: {  	_ =	sdelay $0x1  }
0x201: {  	[tilespmem:s8+$0x30] =	vst v1  }
0x202: {  	[spmem:s2] =	stream.indirect.scatter.add.f32 [tilespmem:s3], [sflag:$0x6], $0x80, s31, s21, $0xb8;
	[tilespmem:$0x1E000] =	vst v63  }
0x203: {  	s0 =	simm.s32 $0x5  }
0x204: {  	_ =	swait.ge [sflag:s0], $0x1400  }
0x205: {  	[sflag:s0] =	ssyncset.done $0x0  }
0x206: {  	s11 =	simm.s32 $0x6;
	[sflag:s0] =	ssyncadd.s32 $0xFFFFEC00  }
0x207: {  	_ =	swait.ge [sflag:s11], $0x1400  }
0x208: {  	[sflag:s11] =	ssyncset.done $0x0  }
0x209: {  	[sflag:s11] =	ssyncadd.s32 $0xFFFFEC00  }
0x20a: {  	s15 =	stileid.u32;
	[bflag:$0x0] =	sbarrier.arrive $0xFFFF  }
0x20b: {  	s0 =	sshll.u32 s15, $0x6;
	s11 =	rddreg [dreg:$0x4]  }
0x20c: {  	s0 =	sor.u32 $0x1C07, s0;
	s10 =	rddreg [dreg:$0xc];
	s8 =	sshrl.u32 s11, $0x3  }
0x20d: {  	[hbm:s10], [sflag:s0] =	dma.local [spmem:s8], $0x2780  }
0x20e: {  	_ =	swait.ge [sflag:s13], $0x2780  }
0x20f: {  	s22 =	rddreg [dreg:$0x1c]  }
0x210: {  	s28 =	rddreg [dreg:$0xd];
	s8 =	sadd.s32 $0x1, s22  }
0x211: {  	p0 =	sne.s32 s8, s28  }
.Ltmp6:
0x212: {  	_ = 	snop;
	(pc) =	sbr.rel @p0 .LBB2_1-.Ltmp6, $3  }
0x213: {  	_ =	sdelay $0x1  }
0x214: {  	[sflag:s13] =	ssyncset.done $0x0  }
0x215: {  	[sflag:s13] =	ssyncadd.s32 $0xFFFFD880  }
0x216: {  	_ =	sfence.sel $0x180000  }
0x217: {  	[bflag:$0x0] =	sbarrier.arrive $0xFFFF  }
0x218: {  	_ =	strace $0x90000047  }
0x219: {  	s0 =	stileid.u32;
	[bflag:$0x2] =	sbarrier.arrive $0xFFFF  }
0x21a: {  	p0 =	sne.s32 s0, $0x0;
	s0 =	rddreg [dreg:$0x3]  }
0x21b: {  	s0 =	sadd.s32 @!p0 $0x100000, s0  }
0x21c: {  	[sflag:s0] =	ssyncadd.tile.s32 @!p0 $0x1;
	_ =	shalt  }
.Lfunc_end2:
_tile_overlayer_lowered:
.L_overlay_start_2:
0x21d: {  	(tag) =	ssettag $0x2  }
0x21e: {  	s0 =	rddreg [dreg:$0x0];
	s2 =	stileid.u32  }
0x21f: {  	s1 =	rddreg [dreg:$0x1];
	p0 =	sne.s32 s2, $0x0  }
0x220: {  	s3 =	rddreg [dreg:$0x2];
	[bflag:$0x3] =	sbarrier.arrive $0xFFFF;
	s2 =	simm.s32 @!p0 $0x1C07  }
0x221: {  	[timem:s3], [sflag:s2] =	dma.local @!p0 [hbm:s0], s1  }
0x222: {  	s0 =	simm.s32 @!p0 $0x7  }
0x223: {  	_ =	swait.ge @!p0 [sflag:s0], s1  }
0x224: {  	s1 =	ssub.s32 @!p0 $0x0, s1;
	[sflag:s0] =	ssyncset.done @!p0 $0x0  }
0x225: {  	[sflag:s0] =	ssyncadd.s32 @!p0 s1  }
0x226: {  	[bflag:$0x3] =	sbarrier.arrive $0xFFFF  }
0x227: {  	_ =	shalt  }

</sc_bundles>
